<compile_context>
chip_gen: v7x
topology: tpu7x:2x2x1
jax: 0.10.2.dev20260603
libtpu: 0.0.44.dev20260713+nightly
codegen_flags: <defaults>
</compile_context>

<pallas_src>
import functools

import jax
import jax.numpy as jnp
from jax import lax
from jax.experimental import pallas as pl
from jax.experimental.pallas import tpu as pltpu
from jax.experimental.pallas import tpu_sc as plsc

N = 10000
N_PAD = 10240
E = 160000
D_IN = 256
H1 = 512
H2 = 512
D_OUT = 128

NC, NS = 2, 16
NW = NC * NS
B = 128
EPT_PAD = ((E // NW + B - 1) // B) * B
NB = EPT_PAD // B
E_PAD = EPT_PAD * NW
STRIPE = N_PAD // NS
RED = 2 * N_PAD // NS
PAD_ROW = N
RB = 256


def _mesh():
    return plsc.VectorSubcoreMesh(core_axis_name="c", subcore_axis_name="s")



@functools.partial(
    pl.kernel,
    out_type=jax.ShapeDtypeStruct((NC, 2 * N_PAD), jnp.float32),
    mesh=_mesh(),
    scratch_types=[
        pltpu.VMEM((EPT_PAD,), jnp.int32),
        pltpu.VMEM((EPT_PAD,), jnp.int32),
        pltpu.VMEM((2 * N_PAD,), jnp.float32),
        pltpu.VMEM((RED,), jnp.float32),
        pltpu.VMEM((RED,), jnp.float32),
        pltpu.VMEM_SHARED((NS, 2 * N_PAD), jnp.float32),
    ],
    compiler_params=pltpu.CompilerParams(needs_layout_passes=False),
)
def _deg_kernel(src_hbm, dst_hbm, zero_hbm, out_hbm,
                src_v, dst_v, deg_v, acc_v, tmp_v, sh):
    c = lax.axis_index("c")
    s = lax.axis_index("s")
    pltpu.sync_copy(src_hbm.at[c, s], src_v)
    pltpu.sync_copy(dst_hbm.at[c, s], dst_v)
    pltpu.sync_copy(zero_hbm, deg_v)
    ones = jnp.ones((16,), jnp.float32)
    off = jnp.full((16,), N_PAD, jnp.int32)

    def body(i, carry):
        sv = src_v[pl.ds(i * 16, 16)]
        dv = dst_v[pl.ds(i * 16, 16)] + off
        plsc.addupdate_scatter(deg_v, [sv], ones)
        plsc.addupdate_scatter(deg_v, [dv], ones)
        return carry

    lax.fori_loop(0, EPT_PAD // 16, body, 0)
    pltpu.sync_copy(deg_v, sh.at[s])
    plsc.subcore_barrier()
    pltpu.sync_copy(sh.at[0, pl.ds(s * RED, RED)], acc_v)
    for t in range(1, NS):
        pltpu.sync_copy(sh.at[t, pl.ds(s * RED, RED)], tmp_v)

        def add_body(i, carry):
            acc_v[pl.ds(i * 16, 16)] = (
                acc_v[pl.ds(i * 16, 16)] + tmp_v[pl.ds(i * 16, 16)])
            return carry

        lax.fori_loop(0, RED // 16, add_body, 0)
    pltpu.sync_copy(acc_v, out_hbm.at[c, pl.ds(s * RED, RED)])


DEPTH = 2


def _make_agg(C):
    @functools.partial(
        pl.kernel,
        out_type=jax.ShapeDtypeStruct((NC, C, N_PAD, B), jnp.float32),
        mesh=_mesh(),
        scratch_types=[
            pltpu.VMEM((NB, B), jnp.int32),
            pltpu.VMEM((NB, B), jnp.int32),
            pltpu.VMEM((B, B), jnp.float32),
            pltpu.VMEM((B, B), jnp.float32),
            pltpu.VMEM_SHARED((N_PAD, B), jnp.float32),
            pltpu.SemaphoreType.DMA,
            pltpu.SemaphoreType.DMA,
        ],
        compiler_params=pltpu.CompilerParams(needs_layout_passes=False),
    )
    def _agg(g_hbm, src_hbm, dst_hbm, zero_hbm, out_hbm,
             src_v, dst_v, b0, b1, agg_sh,
             gs0, gs1):
        c = lax.axis_index("c")
        s = lax.axis_index("s")
        bufs = (b0, b1)
        gsems = (gs0, gs1)
        pltpu.sync_copy(src_hbm.at[c, s], src_v)
        pltpu.sync_copy(dst_hbm.at[c, s], dst_v)
        for ch in range(C):
            gch = g_hbm.at[ch]

            def fire_g(j, t):
                pltpu.async_copy(gch.at[src_v.at[j]], bufs[t], gsems[t])

            def wait_g(j, t):
                pltpu.make_async_copy(
                    gch.at[src_v.at[j]], bufs[t], gsems[t]).wait()

            pltpu.sync_copy(zero_hbm, agg_sh.at[pl.ds(s * STRIPE, STRIPE)])
            plsc.subcore_barrier()
            fire_g(0, 0)
            fire_g(1, 1)

            def body(i, carry):
                for t in range(DEPTH):
                    j = i * DEPTH + t
                    wait_g(j, t)
                    pltpu.sync_copy(
                        bufs[t], agg_sh.at[dst_v.at[j]], add=True)
                    fire_g(j + DEPTH, t)
                return carry

            lax.fori_loop(0, NB // DEPTH - 1, body, 0)
            for t in range(DEPTH):
                j = NB - DEPTH + t
                wait_g(j, t)
                pltpu.sync_copy(bufs[t], agg_sh.at[dst_v.at[j]], add=True)
            plsc.subcore_barrier()
            pltpu.sync_copy(
                agg_sh.at[pl.ds(s * STRIPE, STRIPE)],
                out_hbm.at[c, ch, pl.ds(s * STRIPE, STRIPE)],
            )

    return _agg


_agg2 = _make_agg(D_IN // B)
_agg4 = _make_agg(H1 // B)
_agg1 = _make_agg(D_OUT // B)



def _norm_body(deg_ref, out_ref):
    out_ref[...] = lax.rsqrt(jnp.maximum(deg_ref[0] + deg_ref[1], 1.0))


_norm = pl.pallas_call(
    _norm_body,
    out_shape=jax.ShapeDtypeStruct((2, N_PAD), jnp.float32),
)


def _g0_body(x_ref, n_ref, out_ref):
    g = x_ref[...] * n_ref[0, :][:, None]
    for co in range(D_IN // B):
        out_ref[co] = g[:, co * B:(co + 1) * B]


_g0 = pl.pallas_call(
    _g0_body,
    grid=(N_PAD // RB,),
    in_specs=[
        pl.BlockSpec((RB, D_IN), lambda i: (i, 0)),
        pl.BlockSpec((2, RB), lambda i: (0, i)),
    ],
    out_specs=pl.BlockSpec((D_IN // B, RB, B), lambda i: (0, i, 0)),
    out_shape=jax.ShapeDtypeStruct((D_IN // B, N_PAD, B), jnp.float32),
)


def _mm1_body(a_ref, w_ref, b_ref, n_ref, out_ref):
    asum = a_ref[0] + a_ref[1]
    acc = jnp.dot(asum[0], w_ref[0], preferred_element_type=jnp.float32)
    acc = acc + jnp.dot(asum[1], w_ref[1], preferred_element_type=jnp.float32)
    h = acc * n_ref[1, :][:, None] + b_ref[...]
    h = jnp.maximum(h, 0.0) * n_ref[0, :][:, None]
    for co in range(H1 // B):
        out_ref[co] = h[:, co * B:(co + 1) * B]


_mm1 = pl.pallas_call(
    _mm1_body,
    grid=(N_PAD // RB,),
    in_specs=[
        pl.BlockSpec((NC, D_IN // B, RB, B), lambda i: (0, 0, i, 0)),
        pl.BlockSpec((D_IN // B, B, H1), lambda i: (0, 0, 0)),
        pl.BlockSpec((1, H1), lambda i: (0, 0)),
        pl.BlockSpec((2, RB), lambda i: (0, i)),
    ],
    out_specs=pl.BlockSpec((H1 // B, RB, B), lambda i: (0, i, 0)),
    out_shape=jax.ShapeDtypeStruct((H1 // B, N_PAD, B), jnp.float32),
)


def _mm23_body(a_ref, w2_ref, b2_ref, n_ref, w3_ref, out_ref):
    asum = a_ref[0] + a_ref[1]
    acc = jnp.dot(asum[0], w2_ref[0], preferred_element_type=jnp.float32)
    for ci in range(1, H1 // B):
        acc = acc + jnp.dot(asum[ci], w2_ref[ci],
                            preferred_element_type=jnp.float32)
    h2 = jnp.maximum(acc * n_ref[1, :][:, None] + b2_ref[...], 0.0)
    h2 = h2 * n_ref[0, :][:, None]
    out_ref[0] = jnp.dot(h2, w3_ref[...], preferred_element_type=jnp.float32)


_mm23 = pl.pallas_call(
    _mm23_body,
    grid=(N_PAD // RB,),
    in_specs=[
        pl.BlockSpec((NC, H1 // B, RB, B), lambda i: (0, 0, i, 0)),
        pl.BlockSpec((H1 // B, B, H2), lambda i: (0, 0, 0)),
        pl.BlockSpec((1, H2), lambda i: (0, 0)),
        pl.BlockSpec((2, RB), lambda i: (0, i)),
        pl.BlockSpec((H2, D_OUT), lambda i: (0, 0)),
    ],
    out_specs=pl.BlockSpec((1, RB, B), lambda i: (0, i, 0)),
    out_shape=jax.ShapeDtypeStruct((1, N_PAD, B), jnp.float32),
)


def _fin_body(a_ref, n_ref, b_ref, out_ref):
    out_ref[...] = ((a_ref[0, 0] + a_ref[1, 0]) * n_ref[1, :][:, None]
                    + b_ref[...])


_fin = pl.pallas_call(
    _fin_body,
    grid=(N_PAD // RB,),
    in_specs=[
        pl.BlockSpec((NC, 1, RB, B), lambda i: (0, 0, i, 0)),
        pl.BlockSpec((2, RB), lambda i: (0, i)),
        pl.BlockSpec((1, B), lambda i: (0, 0)),
    ],
    out_specs=pl.BlockSpec((RB, B), lambda i: (i, 0)),
    out_shape=jax.ShapeDtypeStruct((N_PAD, B), jnp.float32),
)



def kernel(x, edge_index, W1, b1, W2, b2, W3, b3):
    src = edge_index[0].astype(jnp.int32)
    dst = edge_index[1].astype(jnp.int32)
    pad = jnp.full((E_PAD - E,), PAD_ROW, jnp.int32)
    src_t = jnp.concatenate([src, pad]).reshape(NC, NS, NB, B)
    dst_t = jnp.concatenate([dst, pad]).reshape(NC, NS, NB, B)
    src_f = src_t.reshape(NC, NS, EPT_PAD)
    dst_f = dst_t.reshape(NC, NS, EPT_PAD)
    x_pad = jnp.pad(x, ((0, N_PAD - N), (0, 0)))
    zdeg = jnp.zeros((2 * N_PAD,), jnp.float32)
    zrows = jnp.zeros((STRIPE, B), jnp.float32)

    degp = _deg_kernel(src_f, dst_f, zdeg)
    norms = _norm(degp.reshape(NC, 2, N_PAD))
    g0 = _g0(x_pad, norms)
    a1 = _agg2(g0, src_t, dst_t, zrows)
    g1 = _mm1(a1, W1.reshape(D_IN // B, B, H1), b1.reshape(1, H1), norms)
    a2 = _agg4(g1, src_t, dst_t, zrows)
    p = _mm23(a2, W2.reshape(H1 // B, B, H2), b2.reshape(1, H2), norms, W3)
    a3 = _agg1(p, src_t, dst_t, zrows)
    out = _fin(a3, norms, b3.reshape(1, D_OUT))
    return out[:N]

# --- scband reference (transcript-rebuilt; emitter-appended) ---
"""Pipeline reference for scband-gcn-50156628082754 (READ-ONLY COPY).

The authoritative reference and input builder live on the scoring server;
editing this copy changes nothing except your own understanding.
"""

import jax, jax.numpy as jnp
import numpy as np

N = 10000
E = 160000
D_IN = 256
H1 = 512
H2 = 512
D_OUT = 128


def setup_inputs(seed: int = 0) -> dict:
    key = jax.random.key(seed)
    ks = jax.random.split(key, 10)
    x = jax.random.normal(ks[0], (N, D_IN), dtype=jnp.float32)
    edge_index = jax.random.randint(ks[1], (2, E), 0, N, dtype=jnp.int32).astype(jnp.int64)
    # GraphConv weights (glorot-ish scaling)
    W1 = jax.random.normal(ks[2], (D_IN, H1), dtype=jnp.float32) * (1.0 / np.sqrt(D_IN))
    b1 = jnp.zeros((H1,), dtype=jnp.float32)
    W2 = jax.random.normal(ks[3], (H1, H2), dtype=jnp.float32) * (1.0 / np.sqrt(H1))
    b2 = jnp.zeros((H2,), dtype=jnp.float32)
    W3 = jax.random.normal(ks[4], (H2, D_OUT), dtype=jnp.float32) * (1.0 / np.sqrt(H2))
    b3 = jnp.zeros((D_OUT,), dtype=jnp.float32)
    return {"x": x, "edge_index": edge_index, "W1": W1, "b1": b1, "W2": W2, "b2": b2, "W3": W3, "b3": b3}


def _gcn_layer(h, src, dst, W, b, n_nodes, activation):
    # DGL GraphConv with norm='both':
    # h = D_in^{-1/2} * A^T * (D_out^{-1/2} * h) @ W + b
    e = src.shape[0]
    ones = jnp.ones((e,), dtype=jnp.float32)
    deg_out = jnp.clip(jax.ops.segment_sum(ones, src, num_segments=n_nodes), 1.0, None)
    deg_in = jnp.clip(jax.ops.segment_sum(ones, dst, num_segments=n_nodes), 1.0, None)
    norm_src = jax.lax.rsqrt(deg_out)
    norm_dst = jax.lax.rsqrt(deg_in)
    h = h * norm_src[:, None]
    msg = jnp.take(h, src, axis=0)
    agg = jax.ops.segment_sum(msg, dst, num_segments=n_nodes)
    agg = agg * norm_dst[:, None]
    out = agg @ W + b
    if activation:
        out = jax.nn.relu(out)
    return out


def reference(x, edge_index, W1, b1, W2, b2, W3, b3):
    src = edge_index[0]
    dst = edge_index[1]
    n_nodes = x.shape[0]
    # dropout is identity in eval mode
    h = _gcn_layer(x, src, dst, W1, b1, n_nodes, activation=True)
    h = _gcn_layer(h, src, dst, W2, b2, n_nodes, activation=True)
    h = _gcn_layer(h, src, dst, W3, b3, n_nodes, activation=False)
    return h

if __name__ == "__main__":
    import jax
    _d = setup_inputs()
    print(jax.jit(kernel)(*tuple(_d.values())))

</pallas_src>

<mosaic_0001>
#map = affine_map<(d0, d1) -> (0, 0, 0)>
#map1 = affine_map<(d0, d1) -> (0, 0, 0, 0)>
#map2 = affine_map<(d0, d1) -> (0, 0)>
module attributes {stable_mosaic.version = 14 : i64} {
  func.func @_agg(%arg0: i32, %arg1: i32, %arg2: memref<1x10240x128xf32, #tpu.memory_space<hbm>>, %arg3: memref<2x16x40x128xi32, #tpu.memory_space<hbm>>, %arg4: memref<2x16x40x128xi32, #tpu.memory_space<hbm>>, %arg5: memref<640x128xf32, #tpu.memory_space<hbm>>, %arg6: memref<2x1x10240x128xf32, #tpu.memory_space<hbm>>, %arg7: memref<40x128xi32, #tpu.memory_space<vmem>>, %arg8: memref<40x128xi32, #tpu.memory_space<vmem>>, %arg9: memref<128x128xf32, #tpu.memory_space<vmem>>, %arg10: memref<128x128xf32, #tpu.memory_space<vmem>>, %arg11: memref<10240x128xf32, #tpu.memory_space<vmem_shared>>, %arg12: memref<!tpu.dma_semaphore, #tpu.memory_space<semaphore_mem>>, %arg13: memref<!tpu.dma_semaphore, #tpu.memory_space<semaphore_mem>>) attributes {dimension_semantics = [#tpu.dimension_semantics<core_parallel>, #tpu.dimension_semantics<subcore_parallel>], iteration_bounds = array<i64: 2, 16>, scalar_prefetch = 0 : i64, scratch_operands = 7 : i64, tpu.core_type = #tpu.core_type<sc_vector_subcore>, window_params = [{transform_indices = #map}, {transform_indices = #map1}, {transform_indices = #map1}, {transform_indices = #map2}, {transform_indices = #map1}]} {
    "tpu.region"() ({
      %run_scoped3A_60 = tpu.sem_alloc : memref<!tpu.dma_semaphore, #tpu.memory_space<semaphore_mem>>
      %dma_start3A_61 = arith.constant 0 : i32
      %dma_start3A_62 = arith.constant 0 : i32
      %dma_start3A_63 = tpu.memref_slice %arg3[%arg0, %arg1, %dma_start3A_61, %dma_start3A_62] : memref<2x16x40x128xi32, #tpu.memory_space<hbm>> -> memref<1x1x40x128xi32, #tpu.memory_space<hbm>>
      %dma_start3A_64 = tpu.memref_squeeze %dma_start3A_63 : memref<1x1x40x128xi32, #tpu.memory_space<hbm>> -> memref<40x128xi32, #tpu.memory_space<hbm>>
      %dma_start3A_65 = arith.constant 0 : i32
      %dma_start3A_66 = arith.constant 0 : i32
      %dma_start3A_67 = tpu.memref_slice %arg3[%arg0, %arg1, %dma_start3A_65, %dma_start3A_66] : memref<2x16x40x128xi32, #tpu.memory_space<hbm>> -> memref<1x1x40x128xi32, #tpu.memory_space<hbm>>
      %dma_start3A_68 = tpu.memref_squeeze %dma_start3A_67 : memref<1x1x40x128xi32, #tpu.memory_space<hbm>> -> memref<40x128xi32, #tpu.memory_space<hbm>>
      tpu.enqueue_dma source(%dma_start3A_68 : memref<40x128xi32, #tpu.memory_space<hbm>>) target(%arg7 : memref<40x128xi32, #tpu.memory_space<vmem>>) target_semaphore(%run_scoped3A_60 : memref<!tpu.dma_semaphore, #tpu.memory_space<semaphore_mem>>)
      %dma_wait3A_69 = arith.constant 0 : i32
      %dma_wait3A_70 = arith.constant 0 : i32
      %dma_wait3A_71 = tpu.memref_slice %arg3[%arg0, %arg1, %dma_wait3A_69, %dma_wait3A_70] : memref<2x16x40x128xi32, #tpu.memory_space<hbm>> -> memref<1x1x40x128xi32, #tpu.memory_space<hbm>>
      %dma_wait3A_72 = tpu.memref_squeeze %dma_wait3A_71 : memref<1x1x40x128xi32, #tpu.memory_space<hbm>> -> memref<40x128xi32, #tpu.memory_space<hbm>>
      %dma_wait3A_73 = arith.constant 0 : i32
      %dma_wait3A_74 = arith.constant 0 : i32
      %dma_wait3A_75 = tpu.memref_slice %arg3[%arg0, %arg1, %dma_wait3A_73, %dma_wait3A_74] : memref<2x16x40x128xi32, #tpu.memory_space<hbm>> -> memref<1x1x40x128xi32, #tpu.memory_space<hbm>>
      %dma_wait3A_76 = tpu.memref_squeeze %dma_wait3A_75 : memref<1x1x40x128xi32, #tpu.memory_space<hbm>> -> memref<40x128xi32, #tpu.memory_space<hbm>>
      tpu.wait_dma2 semaphore(%run_scoped3A_60 : memref<!tpu.dma_semaphore, #tpu.memory_space<semaphore_mem>>) src(%dma_wait3A_76 : memref<40x128xi32, #tpu.memory_space<hbm>>) dst(%arg7 : memref<40x128xi32, #tpu.memory_space<vmem>>)
      tpu.yield
    }) : () -> ()
    "tpu.region"() ({
      %run_scoped3A_60 = tpu.sem_alloc : memref<!tpu.dma_semaphore, #tpu.memory_space<semaphore_mem>>
      %dma_start3A_61 = arith.constant 0 : i32
      %dma_start3A_62 = arith.constant 0 : i32
      %dma_start3A_63 = tpu.memref_slice %arg4[%arg0, %arg1, %dma_start3A_61, %dma_start3A_62] : memref<2x16x40x128xi32, #tpu.memory_space<hbm>> -> memref<1x1x40x128xi32, #tpu.memory_space<hbm>>
      %dma_start3A_64 = tpu.memref_squeeze %dma_start3A_63 : memref<1x1x40x128xi32, #tpu.memory_space<hbm>> -> memref<40x128xi32, #tpu.memory_space<hbm>>
      %dma_start3A_65 = arith.constant 0 : i32
      %dma_start3A_66 = arith.constant 0 : i32
      %dma_start3A_67 = tpu.memref_slice %arg4[%arg0, %arg1, %dma_start3A_65, %dma_start3A_66] : memref<2x16x40x128xi32, #tpu.memory_space<hbm>> -> memref<1x1x40x128xi32, #tpu.memory_space<hbm>>
      %dma_start3A_68 = tpu.memref_squeeze %dma_start3A_67 : memref<1x1x40x128xi32, #tpu.memory_space<hbm>> -> memref<40x128xi32, #tpu.memory_space<hbm>>
      tpu.enqueue_dma source(%dma_start3A_68 : memref<40x128xi32, #tpu.memory_space<hbm>>) target(%arg8 : memref<40x128xi32, #tpu.memory_space<vmem>>) target_semaphore(%run_scoped3A_60 : memref<!tpu.dma_semaphore, #tpu.memory_space<semaphore_mem>>)
      %dma_wait3A_69 = arith.constant 0 : i32
      %dma_wait3A_70 = arith.constant 0 : i32
      %dma_wait3A_71 = tpu.memref_slice %arg4[%arg0, %arg1, %dma_wait3A_69, %dma_wait3A_70] : memref<2x16x40x128xi32, #tpu.memory_space<hbm>> -> memref<1x1x40x128xi32, #tpu.memory_space<hbm>>
      %dma_wait3A_72 = tpu.memref_squeeze %dma_wait3A_71 : memref<1x1x40x128xi32, #tpu.memory_space<hbm>> -> memref<40x128xi32, #tpu.memory_space<hbm>>
      %dma_wait3A_73 = arith.constant 0 : i32
      %dma_wait3A_74 = arith.constant 0 : i32
      %dma_wait3A_75 = tpu.memref_slice %arg4[%arg0, %arg1, %dma_wait3A_73, %dma_wait3A_74] : memref<2x16x40x128xi32, #tpu.memory_space<hbm>> -> memref<1x1x40x128xi32, #tpu.memory_space<hbm>>
      %dma_wait3A_76 = tpu.memref_squeeze %dma_wait3A_75 : memref<1x1x40x128xi32, #tpu.memory_space<hbm>> -> memref<40x128xi32, #tpu.memory_space<hbm>>
      tpu.wait_dma2 semaphore(%run_scoped3A_60 : memref<!tpu.dma_semaphore, #tpu.memory_space<semaphore_mem>>) src(%dma_wait3A_76 : memref<40x128xi32, #tpu.memory_space<hbm>>) dst(%arg8 : memref<40x128xi32, #tpu.memory_space<vmem>>)
      tpu.yield
    }) : () -> ()
    %mul3A = arith.constant 640 : i32
    %mul3A_0 = arith.muli %arg1, %mul3A : i32
    "tpu.region"() ({
      %run_scoped3A_60 = tpu.sem_alloc : memref<!tpu.dma_semaphore, #tpu.memory_space<semaphore_mem>>
      %dma_start3A_61 = arith.constant 0 : i32
      %dma_start3A_62 = tpu.memref_slice %arg11[%mul3A_0, %dma_start3A_61] : memref<10240x128xf32, #tpu.memory_space<vmem_shared>> -> memref<640x128xf32, #tpu.memory_space<vmem_shared>>
      tpu.enqueue_dma source(%arg5 : memref<640x128xf32, #tpu.memory_space<hbm>>) target(%dma_start3A_62 : memref<640x128xf32, #tpu.memory_space<vmem_shared>>) target_semaphore(%run_scoped3A_60 : memref<!tpu.dma_semaphore, #tpu.memory_space<semaphore_mem>>)
      %dma_wait3A_63 = arith.constant 0 : i32
      %dma_wait3A_64 = tpu.memref_slice %arg11[%mul3A_0, %dma_wait3A_63] : memref<10240x128xf32, #tpu.memory_space<vmem_shared>> -> memref<640x128xf32, #tpu.memory_space<vmem_shared>>
      tpu.wait_dma2 semaphore(%run_scoped3A_60 : memref<!tpu.dma_semaphore, #tpu.memory_space<semaphore_mem>>) src(%arg5 : memref<640x128xf32, #tpu.memory_space<hbm>>) dst(%dma_wait3A_64 : memref<640x128xf32, #tpu.memory_space<vmem_shared>>)
      tpu.yield
    }) : () -> ()
    %barrier3A = arith.constant 0 : index
    tpu.barrier barrier_id(%barrier3A)
    %dma_start3A = arith.constant 0 : i32
    %dma_start3A_1 = arith.constant 0 : i32
    %dma_start3A_2 = arith.constant 0 : i32
    %dma_start3A_3 = tpu.memref_slice %arg7[%dma_start3A_1, %dma_start3A_2] : memref<40x128xi32, #tpu.memory_space<vmem>> -> memref<1x128xi32, #tpu.memory_space<vmem>>
    %dma_start3A_4 = tpu.memref_squeeze %dma_start3A_3 : memref<1x128xi32, #tpu.memory_space<vmem>> -> memref<128xi32, #tpu.memory_space<vmem>>
    %dma_start3A_5 = arith.constant 0 : i32
    %dma_start3A_6 = arith.constant 0 : i32
    %dma_start3A_7 = tpu.memref_slice %arg2[%dma_start3A, %dma_start3A_5, %dma_start3A_6] : memref<1x10240x128xf32, #tpu.memory_space<hbm>> -> memref<1x10240x128xf32, #tpu.memory_space<hbm>>
    %dma_start3A_8 = tpu.memref_squeeze %dma_start3A_7 : memref<1x10240x128xf32, #tpu.memory_space<hbm>> -> memref<10240x128xf32, #tpu.memory_space<hbm>>
    %dma_start3A_9 = arith.constant 0 : i32
    %dma_start3A_10 = arith.constant 0 : i32
    %dma_start3A_11 = tpu.memref_slice %dma_start3A_8[%dma_start3A_9, %dma_start3A_10] : memref<10240x128xf32, #tpu.memory_space<hbm>> -> memref<10240x128xf32, #tpu.memory_space<hbm>>
    tpu.enqueue_indirect_dma source(%dma_start3A_11 : memref<10240x128xf32, #tpu.memory_space<hbm>>) target(%arg9 : memref<128x128xf32, #tpu.memory_space<vmem>>) offsets(%dma_start3A_4 : memref<128xi32, #tpu.memory_space<vmem>>) semaphore(%arg12 : memref<!tpu.dma_semaphore, #tpu.memory_space<semaphore_mem>>)
    %dma_start3A_12 = arith.constant 0 : i32
    %dma_start3A_13 = arith.constant 1 : i32
    %dma_start3A_14 = arith.constant 0 : i32
    %dma_start3A_15 = tpu.memref_slice %arg7[%dma_start3A_13, %dma_start3A_14] : memref<40x128xi32, #tpu.memory_space<vmem>> -> memref<1x128xi32, #tpu.memory_space<vmem>>
    %dma_start3A_16 = tpu.memref_squeeze %dma_start3A_15 : memref<1x128xi32, #tpu.memory_space<vmem>> -> memref<128xi32, #tpu.memory_space<vmem>>
    %dma_start3A_17 = arith.constant 0 : i32
    %dma_start3A_18 = arith.constant 0 : i32
    %dma_start3A_19 = tpu.memref_slice %arg2[%dma_start3A_12, %dma_start3A_17, %dma_start3A_18] : memref<1x10240x128xf32, #tpu.memory_space<hbm>> -> memref<1x10240x128xf32, #tpu.memory_space<hbm>>
    %dma_start3A_20 = tpu.memref_squeeze %dma_start3A_19 : memref<1x10240x128xf32, #tpu.memory_space<hbm>> -> memref<10240x128xf32, #tpu.memory_space<hbm>>
    %dma_start3A_21 = arith.constant 0 : i32
    %dma_start3A_22 = arith.constant 0 : i32
    %dma_start3A_23 = tpu.memref_slice %dma_start3A_20[%dma_start3A_21, %dma_start3A_22] : memref<10240x128xf32, #tpu.memory_space<hbm>> -> memref<10240x128xf32, #tpu.memory_space<hbm>>
    tpu.enqueue_indirect_dma source(%dma_start3A_23 : memref<10240x128xf32, #tpu.memory_space<hbm>>) target(%arg10 : memref<128x128xf32, #tpu.memory_space<vmem>>) offsets(%dma_start3A_16 : memref<128xi32, #tpu.memory_space<vmem>>) semaphore(%arg13 : memref<!tpu.dma_semaphore, #tpu.memory_space<semaphore_mem>>)
    %scan3A = arith.constant 0 : i32
    %scan3A_24 = arith.constant 0 : i32
    %scan3A_25 = arith.constant 0 : i32
    %scan3A_26 = arith.constant 19 : i32
    %scan3A_27 = arith.addi %scan3A_25, %scan3A_26 : i32
    %scan3A_28 = arith.constant 1 : i32
    scf.for %scan3A_60 = %scan3A_25 to %scan3A_27 step %scan3A_28  : i32 {
      %mul3A_61 = arith.constant 2 : i32
      %mul3A_62 = arith.muli %scan3A_60, %mul3A_61 : i32
      %add3A = arith.constant 0 : i32
      %add3A_63 = arith.addi %mul3A_62, %add3A : i32
      %dma_wait3A_64 = arith.constant 0 : i32
      %dma_wait3A_65 = tpu.memref_slice %arg7[%add3A_63, %dma_wait3A_64] : memref<40x128xi32, #tpu.memory_space<vmem>> -> memref<1x128xi32, #tpu.memory_space<vmem>>
      %dma_wait3A_66 = tpu.memref_squeeze %dma_wait3A_65 : memref<1x128xi32, #tpu.memory_space<vmem>> -> memref<128xi32, #tpu.memory_space<vmem>>
      %dma_wait3A_67 = arith.constant 0 : i32
      %dma_wait3A_68 = arith.constant 0 : i32
      %dma_wait3A_69 = tpu.memref_slice %arg2[%scan3A_24, %dma_wait3A_67, %dma_wait3A_68] : memref<1x10240x128xf32, #tpu.memory_space<hbm>> -> memref<1x10240x128xf32, #tpu.memory_space<hbm>>
      %dma_wait3A_70 = tpu.memref_squeeze %dma_wait3A_69 : memref<1x10240x128xf32, #tpu.memory_space<hbm>> -> memref<10240x128xf32, #tpu.memory_space<hbm>>
      %dma_wait3A_71 = arith.constant 0 : i32
      %dma_wait3A_72 = arith.constant 0 : i32
      %dma_wait3A_73 = tpu.memref_slice %dma_wait3A_70[%dma_wait3A_71, %dma_wait3A_72] : memref<10240x128xf32, #tpu.memory_space<hbm>> -> memref<10240x128xf32, #tpu.memory_space<hbm>>
      tpu.wait_indirect_dma semaphore(%arg12 : memref<!tpu.dma_semaphore, #tpu.memory_space<semaphore_mem>>) src(%dma_wait3A_73 : memref<10240x128xf32, #tpu.memory_space<hbm>>) dst(%arg9 : memref<128x128xf32, #tpu.memory_space<vmem>>)
      "tpu.region"() ({
        %run_scoped3A_112 = tpu.sem_alloc : memref<!tpu.dma_semaphore, #tpu.memory_space<semaphore_mem>>
        %dma_start3A_113 = arith.constant 0 : i32
        %dma_start3A_114 = tpu.memref_slice %arg8[%add3A_63, %dma_start3A_113] : memref<40x128xi32, #tpu.memory_space<vmem>> -> memref<1x128xi32, #tpu.memory_space<vmem>>
        %dma_start3A_115 = tpu.memref_squeeze %dma_start3A_114 : memref<1x128xi32, #tpu.memory_space<vmem>> -> memref<128xi32, #tpu.memory_space<vmem>>
        %dma_start3A_116 = arith.constant 0 : i32
        %dma_start3A_117 = arith.constant 0 : i32
        %dma_start3A_118 = tpu.memref_slice %arg11[%dma_start3A_116, %dma_start3A_117] : memref<10240x128xf32, #tpu.memory_space<vmem_shared>> -> memref<10240x128xf32, #tpu.memory_space<vmem_shared>>
        tpu.enqueue_indirect_dma source(%arg9 : memref<128x128xf32, #tpu.memory_space<vmem>>) target(%dma_start3A_118 : memref<10240x128xf32, #tpu.memory_space<vmem_shared>>) offsets(%dma_start3A_115 : memref<128xi32, #tpu.memory_space<vmem>>) semaphore(%run_scoped3A_112 : memref<!tpu.dma_semaphore, #tpu.memory_space<semaphore_mem>>) {add = true}
        %dma_wait3A_119 = arith.constant 0 : i32
        %dma_wait3A_120 = tpu.memref_slice %arg8[%add3A_63, %dma_wait3A_119] : memref<40x128xi32, #tpu.memory_space<vmem>> -> memref<1x128xi32, #tpu.memory_space<vmem>>
        %dma_wait3A_121 = tpu.memref_squeeze %dma_wait3A_120 : memref<1x128xi32, #tpu.memory_space<vmem>> -> memref<128xi32, #tpu.memory_space<vmem>>
        %dma_wait3A_122 = arith.constant 0 : i32
        %dma_wait3A_123 = arith.constant 0 : i32
        %dma_wait3A_124 = tpu.memref_slice %arg11[%dma_wait3A_122, %dma_wait3A_123] : memref<10240x128xf32, #tpu.memory_space<vmem_shared>> -> memref<10240x128xf32, #tpu.memory_space<vmem_shared>>
        tpu.wait_indirect_dma semaphore(%run_scoped3A_112 : memref<!tpu.dma_semaphore, #tpu.memory_space<semaphore_mem>>) src(%arg9 : memref<128x128xf32, #tpu.memory_space<vmem>>) dst(%dma_wait3A_124 : memref<10240x128xf32, #tpu.memory_space<vmem_shared>>)
        tpu.yield
      }) : () -> ()
      %add3A_74 = arith.constant 2 : i32
      %add3A_75 = arith.addi %add3A_63, %add3A_74 : i32
      %dma_start3A_76 = arith.constant 0 : i32
      %dma_start3A_77 = tpu.memref_slice %arg7[%add3A_75, %dma_start3A_76] : memref<40x128xi32, #tpu.memory_space<vmem>> -> memref<1x128xi32, #tpu.memory_space<vmem>>
      %dma_start3A_78 = tpu.memref_squeeze %dma_start3A_77 : memref<1x128xi32, #tpu.memory_space<vmem>> -> memref<128xi32, #tpu.memory_space<vmem>>
      %dma_start3A_79 = arith.constant 0 : i32
      %dma_start3A_80 = arith.constant 0 : i32
      %dma_start3A_81 = tpu.memref_slice %arg2[%scan3A_24, %dma_start3A_79, %dma_start3A_80] : memref<1x10240x128xf32, #tpu.memory_space<hbm>> -> memref<1x10240x128xf32, #tpu.memory_space<hbm>>
      %dma_start3A_82 = tpu.memref_squeeze %dma_start3A_81 : memref<1x10240x128xf32, #tpu.memory_space<hbm>> -> memref<10240x128xf32, #tpu.memory_space<hbm>>
      %dma_start3A_83 = arith.constant 0 : i32
      %dma_start3A_84 = arith.constant 0 : i32
      %dma_start3A_85 = tpu.memref_slice %dma_start3A_82[%dma_start3A_83, %dma_start3A_84] : memref<10240x128xf32, #tpu.memory_space<hbm>> -> memref<10240x128xf32, #tpu.memory_space<hbm>>
      tpu.enqueue_indirect_dma source(%dma_start3A_85 : memref<10240x128xf32, #tpu.memory_space<hbm>>) target(%arg9 : memref<128x128xf32, #tpu.memory_space<vmem>>) offsets(%dma_start3A_78 : memref<128xi32, #tpu.memory_space<vmem>>) semaphore(%arg12 : memref<!tpu.dma_semaphore, #tpu.memory_space<semaphore_mem>>)
      %mul3A_86 = arith.constant 2 : i32
      %mul3A_87 = arith.muli %scan3A_60, %mul3A_86 : i32
      %add3A_88 = arith.constant 1 : i32
      %add3A_89 = arith.addi %mul3A_87, %add3A_88 : i32
      %dma_wait3A_90 = arith.constant 0 : i32
      %dma_wait3A_91 = tpu.memref_slice %arg7[%add3A_89, %dma_wait3A_90] : memref<40x128xi32, #tpu.memory_space<vmem>> -> memref<1x128xi32, #tpu.memory_space<vmem>>
      %dma_wait3A_92 = tpu.memref_squeeze %dma_wait3A_91 : memref<1x128xi32, #tpu.memory_space<vmem>> -> memref<128xi32, #tpu.memory_space<vmem>>
      %dma_wait3A_93 = arith.constant 0 : i32
      %dma_wait3A_94 = arith.constant 0 : i32
      %dma_wait3A_95 = tpu.memref_slice %arg2[%scan3A_24, %dma_wait3A_93, %dma_wait3A_94] : memref<1x10240x128xf32, #tpu.memory_space<hbm>> -> memref<1x10240x128xf32, #tpu.memory_space<hbm>>
      %dma_wait3A_96 = tpu.memref_squeeze %dma_wait3A_95 : memref<1x10240x128xf32, #tpu.memory_space<hbm>> -> memref<10240x128xf32, #tpu.memory_space<hbm>>
      %dma_wait3A_97 = arith.constant 0 : i32
      %dma_wait3A_98 = arith.constant 0 : i32
      %dma_wait3A_99 = tpu.memref_slice %dma_wait3A_96[%dma_wait3A_97, %dma_wait3A_98] : memref<10240x128xf32, #tpu.memory_space<hbm>> -> memref<10240x128xf32, #tpu.memory_space<hbm>>
      tpu.wait_indirect_dma semaphore(%arg13 : memref<!tpu.dma_semaphore, #tpu.memory_space<semaphore_mem>>) src(%dma_wait3A_99 : memref<10240x128xf32, #tpu.memory_space<hbm>>) dst(%arg10 : memref<128x128xf32, #tpu.memory_space<vmem>>)
      "tpu.region"() ({
        %run_scoped3A_112 = tpu.sem_alloc : memref<!tpu.dma_semaphore, #tpu.memory_space<semaphore_mem>>
        %dma_start3A_113 = arith.constant 0 : i32
        %dma_start3A_114 = tpu.memref_slice %arg8[%add3A_89, %dma_start3A_113] : memref<40x128xi32, #tpu.memory_space<vmem>> -> memref<1x128xi32, #tpu.memory_space<vmem>>
        %dma_start3A_115 = tpu.memref_squeeze %dma_start3A_114 : memref<1x128xi32, #tpu.memory_space<vmem>> -> memref<128xi32, #tpu.memory_space<vmem>>
        %dma_start3A_116 = arith.constant 0 : i32
        %dma_start3A_117 = arith.constant 0 : i32
        %dma_start3A_118 = tpu.memref_slice %arg11[%dma_start3A_116, %dma_start3A_117] : memref<10240x128xf32, #tpu.memory_space<vmem_shared>> -> memref<10240x128xf32, #tpu.memory_space<vmem_shared>>
        tpu.enqueue_indirect_dma source(%arg10 : memref<128x128xf32, #tpu.memory_space<vmem>>) target(%dma_start3A_118 : memref<10240x128xf32, #tpu.memory_space<vmem_shared>>) offsets(%dma_start3A_115 : memref<128xi32, #tpu.memory_space<vmem>>) semaphore(%run_scoped3A_112 : memref<!tpu.dma_semaphore, #tpu.memory_space<semaphore_mem>>) {add = true}
        %dma_wait3A_119 = arith.constant 0 : i32
        %dma_wait3A_120 = tpu.memref_slice %arg8[%add3A_89, %dma_wait3A_119] : memref<40x128xi32, #tpu.memory_space<vmem>> -> memref<1x128xi32, #tpu.memory_space<vmem>>
        %dma_wait3A_121 = tpu.memref_squeeze %dma_wait3A_120 : memref<1x128xi32, #tpu.memory_space<vmem>> -> memref<128xi32, #tpu.memory_space<vmem>>
        %dma_wait3A_122 = arith.constant 0 : i32
        %dma_wait3A_123 = arith.constant 0 : i32
        %dma_wait3A_124 = tpu.memref_slice %arg11[%dma_wait3A_122, %dma_wait3A_123] : memref<10240x128xf32, #tpu.memory_space<vmem_shared>> -> memref<10240x128xf32, #tpu.memory_space<vmem_shared>>
        tpu.wait_indirect_dma semaphore(%run_scoped3A_112 : memref<!tpu.dma_semaphore, #tpu.memory_space<semaphore_mem>>) src(%arg10 : memref<128x128xf32, #tpu.memory_space<vmem>>) dst(%dma_wait3A_124 : memref<10240x128xf32, #tpu.memory_space<vmem_shared>>)
        tpu.yield
      }) : () -> ()
      %add3A_100 = arith.constant 2 : i32
      %add3A_101 = arith.addi %add3A_89, %add3A_100 : i32
      %dma_start3A_102 = arith.constant 0 : i32
      %dma_start3A_103 = tpu.memref_slice %arg7[%add3A_101, %dma_start3A_102] : memref<40x128xi32, #tpu.memory_space<vmem>> -> memref<1x128xi32, #tpu.memory_space<vmem>>
      %dma_start3A_104 = tpu.memref_squeeze %dma_start3A_103 : memref<1x128xi32, #tpu.memory_space<vmem>> -> memref<128xi32, #tpu.memory_space<vmem>>
      %dma_start3A_105 = arith.constant 0 : i32
      %dma_start3A_106 = arith.constant 0 : i32
      %dma_start3A_107 = tpu.memref_slice %arg2[%scan3A_24, %dma_start3A_105, %dma_start3A_106] : memref<1x10240x128xf32, #tpu.memory_space<hbm>> -> memref<1x10240x128xf32, #tpu.memory_space<hbm>>
      %dma_start3A_108 = tpu.memref_squeeze %dma_start3A_107 : memref<1x10240x128xf32, #tpu.memory_space<hbm>> -> memref<10240x128xf32, #tpu.memory_space<hbm>>
      %dma_start3A_109 = arith.constant 0 : i32
      %dma_start3A_110 = arith.constant 0 : i32
      %dma_start3A_111 = tpu.memref_slice %dma_start3A_108[%dma_start3A_109, %dma_start3A_110] : memref<10240x128xf32, #tpu.memory_space<hbm>> -> memref<10240x128xf32, #tpu.memory_space<hbm>>
      tpu.enqueue_indirect_dma source(%dma_start3A_111 : memref<10240x128xf32, #tpu.memory_space<hbm>>) target(%arg10 : memref<128x128xf32, #tpu.memory_space<vmem>>) offsets(%dma_start3A_104 : memref<128xi32, #tpu.memory_space<vmem>>) semaphore(%arg13 : memref<!tpu.dma_semaphore, #tpu.memory_space<semaphore_mem>>)
    }
    %scan3A_29 = arith.constant 19 : i32
    %dma_wait3A = arith.constant 0 : i32
    %dma_wait3A_30 = arith.constant 38 : i32
    %dma_wait3A_31 = arith.constant 0 : i32
    %dma_wait3A_32 = tpu.memref_slice %arg7[%dma_wait3A_30, %dma_wait3A_31] : memref<40x128xi32, #tpu.memory_space<vmem>> -> memref<1x128xi32, #tpu.memory_space<vmem>>
    %dma_wait3A_33 = tpu.memref_squeeze %dma_wait3A_32 : memref<1x128xi32, #tpu.memory_space<vmem>> -> memref<128xi32, #tpu.memory_space<vmem>>
    %dma_wait3A_34 = arith.constant 0 : i32
    %dma_wait3A_35 = arith.constant 0 : i32
    %dma_wait3A_36 = tpu.memref_slice %arg2[%dma_wait3A, %dma_wait3A_34, %dma_wait3A_35] : memref<1x10240x128xf32, #tpu.memory_space<hbm>> -> memref<1x10240x128xf32, #tpu.memory_space<hbm>>
    %dma_wait3A_37 = tpu.memref_squeeze %dma_wait3A_36 : memref<1x10240x128xf32, #tpu.memory_space<hbm>> -> memref<10240x128xf32, #tpu.memory_space<hbm>>
    %dma_wait3A_38 = arith.constant 0 : i32
    %dma_wait3A_39 = arith.constant 0 : i32
    %dma_wait3A_40 = tpu.memref_slice %dma_wait3A_37[%dma_wait3A_38, %dma_wait3A_39] : memref<10240x128xf32, #tpu.memory_space<hbm>> -> memref<10240x128xf32, #tpu.memory_space<hbm>>
    tpu.wait_indirect_dma semaphore(%arg12 : memref<!tpu.dma_semaphore, #tpu.memory_space<semaphore_mem>>) src(%dma_wait3A_40 : memref<10240x128xf32, #tpu.memory_space<hbm>>) dst(%arg9 : memref<128x128xf32, #tpu.memory_space<vmem>>)
    %run_scoped3A = arith.constant 38 : i32
    "tpu.region"() ({
      %run_scoped3A_60 = tpu.sem_alloc : memref<!tpu.dma_semaphore, #tpu.memory_space<semaphore_mem>>
      %dma_start3A_61 = arith.constant 0 : i32
      %dma_start3A_62 = tpu.memref_slice %arg8[%run_scoped3A, %dma_start3A_61] : memref<40x128xi32, #tpu.memory_space<vmem>> -> memref<1x128xi32, #tpu.memory_space<vmem>>
      %dma_start3A_63 = tpu.memref_squeeze %dma_start3A_62 : memref<1x128xi32, #tpu.memory_space<vmem>> -> memref<128xi32, #tpu.memory_space<vmem>>
      %dma_start3A_64 = arith.constant 0 : i32
      %dma_start3A_65 = arith.constant 0 : i32
      %dma_start3A_66 = tpu.memref_slice %arg11[%dma_start3A_64, %dma_start3A_65] : memref<10240x128xf32, #tpu.memory_space<vmem_shared>> -> memref<10240x128xf32, #tpu.memory_space<vmem_shared>>
      tpu.enqueue_indirect_dma source(%arg9 : memref<128x128xf32, #tpu.memory_space<vmem>>) target(%dma_start3A_66 : memref<10240x128xf32, #tpu.memory_space<vmem_shared>>) offsets(%dma_start3A_63 : memref<128xi32, #tpu.memory_space<vmem>>) semaphore(%run_scoped3A_60 : memref<!tpu.dma_semaphore, #tpu.memory_space<semaphore_mem>>) {add = true}
      %dma_wait3A_67 = arith.constant 0 : i32
      %dma_wait3A_68 = tpu.memref_slice %arg8[%run_scoped3A, %dma_wait3A_67] : memref<40x128xi32, #tpu.memory_space<vmem>> -> memref<1x128xi32, #tpu.memory_space<vmem>>
      %dma_wait3A_69 = tpu.memref_squeeze %dma_wait3A_68 : memref<1x128xi32, #tpu.memory_space<vmem>> -> memref<128xi32, #tpu.memory_space<vmem>>
      %dma_wait3A_70 = arith.constant 0 : i32
      %dma_wait3A_71 = arith.constant 0 : i32
      %dma_wait3A_72 = tpu.memref_slice %arg11[%dma_wait3A_70, %dma_wait3A_71] : memref<10240x128xf32, #tpu.memory_space<vmem_shared>> -> memref<10240x128xf32, #tpu.memory_space<vmem_shared>>
      tpu.wait_indirect_dma semaphore(%run_scoped3A_60 : memref<!tpu.dma_semaphore, #tpu.memory_space<semaphore_mem>>) src(%arg9 : memref<128x128xf32, #tpu.memory_space<vmem>>) dst(%dma_wait3A_72 : memref<10240x128xf32, #tpu.memory_space<vmem_shared>>)
      tpu.yield
    }) : () -> ()
    %dma_wait3A_41 = arith.constant 0 : i32
    %dma_wait3A_42 = arith.constant 39 : i32
    %dma_wait3A_43 = arith.constant 0 : i32
    %dma_wait3A_44 = tpu.memref_slice %arg7[%dma_wait3A_42, %dma_wait3A_43] : memref<40x128xi32, #tpu.memory_space<vmem>> -> memref<1x128xi32, #tpu.memory_space<vmem>>
    %dma_wait3A_45 = tpu.memref_squeeze %dma_wait3A_44 : memref<1x128xi32, #tpu.memory_space<vmem>> -> memref<128xi32, #tpu.memory_space<vmem>>
    %dma_wait3A_46 = arith.constant 0 : i32
    %dma_wait3A_47 = arith.constant 0 : i32
    %dma_wait3A_48 = tpu.memref_slice %arg2[%dma_wait3A_41, %dma_wait3A_46, %dma_wait3A_47] : memref<1x10240x128xf32, #tpu.memory_space<hbm>> -> memref<1x10240x128xf32, #tpu.memory_space<hbm>>
    %dma_wait3A_49 = tpu.memref_squeeze %dma_wait3A_48 : memref<1x10240x128xf32, #tpu.memory_space<hbm>> -> memref<10240x128xf32, #tpu.memory_space<hbm>>
    %dma_wait3A_50 = arith.constant 0 : i32
    %dma_wait3A_51 = arith.constant 0 : i32
    %dma_wait3A_52 = tpu.memref_slice %dma_wait3A_49[%dma_wait3A_50, %dma_wait3A_51] : memref<10240x128xf32, #tpu.memory_space<hbm>> -> memref<10240x128xf32, #tpu.memory_space<hbm>>
    tpu.wait_indirect_dma semaphore(%arg13 : memref<!tpu.dma_semaphore, #tpu.memory_space<semaphore_mem>>) src(%dma_wait3A_52 : memref<10240x128xf32, #tpu.memory_space<hbm>>) dst(%arg10 : memref<128x128xf32, #tpu.memory_space<vmem>>)
    %run_scoped3A_53 = arith.constant 39 : i32
    "tpu.region"() ({
      %run_scoped3A_60 = tpu.sem_alloc : memref<!tpu.dma_semaphore, #tpu.memory_space<semaphore_mem>>
      %dma_start3A_61 = arith.constant 0 : i32
      %dma_start3A_62 = tpu.memref_slice %arg8[%run_scoped3A_53, %dma_start3A_61] : memref<40x128xi32, #tpu.memory_space<vmem>> -> memref<1x128xi32, #tpu.memory_space<vmem>>
      %dma_start3A_63 = tpu.memref_squeeze %dma_start3A_62 : memref<1x128xi32, #tpu.memory_space<vmem>> -> memref<128xi32, #tpu.memory_space<vmem>>
      %dma_start3A_64 = arith.constant 0 : i32
      %dma_start3A_65 = arith.constant 0 : i32
      %dma_start3A_66 = tpu.memref_slice %arg11[%dma_start3A_64, %dma_start3A_65] : memref<10240x128xf32, #tpu.memory_space<vmem_shared>> -> memref<10240x128xf32, #tpu.memory_space<vmem_shared>>
      tpu.enqueue_indirect_dma source(%arg10 : memref<128x128xf32, #tpu.memory_space<vmem>>) target(%dma_start3A_66 : memref<10240x128xf32, #tpu.memory_space<vmem_shared>>) offsets(%dma_start3A_63 : memref<128xi32, #tpu.memory_space<vmem>>) semaphore(%run_scoped3A_60 : memref<!tpu.dma_semaphore, #tpu.memory_space<semaphore_mem>>) {add = true}
      %dma_wait3A_67 = arith.constant 0 : i32
      %dma_wait3A_68 = tpu.memref_slice %arg8[%run_scoped3A_53, %dma_wait3A_67] : memref<40x128xi32, #tpu.memory_space<vmem>> -> memref<1x128xi32, #tpu.memory_space<vmem>>
      %dma_wait3A_69 = tpu.memref_squeeze %dma_wait3A_68 : memref<1x128xi32, #tpu.memory_space<vmem>> -> memref<128xi32, #tpu.memory_space<vmem>>
      %dma_wait3A_70 = arith.constant 0 : i32
      %dma_wait3A_71 = arith.constant 0 : i32
      %dma_wait3A_72 = tpu.memref_slice %arg11[%dma_wait3A_70, %dma_wait3A_71] : memref<10240x128xf32, #tpu.memory_space<vmem_shared>> -> memref<10240x128xf32, #tpu.memory_space<vmem_shared>>
      tpu.wait_indirect_dma semaphore(%run_scoped3A_60 : memref<!tpu.dma_semaphore, #tpu.memory_space<semaphore_mem>>) src(%arg10 : memref<128x128xf32, #tpu.memory_space<vmem>>) dst(%dma_wait3A_72 : memref<10240x128xf32, #tpu.memory_space<vmem_shared>>)
      tpu.yield
    }) : () -> ()
    %barrier3A_54 = arith.constant 0 : index
    tpu.barrier barrier_id(%barrier3A_54)
    %mul3A_55 = arith.constant 640 : i32
    %mul3A_56 = arith.muli %arg1, %mul3A_55 : i32
    %mul3A_57 = arith.constant 640 : i32
    %mul3A_58 = arith.muli %arg1, %mul3A_57 : i32
    %run_scoped3A_59 = arith.constant 0 : i32
    "tpu.region"() ({
      %run_scoped3A_60 = tpu.sem_alloc : memref<!tpu.dma_semaphore, #tpu.memory_space<semaphore_mem>>
      %dma_start3A_61 = arith.constant 0 : i32
      %dma_start3A_62 = tpu.memref_slice %arg6[%arg0, %run_scoped3A_59, %mul3A_58, %dma_start3A_61] : memref<2x1x10240x128xf32, #tpu.memory_space<hbm>> -> memref<1x1x640x128xf32, #tpu.memory_space<hbm>>
      %dma_start3A_63 = tpu.memref_squeeze %dma_start3A_62 : memref<1x1x640x128xf32, #tpu.memory_space<hbm>> -> memref<640x128xf32, #tpu.memory_space<hbm>>
      %dma_start3A_64 = arith.constant 0 : i32
      %dma_start3A_65 = tpu.memref_slice %arg11[%mul3A_56, %dma_start3A_64] : memref<10240x128xf32, #tpu.memory_space<vmem_shared>> -> memref<640x128xf32, #tpu.memory_space<vmem_shared>>
      tpu.enqueue_dma source(%dma_start3A_65 : memref<640x128xf32, #tpu.memory_space<vmem_shared>>) target(%dma_start3A_63 : memref<640x128xf32, #tpu.memory_space<hbm>>) target_semaphore(%run_scoped3A_60 : memref<!tpu.dma_semaphore, #tpu.memory_space<semaphore_mem>>)
      %dma_wait3A_66 = arith.constant 0 : i32
      %dma_wait3A_67 = tpu.memref_slice %arg6[%arg0, %run_scoped3A_59, %mul3A_58, %dma_wait3A_66] : memref<2x1x10240x128xf32, #tpu.memory_space<hbm>> -> memref<1x1x640x128xf32, #tpu.memory_space<hbm>>
      %dma_wait3A_68 = tpu.memref_squeeze %dma_wait3A_67 : memref<1x1x640x128xf32, #tpu.memory_space<hbm>> -> memref<640x128xf32, #tpu.memory_space<hbm>>
      %dma_wait3A_69 = arith.constant 0 : i32
      %dma_wait3A_70 = tpu.memref_slice %arg11[%mul3A_56, %dma_wait3A_69] : memref<10240x128xf32, #tpu.memory_space<vmem_shared>> -> memref<640x128xf32, #tpu.memory_space<vmem_shared>>
      tpu.wait_dma2 semaphore(%run_scoped3A_60 : memref<!tpu.dma_semaphore, #tpu.memory_space<semaphore_mem>>) src(%dma_wait3A_70 : memref<640x128xf32, #tpu.memory_space<vmem_shared>>) dst(%dma_wait3A_68 : memref<640x128xf32, #tpu.memory_space<hbm>>)
      tpu.yield
    }) : () -> ()
    return
  }
}

#map = affine_map<(d0, d1) -> (0, 0, 0)>
#map1 = affine_map<(d0, d1) -> (0)>
#map2 = affine_map<(d0, d1) -> (0, 0)>
module attributes {stable_mosaic.version = 14 : i64} {
  func.func @_deg_kernel(%arg0: i32, %arg1: i32, %arg2: memref<2x16x5120xi32, #tpu.memory_space<hbm>>, %arg3: memref<2x16x5120xi32, #tpu.memory_space<hbm>>, %arg4: memref<20480xf32, #tpu.memory_space<hbm>>, %arg5: memref<2x20480xf32, #tpu.memory_space<hbm>>, %arg6: memref<5120xi32, #tpu.memory_space<vmem>>, %arg7: memref<5120xi32, #tpu.memory_space<vmem>>, %arg8: memref<20480xf32, #tpu.memory_space<vmem>>, %arg9: memref<1280xf32, #tpu.memory_space<vmem>>, %arg10: memref<1280xf32, #tpu.memory_space<vmem>>, %arg11: memref<16x20480xf32, #tpu.memory_space<vmem_shared>>) attributes {dimension_semantics = [#tpu.dimension_semantics<core_parallel>, #tpu.dimension_semantics<subcore_parallel>], iteration_bounds = array<i64: 2, 16>, scalar_prefetch = 0 : i64, scratch_operands = 6 : i64, tpu.core_type = #tpu.core_type<sc_vector_subcore>, window_params = [{transform_indices = #map}, {transform_indices = #map}, {transform_indices = #map1}, {transform_indices = #map2}]} {
    "tpu.region"() ({
      %run_scoped3A_146 = tpu.sem_alloc : memref<!tpu.dma_semaphore, #tpu.memory_space<semaphore_mem>>
      %dma_start3A = arith.constant 0 : i32
      %dma_start3A_147 = tpu.memref_slice %arg2[%arg0, %arg1, %dma_start3A] : memref<2x16x5120xi32, #tpu.memory_space<hbm>> -> memref<1x1x5120xi32, #tpu.memory_space<hbm>>
      %dma_start3A_148 = tpu.memref_squeeze %dma_start3A_147 : memref<1x1x5120xi32, #tpu.memory_space<hbm>> -> memref<5120xi32, #tpu.memory_space<hbm>>
      %dma_start3A_149 = arith.constant 0 : i32
      %dma_start3A_150 = tpu.memref_slice %arg2[%arg0, %arg1, %dma_start3A_149] : memref<2x16x5120xi32, #tpu.memory_space<hbm>> -> memref<1x1x5120xi32, #tpu.memory_space<hbm>>
      %dma_start3A_151 = tpu.memref_squeeze %dma_start3A_150 : memref<1x1x5120xi32, #tpu.memory_space<hbm>> -> memref<5120xi32, #tpu.memory_space<hbm>>
      tpu.enqueue_dma source(%dma_start3A_151 : memref<5120xi32, #tpu.memory_space<hbm>>) target(%arg6 : memref<5120xi32, #tpu.memory_space<vmem>>) target_semaphore(%run_scoped3A_146 : memref<!tpu.dma_semaphore, #tpu.memory_space<semaphore_mem>>)
      %dma_wait3A = arith.constant 0 : i32
      %dma_wait3A_152 = tpu.memref_slice %arg2[%arg0, %arg1, %dma_wait3A] : memref<2x16x5120xi32, #tpu.memory_space<hbm>> -> memref<1x1x5120xi32, #tpu.memory_space<hbm>>
      %dma_wait3A_153 = tpu.memref_squeeze %dma_wait3A_152 : memref<1x1x5120xi32, #tpu.memory_space<hbm>> -> memref<5120xi32, #tpu.memory_space<hbm>>
      %dma_wait3A_154 = arith.constant 0 : i32
      %dma_wait3A_155 = tpu.memref_slice %arg2[%arg0, %arg1, %dma_wait3A_154] : memref<2x16x5120xi32, #tpu.memory_space<hbm>> -> memref<1x1x5120xi32, #tpu.memory_space<hbm>>
      %dma_wait3A_156 = tpu.memref_squeeze %dma_wait3A_155 : memref<1x1x5120xi32, #tpu.memory_space<hbm>> -> memref<5120xi32, #tpu.memory_space<hbm>>
      tpu.wait_dma2 semaphore(%run_scoped3A_146 : memref<!tpu.dma_semaphore, #tpu.memory_space<semaphore_mem>>) src(%dma_wait3A_156 : memref<5120xi32, #tpu.memory_space<hbm>>) dst(%arg6 : memref<5120xi32, #tpu.memory_space<vmem>>)
      tpu.yield
    }) : () -> ()
    "tpu.region"() ({
      %run_scoped3A_146 = tpu.sem_alloc : memref<!tpu.dma_semaphore, #tpu.memory_space<semaphore_mem>>
      %dma_start3A = arith.constant 0 : i32
      %dma_start3A_147 = tpu.memref_slice %arg3[%arg0, %arg1, %dma_start3A] : memref<2x16x5120xi32, #tpu.memory_space<hbm>> -> memref<1x1x5120xi32, #tpu.memory_space<hbm>>
      %dma_start3A_148 = tpu.memref_squeeze %dma_start3A_147 : memref<1x1x5120xi32, #tpu.memory_space<hbm>> -> memref<5120xi32, #tpu.memory_space<hbm>>
      %dma_start3A_149 = arith.constant 0 : i32
      %dma_start3A_150 = tpu.memref_slice %arg3[%arg0, %arg1, %dma_start3A_149] : memref<2x16x5120xi32, #tpu.memory_space<hbm>> -> memref<1x1x5120xi32, #tpu.memory_space<hbm>>
      %dma_start3A_151 = tpu.memref_squeeze %dma_start3A_150 : memref<1x1x5120xi32, #tpu.memory_space<hbm>> -> memref<5120xi32, #tpu.memory_space<hbm>>
      tpu.enqueue_dma source(%dma_start3A_151 : memref<5120xi32, #tpu.memory_space<hbm>>) target(%arg7 : memref<5120xi32, #tpu.memory_space<vmem>>) target_semaphore(%run_scoped3A_146 : memref<!tpu.dma_semaphore, #tpu.memory_space<semaphore_mem>>)
      %dma_wait3A = arith.constant 0 : i32
      %dma_wait3A_152 = tpu.memref_slice %arg3[%arg0, %arg1, %dma_wait3A] : memref<2x16x5120xi32, #tpu.memory_space<hbm>> -> memref<1x1x5120xi32, #tpu.memory_space<hbm>>
      %dma_wait3A_153 = tpu.memref_squeeze %dma_wait3A_152 : memref<1x1x5120xi32, #tpu.memory_space<hbm>> -> memref<5120xi32, #tpu.memory_space<hbm>>
      %dma_wait3A_154 = arith.constant 0 : i32
      %dma_wait3A_155 = tpu.memref_slice %arg3[%arg0, %arg1, %dma_wait3A_154] : memref<2x16x5120xi32, #tpu.memory_space<hbm>> -> memref<1x1x5120xi32, #tpu.memory_space<hbm>>
      %dma_wait3A_156 = tpu.memref_squeeze %dma_wait3A_155 : memref<1x1x5120xi32, #tpu.memory_space<hbm>> -> memref<5120xi32, #tpu.memory_space<hbm>>
      tpu.wait_dma2 semaphore(%run_scoped3A_146 : memref<!tpu.dma_semaphore, #tpu.memory_space<semaphore_mem>>) src(%dma_wait3A_156 : memref<5120xi32, #tpu.memory_space<hbm>>) dst(%arg7 : memref<5120xi32, #tpu.memory_space<vmem>>)
      tpu.yield
    }) : () -> ()
    "tpu.region"() ({
      %run_scoped3A_146 = tpu.sem_alloc : memref<!tpu.dma_semaphore, #tpu.memory_space<semaphore_mem>>
      tpu.enqueue_dma source(%arg4 : memref<20480xf32, #tpu.memory_space<hbm>>) target(%arg8 : memref<20480xf32, #tpu.memory_space<vmem>>) target_semaphore(%run_scoped3A_146 : memref<!tpu.dma_semaphore, #tpu.memory_space<semaphore_mem>>)
      tpu.wait_dma2 semaphore(%run_scoped3A_146 : memref<!tpu.dma_semaphore, #tpu.memory_space<semaphore_mem>>) src(%arg4 : memref<20480xf32, #tpu.memory_space<hbm>>) dst(%arg8 : memref<20480xf32, #tpu.memory_space<vmem>>)
      tpu.yield
    }) : () -> ()
    %broadcast_in_dim3A = arith.constant 1.000000e+00 : f32
    %broadcast_in_dim3A_0 = vector.broadcast %broadcast_in_dim3A : f32 to vector<16xf32>
    %broadcast_in_dim3A_1 = arith.constant 10240 : i32
    %broadcast_in_dim3A_2 = vector.broadcast %broadcast_in_dim3A_1 : i32 to vector<16xi32>
    %scan3A = arith.constant 0 : i32
    %scan3A_3 = arith.constant 0 : i32
    %scan3A_4 = arith.constant 320 : i32
    %scan3A_5 = arith.addi %scan3A_3, %scan3A_4 : i32
    %scan3A_6 = arith.constant 1 : i32
    scf.for %scan3A_146 = %scan3A_3 to %scan3A_5 step %scan3A_6  : i32 {
      %mul3A_147 = arith.constant 16 : i32
      %mul3A_148 = arith.muli %scan3A_146, %mul3A_147 : i32
      %get3A = arith.index_cast %mul3A_148 : i32 to index
      %get3A_149 = tpu.vector_load %arg6[%get3A] {strides = array<i32>} : memref<5120xi32, #tpu.memory_space<vmem>>, vector<16xi32>,
      %mul3A_150 = arith.constant 16 : i32
      %mul3A_151 = arith.muli %scan3A_146, %mul3A_150 : i32
      %get3A_152 = arith.index_cast %mul3A_151 : i32 to index
      %get3A_153 = tpu.vector_load %arg7[%get3A_152] {strides = array<i32>} : memref<5120xi32, #tpu.memory_space<vmem>>, vector<16xi32>,
      %add3A = arith.addi %get3A_153, %broadcast_in_dim3A_2 : vector<16xi32>
      tpu.vector_store_idx %arg8[%get3A_149], %broadcast_in_dim3A_0 {add = true} : memref<20480xf32, #tpu.memory_space<vmem>>[vector<16xi32>], vector<16xf32>,
      tpu.vector_store_idx %arg8[%add3A], %broadcast_in_dim3A_0 {add = true} : memref<20480xf32, #tpu.memory_space<vmem>>[vector<16xi32>], vector<16xf32>,
    }
    %scan3A_7 = arith.constant 320 : i32
    "tpu.region"() ({
      %run_scoped3A_146 = tpu.sem_alloc : memref<!tpu.dma_semaphore, #tpu.memory_space<semaphore_mem>>
      %dma_start3A = arith.constant 0 : i32
      %dma_start3A_147 = tpu.memref_slice %arg11[%arg1, %dma_start3A] : memref<16x20480xf32, #tpu.memory_space<vmem_shared>> -> memref<1x20480xf32, #tpu.memory_space<vmem_shared>>
      %dma_start3A_148 = tpu.memref_squeeze %dma_start3A_147 : memref<1x20480xf32, #tpu.memory_space<vmem_shared>> -> memref<20480xf32, #tpu.memory_space<vmem_shared>>
      %dma_start3A_149 = arith.constant 0 : i32
      %dma_start3A_150 = tpu.memref_slice %arg11[%arg1, %dma_start3A_149] : memref<16x20480xf32, #tpu.memory_space<vmem_shared>> -> memref<1x20480xf32, #tpu.memory_space<vmem_shared>>
      %dma_start3A_151 = tpu.memref_squeeze %dma_start3A_150 : memref<1x20480xf32, #tpu.memory_space<vmem_shared>> -> memref<20480xf32, #tpu.memory_space<vmem_shared>>
      tpu.enqueue_dma source(%arg8 : memref<20480xf32, #tpu.memory_space<vmem>>) target(%dma_start3A_151 : memref<20480xf32, #tpu.memory_space<vmem_shared>>) target_semaphore(%run_scoped3A_146 : memref<!tpu.dma_semaphore, #tpu.memory_space<semaphore_mem>>)
      %dma_wait3A = arith.constant 0 : i32
      %dma_wait3A_152 = tpu.memref_slice %arg11[%arg1, %dma_wait3A] : memref<16x20480xf32, #tpu.memory_space<vmem_shared>> -> memref<1x20480xf32, #tpu.memory_space<vmem_shared>>
      %dma_wait3A_153 = tpu.memref_squeeze %dma_wait3A_152 : memref<1x20480xf32, #tpu.memory_space<vmem_shared>> -> memref<20480xf32, #tpu.memory_space<vmem_shared>>
      %dma_wait3A_154 = arith.constant 0 : i32
      %dma_wait3A_155 = tpu.memref_slice %arg11[%arg1, %dma_wait3A_154] : memref<16x20480xf32, #tpu.memory_space<vmem_shared>> -> memref<1x20480xf32, #tpu.memory_space<vmem_shared>>
      %dma_wait3A_156 = tpu.memref_squeeze %dma_wait3A_155 : memref<1x20480xf32, #tpu.memory_space<vmem_shared>> -> memref<20480xf32, #tpu.memory_space<vmem_shared>>
      tpu.wait_dma2 semaphore(%run_scoped3A_146 : memref<!tpu.dma_semaphore, #tpu.memory_space<semaphore_mem>>) src(%arg8 : memref<20480xf32, #tpu.memory_space<vmem>>) dst(%dma_wait3A_156 : memref<20480xf32, #tpu.memory_space<vmem_shared>>)
      tpu.yield
    }) : () -> ()
    %barrier3A = arith.constant 0 : index
    tpu.barrier barrier_id(%barrier3A)
    %mul3A = arith.constant 1280 : i32
    %mul3A_8 = arith.muli %arg1, %mul3A : i32
    %run_scoped3A = arith.constant 0 : i32
    "tpu.region"() ({
      %run_scoped3A_146 = tpu.sem_alloc : memref<!tpu.dma_semaphore, #tpu.memory_space<semaphore_mem>>
      %dma_start3A = tpu.memref_slice %arg11[%run_scoped3A, %mul3A_8] : memref<16x20480xf32, #tpu.memory_space<vmem_shared>> -> memref<1x1280xf32, #tpu.memory_space<vmem_shared>>
      %dma_start3A_147 = tpu.memref_squeeze %dma_start3A : memref<1x1280xf32, #tpu.memory_space<vmem_shared>> -> memref<1280xf32, #tpu.memory_space<vmem_shared>>
      %dma_start3A_148 = tpu.memref_slice %arg11[%run_scoped3A, %mul3A_8] : memref<16x20480xf32, #tpu.memory_space<vmem_shared>> -> memref<1x1280xf32, #tpu.memory_space<vmem_shared>>
      %dma_start3A_149 = tpu.memref_squeeze %dma_start3A_148 : memref<1x1280xf32, #tpu.memory_space<vmem_shared>> -> memref<1280xf32, #tpu.memory_space<vmem_shared>>
      tpu.enqueue_dma source(%dma_start3A_149 : memref<1280xf32, #tpu.memory_space<vmem_shared>>) target(%arg9 : memref<1280xf32, #tpu.memory_space<vmem>>) target_semaphore(%run_scoped3A_146 : memref<!tpu.dma_semaphore, #tpu.memory_space<semaphore_mem>>)
      %dma_wait3A = tpu.memref_slice %arg11[%run_scoped3A, %mul3A_8] : memref<16x20480xf32, #tpu.memory_space<vmem_shared>> -> memref<1x1280xf32, #tpu.memory_space<vmem_shared>>
      %dma_wait3A_150 = tpu.memref_squeeze %dma_wait3A : memref<1x1280xf32, #tpu.memory_space<vmem_shared>> -> memref<1280xf32, #tpu.memory_space<vmem_shared>>
      %dma_wait3A_151 = tpu.memref_slice %arg11[%run_scoped3A, %mul3A_8] : memref<16x20480xf32, #tpu.memory_space<vmem_shared>> -> memref<1x1280xf32, #tpu.memory_space<vmem_shared>>
      %dma_wait3A_152 = tpu.memref_squeeze %dma_wait3A_151 : memref<1x1280xf32, #tpu.memory_space<vmem_shared>> -> memref<1280xf32, #tpu.memory_space<vmem_shared>>
      tpu.wait_dma2 semaphore(%run_scoped3A_146 : memref<!tpu.dma_semaphore, #tpu.memory_space<semaphore_mem>>) src(%dma_wait3A_152 : memref<1280xf32, #tpu.memory_space<vmem_shared>>) dst(%arg9 : memref<1280xf32, #tpu.memory_space<vmem>>)
      tpu.yield
    }) : () -> ()
    %mul3A_9 = arith.constant 1280 : i32
    %mul3A_10 = arith.muli %arg1, %mul3A_9 : i32
    %run_scoped3A_11 = arith.constant 1 : i32
    "tpu.region"() ({
      %run_scoped3A_146 = tpu.sem_alloc : memref<!tpu.dma_semaphore, #tpu.memory_space<semaphore_mem>>
      %dma_start3A = tpu.memref_slice %arg11[%run_scoped3A_11, %mul3A_10] : memref<16x20480xf32, #tpu.memory_space<vmem_shared>> -> memref<1x1280xf32, #tpu.memory_space<vmem_shared>>
      %dma_start3A_147 = tpu.memref_squeeze %dma_start3A : memref<1x1280xf32, #tpu.memory_space<vmem_shared>> -> memref<1280xf32, #tpu.memory_space<vmem_shared>>
      %dma_start3A_148 = tpu.memref_slice %arg11[%run_scoped3A_11, %mul3A_10] : memref<16x20480xf32, #tpu.memory_space<vmem_shared>> -> memref<1x1280xf32, #tpu.memory_space<vmem_shared>>
      %dma_start3A_149 = tpu.memref_squeeze %dma_start3A_148 : memref<1x1280xf32, #tpu.memory_space<vmem_shared>> -> memref<1280xf32, #tpu.memory_space<vmem_shared>>
      tpu.enqueue_dma source(%dma_start3A_149 : memref<1280xf32, #tpu.memory_space<vmem_shared>>) target(%arg10 : memref<1280xf32, #tpu.memory_space<vmem>>) target_semaphore(%run_scoped3A_146 : memref<!tpu.dma_semaphore, #tpu.memory_space<semaphore_mem>>)
      %dma_wait3A = tpu.memref_slice %arg11[%run_scoped3A_11, %mul3A_10] : memref<16x20480xf32, #tpu.memory_space<vmem_shared>> -> memref<1x1280xf32, #tpu.memory_space<vmem_shared>>
      %dma_wait3A_150 = tpu.memref_squeeze %dma_wait3A : memref<1x1280xf32, #tpu.memory_space<vmem_shared>> -> memref<1280xf32, #tpu.memory_space<vmem_shared>>
      %dma_wait3A_151 = tpu.memref_slice %arg11[%run_scoped3A_11, %mul3A_10] : memref<16x20480xf32, #tpu.memory_space<vmem_shared>> -> memref<1x1280xf32, #tpu.memory_space<vmem_shared>>
      %dma_wait3A_152 = tpu.memref_squeeze %dma_wait3A_151 : memref<1x1280xf32, #tpu.memory_space<vmem_shared>> -> memref<1280xf32, #tpu.memory_space<vmem_shared>>
      tpu.wait_dma2 semaphore(%run_scoped3A_146 : memref<!tpu.dma_semaphore, #tpu.memory_space<semaphore_mem>>) src(%dma_wait3A_152 : memref<1280xf32, #tpu.memory_space<vmem_shared>>) dst(%arg10 : memref<1280xf32, #tpu.memory_space<vmem>>)
      tpu.yield
    }) : () -> ()
    %scan3A_12 = arith.constant 0 : i32
    %scan3A_13 = arith.constant 0 : i32
    %scan3A_14 = arith.constant 80 : i32
    %scan3A_15 = arith.addi %scan3A_13, %scan3A_14 : i32
    %scan3A_16 = arith.constant 1 : i32
    scf.for %scan3A_146 = %scan3A_13 to %scan3A_15 step %scan3A_16  : i32 {
      %mul3A_147 = arith.constant 16 : i32
      %mul3A_148 = arith.muli %scan3A_146, %mul3A_147 : i32
      %get3A = arith.index_cast %mul3A_148 : i32 to index
      %get3A_149 = tpu.vector_load %arg9[%get3A] {strides = array<i32>} : memref<1280xf32, #tpu.memory_space<vmem>>, vector<16xf32>,
      %mul3A_150 = arith.constant 16 : i32
      %mul3A_151 = arith.muli %scan3A_146, %mul3A_150 : i32
      %get3A_152 = arith.index_cast %mul3A_151 : i32 to index
      %get3A_153 = tpu.vector_load %arg10[%get3A_152] {strides = array<i32>} : memref<1280xf32, #tpu.memory_space<vmem>>, vector<16xf32>,
      %add3A = arith.addf %get3A_149, %get3A_153 : vector<16xf32>
      %mul3A_154 = arith.constant 16 : i32
      %mul3A_155 = arith.muli %scan3A_146, %mul3A_154 : i32
      %swap3A = arith.index_cast %mul3A_155 : i32 to index
      %swap3A_156 = tpu.vector_load %arg9[%swap3A] {strides = array<i32>} : memref<1280xf32, #tpu.memory_space<vmem>>, vector<16xf32>,
      tpu.vector_store %arg9[%swap3A], %add3A {strides = array<i32>} : memref<1280xf32, #tpu.memory_space<vmem>>, vector<16xf32>,
    }
    %scan3A_17 = arith.constant 80 : i32
    %mul3A_18 = arith.constant 1280 : i32
    %mul3A_19 = arith.muli %arg1, %mul3A_18 : i32
    %run_scoped3A_20 = arith.constant 2 : i32
    "tpu.region"() ({
      %run_scoped3A_146 = tpu.sem_alloc : memref<!tpu.dma_semaphore, #tpu.memory_space<semaphore_mem>>
      %dma_start3A = tpu.memref_slice %arg11[%run_scoped3A_20, %mul3A_19] : memref<16x20480xf32, #tpu.memory_space<vmem_shared>> -> memref<1x1280xf32, #tpu.memory_space<vmem_shared>>
      %dma_start3A_147 = tpu.memref_squeeze %dma_start3A : memref<1x1280xf32, #tpu.memory_space<vmem_shared>> -> memref<1280xf32, #tpu.memory_space<vmem_shared>>
      %dma_start3A_148 = tpu.memref_slice %arg11[%run_scoped3A_20, %mul3A_19] : memref<16x20480xf32, #tpu.memory_space<vmem_shared>> -> memref<1x1280xf32, #tpu.memory_space<vmem_shared>>
      %dma_start3A_149 = tpu.memref_squeeze %dma_start3A_148 : memref<1x1280xf32, #tpu.memory_space<vmem_shared>> -> memref<1280xf32, #tpu.memory_space<vmem_shared>>
      tpu.enqueue_dma source(%dma_start3A_149 : memref<1280xf32, #tpu.memory_space<vmem_shared>>) target(%arg10 : memref<1280xf32, #tpu.memory_space<vmem>>) target_semaphore(%run_scoped3A_146 : memref<!tpu.dma_semaphore, #tpu.memory_space<semaphore_mem>>)
      %dma_wait3A = tpu.memref_slice %arg11[%run_scoped3A_20, %mul3A_19] : memref<16x20480xf32, #tpu.memory_space<vmem_shared>> -> memref<1x1280xf32, #tpu.memory_space<vmem_shared>>
      %dma_wait3A_150 = tpu.memref_squeeze %dma_wait3A : memref<1x1280xf32, #tpu.memory_space<vmem_shared>> -> memref<1280xf32, #tpu.memory_space<vmem_shared>>
      %dma_wait3A_151 = tpu.memref_slice %arg11[%run_scoped3A_20, %mul3A_19] : memref<16x20480xf32, #tpu.memory_space<vmem_shared>> -> memref<1x1280xf32, #tpu.memory_space<vmem_shared>>
      %dma_wait3A_152 = tpu.memref_squeeze %dma_wait3A_151 : memref<1x1280xf32, #tpu.memory_space<vmem_shared>> -> memref<1280xf32, #tpu.memory_space<vmem_shared>>
      tpu.wait_dma2 semaphore(%run_scoped3A_146 : memref<!tpu.dma_semaphore, #tpu.memory_space<semaphore_mem>>) src(%dma_wait3A_152 : memref<1280xf32, #tpu.memory_space<vmem_shared>>) dst(%arg10 : memref<1280xf32, #tpu.memory_space<vmem>>)
      tpu.yield
    }) : () -> ()
    %scan3A_21 = arith.constant 0 : i32
    %scan3A_22 = arith.constant 0 : i32
    %scan3A_23 = arith.constant 80 : i32
    %scan3A_24 = arith.addi %scan3A_22, %scan3A_23 : i32
    %scan3A_25 = arith.constant 1 : i32
    scf.for %scan3A_146 = %scan3A_22 to %scan3A_24 step %scan3A_25  : i32 {
      %mul3A_147 = arith.constant 16 : i32
      %mul3A_148 = arith.muli %scan3A_146, %mul3A_147 : i32
      %get3A = arith.index_cast %mul3A_148 : i32 to index
      %get3A_149 = tpu.vector_load %arg9[%get3A] {strides = array<i32>} : memref<1280xf32, #tpu.memory_space<vmem>>, vector<16xf32>,
      %mul3A_150 = arith.constant 16 : i32
      %mul3A_151 = arith.muli %scan3A_146, %mul3A_150 : i32
      %get3A_152 = arith.index_cast %mul3A_151 : i32 to index
      %get3A_153 = tpu.vector_load %arg10[%get3A_152] {strides = array<i32>} : memref<1280xf32, #tpu.memory_space<vmem>>, vector<16xf32>,
      %add3A = arith.addf %get3A_149, %get3A_153 : vector<16xf32>
      %mul3A_154 = arith.constant 16 : i32
      %mul3A_155 = arith.muli %scan3A_146, %mul3A_154 : i32
      %swap3A = arith.index_cast %mul3A_155 : i32 to index
      %swap3A_156 = tpu.vector_load %arg9[%swap3A] {strides = array<i32>} : memref<1280xf32, #tpu.memory_space<vmem>>, vector<16xf32>,
      tpu.vector_store %arg9[%swap3A], %add3A {strides = array<i32>} : memref<1280xf32, #tpu.memory_space<vmem>>, vector<16xf32>,
    }
    %scan3A_26 = arith.constant 80 : i32
    %mul3A_27 = arith.constant 1280 : i32
    %mul3A_28 = arith.muli %arg1, %mul3A_27 : i32
    %run_scoped3A_29 = arith.constant 3 : i32
    "tpu.region"() ({
      %run_scoped3A_146 = tpu.sem_alloc : memref<!tpu.dma_semaphore, #tpu.memory_space<semaphore_mem>>
      %dma_start3A = tpu.memref_slice %arg11[%run_scoped3A_29, %mul3A_28] : memref<16x20480xf32, #tpu.memory_space<vmem_shared>> -> memref<1x1280xf32, #tpu.memory_space<vmem_shared>>
      %dma_start3A_147 = tpu.memref_squeeze %dma_start3A : memref<1x1280xf32, #tpu.memory_space<vmem_shared>> -> memref<1280xf32, #tpu.memory_space<vmem_shared>>
      %dma_start3A_148 = tpu.memref_slice %arg11[%run_scoped3A_29, %mul3A_28] : memref<16x20480xf32, #tpu.memory_space<vmem_shared>> -> memref<1x1280xf32, #tpu.memory_space<vmem_shared>>
      %dma_start3A_149 = tpu.memref_squeeze %dma_start3A_148 : memref<1x1280xf32, #tpu.memory_space<vmem_shared>> -> memref<1280xf32, #tpu.memory_space<vmem_shared>>
      tpu.enqueue_dma source(%dma_start3A_149 : memref<1280xf32, #tpu.memory_space<vmem_shared>>) target(%arg10 : memref<1280xf32, #tpu.memory_space<vmem>>) target_semaphore(%run_scoped3A_146 : memref<!tpu.dma_semaphore, #tpu.memory_space<semaphore_mem>>)
      %dma_wait3A = tpu.memref_slice %arg11[%run_scoped3A_29, %mul3A_28] : memref<16x20480xf32, #tpu.memory_space<vmem_shared>> -> memref<1x1280xf32, #tpu.memory_space<vmem_shared>>
      %dma_wait3A_150 = tpu.memref_squeeze %dma_wait3A : memref<1x1280xf32, #tpu.memory_space<vmem_shared>> -> memref<1280xf32, #tpu.memory_space<vmem_shared>>
      %dma_wait3A_151 = tpu.memref_slice %arg11[%run_scoped3A_29, %mul3A_28] : memref<16x20480xf32, #tpu.memory_space<vmem_shared>> -> memref<1x1280xf32, #tpu.memory_space<vmem_shared>>
      %dma_wait3A_152 = tpu.memref_squeeze %dma_wait3A_151 : memref<1x1280xf32, #tpu.memory_space<vmem_shared>> -> memref<1280xf32, #tpu.memory_space<vmem_shared>>
      tpu.wait_dma2 semaphore(%run_scoped3A_146 : memref<!tpu.dma_semaphore, #tpu.memory_space<semaphore_mem>>) src(%dma_wait3A_152 : memref<1280xf32, #tpu.memory_space<vmem_shared>>) dst(%arg10 : memref<1280xf32, #tpu.memory_space<vmem>>)
      tpu.yield
    }) : () -> ()
    %scan3A_30 = arith.constant 0 : i32
    %scan3A_31 = arith.constant 0 : i32
    %scan3A_32 = arith.constant 80 : i32
    %scan3A_33 = arith.addi %scan3A_31, %scan3A_32 : i32
    %scan3A_34 = arith.constant 1 : i32
    scf.for %scan3A_146 = %scan3A_31 to %scan3A_33 step %scan3A_34  : i32 {
      %mul3A_147 = arith.constant 16 : i32
      %mul3A_148 = arith.muli %scan3A_146, %mul3A_147 : i32
      %get3A = arith.index_cast %mul3A_148 : i32 to index
      %get3A_149 = tpu.vector_load %arg9[%get3A] {strides = array<i32>} : memref<1280xf32, #tpu.memory_space<vmem>>, vector<16xf32>,
      %mul3A_150 = arith.constant 16 : i32
      %mul3A_151 = arith.muli %scan3A_146, %mul3A_150 : i32
      %get3A_152 = arith.index_cast %mul3A_151 : i32 to index
      %get3A_153 = tpu.vector_load %arg10[%get3A_152] {strides = array<i32>} : memref<1280xf32, #tpu.memory_space<vmem>>, vector<16xf32>,
      %add3A = arith.addf %get3A_149, %get3A_153 : vector<16xf32>
      %mul3A_154 = arith.constant 16 : i32
      %mul3A_155 = arith.muli %scan3A_146, %mul3A_154 : i32
      %swap3A = arith.index_cast %mul3A_155 : i32 to index
      %swap3A_156 = tpu.vector_load %arg9[%swap3A] {strides = array<i32>} : memref<1280xf32, #tpu.memory_space<vmem>>, vector<16xf32>,
      tpu.vector_store %arg9[%swap3A], %add3A {strides = array<i32>} : memref<1280xf32, #tpu.memory_space<vmem>>, vector<16xf32>,
    }
    %scan3A_35 = arith.constant 80 : i32
    %mul3A_36 = arith.constant 1280 : i32
    %mul3A_37 = arith.muli %arg1, %mul3A_36 : i32
    %run_scoped3A_38 = arith.constant 4 : i32
    "tpu.region"() ({
      %run_scoped3A_146 = tpu.sem_alloc : memref<!tpu.dma_semaphore, #tpu.memory_space<semaphore_mem>>
      %dma_start3A = tpu.memref_slice %arg11[%run_scoped3A_38, %mul3A_37] : memref<16x20480xf32, #tpu.memory_space<vmem_shared>> -> memref<1x1280xf32, #tpu.memory_space<vmem_shared>>
      %dma_start3A_147 = tpu.memref_squeeze %dma_start3A : memref<1x1280xf32, #tpu.memory_space<vmem_shared>> -> memref<1280xf32, #tpu.memory_space<vmem_shared>>
      %dma_start3A_148 = tpu.memref_slice %arg11[%run_scoped3A_38, %mul3A_37] : memref<16x20480xf32, #tpu.memory_space<vmem_shared>> -> memref<1x1280xf32, #tpu.memory_space<vmem_shared>>
      %dma_start3A_149 = tpu.memref_squeeze %dma_start3A_148 : memref<1x1280xf32, #tpu.memory_space<vmem_shared>> -> memref<1280xf32, #tpu.memory_space<vmem_shared>>
      tpu.enqueue_dma source(%dma_start3A_149 : memref<1280xf32, #tpu.memory_space<vmem_shared>>) target(%arg10 : memref<1280xf32, #tpu.memory_space<vmem>>) target_semaphore(%run_scoped3A_146 : memref<!tpu.dma_semaphore, #tpu.memory_space<semaphore_mem>>)
      %dma_wait3A = tpu.memref_slice %arg11[%run_scoped3A_38, %mul3A_37] : memref<16x20480xf32, #tpu.memory_space<vmem_shared>> -> memref<1x1280xf32, #tpu.memory_space<vmem_shared>>
      %dma_wait3A_150 = tpu.memref_squeeze %dma_wait3A : memref<1x1280xf32, #tpu.memory_space<vmem_shared>> -> memref<1280xf32, #tpu.memory_space<vmem_shared>>
      %dma_wait3A_151 = tpu.memref_slice %arg11[%run_scoped3A_38, %mul3A_37] : memref<16x20480xf32, #tpu.memory_space<vmem_shared>> -> memref<1x1280xf32, #tpu.memory_space<vmem_shared>>
      %dma_wait3A_152 = tpu.memref_squeeze %dma_wait3A_151 : memref<1x1280xf32, #tpu.memory_space<vmem_shared>> -> memref<1280xf32, #tpu.memory_space<vmem_shared>>
      tpu.wait_dma2 semaphore(%run_scoped3A_146 : memref<!tpu.dma_semaphore, #tpu.memory_space<semaphore_mem>>) src(%dma_wait3A_152 : memref<1280xf32, #tpu.memory_space<vmem_shared>>) dst(%arg10 : memref<1280xf32, #tpu.memory_space<vmem>>)
      tpu.yield
    }) : () -> ()
    %scan3A_39 = arith.constant 0 : i32
    %scan3A_40 = arith.constant 0 : i32
    %scan3A_41 = arith.constant 80 : i32
    %scan3A_42 = arith.addi %scan3A_40, %scan3A_41 : i32
    %scan3A_43 = arith.constant 1 : i32
    scf.for %scan3A_146 = %scan3A_40 to %scan3A_42 step %scan3A_43  : i32 {
      %mul3A_147 = arith.constant 16 : i32
      %mul3A_148 = arith.muli %scan3A_146, %mul3A_147 : i32
      %get3A = arith.index_cast %mul3A_148 : i32 to index
      %get3A_149 = tpu.vector_load %arg9[%get3A] {strides = array<i32>} : memref<1280xf32, #tpu.memory_space<vmem>>, vector<16xf32>,
      %mul3A_150 = arith.constant 16 : i32
      %mul3A_151 = arith.muli %scan3A_146, %mul3A_150 : i32
      %get3A_152 = arith.index_cast %mul3A_151 : i32 to index
      %get3A_153 = tpu.vector_load %arg10[%get3A_152] {strides = array<i32>} : memref<1280xf32, #tpu.memory_space<vmem>>, vector<16xf32>,
      %add3A = arith.addf %get3A_149, %get3A_153 : vector<16xf32>
      %mul3A_154 = arith.constant 16 : i32
      %mul3A_155 = arith.muli %scan3A_146, %mul3A_154 : i32
      %swap3A = arith.index_cast %mul3A_155 : i32 to index
      %swap3A_156 = tpu.vector_load %arg9[%swap3A] {strides = array<i32>} : memref<1280xf32, #tpu.memory_space<vmem>>, vector<16xf32>,
      tpu.vector_store %arg9[%swap3A], %add3A {strides = array<i32>} : memref<1280xf32, #tpu.memory_space<vmem>>, vector<16xf32>,
    }
    %scan3A_44 = arith.constant 80 : i32
    %mul3A_45 = arith.constant 1280 : i32
    %mul3A_46 = arith.muli %arg1, %mul3A_45 : i32
    %run_scoped3A_47 = arith.constant 5 : i32
    "tpu.region"() ({
      %run_scoped3A_146 = tpu.sem_alloc : memref<!tpu.dma_semaphore, #tpu.memory_space<semaphore_mem>>
      %dma_start3A = tpu.memref_slice %arg11[%run_scoped3A_47, %mul3A_46] : memref<16x20480xf32, #tpu.memory_space<vmem_shared>> -> memref<1x1280xf32, #tpu.memory_space<vmem_shared>>
      %dma_start3A_147 = tpu.memref_squeeze %dma_start3A : memref<1x1280xf32, #tpu.memory_space<vmem_shared>> -> memref<1280xf32, #tpu.memory_space<vmem_shared>>
      %dma_start3A_148 = tpu.memref_slice %arg11[%run_scoped3A_47, %mul3A_46] : memref<16x20480xf32, #tpu.memory_space<vmem_shared>> -> memref<1x1280xf32, #tpu.memory_space<vmem_shared>>
      %dma_start3A_149 = tpu.memref_squeeze %dma_start3A_148 : memref<1x1280xf32, #tpu.memory_space<vmem_shared>> -> memref<1280xf32, #tpu.memory_space<vmem_shared>>
      tpu.enqueue_dma source(%dma_start3A_149 : memref<1280xf32, #tpu.memory_space<vmem_shared>>) target(%arg10 : memref<1280xf32, #tpu.memory_space<vmem>>) target_semaphore(%run_scoped3A_146 : memref<!tpu.dma_semaphore, #tpu.memory_space<semaphore_mem>>)
      %dma_wait3A = tpu.memref_slice %arg11[%run_scoped3A_47, %mul3A_46] : memref<16x20480xf32, #tpu.memory_space<vmem_shared>> -> memref<1x1280xf32, #tpu.memory_space<vmem_shared>>
      %dma_wait3A_150 = tpu.memref_squeeze %dma_wait3A : memref<1x1280xf32, #tpu.memory_space<vmem_shared>> -> memref<1280xf32, #tpu.memory_space<vmem_shared>>
      %dma_wait3A_151 = tpu.memref_slice %arg11[%run_scoped3A_47, %mul3A_46] : memref<16x20480xf32, #tpu.memory_space<vmem_shared>> -> memref<1x1280xf32, #tpu.memory_space<vmem_shared>>
      %dma_wait3A_152 = tpu.memref_squeeze %dma_wait3A_151 : memref<1x1280xf32, #tpu.memory_space<vmem_shared>> -> memref<1280xf32, #tpu.memory_space<vmem_shared>>
      tpu.wait_dma2 semaphore(%run_scoped3A_146 : memref<!tpu.dma_semaphore, #tpu.memory_space<semaphore_mem>>) src(%dma_wait3A_152 : memref<1280xf32, #tpu.memory_space<vmem_shared>>) dst(%arg10 : memref<1280xf32, #tpu.memory_space<vmem>>)
      tpu.yield
    }) : () -> ()
    %scan3A_48 = arith.constant 0 : i32
    %scan3A_49 = arith.constant 0 : i32
    %scan3A_50 = arith.constant 80 : i32
    %scan3A_51 = arith.addi %scan3A_49, %scan3A_50 : i32
    %scan3A_52 = arith.constant 1 : i32
    scf.for %scan3A_146 = %scan3A_49 to %scan3A_51 step %scan3A_52  : i32 {
      %mul3A_147 = arith.constant 16 : i32
      %mul3A_148 = arith.muli %scan3A_146, %mul3A_147 : i32
      %get3A = arith.index_cast %mul3A_148 : i32 to index
      %get3A_149 = tpu.vector_load %arg9[%get3A] {strides = array<i32>} : memref<1280xf32, #tpu.memory_space<vmem>>, vector<16xf32>,
      %mul3A_150 = arith.constant 16 : i32
      %mul3A_151 = arith.muli %scan3A_146, %mul3A_150 : i32
      %get3A_152 = arith.index_cast %mul3A_151 : i32 to index
      %get3A_153 = tpu.vector_load %arg10[%get3A_152] {strides = array<i32>} : memref<1280xf32, #tpu.memory_space<vmem>>, vector<16xf32>,
      %add3A = arith.addf %get3A_149, %get3A_153 : vector<16xf32>
      %mul3A_154 = arith.constant 16 : i32
      %mul3A_155 = arith.muli %scan3A_146, %mul3A_154 : i32
      %swap3A = arith.index_cast %mul3A_155 : i32 to index
      %swap3A_156 = tpu.vector_load %arg9[%swap3A] {strides = array<i32>} : memref<1280xf32, #tpu.memory_space<vmem>>, vector<16xf32>,
      tpu.vector_store %arg9[%swap3A], %add3A {strides = array<i32>} : memref<1280xf32, #tpu.memory_space<vmem>>, vector<16xf32>,
    }
    %scan3A_53 = arith.constant 80 : i32
    %mul3A_54 = arith.constant 1280 : i32
    %mul3A_55 = arith.muli %arg1, %mul3A_54 : i32
    %run_scoped3A_56 = arith.constant 6 : i32
    "tpu.region"() ({
      %run_scoped3A_146 = tpu.sem_alloc : memref<!tpu.dma_semaphore, #tpu.memory_space<semaphore_mem>>
      %dma_start3A = tpu.memref_slice %arg11[%run_scoped3A_56, %mul3A_55] : memref<16x20480xf32, #tpu.memory_space<vmem_shared>> -> memref<1x1280xf32, #tpu.memory_space<vmem_shared>>
      %dma_start3A_147 = tpu.memref_squeeze %dma_start3A : memref<1x1280xf32, #tpu.memory_space<vmem_shared>> -> memref<1280xf32, #tpu.memory_space<vmem_shared>>
      %dma_start3A_148 = tpu.memref_slice %arg11[%run_scoped3A_56, %mul3A_55] : memref<16x20480xf32, #tpu.memory_space<vmem_shared>> -> memref<1x1280xf32, #tpu.memory_space<vmem_shared>>
      %dma_start3A_149 = tpu.memref_squeeze %dma_start3A_148 : memref<1x1280xf32, #tpu.memory_space<vmem_shared>> -> memref<1280xf32, #tpu.memory_space<vmem_shared>>
      tpu.enqueue_dma source(%dma_start3A_149 : memref<1280xf32, #tpu.memory_space<vmem_shared>>) target(%arg10 : memref<1280xf32, #tpu.memory_space<vmem>>) target_semaphore(%run_scoped3A_146 : memref<!tpu.dma_semaphore, #tpu.memory_space<semaphore_mem>>)
      %dma_wait3A = tpu.memref_slice %arg11[%run_scoped3A_56, %mul3A_55] : memref<16x20480xf32, #tpu.memory_space<vmem_shared>> -> memref<1x1280xf32, #tpu.memory_space<vmem_shared>>
      %dma_wait3A_150 = tpu.memref_squeeze %dma_wait3A : memref<1x1280xf32, #tpu.memory_space<vmem_shared>> -> memref<1280xf32, #tpu.memory_space<vmem_shared>>
      %dma_wait3A_151 = tpu.memref_slice %arg11[%run_scoped3A_56, %mul3A_55] : memref<16x20480xf32, #tpu.memory_space<vmem_shared>> -> memref<1x1280xf32, #tpu.memory_space<vmem_shared>>
      %dma_wait3A_152 = tpu.memref_squeeze %dma_wait3A_151 : memref<1x1280xf32, #tpu.memory_space<vmem_shared>> -> memref<1280xf32, #tpu.memory_space<vmem_shared>>
      tpu.wait_dma2 semaphore(%run_scoped3A_146 : memref<!tpu.dma_semaphore, #tpu.memory_space<semaphore_mem>>) src(%dma_wait3A_152 : memref<1280xf32, #tpu.memory_space<vmem_shared>>) dst(%arg10 : memref<1280xf32, #tpu.memory_space<vmem>>)
      tpu.yield
    }) : () -> ()
    %scan3A_57 = arith.constant 0 : i32
    %scan3A_58 = arith.constant 0 : i32
    %scan3A_59 = arith.constant 80 : i32
    %scan3A_60 = arith.addi %scan3A_58, %scan3A_59 : i32
    %scan3A_61 = arith.constant 1 : i32
    scf.for %scan3A_146 = %scan3A_58 to %scan3A_60 step %scan3A_61  : i32 {
      %mul3A_147 = arith.constant 16 : i32
      %mul3A_148 = arith.muli %scan3A_146, %mul3A_147 : i32
      %get3A = arith.index_cast %mul3A_148 : i32 to index
      %get3A_149 = tpu.vector_load %arg9[%get3A] {strides = array<i32>} : memref<1280xf32, #tpu.memory_space<vmem>>, vector<16xf32>,
      %mul3A_150 = arith.constant 16 : i32
      %mul3A_151 = arith.muli %scan3A_146, %mul3A_150 : i32
      %get3A_152 = arith.index_cast %mul3A_151 : i32 to index
      %get3A_153 = tpu.vector_load %arg10[%get3A_152] {strides = array<i32>} : memref<1280xf32, #tpu.memory_space<vmem>>, vector<16xf32>,
      %add3A = arith.addf %get3A_149, %get3A_153 : vector<16xf32>
      %mul3A_154 = arith.constant 16 : i32
      %mul3A_155 = arith.muli %scan3A_146, %mul3A_154 : i32
      %swap3A = arith.index_cast %mul3A_155 : i32 to index
      %swap3A_156 = tpu.vector_load %arg9[%swap3A] {strides = array<i32>} : memref<1280xf32, #tpu.memory_space<vmem>>, vector<16xf32>,
      tpu.vector_store %arg9[%swap3A], %add3A {strides = array<i32>} : memref<1280xf32, #tpu.memory_space<vmem>>, vector<16xf32>,
    }
    %scan3A_62 = arith.constant 80 : i32
    %mul3A_63 = arith.constant 1280 : i32
    %mul3A_64 = arith.muli %arg1, %mul3A_63 : i32
    %run_scoped3A_65 = arith.constant 7 : i32
    "tpu.region"() ({
      %run_scoped3A_146 = tpu.sem_alloc : memref<!tpu.dma_semaphore, #tpu.memory_space<semaphore_mem>>
      %dma_start3A = tpu.memref_slice %arg11[%run_scoped3A_65, %mul3A_64] : memref<16x20480xf32, #tpu.memory_space<vmem_shared>> -> memref<1x1280xf32, #tpu.memory_space<vmem_shared>>
      %dma_start3A_147 = tpu.memref_squeeze %dma_start3A : memref<1x1280xf32, #tpu.memory_space<vmem_shared>> -> memref<1280xf32, #tpu.memory_space<vmem_shared>>
      %dma_start3A_148 = tpu.memref_slice %arg11[%run_scoped3A_65, %mul3A_64] : memref<16x20480xf32, #tpu.memory_space<vmem_shared>> -> memref<1x1280xf32, #tpu.memory_space<vmem_shared>>
      %dma_start3A_149 = tpu.memref_squeeze %dma_start3A_148 : memref<1x1280xf32, #tpu.memory_space<vmem_shared>> -> memref<1280xf32, #tpu.memory_space<vmem_shared>>
      tpu.enqueue_dma source(%dma_start3A_149 : memref<1280xf32, #tpu.memory_space<vmem_shared>>) target(%arg10 : memref<1280xf32, #tpu.memory_space<vmem>>) target_semaphore(%run_scoped3A_146 : memref<!tpu.dma_semaphore, #tpu.memory_space<semaphore_mem>>)
      %dma_wait3A = tpu.memref_slice %arg11[%run_scoped3A_65, %mul3A_64] : memref<16x20480xf32, #tpu.memory_space<vmem_shared>> -> memref<1x1280xf32, #tpu.memory_space<vmem_shared>>
      %dma_wait3A_150 = tpu.memref_squeeze %dma_wait3A : memref<1x1280xf32, #tpu.memory_space<vmem_shared>> -> memref<1280xf32, #tpu.memory_space<vmem_shared>>
      %dma_wait3A_151 = tpu.memref_slice %arg11[%run_scoped3A_65, %mul3A_64] : memref<16x20480xf32, #tpu.memory_space<vmem_shared>> -> memref<1x1280xf32, #tpu.memory_space<vmem_shared>>
      %dma_wait3A_152 = tpu.memref_squeeze %dma_wait3A_151 : memref<1x1280xf32, #tpu.memory_space<vmem_shared>> -> memref<1280xf32, #tpu.memory_space<vmem_shared>>
      tpu.wait_dma2 semaphore(%run_scoped3A_146 : memref<!tpu.dma_semaphore, #tpu.memory_space<semaphore_mem>>) src(%dma_wait3A_152 : memref<1280xf32, #tpu.memory_space<vmem_shared>>) dst(%arg10 : memref<1280xf32, #tpu.memory_space<vmem>>)
      tpu.yield
    }) : () -> ()
    %scan3A_66 = arith.constant 0 : i32
    %scan3A_67 = arith.constant 0 : i32
    %scan3A_68 = arith.constant 80 : i32
    %scan3A_69 = arith.addi %scan3A_67, %scan3A_68 : i32
    %scan3A_70 = arith.constant 1 : i32
    scf.for %scan3A_146 = %scan3A_67 to %scan3A_69 step %scan3A_70  : i32 {
      %mul3A_147 = arith.constant 16 : i32
      %mul3A_148 = arith.muli %scan3A_146, %mul3A_147 : i32
      %get3A = arith.index_cast %mul3A_148 : i32 to index
      %get3A_149 = tpu.vector_load %arg9[%get3A] {strides = array<i32>} : memref<1280xf32, #tpu.memory_space<vmem>>, vector<16xf32>,
      %mul3A_150 = arith.constant 16 : i32
      %mul3A_151 = arith.muli %scan3A_146, %mul3A_150 : i32
      %get3A_152 = arith.index_cast %mul3A_151 : i32 to index
      %get3A_153 = tpu.vector_load %arg10[%get3A_152] {strides = array<i32>} : memref<1280xf32, #tpu.memory_space<vmem>>, vector<16xf32>,
      %add3A = arith.addf %get3A_149, %get3A_153 : vector<16xf32>
      %mul3A_154 = arith.constant 16 : i32
      %mul3A_155 = arith.muli %scan3A_146, %mul3A_154 : i32
      %swap3A = arith.index_cast %mul3A_155 : i32 to index
      %swap3A_156 = tpu.vector_load %arg9[%swap3A] {strides = array<i32>} : memref<1280xf32, #tpu.memory_space<vmem>>, vector<16xf32>,
      tpu.vector_store %arg9[%swap3A], %add3A {strides = array<i32>} : memref<1280xf32, #tpu.memory_space<vmem>>, vector<16xf32>,
    }
    %scan3A_71 = arith.constant 80 : i32
    %mul3A_72 = arith.constant 1280 : i32
    %mul3A_73 = arith.muli %arg1, %mul3A_72 : i32
    %run_scoped3A_74 = arith.constant 8 : i32
    "tpu.region"() ({
      %run_scoped3A_146 = tpu.sem_alloc : memref<!tpu.dma_semaphore, #tpu.memory_space<semaphore_mem>>
      %dma_start3A = tpu.memref_slice %arg11[%run_scoped3A_74, %mul3A_73] : memref<16x20480xf32, #tpu.memory_space<vmem_shared>> -> memref<1x1280xf32, #tpu.memory_space<vmem_shared>>
      %dma_start3A_147 = tpu.memref_squeeze %dma_start3A : memref<1x1280xf32, #tpu.memory_space<vmem_shared>> -> memref<1280xf32, #tpu.memory_space<vmem_shared>>
      %dma_start3A_148 = tpu.memref_slice %arg11[%run_scoped3A_74, %mul3A_73] : memref<16x20480xf32, #tpu.memory_space<vmem_shared>> -> memref<1x1280xf32, #tpu.memory_space<vmem_shared>>
      %dma_start3A_149 = tpu.memref_squeeze %dma_start3A_148 : memref<1x1280xf32, #tpu.memory_space<vmem_shared>> -> memref<1280xf32, #tpu.memory_space<vmem_shared>>
      tpu.enqueue_dma source(%dma_start3A_149 : memref<1280xf32, #tpu.memory_space<vmem_shared>>) target(%arg10 : memref<1280xf32, #tpu.memory_space<vmem>>) target_semaphore(%run_scoped3A_146 : memref<!tpu.dma_semaphore, #tpu.memory_space<semaphore_mem>>)
      %dma_wait3A = tpu.memref_slice %arg11[%run_scoped3A_74, %mul3A_73] : memref<16x20480xf32, #tpu.memory_space<vmem_shared>> -> memref<1x1280xf32, #tpu.memory_space<vmem_shared>>
      %dma_wait3A_150 = tpu.memref_squeeze %dma_wait3A : memref<1x1280xf32, #tpu.memory_space<vmem_shared>> -> memref<1280xf32, #tpu.memory_space<vmem_shared>>
      %dma_wait3A_151 = tpu.memref_slice %arg11[%run_scoped3A_74, %mul3A_73] : memref<16x20480xf32, #tpu.memory_space<vmem_shared>> -> memref<1x1280xf32, #tpu.memory_space<vmem_shared>>
      %dma_wait3A_152 = tpu.memref_squeeze %dma_wait3A_151 : memref<1x1280xf32, #tpu.memory_space<vmem_shared>> -> memref<1280xf32, #tpu.memory_space<vmem_shared>>
      tpu.wait_dma2 semaphore(%run_scoped3A_146 : memref<!tpu.dma_semaphore, #tpu.memory_space<semaphore_mem>>) src(%dma_wait3A_152 : memref<1280xf32, #tpu.memory_space<vmem_shared>>) dst(%arg10 : memref<1280xf32, #tpu.memory_space<vmem>>)
      tpu.yield
    }) : () -> ()
    %scan3A_75 = arith.constant 0 : i32
    %scan3A_76 = arith.constant 0 : i32
    %scan3A_77 = arith.constant 80 : i32
    %scan3A_78 = arith.addi %scan3A_76, %scan3A_77 : i32
    %scan3A_79 = arith.constant 1 : i32
    scf.for %scan3A_146 = %scan3A_76 to %scan3A_78 step %scan3A_79  : i32 {
      %mul3A_147 = arith.constant 16 : i32
      %mul3A_148 = arith.muli %scan3A_146, %mul3A_147 : i32
      %get3A = arith.index_cast %mul3A_148 : i32 to index
      %get3A_149 = tpu.vector_load %arg9[%get3A] {strides = array<i32>} : memref<1280xf32, #tpu.memory_space<vmem>>, vector<16xf32>,
      %mul3A_150 = arith.constant 16 : i32
      %mul3A_151 = arith.muli %scan3A_146, %mul3A_150 : i32
      %get3A_152 = arith.index_cast %mul3A_151 : i32 to index
      %get3A_153 = tpu.vector_load %arg10[%get3A_152] {strides = array<i32>} : memref<1280xf32, #tpu.memory_space<vmem>>, vector<16xf32>,
      %add3A = arith.addf %get3A_149, %get3A_153 : vector<16xf32>
      %mul3A_154 = arith.constant 16 : i32
      %mul3A_155 = arith.muli %scan3A_146, %mul3A_154 : i32
      %swap3A = arith.index_cast %mul3A_155 : i32 to index
      %swap3A_156 = tpu.vector_load %arg9[%swap3A] {strides = array<i32>} : memref<1280xf32, #tpu.memory_space<vmem>>, vector<16xf32>,
      tpu.vector_store %arg9[%swap3A], %add3A {strides = array<i32>} : memref<1280xf32, #tpu.memory_space<vmem>>, vector<16xf32>,
    }
    %scan3A_80 = arith.constant 80 : i32
    %mul3A_81 = arith.constant 1280 : i32
    %mul3A_82 = arith.muli %arg1, %mul3A_81 : i32
    %run_scoped3A_83 = arith.constant 9 : i32
    "tpu.region"() ({
      %run_scoped3A_146 = tpu.sem_alloc : memref<!tpu.dma_semaphore, #tpu.memory_space<semaphore_mem>>
      %dma_start3A = tpu.memref_slice %arg11[%run_scoped3A_83, %mul3A_82] : memref<16x20480xf32, #tpu.memory_space<vmem_shared>> -> memref<1x1280xf32, #tpu.memory_space<vmem_shared>>
      %dma_start3A_147 = tpu.memref_squeeze %dma_start3A : memref<1x1280xf32, #tpu.memory_space<vmem_shared>> -> memref<1280xf32, #tpu.memory_space<vmem_shared>>
      %dma_start3A_148 = tpu.memref_slice %arg11[%run_scoped3A_83, %mul3A_82] : memref<16x20480xf32, #tpu.memory_space<vmem_shared>> -> memref<1x1280xf32, #tpu.memory_space<vmem_shared>>
      %dma_start3A_149 = tpu.memref_squeeze %dma_start3A_148 : memref<1x1280xf32, #tpu.memory_space<vmem_shared>> -> memref<1280xf32, #tpu.memory_space<vmem_shared>>
      tpu.enqueue_dma source(%dma_start3A_149 : memref<1280xf32, #tpu.memory_space<vmem_shared>>) target(%arg10 : memref<1280xf32, #tpu.memory_space<vmem>>) target_semaphore(%run_scoped3A_146 : memref<!tpu.dma_semaphore, #tpu.memory_space<semaphore_mem>>)
      %dma_wait3A = tpu.memref_slice %arg11[%run_scoped3A_83, %mul3A_82] : memref<16x20480xf32, #tpu.memory_space<vmem_shared>> -> memref<1x1280xf32, #tpu.memory_space<vmem_shared>>
      %dma_wait3A_150 = tpu.memref_squeeze %dma_wait3A : memref<1x1280xf32, #tpu.memory_space<vmem_shared>> -> memref<1280xf32, #tpu.memory_space<vmem_shared>>
      %dma_wait3A_151 = tpu.memref_slice %arg11[%run_scoped3A_83, %mul3A_82] : memref<16x20480xf32, #tpu.memory_space<vmem_shared>> -> memref<1x1280xf32, #tpu.memory_space<vmem_shared>>
      %dma_wait3A_152 = tpu.memref_squeeze %dma_wait3A_151 : memref<1x1280xf32, #tpu.memory_space<vmem_shared>> -> memref<1280xf32, #tpu.memory_space<vmem_shared>>
      tpu.wait_dma2 semaphore(%run_scoped3A_146 : memref<!tpu.dma_semaphore, #tpu.memory_space<semaphore_mem>>) src(%dma_wait3A_152 : memref<1280xf32, #tpu.memory_space<vmem_shared>>) dst(%arg10 : memref<1280xf32, #tpu.memory_space<vmem>>)
      tpu.yield
    }) : () -> ()
    %scan3A_84 = arith.constant 0 : i32
    %scan3A_85 = arith.constant 0 : i32
    %scan3A_86 = arith.constant 80 : i32
    %scan3A_87 = arith.addi %scan3A_85, %scan3A_86 : i32
    %scan3A_88 = arith.constant 1 : i32
    scf.for %scan3A_146 = %scan3A_85 to %scan3A_87 step %scan3A_88  : i32 {
      %mul3A_147 = arith.constant 16 : i32
      %mul3A_148 = arith.muli %scan3A_146, %mul3A_147 : i32
      %get3A = arith.index_cast %mul3A_148 : i32 to index
      %get3A_149 = tpu.vector_load %arg9[%get3A] {strides = array<i32>} : memref<1280xf32, #tpu.memory_space<vmem>>, vector<16xf32>,
      %mul3A_150 = arith.constant 16 : i32
      %mul3A_151 = arith.muli %scan3A_146, %mul3A_150 : i32
      %get3A_152 = arith.index_cast %mul3A_151 : i32 to index
      %get3A_153 = tpu.vector_load %arg10[%get3A_152] {strides = array<i32>} : memref<1280xf32, #tpu.memory_space<vmem>>, vector<16xf32>,
      %add3A = arith.addf %get3A_149, %get3A_153 : vector<16xf32>
      %mul3A_154 = arith.constant 16 : i32
      %mul3A_155 = arith.muli %scan3A_146, %mul3A_154 : i32
      %swap3A = arith.index_cast %mul3A_155 : i32 to index
      %swap3A_156 = tpu.vector_load %arg9[%swap3A] {strides = array<i32>} : memref<1280xf32, #tpu.memory_space<vmem>>, vector<16xf32>,
      tpu.vector_store %arg9[%swap3A], %add3A {strides = array<i32>} : memref<1280xf32, #tpu.memory_space<vmem>>, vector<16xf32>,
    }
    %scan3A_89 = arith.constant 80 : i32
    %mul3A_90 = arith.constant 1280 : i32
    %mul3A_91 = arith.muli %arg1, %mul3A_90 : i32
    %run_scoped3A_92 = arith.constant 10 : i32
    "tpu.region"() ({
      %run_scoped3A_146 = tpu.sem_alloc : memref<!tpu.dma_semaphore, #tpu.memory_space<semaphore_mem>>
      %dma_start3A = tpu.memref_slice %arg11[%run_scoped3A_92, %mul3A_91] : memref<16x20480xf32, #tpu.memory_space<vmem_shared>> -> memref<1x1280xf32, #tpu.memory_space<vmem_shared>>
      %dma_start3A_147 = tpu.memref_squeeze %dma_start3A : memref<1x1280xf32, #tpu.memory_space<vmem_shared>> -> memref<1280xf32, #tpu.memory_space<vmem_shared>>
      %dma_start3A_148 = tpu.memref_slice %arg11[%run_scoped3A_92, %mul3A_91] : memref<16x20480xf32, #tpu.memory_space<vmem_shared>> -> memref<1x1280xf32, #tpu.memory_space<vmem_shared>>
      %dma_start3A_149 = tpu.memref_squeeze %dma_start3A_148 : memref<1x1280xf32, #tpu.memory_space<vmem_shared>> -> memref<1280xf32, #tpu.memory_space<vmem_shared>>
      tpu.enqueue_dma source(%dma_start3A_149 : memref<1280xf32, #tpu.memory_space<vmem_shared>>) target(%arg10 : memref<1280xf32, #tpu.memory_space<vmem>>) target_semaphore(%run_scoped3A_146 : memref<!tpu.dma_semaphore, #tpu.memory_space<semaphore_mem>>)
      %dma_wait3A = tpu.memref_slice %arg11[%run_scoped3A_92, %mul3A_91] : memref<16x20480xf32, #tpu.memory_space<vmem_shared>> -> memref<1x1280xf32, #tpu.memory_space<vmem_shared>>
      %dma_wait3A_150 = tpu.memref_squeeze %dma_wait3A : memref<1x1280xf32, #tpu.memory_space<vmem_shared>> -> memref<1280xf32, #tpu.memory_space<vmem_shared>>
      %dma_wait3A_151 = tpu.memref_slice %arg11[%run_scoped3A_92, %mul3A_91] : memref<16x20480xf32, #tpu.memory_space<vmem_shared>> -> memref<1x1280xf32, #tpu.memory_space<vmem_shared>>
      %dma_wait3A_152 = tpu.memref_squeeze %dma_wait3A_151 : memref<1x1280xf32, #tpu.memory_space<vmem_shared>> -> memref<1280xf32, #tpu.memory_space<vmem_shared>>
      tpu.wait_dma2 semaphore(%run_scoped3A_146 : memref<!tpu.dma_semaphore, #tpu.memory_space<semaphore_mem>>) src(%dma_wait3A_152 : memref<1280xf32, #tpu.memory_space<vmem_shared>>) dst(%arg10 : memref<1280xf32, #tpu.memory_space<vmem>>)
      tpu.yield
    }) : () -> ()
    %scan3A_93 = arith.constant 0 : i32
    %scan3A_94 = arith.constant 0 : i32
    %scan3A_95 = arith.constant 80 : i32
    %scan3A_96 = arith.addi %scan3A_94, %scan3A_95 : i32
    %scan3A_97 = arith.constant 1 : i32
    scf.for %scan3A_146 = %scan3A_94 to %scan3A_96 step %scan3A_97  : i32 {
      %mul3A_147 = arith.constant 16 : i32
      %mul3A_148 = arith.muli %scan3A_146, %mul3A_147 : i32
      %get3A = arith.index_cast %mul3A_148 : i32 to index
      %get3A_149 = tpu.vector_load %arg9[%get3A] {strides = array<i32>} : memref<1280xf32, #tpu.memory_space<vmem>>, vector<16xf32>,
      %mul3A_150 = arith.constant 16 : i32
      %mul3A_151 = arith.muli %scan3A_146, %mul3A_150 : i32
      %get3A_152 = arith.index_cast %mul3A_151 : i32 to index
      %get3A_153 = tpu.vector_load %arg10[%get3A_152] {strides = array<i32>} : memref<1280xf32, #tpu.memory_space<vmem>>, vector<16xf32>,
      %add3A = arith.addf %get3A_149, %get3A_153 : vector<16xf32>
      %mul3A_154 = arith.constant 16 : i32
      %mul3A_155 = arith.muli %scan3A_146, %mul3A_154 : i32
      %swap3A = arith.index_cast %mul3A_155 : i32 to index
      %swap3A_156 = tpu.vector_load %arg9[%swap3A] {strides = array<i32>} : memref<1280xf32, #tpu.memory_space<vmem>>, vector<16xf32>,
      tpu.vector_store %arg9[%swap3A], %add3A {strides = array<i32>} : memref<1280xf32, #tpu.memory_space<vmem>>, vector<16xf32>,
    }
    %scan3A_98 = arith.constant 80 : i32
    %mul3A_99 = arith.constant 1280 : i32
    %mul3A_100 = arith.muli %arg1, %mul3A_99 : i32
    %run_scoped3A_101 = arith.constant 11 : i32
    "tpu.region"() ({
      %run_scoped3A_146 = tpu.sem_alloc : memref<!tpu.dma_semaphore, #tpu.memory_space<semaphore_mem>>
      %dma_start3A = tpu.memref_slice %arg11[%run_scoped3A_101, %mul3A_100] : memref<16x20480xf32, #tpu.memory_space<vmem_shared>> -> memref<1x1280xf32, #tpu.memory_space<vmem_shared>>
      %dma_start3A_147 = tpu.memref_squeeze %dma_start3A : memref<1x1280xf32, #tpu.memory_space<vmem_shared>> -> memref<1280xf32, #tpu.memory_space<vmem_shared>>
      %dma_start3A_148 = tpu.memref_slice %arg11[%run_scoped3A_101, %mul3A_100] : memref<16x20480xf32, #tpu.memory_space<vmem_shared>> -> memref<1x1280xf32, #tpu.memory_space<vmem_shared>>
      %dma_start3A_149 = tpu.memref_squeeze %dma_start3A_148 : memref<1x1280xf32, #tpu.memory_space<vmem_shared>> -> memref<1280xf32, #tpu.memory_space<vmem_shared>>
      tpu.enqueue_dma source(%dma_start3A_149 : memref<1280xf32, #tpu.memory_space<vmem_shared>>) target(%arg10 : memref<1280xf32, #tpu.memory_space<vmem>>) target_semaphore(%run_scoped3A_146 : memref<!tpu.dma_semaphore, #tpu.memory_space<semaphore_mem>>)
      %dma_wait3A = tpu.memref_slice %arg11[%run_scoped3A_101, %mul3A_100] : memref<16x20480xf32, #tpu.memory_space<vmem_shared>> -> memref<1x1280xf32, #tpu.memory_space<vmem_shared>>
      %dma_wait3A_150 = tpu.memref_squeeze %dma_wait3A : memref<1x1280xf32, #tpu.memory_space<vmem_shared>> -> memref<1280xf32, #tpu.memory_space<vmem_shared>>
      %dma_wait3A_151 = tpu.memref_slice %arg11[%run_scoped3A_101, %mul3A_100] : memref<16x20480xf32, #tpu.memory_space<vmem_shared>> -> memref<1x1280xf32, #tpu.memory_space<vmem_shared>>
      %dma_wait3A_152 = tpu.memref_squeeze %dma_wait3A_151 : memref<1x1280xf32, #tpu.memory_space<vmem_shared>> -> memref<1280xf32, #tpu.memory_space<vmem_shared>>
      tpu.wait_dma2 semaphore(%run_scoped3A_146 : memref<!tpu.dma_semaphore, #tpu.memory_space<semaphore_mem>>) src(%dma_wait3A_152 : memref<1280xf32, #tpu.memory_space<vmem_shared>>) dst(%arg10 : memref<1280xf32, #tpu.memory_space<vmem>>)
      tpu.yield
    }) : () -> ()
    %scan3A_102 = arith.constant 0 : i32
    %scan3A_103 = arith.constant 0 : i32
    %scan3A_104 = arith.constant 80 : i32
    %scan3A_105 = arith.addi %scan3A_103, %scan3A_104 : i32
    %scan3A_106 = arith.constant 1 : i32
    scf.for %scan3A_146 = %scan3A_103 to %scan3A_105 step %scan3A_106  : i32 {
      %mul3A_147 = arith.constant 16 : i32
      %mul3A_148 = arith.muli %scan3A_146, %mul3A_147 : i32
      %get3A = arith.index_cast %mul3A_148 : i32 to index
      %get3A_149 = tpu.vector_load %arg9[%get3A] {strides = array<i32>} : memref<1280xf32, #tpu.memory_space<vmem>>, vector<16xf32>,
      %mul3A_150 = arith.constant 16 : i32
      %mul3A_151 = arith.muli %scan3A_146, %mul3A_150 : i32
      %get3A_152 = arith.index_cast %mul3A_151 : i32 to index
      %get3A_153 = tpu.vector_load %arg10[%get3A_152] {strides = array<i32>} : memref<1280xf32, #tpu.memory_space<vmem>>, vector<16xf32>,
      %add3A = arith.addf %get3A_149, %get3A_153 : vector<16xf32>
      %mul3A_154 = arith.constant 16 : i32
      %mul3A_155 = arith.muli %scan3A_146, %mul3A_154 : i32
      %swap3A = arith.index_cast %mul3A_155 : i32 to index
      %swap3A_156 = tpu.vector_load %arg9[%swap3A] {strides = array<i32>} : memref<1280xf32, #tpu.memory_space<vmem>>, vector<16xf32>,
      tpu.vector_store %arg9[%swap3A], %add3A {strides = array<i32>} : memref<1280xf32, #tpu.memory_space<vmem>>, vector<16xf32>,
    }
    %scan3A_107 = arith.constant 80 : i32
    %mul3A_108 = arith.constant 1280 : i32
    %mul3A_109 = arith.muli %arg1, %mul3A_108 : i32
    %run_scoped3A_110 = arith.constant 12 : i32
    "tpu.region"() ({
      %run_scoped3A_146 = tpu.sem_alloc : memref<!tpu.dma_semaphore, #tpu.memory_space<semaphore_mem>>
      %dma_start3A = tpu.memref_slice %arg11[%run_scoped3A_110, %mul3A_109] : memref<16x20480xf32, #tpu.memory_space<vmem_shared>> -> memref<1x1280xf32, #tpu.memory_space<vmem_shared>>
      %dma_start3A_147 = tpu.memref_squeeze %dma_start3A : memref<1x1280xf32, #tpu.memory_space<vmem_shared>> -> memref<1280xf32, #tpu.memory_space<vmem_shared>>
      %dma_start3A_148 = tpu.memref_slice %arg11[%run_scoped3A_110, %mul3A_109] : memref<16x20480xf32, #tpu.memory_space<vmem_shared>> -> memref<1x1280xf32, #tpu.memory_space<vmem_shared>>
      %dma_start3A_149 = tpu.memref_squeeze %dma_start3A_148 : memref<1x1280xf32, #tpu.memory_space<vmem_shared>> -> memref<1280xf32, #tpu.memory_space<vmem_shared>>
      tpu.enqueue_dma source(%dma_start3A_149 : memref<1280xf32, #tpu.memory_space<vmem_shared>>) target(%arg10 : memref<1280xf32, #tpu.memory_space<vmem>>) target_semaphore(%run_scoped3A_146 : memref<!tpu.dma_semaphore, #tpu.memory_space<semaphore_mem>>)
      %dma_wait3A = tpu.memref_slice %arg11[%run_scoped3A_110, %mul3A_109] : memref<16x20480xf32, #tpu.memory_space<vmem_shared>> -> memref<1x1280xf32, #tpu.memory_space<vmem_shared>>
      %dma_wait3A_150 = tpu.memref_squeeze %dma_wait3A : memref<1x1280xf32, #tpu.memory_space<vmem_shared>> -> memref<1280xf32, #tpu.memory_space<vmem_shared>>
      %dma_wait3A_151 = tpu.memref_slice %arg11[%run_scoped3A_110, %mul3A_109] : memref<16x20480xf32, #tpu.memory_space<vmem_shared>> -> memref<1x1280xf32, #tpu.memory_space<vmem_shared>>
      %dma_wait3A_152 = tpu.memref_squeeze %dma_wait3A_151 : memref<1x1280xf32, #tpu.memory_space<vmem_shared>> -> memref<1280xf32, #tpu.memory_space<vmem_shared>>
      tpu.wait_dma2 semaphore(%run_scoped3A_146 : memref<!tpu.dma_semaphore, #tpu.memory_space<semaphore_mem>>) src(%dma_wait3A_152 : memref<1280xf32, #tpu.memory_space<vmem_shared>>) dst(%arg10 : memref<1280xf32, #tpu.memory_space<vmem>>)
      tpu.yield
    }) : () -> ()
    %scan3A_111 = arith.constant 0 : i32
    %scan3A_112 = arith.constant 0 : i32
    %scan3A_113 = arith.constant 80 : i32
    %scan3A_114 = arith.addi %scan3A_112, %scan3A_113 : i32
    %scan3A_115 = arith.constant 1 : i32
    scf.for %scan3A_146 = %scan3A_112 to %scan3A_114 step %scan3A_115  : i32 {
      %mul3A_147 = arith.constant 16 : i32
      %mul3A_148 = arith.muli %scan3A_146, %mul3A_147 : i32
      %get3A = arith.index_cast %mul3A_148 : i32 to index
      %get3A_149 = tpu.vector_load %arg9[%get3A] {strides = array<i32>} : memref<1280xf32, #tpu.memory_space<vmem>>, vector<16xf32>,
      %mul3A_150 = arith.constant 16 : i32
      %mul3A_151 = arith.muli %scan3A_146, %mul3A_150 : i32
      %get3A_152 = arith.index_cast %mul3A_151 : i32 to index
      %get3A_153 = tpu.vector_load %arg10[%get3A_152] {strides = array<i32>} : memref<1280xf32, #tpu.memory_space<vmem>>, vector<16xf32>,
      %add3A = arith.addf %get3A_149, %get3A_153 : vector<16xf32>
      %mul3A_154 = arith.constant 16 : i32
      %mul3A_155 = arith.muli %scan3A_146, %mul3A_154 : i32
      %swap3A = arith.index_cast %mul3A_155 : i32 to index
      %swap3A_156 = tpu.vector_load %arg9[%swap3A] {strides = array<i32>} : memref<1280xf32, #tpu.memory_space<vmem>>, vector<16xf32>,
      tpu.vector_store %arg9[%swap3A], %add3A {strides = array<i32>} : memref<1280xf32, #tpu.memory_space<vmem>>, vector<16xf32>,
    }
    %scan3A_116 = arith.constant 80 : i32
    %mul3A_117 = arith.constant 1280 : i32
    %mul3A_118 = arith.muli %arg1, %mul3A_117 : i32
    %run_scoped3A_119 = arith.constant 13 : i32
    "tpu.region"() ({
      %run_scoped3A_146 = tpu.sem_alloc : memref<!tpu.dma_semaphore, #tpu.memory_space<semaphore_mem>>
      %dma_start3A = tpu.memref_slice %arg11[%run_scoped3A_119, %mul3A_118] : memref<16x20480xf32, #tpu.memory_space<vmem_shared>> -> memref<1x1280xf32, #tpu.memory_space<vmem_shared>>
      %dma_start3A_147 = tpu.memref_squeeze %dma_start3A : memref<1x1280xf32, #tpu.memory_space<vmem_shared>> -> memref<1280xf32, #tpu.memory_space<vmem_shared>>
      %dma_start3A_148 = tpu.memref_slice %arg11[%run_scoped3A_119, %mul3A_118] : memref<16x20480xf32, #tpu.memory_space<vmem_shared>> -> memref<1x1280xf32, #tpu.memory_space<vmem_shared>>
      %dma_start3A_149 = tpu.memref_squeeze %dma_start3A_148 : memref<1x1280xf32, #tpu.memory_space<vmem_shared>> -> memref<1280xf32, #tpu.memory_space<vmem_shared>>
      tpu.enqueue_dma source(%dma_start3A_149 : memref<1280xf32, #tpu.memory_space<vmem_shared>>) target(%arg10 : memref<1280xf32, #tpu.memory_space<vmem>>) target_semaphore(%run_scoped3A_146 : memref<!tpu.dma_semaphore, #tpu.memory_space<semaphore_mem>>)
      %dma_wait3A = tpu.memref_slice %arg11[%run_scoped3A_119, %mul3A_118] : memref<16x20480xf32, #tpu.memory_space<vmem_shared>> -> memref<1x1280xf32, #tpu.memory_space<vmem_shared>>
      %dma_wait3A_150 = tpu.memref_squeeze %dma_wait3A : memref<1x1280xf32, #tpu.memory_space<vmem_shared>> -> memref<1280xf32, #tpu.memory_space<vmem_shared>>
      %dma_wait3A_151 = tpu.memref_slice %arg11[%run_scoped3A_119, %mul3A_118] : memref<16x20480xf32, #tpu.memory_space<vmem_shared>> -> memref<1x1280xf32, #tpu.memory_space<vmem_shared>>
      %dma_wait3A_152 = tpu.memref_squeeze %dma_wait3A_151 : memref<1x1280xf32, #tpu.memory_space<vmem_shared>> -> memref<1280xf32, #tpu.memory_space<vmem_shared>>
      tpu.wait_dma2 semaphore(%run_scoped3A_146 : memref<!tpu.dma_semaphore, #tpu.memory_space<semaphore_mem>>) src(%dma_wait3A_152 : memref<1280xf32, #tpu.memory_space<vmem_shared>>) dst(%arg10 : memref<1280xf32, #tpu.memory_space<vmem>>)
      tpu.yield
    }) : () -> ()
    %scan3A_120 = arith.constant 0 : i32
    %scan3A_121 = arith.constant 0 : i32
    %scan3A_122 = arith.constant 80 : i32
    %scan3A_123 = arith.addi %scan3A_121, %scan3A_122 : i32
    %scan3A_124 = arith.constant 1 : i32
    scf.for %scan3A_146 = %scan3A_121 to %scan3A_123 step %scan3A_124  : i32 {
      %mul3A_147 = arith.constant 16 : i32
      %mul3A_148 = arith.muli %scan3A_146, %mul3A_147 : i32
      %get3A = arith.index_cast %mul3A_148 : i32 to index
      %get3A_149 = tpu.vector_load %arg9[%get3A] {strides = array<i32>} : memref<1280xf32, #tpu.memory_space<vmem>>, vector<16xf32>,
      %mul3A_150 = arith.constant 16 : i32
      %mul3A_151 = arith.muli %scan3A_146, %mul3A_150 : i32
      %get3A_152 = arith.index_cast %mul3A_151 : i32 to index
      %get3A_153 = tpu.vector_load %arg10[%get3A_152] {strides = array<i32>} : memref<1280xf32, #tpu.memory_space<vmem>>, vector<16xf32>,
      %add3A = arith.addf %get3A_149, %get3A_153 : vector<16xf32>
      %mul3A_154 = arith.constant 16 : i32
      %mul3A_155 = arith.muli %scan3A_146, %mul3A_154 : i32
      %swap3A = arith.index_cast %mul3A_155 : i32 to index
      %swap3A_156 = tpu.vector_load %arg9[%swap3A] {strides = array<i32>} : memref<1280xf32, #tpu.memory_space<vmem>>, vector<16xf32>,
      tpu.vector_store %arg9[%swap3A], %add3A {strides = array<i32>} : memref<1280xf32, #tpu.memory_space<vmem>>, vector<16xf32>,
    }
    %scan3A_125 = arith.constant 80 : i32
    %mul3A_126 = arith.constant 1280 : i32
    %mul3A_127 = arith.muli %arg1, %mul3A_126 : i32
    %run_scoped3A_128 = arith.constant 14 : i32
    "tpu.region"() ({
      %run_scoped3A_146 = tpu.sem_alloc : memref<!tpu.dma_semaphore, #tpu.memory_space<semaphore_mem>>
      %dma_start3A = tpu.memref_slice %arg11[%run_scoped3A_128, %mul3A_127] : memref<16x20480xf32, #tpu.memory_space<vmem_shared>> -> memref<1x1280xf32, #tpu.memory_space<vmem_shared>>
      %dma_start3A_147 = tpu.memref_squeeze %dma_start3A : memref<1x1280xf32, #tpu.memory_space<vmem_shared>> -> memref<1280xf32, #tpu.memory_space<vmem_shared>>
      %dma_start3A_148 = tpu.memref_slice %arg11[%run_scoped3A_128, %mul3A_127] : memref<16x20480xf32, #tpu.memory_space<vmem_shared>> -> memref<1x1280xf32, #tpu.memory_space<vmem_shared>>
      %dma_start3A_149 = tpu.memref_squeeze %dma_start3A_148 : memref<1x1280xf32, #tpu.memory_space<vmem_shared>> -> memref<1280xf32, #tpu.memory_space<vmem_shared>>
      tpu.enqueue_dma source(%dma_start3A_149 : memref<1280xf32, #tpu.memory_space<vmem_shared>>) target(%arg10 : memref<1280xf32, #tpu.memory_space<vmem>>) target_semaphore(%run_scoped3A_146 : memref<!tpu.dma_semaphore, #tpu.memory_space<semaphore_mem>>)
      %dma_wait3A = tpu.memref_slice %arg11[%run_scoped3A_128, %mul3A_127] : memref<16x20480xf32, #tpu.memory_space<vmem_shared>> -> memref<1x1280xf32, #tpu.memory_space<vmem_shared>>
      %dma_wait3A_150 = tpu.memref_squeeze %dma_wait3A : memref<1x1280xf32, #tpu.memory_space<vmem_shared>> -> memref<1280xf32, #tpu.memory_space<vmem_shared>>
      %dma_wait3A_151 = tpu.memref_slice %arg11[%run_scoped3A_128, %mul3A_127] : memref<16x20480xf32, #tpu.memory_space<vmem_shared>> -> memref<1x1280xf32, #tpu.memory_space<vmem_shared>>
      %dma_wait3A_152 = tpu.memref_squeeze %dma_wait3A_151 : memref<1x1280xf32, #tpu.memory_space<vmem_shared>> -> memref<1280xf32, #tpu.memory_space<vmem_shared>>
      tpu.wait_dma2 semaphore(%run_scoped3A_146 : memref<!tpu.dma_semaphore, #tpu.memory_space<semaphore_mem>>) src(%dma_wait3A_152 : memref<1280xf32, #tpu.memory_space<vmem_shared>>) dst(%arg10 : memref<1280xf32, #tpu.memory_space<vmem>>)
      tpu.yield
    }) : () -> ()
    %scan3A_129 = arith.constant 0 : i32
    %scan3A_130 = arith.constant 0 : i32
    %scan3A_131 = arith.constant 80 : i32
    %scan3A_132 = arith.addi %scan3A_130, %scan3A_131 : i32
    %scan3A_133 = arith.constant 1 : i32
    scf.for %scan3A_146 = %scan3A_130 to %scan3A_132 step %scan3A_133  : i32 {
      %mul3A_147 = arith.constant 16 : i32
      %mul3A_148 = arith.muli %scan3A_146, %mul3A_147 : i32
      %get3A = arith.index_cast %mul3A_148 : i32 to index
      %get3A_149 = tpu.vector_load %arg9[%get3A] {strides = array<i32>} : memref<1280xf32, #tpu.memory_space<vmem>>, vector<16xf32>,
      %mul3A_150 = arith.constant 16 : i32
      %mul3A_151 = arith.muli %scan3A_146, %mul3A_150 : i32
      %get3A_152 = arith.index_cast %mul3A_151 : i32 to index
      %get3A_153 = tpu.vector_load %arg10[%get3A_152] {strides = array<i32>} : memref<1280xf32, #tpu.memory_space<vmem>>, vector<16xf32>,
      %add3A = arith.addf %get3A_149, %get3A_153 : vector<16xf32>
      %mul3A_154 = arith.constant 16 : i32
      %mul3A_155 = arith.muli %scan3A_146, %mul3A_154 : i32
      %swap3A = arith.index_cast %mul3A_155 : i32 to index
      %swap3A_156 = tpu.vector_load %arg9[%swap3A] {strides = array<i32>} : memref<1280xf32, #tpu.memory_space<vmem>>, vector<16xf32>,
      tpu.vector_store %arg9[%swap3A], %add3A {strides = array<i32>} : memref<1280xf32, #tpu.memory_space<vmem>>, vector<16xf32>,
    }
    %scan3A_134 = arith.constant 80 : i32
    %mul3A_135 = arith.constant 1280 : i32
    %mul3A_136 = arith.muli %arg1, %mul3A_135 : i32
    %run_scoped3A_137 = arith.constant 15 : i32
    "tpu.region"() ({
      %run_scoped3A_146 = tpu.sem_alloc : memref<!tpu.dma_semaphore, #tpu.memory_space<semaphore_mem>>
      %dma_start3A = tpu.memref_slice %arg11[%run_scoped3A_137, %mul3A_136] : memref<16x20480xf32, #tpu.memory_space<vmem_shared>> -> memref<1x1280xf32, #tpu.memory_space<vmem_shared>>
      %dma_start3A_147 = tpu.memref_squeeze %dma_start3A : memref<1x1280xf32, #tpu.memory_space<vmem_shared>> -> memref<1280xf32, #tpu.memory_space<vmem_shared>>
      %dma_start3A_148 = tpu.memref_slice %arg11[%run_scoped3A_137, %mul3A_136] : memref<16x20480xf32, #tpu.memory_space<vmem_shared>> -> memref<1x1280xf32, #tpu.memory_space<vmem_shared>>
      %dma_start3A_149 = tpu.memref_squeeze %dma_start3A_148 : memref<1x1280xf32, #tpu.memory_space<vmem_shared>> -> memref<1280xf32, #tpu.memory_space<vmem_shared>>
      tpu.enqueue_dma source(%dma_start3A_149 : memref<1280xf32, #tpu.memory_space<vmem_shared>>) target(%arg10 : memref<1280xf32, #tpu.memory_space<vmem>>) target_semaphore(%run_scoped3A_146 : memref<!tpu.dma_semaphore, #tpu.memory_space<semaphore_mem>>)
      %dma_wait3A = tpu.memref_slice %arg11[%run_scoped3A_137, %mul3A_136] : memref<16x20480xf32, #tpu.memory_space<vmem_shared>> -> memref<1x1280xf32, #tpu.memory_space<vmem_shared>>
      %dma_wait3A_150 = tpu.memref_squeeze %dma_wait3A : memref<1x1280xf32, #tpu.memory_space<vmem_shared>> -> memref<1280xf32, #tpu.memory_space<vmem_shared>>
      %dma_wait3A_151 = tpu.memref_slice %arg11[%run_scoped3A_137, %mul3A_136] : memref<16x20480xf32, #tpu.memory_space<vmem_shared>> -> memref<1x1280xf32, #tpu.memory_space<vmem_shared>>
      %dma_wait3A_152 = tpu.memref_squeeze %dma_wait3A_151 : memref<1x1280xf32, #tpu.memory_space<vmem_shared>> -> memref<1280xf32, #tpu.memory_space<vmem_shared>>
      tpu.wait_dma2 semaphore(%run_scoped3A_146 : memref<!tpu.dma_semaphore, #tpu.memory_space<semaphore_mem>>) src(%dma_wait3A_152 : memref<1280xf32, #tpu.memory_space<vmem_shared>>) dst(%arg10 : memref<1280xf32, #tpu.memory_space<vmem>>)
      tpu.yield
    }) : () -> ()
    %scan3A_138 = arith.constant 0 : i32
    %scan3A_139 = arith.constant 0 : i32
    %scan3A_140 = arith.constant 80 : i32
    %scan3A_141 = arith.addi %scan3A_139, %scan3A_140 : i32
    %scan3A_142 = arith.constant 1 : i32
    scf.for %scan3A_146 = %scan3A_139 to %scan3A_141 step %scan3A_142  : i32 {
      %mul3A_147 = arith.constant 16 : i32
      %mul3A_148 = arith.muli %scan3A_146, %mul3A_147 : i32
      %get3A = arith.index_cast %mul3A_148 : i32 to index
      %get3A_149 = tpu.vector_load %arg9[%get3A] {strides = array<i32>} : memref<1280xf32, #tpu.memory_space<vmem>>, vector<16xf32>,
      %mul3A_150 = arith.constant 16 : i32
      %mul3A_151 = arith.muli %scan3A_146, %mul3A_150 : i32
      %get3A_152 = arith.index_cast %mul3A_151 : i32 to index
      %get3A_153 = tpu.vector_load %arg10[%get3A_152] {strides = array<i32>} : memref<1280xf32, #tpu.memory_space<vmem>>, vector<16xf32>,
      %add3A = arith.addf %get3A_149, %get3A_153 : vector<16xf32>
      %mul3A_154 = arith.constant 16 : i32
      %mul3A_155 = arith.muli %scan3A_146, %mul3A_154 : i32
      %swap3A = arith.index_cast %mul3A_155 : i32 to index
      %swap3A_156 = tpu.vector_load %arg9[%swap3A] {strides = array<i32>} : memref<1280xf32, #tpu.memory_space<vmem>>, vector<16xf32>,
      tpu.vector_store %arg9[%swap3A], %add3A {strides = array<i32>} : memref<1280xf32, #tpu.memory_space<vmem>>, vector<16xf32>,
    }
    %scan3A_143 = arith.constant 80 : i32
    %mul3A_144 = arith.constant 1280 : i32
    %mul3A_145 = arith.muli %arg1, %mul3A_144 : i32
    "tpu.region"() ({
      %run_scoped3A_146 = tpu.sem_alloc : memref<!tpu.dma_semaphore, #tpu.memory_space<semaphore_mem>>
      %dma_start3A = tpu.memref_slice %arg5[%arg0, %mul3A_145] : memref<2x20480xf32, #tpu.memory_space<hbm>> -> memref<1x1280xf32, #tpu.memory_space<hbm>>
      %dma_start3A_147 = tpu.memref_squeeze %dma_start3A : memref<1x1280xf32, #tpu.memory_space<hbm>> -> memref<1280xf32, #tpu.memory_space<hbm>>
      %dma_start3A_148 = tpu.memref_slice %arg5[%arg0, %mul3A_145] : memref<2x20480xf32, #tpu.memory_space<hbm>> -> memref<1x1280xf32, #tpu.memory_space<hbm>>
      %dma_start3A_149 = tpu.memref_squeeze %dma_start3A_148 : memref<1x1280xf32, #tpu.memory_space<hbm>> -> memref<1280xf32, #tpu.memory_space<hbm>>
      tpu.enqueue_dma source(%arg9 : memref<1280xf32, #tpu.memory_space<vmem>>) target(%dma_start3A_149 : memref<1280xf32, #tpu.memory_space<hbm>>) target_semaphore(%run_scoped3A_146 : memref<!tpu.dma_semaphore, #tpu.memory_space<semaphore_mem>>)
      %dma_wait3A = tpu.memref_slice %arg5[%arg0, %mul3A_145] : memref<2x20480xf32, #tpu.memory_space<hbm>> -> memref<1x1280xf32, #tpu.memory_space<hbm>>
      %dma_wait3A_150 = tpu.memref_squeeze %dma_wait3A : memref<1x1280xf32, #tpu.memory_space<hbm>> -> memref<1280xf32, #tpu.memory_space<hbm>>
      %dma_wait3A_151 = tpu.memref_slice %arg5[%arg0, %mul3A_145] : memref<2x20480xf32, #tpu.memory_space<hbm>> -> memref<1x1280xf32, #tpu.memory_space<hbm>>
      %dma_wait3A_152 = tpu.memref_squeeze %dma_wait3A_151 : memref<1x1280xf32, #tpu.memory_space<hbm>> -> memref<1280xf32, #tpu.memory_space<hbm>>
      tpu.wait_dma2 semaphore(%run_scoped3A_146 : memref<!tpu.dma_semaphore, #tpu.memory_space<semaphore_mem>>) src(%arg9 : memref<1280xf32, #tpu.memory_space<vmem>>) dst(%dma_wait3A_152 : memref<1280xf32, #tpu.memory_space<hbm>>)
      tpu.yield
    }) : () -> ()
    return
  }
}

#map = affine_map<(d0, d1) -> (0, 0, 0)>
#map1 = affine_map<(d0, d1) -> (0, 0, 0, 0)>
#map2 = affine_map<(d0, d1) -> (0, 0)>
module attributes {stable_mosaic.version = 14 : i64} {
  func.func @_agg(%arg0: i32, %arg1: i32, %arg2: memref<4x10240x128xf32, #tpu.memory_space<hbm>>, %arg3: memref<2x16x40x128xi32, #tpu.memory_space<hbm>>, %arg4: memref<2x16x40x128xi32, #tpu.memory_space<hbm>>, %arg5: memref<640x128xf32, #tpu.memory_space<hbm>>, %arg6: memref<2x4x10240x128xf32, #tpu.memory_space<hbm>>, %arg7: memref<40x128xi32, #tpu.memory_space<vmem>>, %arg8: memref<40x128xi32, #tpu.memory_space<vmem>>, %arg9: memref<128x128xf32, #tpu.memory_space<vmem>>, %arg10: memref<128x128xf32, #tpu.memory_space<vmem>>, %arg11: memref<10240x128xf32, #tpu.memory_space<vmem_shared>>, %arg12: memref<!tpu.dma_semaphore, #tpu.memory_space<semaphore_mem>>, %arg13: memref<!tpu.dma_semaphore, #tpu.memory_space<semaphore_mem>>) attributes {dimension_semantics = [#tpu.dimension_semantics<core_parallel>, #tpu.dimension_semantics<subcore_parallel>], iteration_bounds = array<i64: 2, 16>, scalar_prefetch = 0 : i64, scratch_operands = 7 : i64, tpu.core_type = #tpu.core_type<sc_vector_subcore>, window_params = [{transform_indices = #map}, {transform_indices = #map1}, {transform_indices = #map1}, {transform_indices = #map2}, {transform_indices = #map1}]} {
    "tpu.region"() ({
      %run_scoped3A_258 = tpu.sem_alloc : memref<!tpu.dma_semaphore, #tpu.memory_space<semaphore_mem>>
      %dma_start3A_259 = arith.constant 0 : i32
      %dma_start3A_260 = arith.constant 0 : i32
      %dma_start3A_261 = tpu.memref_slice %arg3[%arg0, %arg1, %dma_start3A_259, %dma_start3A_260] : memref<2x16x40x128xi32, #tpu.memory_space<hbm>> -> memref<1x1x40x128xi32, #tpu.memory_space<hbm>>
      %dma_start3A_262 = tpu.memref_squeeze %dma_start3A_261 : memref<1x1x40x128xi32, #tpu.memory_space<hbm>> -> memref<40x128xi32, #tpu.memory_space<hbm>>
      %dma_start3A_263 = arith.constant 0 : i32
      %dma_start3A_264 = arith.constant 0 : i32
      %dma_start3A_265 = tpu.memref_slice %arg3[%arg0, %arg1, %dma_start3A_263, %dma_start3A_264] : memref<2x16x40x128xi32, #tpu.memory_space<hbm>> -> memref<1x1x40x128xi32, #tpu.memory_space<hbm>>
      %dma_start3A_266 = tpu.memref_squeeze %dma_start3A_265 : memref<1x1x40x128xi32, #tpu.memory_space<hbm>> -> memref<40x128xi32, #tpu.memory_space<hbm>>
      tpu.enqueue_dma source(%dma_start3A_266 : memref<40x128xi32, #tpu.memory_space<hbm>>) target(%arg7 : memref<40x128xi32, #tpu.memory_space<vmem>>) target_semaphore(%run_scoped3A_258 : memref<!tpu.dma_semaphore, #tpu.memory_space<semaphore_mem>>)
      %dma_wait3A_267 = arith.constant 0 : i32
      %dma_wait3A_268 = arith.constant 0 : i32
      %dma_wait3A_269 = tpu.memref_slice %arg3[%arg0, %arg1, %dma_wait3A_267, %dma_wait3A_268] : memref<2x16x40x128xi32, #tpu.memory_space<hbm>> -> memref<1x1x40x128xi32, #tpu.memory_space<hbm>>
      %dma_wait3A_270 = tpu.memref_squeeze %dma_wait3A_269 : memref<1x1x40x128xi32, #tpu.memory_space<hbm>> -> memref<40x128xi32, #tpu.memory_space<hbm>>
      %dma_wait3A_271 = arith.constant 0 : i32
      %dma_wait3A_272 = arith.constant 0 : i32
      %dma_wait3A_273 = tpu.memref_slice %arg3[%arg0, %arg1, %dma_wait3A_271, %dma_wait3A_272] : memref<2x16x40x128xi32, #tpu.memory_space<hbm>> -> memref<1x1x40x128xi32, #tpu.memory_space<hbm>>
      %dma_wait3A_274 = tpu.memref_squeeze %dma_wait3A_273 : memref<1x1x40x128xi32, #tpu.memory_space<hbm>> -> memref<40x128xi32, #tpu.memory_space<hbm>>
      tpu.wait_dma2 semaphore(%run_scoped3A_258 : memref<!tpu.dma_semaphore, #tpu.memory_space<semaphore_mem>>) src(%dma_wait3A_274 : memref<40x128xi32, #tpu.memory_space<hbm>>) dst(%arg7 : memref<40x128xi32, #tpu.memory_space<vmem>>)
      tpu.yield
    }) : () -> ()
    "tpu.region"() ({
      %run_scoped3A_258 = tpu.sem_alloc : memref<!tpu.dma_semaphore, #tpu.memory_space<semaphore_mem>>
      %dma_start3A_259 = arith.constant 0 : i32
      %dma_start3A_260 = arith.constant 0 : i32
      %dma_start3A_261 = tpu.memref_slice %arg4[%arg0, %arg1, %dma_start3A_259, %dma_start3A_260] : memref<2x16x40x128xi32, #tpu.memory_space<hbm>> -> memref<1x1x40x128xi32, #tpu.memory_space<hbm>>
      %dma_start3A_262 = tpu.memref_squeeze %dma_start3A_261 : memref<1x1x40x128xi32, #tpu.memory_space<hbm>> -> memref<40x128xi32, #tpu.memory_space<hbm>>
      %dma_start3A_263 = arith.constant 0 : i32
      %dma_start3A_264 = arith.constant 0 : i32
      %dma_start3A_265 = tpu.memref_slice %arg4[%arg0, %arg1, %dma_start3A_263, %dma_start3A_264] : memref<2x16x40x128xi32, #tpu.memory_space<hbm>> -> memref<1x1x40x128xi32, #tpu.memory_space<hbm>>
      %dma_start3A_266 = tpu.memref_squeeze %dma_start3A_265 : memref<1x1x40x128xi32, #tpu.memory_space<hbm>> -> memref<40x128xi32, #tpu.memory_space<hbm>>
      tpu.enqueue_dma source(%dma_start3A_266 : memref<40x128xi32, #tpu.memory_space<hbm>>) target(%arg8 : memref<40x128xi32, #tpu.memory_space<vmem>>) target_semaphore(%run_scoped3A_258 : memref<!tpu.dma_semaphore, #tpu.memory_space<semaphore_mem>>)
      %dma_wait3A_267 = arith.constant 0 : i32
      %dma_wait3A_268 = arith.constant 0 : i32
      %dma_wait3A_269 = tpu.memref_slice %arg4[%arg0, %arg1, %dma_wait3A_267, %dma_wait3A_268] : memref<2x16x40x128xi32, #tpu.memory_space<hbm>> -> memref<1x1x40x128xi32, #tpu.memory_space<hbm>>
      %dma_wait3A_270 = tpu.memref_squeeze %dma_wait3A_269 : memref<1x1x40x128xi32, #tpu.memory_space<hbm>> -> memref<40x128xi32, #tpu.memory_space<hbm>>
      %dma_wait3A_271 = arith.constant 0 : i32
      %dma_wait3A_272 = arith.constant 0 : i32
      %dma_wait3A_273 = tpu.memref_slice %arg4[%arg0, %arg1, %dma_wait3A_271, %dma_wait3A_272] : memref<2x16x40x128xi32, #tpu.memory_space<hbm>> -> memref<1x1x40x128xi32, #tpu.memory_space<hbm>>
      %dma_wait3A_274 = tpu.memref_squeeze %dma_wait3A_273 : memref<1x1x40x128xi32, #tpu.memory_space<hbm>> -> memref<40x128xi32, #tpu.memory_space<hbm>>
      tpu.wait_dma2 semaphore(%run_scoped3A_258 : memref<!tpu.dma_semaphore, #tpu.memory_space<semaphore_mem>>) src(%dma_wait3A_274 : memref<40x128xi32, #tpu.memory_space<hbm>>) dst(%arg8 : memref<40x128xi32, #tpu.memory_space<vmem>>)
      tpu.yield
    }) : () -> ()
    %mul3A = arith.constant 640 : i32
    %mul3A_0 = arith.muli %arg1, %mul3A : i32
    "tpu.region"() ({
      %run_scoped3A_258 = tpu.sem_alloc : memref<!tpu.dma_semaphore, #tpu.memory_space<semaphore_mem>>
      %dma_start3A_259 = arith.constant 0 : i32
      %dma_start3A_260 = tpu.memref_slice %arg11[%mul3A_0, %dma_start3A_259] : memref<10240x128xf32, #tpu.memory_space<vmem_shared>> -> memref<640x128xf32, #tpu.memory_space<vmem_shared>>
      tpu.enqueue_dma source(%arg5 : memref<640x128xf32, #tpu.memory_space<hbm>>) target(%dma_start3A_260 : memref<640x128xf32, #tpu.memory_space<vmem_shared>>) target_semaphore(%run_scoped3A_258 : memref<!tpu.dma_semaphore, #tpu.memory_space<semaphore_mem>>)
      %dma_wait3A_261 = arith.constant 0 : i32
      %dma_wait3A_262 = tpu.memref_slice %arg11[%mul3A_0, %dma_wait3A_261] : memref<10240x128xf32, #tpu.memory_space<vmem_shared>> -> memref<640x128xf32, #tpu.memory_space<vmem_shared>>
      tpu.wait_dma2 semaphore(%run_scoped3A_258 : memref<!tpu.dma_semaphore, #tpu.memory_space<semaphore_mem>>) src(%arg5 : memref<640x128xf32, #tpu.memory_space<hbm>>) dst(%dma_wait3A_262 : memref<640x128xf32, #tpu.memory_space<vmem_shared>>)
      tpu.yield
    }) : () -> ()
    %barrier3A = arith.constant 0 : index
    tpu.barrier barrier_id(%barrier3A)
    %dma_start3A = arith.constant 0 : i32
    %dma_start3A_1 = arith.constant 0 : i32
    %dma_start3A_2 = arith.constant 0 : i32
    %dma_start3A_3 = tpu.memref_slice %arg7[%dma_start3A_1, %dma_start3A_2] : memref<40x128xi32, #tpu.memory_space<vmem>> -> memref<1x128xi32, #tpu.memory_space<vmem>>
    %dma_start3A_4 = tpu.memref_squeeze %dma_start3A_3 : memref<1x128xi32, #tpu.memory_space<vmem>> -> memref<128xi32, #tpu.memory_space<vmem>>
    %dma_start3A_5 = arith.constant 0 : i32
    %dma_start3A_6 = arith.constant 0 : i32
    %dma_start3A_7 = tpu.memref_slice %arg2[%dma_start3A, %dma_start3A_5, %dma_start3A_6] : memref<4x10240x128xf32, #tpu.memory_space<hbm>> -> memref<1x10240x128xf32, #tpu.memory_space<hbm>>
    %dma_start3A_8 = tpu.memref_squeeze %dma_start3A_7 : memref<1x10240x128xf32, #tpu.memory_space<hbm>> -> memref<10240x128xf32, #tpu.memory_space<hbm>>
    %dma_start3A_9 = arith.constant 0 : i32
    %dma_start3A_10 = arith.constant 0 : i32
    %dma_start3A_11 = tpu.memref_slice %dma_start3A_8[%dma_start3A_9, %dma_start3A_10] : memref<10240x128xf32, #tpu.memory_space<hbm>> -> memref<10240x128xf32, #tpu.memory_space<hbm>>
    tpu.enqueue_indirect_dma source(%dma_start3A_11 : memref<10240x128xf32, #tpu.memory_space<hbm>>) target(%arg9 : memref<128x128xf32, #tpu.memory_space<vmem>>) offsets(%dma_start3A_4 : memref<128xi32, #tpu.memory_space<vmem>>) semaphore(%arg12 : memref<!tpu.dma_semaphore, #tpu.memory_space<semaphore_mem>>)
    %dma_start3A_12 = arith.constant 0 : i32
    %dma_start3A_13 = arith.constant 1 : i32
    %dma_start3A_14 = arith.constant 0 : i32
    %dma_start3A_15 = tpu.memref_slice %arg7[%dma_start3A_13, %dma_start3A_14] : memref<40x128xi32, #tpu.memory_space<vmem>> -> memref<1x128xi32, #tpu.memory_space<vmem>>
    %dma_start3A_16 = tpu.memref_squeeze %dma_start3A_15 : memref<1x128xi32, #tpu.memory_space<vmem>> -> memref<128xi32, #tpu.memory_space<vmem>>
    %dma_start3A_17 = arith.constant 0 : i32
    %dma_start3A_18 = arith.constant 0 : i32
    %dma_start3A_19 = tpu.memref_slice %arg2[%dma_start3A_12, %dma_start3A_17, %dma_start3A_18] : memref<4x10240x128xf32, #tpu.memory_space<hbm>> -> memref<1x10240x128xf32, #tpu.memory_space<hbm>>
    %dma_start3A_20 = tpu.memref_squeeze %dma_start3A_19 : memref<1x10240x128xf32, #tpu.memory_space<hbm>> -> memref<10240x128xf32, #tpu.memory_space<hbm>>
    %dma_start3A_21 = arith.constant 0 : i32
    %dma_start3A_22 = arith.constant 0 : i32
    %dma_start3A_23 = tpu.memref_slice %dma_start3A_20[%dma_start3A_21, %dma_start3A_22] : memref<10240x128xf32, #tpu.memory_space<hbm>> -> memref<10240x128xf32, #tpu.memory_space<hbm>>
    tpu.enqueue_indirect_dma source(%dma_start3A_23 : memref<10240x128xf32, #tpu.memory_space<hbm>>) target(%arg10 : memref<128x128xf32, #tpu.memory_space<vmem>>) offsets(%dma_start3A_16 : memref<128xi32, #tpu.memory_space<vmem>>) semaphore(%arg13 : memref<!tpu.dma_semaphore, #tpu.memory_space<semaphore_mem>>)
    %scan3A = arith.constant 0 : i32
    %scan3A_24 = arith.constant 0 : i32
    %scan3A_25 = arith.constant 0 : i32
    %scan3A_26 = arith.constant 19 : i32
    %scan3A_27 = arith.addi %scan3A_25, %scan3A_26 : i32
    %scan3A_28 = arith.constant 1 : i32
    scf.for %scan3A_258 = %scan3A_25 to %scan3A_27 step %scan3A_28  : i32 {
      %mul3A_259 = arith.constant 2 : i32
      %mul3A_260 = arith.muli %scan3A_258, %mul3A_259 : i32
      %add3A = arith.constant 0 : i32
      %add3A_261 = arith.addi %mul3A_260, %add3A : i32
      %dma_wait3A_262 = arith.constant 0 : i32
      %dma_wait3A_263 = tpu.memref_slice %arg7[%add3A_261, %dma_wait3A_262] : memref<40x128xi32, #tpu.memory_space<vmem>> -> memref<1x128xi32, #tpu.memory_space<vmem>>
      %dma_wait3A_264 = tpu.memref_squeeze %dma_wait3A_263 : memref<1x128xi32, #tpu.memory_space<vmem>> -> memref<128xi32, #tpu.memory_space<vmem>>
      %dma_wait3A_265 = arith.constant 0 : i32
      %dma_wait3A_266 = arith.constant 0 : i32
      %dma_wait3A_267 = tpu.memref_slice %arg2[%scan3A_24, %dma_wait3A_265, %dma_wait3A_266] : memref<4x10240x128xf32, #tpu.memory_space<hbm>> -> memref<1x10240x128xf32, #tpu.memory_space<hbm>>
      %dma_wait3A_268 = tpu.memref_squeeze %dma_wait3A_267 : memref<1x10240x128xf32, #tpu.memory_space<hbm>> -> memref<10240x128xf32, #tpu.memory_space<hbm>>
      %dma_wait3A_269 = arith.constant 0 : i32
      %dma_wait3A_270 = arith.constant 0 : i32
      %dma_wait3A_271 = tpu.memref_slice %dma_wait3A_268[%dma_wait3A_269, %dma_wait3A_270] : memref<10240x128xf32, #tpu.memory_space<hbm>> -> memref<10240x128xf32, #tpu.memory_space<hbm>>
      tpu.wait_indirect_dma semaphore(%arg12 : memref<!tpu.dma_semaphore, #tpu.memory_space<semaphore_mem>>) src(%dma_wait3A_271 : memref<10240x128xf32, #tpu.memory_space<hbm>>) dst(%arg9 : memref<128x128xf32, #tpu.memory_space<vmem>>)
      "tpu.region"() ({
        %run_scoped3A_310 = tpu.sem_alloc : memref<!tpu.dma_semaphore, #tpu.memory_space<semaphore_mem>>
        %dma_start3A_311 = arith.constant 0 : i32
        %dma_start3A_312 = tpu.memref_slice %arg8[%add3A_261, %dma_start3A_311] : memref<40x128xi32, #tpu.memory_space<vmem>> -> memref<1x128xi32, #tpu.memory_space<vmem>>
        %dma_start3A_313 = tpu.memref_squeeze %dma_start3A_312 : memref<1x128xi32, #tpu.memory_space<vmem>> -> memref<128xi32, #tpu.memory_space<vmem>>
        %dma_start3A_314 = arith.constant 0 : i32
        %dma_start3A_315 = arith.constant 0 : i32
        %dma_start3A_316 = tpu.memref_slice %arg11[%dma_start3A_314, %dma_start3A_315] : memref<10240x128xf32, #tpu.memory_space<vmem_shared>> -> memref<10240x128xf32, #tpu.memory_space<vmem_shared>>
        tpu.enqueue_indirect_dma source(%arg9 : memref<128x128xf32, #tpu.memory_space<vmem>>) target(%dma_start3A_316 : memref<10240x128xf32, #tpu.memory_space<vmem_shared>>) offsets(%dma_start3A_313 : memref<128xi32, #tpu.memory_space<vmem>>) semaphore(%run_scoped3A_310 : memref<!tpu.dma_semaphore, #tpu.memory_space<semaphore_mem>>) {add = true}
        %dma_wait3A_317 = arith.constant 0 : i32
        %dma_wait3A_318 = tpu.memref_slice %arg8[%add3A_261, %dma_wait3A_317] : memref<40x128xi32, #tpu.memory_space<vmem>> -> memref<1x128xi32, #tpu.memory_space<vmem>>
        %dma_wait3A_319 = tpu.memref_squeeze %dma_wait3A_318 : memref<1x128xi32, #tpu.memory_space<vmem>> -> memref<128xi32, #tpu.memory_space<vmem>>
        %dma_wait3A_320 = arith.constant 0 : i32
        %dma_wait3A_321 = arith.constant 0 : i32
        %dma_wait3A_322 = tpu.memref_slice %arg11[%dma_wait3A_320, %dma_wait3A_321] : memref<10240x128xf32, #tpu.memory_space<vmem_shared>> -> memref<10240x128xf32, #tpu.memory_space<vmem_shared>>
        tpu.wait_indirect_dma semaphore(%run_scoped3A_310 : memref<!tpu.dma_semaphore, #tpu.memory_space<semaphore_mem>>) src(%arg9 : memref<128x128xf32, #tpu.memory_space<vmem>>) dst(%dma_wait3A_322 : memref<10240x128xf32, #tpu.memory_space<vmem_shared>>)
        tpu.yield
      }) : () -> ()
      %add3A_272 = arith.constant 2 : i32
      %add3A_273 = arith.addi %add3A_261, %add3A_272 : i32
      %dma_start3A_274 = arith.constant 0 : i32
      %dma_start3A_275 = tpu.memref_slice %arg7[%add3A_273, %dma_start3A_274] : memref<40x128xi32, #tpu.memory_space<vmem>> -> memref<1x128xi32, #tpu.memory_space<vmem>>
      %dma_start3A_276 = tpu.memref_squeeze %dma_start3A_275 : memref<1x128xi32, #tpu.memory_space<vmem>> -> memref<128xi32, #tpu.memory_space<vmem>>
      %dma_start3A_277 = arith.constant 0 : i32
      %dma_start3A_278 = arith.constant 0 : i32
      %dma_start3A_279 = tpu.memref_slice %arg2[%scan3A_24, %dma_start3A_277, %dma_start3A_278] : memref<4x10240x128xf32, #tpu.memory_space<hbm>> -> memref<1x10240x128xf32, #tpu.memory_space<hbm>>
      %dma_start3A_280 = tpu.memref_squeeze %dma_start3A_279 : memref<1x10240x128xf32, #tpu.memory_space<hbm>> -> memref<10240x128xf32, #tpu.memory_space<hbm>>
      %dma_start3A_281 = arith.constant 0 : i32
      %dma_start3A_282 = arith.constant 0 : i32
      %dma_start3A_283 = tpu.memref_slice %dma_start3A_280[%dma_start3A_281, %dma_start3A_282] : memref<10240x128xf32, #tpu.memory_space<hbm>> -> memref<10240x128xf32, #tpu.memory_space<hbm>>
      tpu.enqueue_indirect_dma source(%dma_start3A_283 : memref<10240x128xf32, #tpu.memory_space<hbm>>) target(%arg9 : memref<128x128xf32, #tpu.memory_space<vmem>>) offsets(%dma_start3A_276 : memref<128xi32, #tpu.memory_space<vmem>>) semaphore(%arg12 : memref<!tpu.dma_semaphore, #tpu.memory_space<semaphore_mem>>)
      %mul3A_284 = arith.constant 2 : i32
      %mul3A_285 = arith.muli %scan3A_258, %mul3A_284 : i32
      %add3A_286 = arith.constant 1 : i32
      %add3A_287 = arith.addi %mul3A_285, %add3A_286 : i32
      %dma_wait3A_288 = arith.constant 0 : i32
      %dma_wait3A_289 = tpu.memref_slice %arg7[%add3A_287, %dma_wait3A_288] : memref<40x128xi32, #tpu.memory_space<vmem>> -> memref<1x128xi32, #tpu.memory_space<vmem>>
      %dma_wait3A_290 = tpu.memref_squeeze %dma_wait3A_289 : memref<1x128xi32, #tpu.memory_space<vmem>> -> memref<128xi32, #tpu.memory_space<vmem>>
      %dma_wait3A_291 = arith.constant 0 : i32
      %dma_wait3A_292 = arith.constant 0 : i32
      %dma_wait3A_293 = tpu.memref_slice %arg2[%scan3A_24, %dma_wait3A_291, %dma_wait3A_292] : memref<4x10240x128xf32, #tpu.memory_space<hbm>> -> memref<1x10240x128xf32, #tpu.memory_space<hbm>>
      %dma_wait3A_294 = tpu.memref_squeeze %dma_wait3A_293 : memref<1x10240x128xf32, #tpu.memory_space<hbm>> -> memref<10240x128xf32, #tpu.memory_space<hbm>>
      %dma_wait3A_295 = arith.constant 0 : i32
      %dma_wait3A_296 = arith.constant 0 : i32
      %dma_wait3A_297 = tpu.memref_slice %dma_wait3A_294[%dma_wait3A_295, %dma_wait3A_296] : memref<10240x128xf32, #tpu.memory_space<hbm>> -> memref<10240x128xf32, #tpu.memory_space<hbm>>
      tpu.wait_indirect_dma semaphore(%arg13 : memref<!tpu.dma_semaphore, #tpu.memory_space<semaphore_mem>>) src(%dma_wait3A_297 : memref<10240x128xf32, #tpu.memory_space<hbm>>) dst(%arg10 : memref<128x128xf32, #tpu.memory_space<vmem>>)
      "tpu.region"() ({
        %run_scoped3A_310 = tpu.sem_alloc : memref<!tpu.dma_semaphore, #tpu.memory_space<semaphore_mem>>
        %dma_start3A_311 = arith.constant 0 : i32
        %dma_start3A_312 = tpu.memref_slice %arg8[%add3A_287, %dma_start3A_311] : memref<40x128xi32, #tpu.memory_space<vmem>> -> memref<1x128xi32, #tpu.memory_space<vmem>>
        %dma_start3A_313 = tpu.memref_squeeze %dma_start3A_312 : memref<1x128xi32, #tpu.memory_space<vmem>> -> memref<128xi32, #tpu.memory_space<vmem>>
        %dma_start3A_314 = arith.constant 0 : i32
        %dma_start3A_315 = arith.constant 0 : i32
        %dma_start3A_316 = tpu.memref_slice %arg11[%dma_start3A_314, %dma_start3A_315] : memref<10240x128xf32, #tpu.memory_space<vmem_shared>> -> memref<10240x128xf32, #tpu.memory_space<vmem_shared>>
        tpu.enqueue_indirect_dma source(%arg10 : memref<128x128xf32, #tpu.memory_space<vmem>>) target(%dma_start3A_316 : memref<10240x128xf32, #tpu.memory_space<vmem_shared>>) offsets(%dma_start3A_313 : memref<128xi32, #tpu.memory_space<vmem>>) semaphore(%run_scoped3A_310 : memref<!tpu.dma_semaphore, #tpu.memory_space<semaphore_mem>>) {add = true}
        %dma_wait3A_317 = arith.constant 0 : i32
        %dma_wait3A_318 = tpu.memref_slice %arg8[%add3A_287, %dma_wait3A_317] : memref<40x128xi32, #tpu.memory_space<vmem>> -> memref<1x128xi32, #tpu.memory_space<vmem>>
        %dma_wait3A_319 = tpu.memref_squeeze %dma_wait3A_318 : memref<1x128xi32, #tpu.memory_space<vmem>> -> memref<128xi32, #tpu.memory_space<vmem>>
        %dma_wait3A_320 = arith.constant 0 : i32
        %dma_wait3A_321 = arith.constant 0 : i32
        %dma_wait3A_322 = tpu.memref_slice %arg11[%dma_wait3A_320, %dma_wait3A_321] : memref<10240x128xf32, #tpu.memory_space<vmem_shared>> -> memref<10240x128xf32, #tpu.memory_space<vmem_shared>>
        tpu.wait_indirect_dma semaphore(%run_scoped3A_310 : memref<!tpu.dma_semaphore, #tpu.memory_space<semaphore_mem>>) src(%arg10 : memref<128x128xf32, #tpu.memory_space<vmem>>) dst(%dma_wait3A_322 : memref<10240x128xf32, #tpu.memory_space<vmem_shared>>)
        tpu.yield
      }) : () -> ()
      %add3A_298 = arith.constant 2 : i32
      %add3A_299 = arith.addi %add3A_287, %add3A_298 : i32
      %dma_start3A_300 = arith.constant 0 : i32
      %dma_start3A_301 = tpu.memref_slice %arg7[%add3A_299, %dma_start3A_300] : memref<40x128xi32, #tpu.memory_space<vmem>> -> memref<1x128xi32, #tpu.memory_space<vmem>>
      %dma_start3A_302 = tpu.memref_squeeze %dma_start3A_301 : memref<1x128xi32, #tpu.memory_space<vmem>> -> memref<128xi32, #tpu.memory_space<vmem>>
      %dma_start3A_303 = arith.constant 0 : i32
      %dma_start3A_304 = arith.constant 0 : i32
      %dma_start3A_305 = tpu.memref_slice %arg2[%scan3A_24, %dma_start3A_303, %dma_start3A_304] : memref<4x10240x128xf32, #tpu.memory_space<hbm>> -> memref<1x10240x128xf32, #tpu.memory_space<hbm>>
      %dma_start3A_306 = tpu.memref_squeeze %dma_start3A_305 : memref<1x10240x128xf32, #tpu.memory_space<hbm>> -> memref<10240x128xf32, #tpu.memory_space<hbm>>
      %dma_start3A_307 = arith.constant 0 : i32
      %dma_start3A_308 = arith.constant 0 : i32
      %dma_start3A_309 = tpu.memref_slice %dma_start3A_306[%dma_start3A_307, %dma_start3A_308] : memref<10240x128xf32, #tpu.memory_space<hbm>> -> memref<10240x128xf32, #tpu.memory_space<hbm>>
      tpu.enqueue_indirect_dma source(%dma_start3A_309 : memref<10240x128xf32, #tpu.memory_space<hbm>>) target(%arg10 : memref<128x128xf32, #tpu.memory_space<vmem>>) offsets(%dma_start3A_302 : memref<128xi32, #tpu.memory_space<vmem>>) semaphore(%arg13 : memref<!tpu.dma_semaphore, #tpu.memory_space<semaphore_mem>>)
    }
    %scan3A_29 = arith.constant 19 : i32
    %dma_wait3A = arith.constant 0 : i32
    %dma_wait3A_30 = arith.constant 38 : i32
    %dma_wait3A_31 = arith.constant 0 : i32
    %dma_wait3A_32 = tpu.memref_slice %arg7[%dma_wait3A_30, %dma_wait3A_31] : memref<40x128xi32, #tpu.memory_space<vmem>> -> memref<1x128xi32, #tpu.memory_space<vmem>>
    %dma_wait3A_33 = tpu.memref_squeeze %dma_wait3A_32 : memref<1x128xi32, #tpu.memory_space<vmem>> -> memref<128xi32, #tpu.memory_space<vmem>>
    %dma_wait3A_34 = arith.constant 0 : i32
    %dma_wait3A_35 = arith.constant 0 : i32
    %dma_wait3A_36 = tpu.memref_slice %arg2[%dma_wait3A, %dma_wait3A_34, %dma_wait3A_35] : memref<4x10240x128xf32, #tpu.memory_space<hbm>> -> memref<1x10240x128xf32, #tpu.memory_space<hbm>>
    %dma_wait3A_37 = tpu.memref_squeeze %dma_wait3A_36 : memref<1x10240x128xf32, #tpu.memory_space<hbm>> -> memref<10240x128xf32, #tpu.memory_space<hbm>>
    %dma_wait3A_38 = arith.constant 0 : i32
    %dma_wait3A_39 = arith.constant 0 : i32
    %dma_wait3A_40 = tpu.memref_slice %dma_wait3A_37[%dma_wait3A_38, %dma_wait3A_39] : memref<10240x128xf32, #tpu.memory_space<hbm>> -> memref<10240x128xf32, #tpu.memory_space<hbm>>
    tpu.wait_indirect_dma semaphore(%arg12 : memref<!tpu.dma_semaphore, #tpu.memory_space<semaphore_mem>>) src(%dma_wait3A_40 : memref<10240x128xf32, #tpu.memory_space<hbm>>) dst(%arg9 : memref<128x128xf32, #tpu.memory_space<vmem>>)
    %run_scoped3A = arith.constant 38 : i32
    "tpu.region"() ({
      %run_scoped3A_258 = tpu.sem_alloc : memref<!tpu.dma_semaphore, #tpu.memory_space<semaphore_mem>>
      %dma_start3A_259 = arith.constant 0 : i32
      %dma_start3A_260 = tpu.memref_slice %arg8[%run_scoped3A, %dma_start3A_259] : memref<40x128xi32, #tpu.memory_space<vmem>> -> memref<1x128xi32, #tpu.memory_space<vmem>>
      %dma_start3A_261 = tpu.memref_squeeze %dma_start3A_260 : memref<1x128xi32, #tpu.memory_space<vmem>> -> memref<128xi32, #tpu.memory_space<vmem>>
      %dma_start3A_262 = arith.constant 0 : i32
      %dma_start3A_263 = arith.constant 0 : i32
      %dma_start3A_264 = tpu.memref_slice %arg11[%dma_start3A_262, %dma_start3A_263] : memref<10240x128xf32, #tpu.memory_space<vmem_shared>> -> memref<10240x128xf32, #tpu.memory_space<vmem_shared>>
      tpu.enqueue_indirect_dma source(%arg9 : memref<128x128xf32, #tpu.memory_space<vmem>>) target(%dma_start3A_264 : memref<10240x128xf32, #tpu.memory_space<vmem_shared>>) offsets(%dma_start3A_261 : memref<128xi32, #tpu.memory_space<vmem>>) semaphore(%run_scoped3A_258 : memref<!tpu.dma_semaphore, #tpu.memory_space<semaphore_mem>>) {add = true}
      %dma_wait3A_265 = arith.constant 0 : i32
      %dma_wait3A_266 = tpu.memref_slice %arg8[%run_scoped3A, %dma_wait3A_265] : memref<40x128xi32, #tpu.memory_space<vmem>> -> memref<1x128xi32, #tpu.memory_space<vmem>>
      %dma_wait3A_267 = tpu.memref_squeeze %dma_wait3A_266 : memref<1x128xi32, #tpu.memory_space<vmem>> -> memref<128xi32, #tpu.memory_space<vmem>>
      %dma_wait3A_268 = arith.constant 0 : i32
      %dma_wait3A_269 = arith.constant 0 : i32
      %dma_wait3A_270 = tpu.memref_slice %arg11[%dma_wait3A_268, %dma_wait3A_269] : memref<10240x128xf32, #tpu.memory_space<vmem_shared>> -> memref<10240x128xf32, #tpu.memory_space<vmem_shared>>
      tpu.wait_indirect_dma semaphore(%run_scoped3A_258 : memref<!tpu.dma_semaphore, #tpu.memory_space<semaphore_mem>>) src(%arg9 : memref<128x128xf32, #tpu.memory_space<vmem>>) dst(%dma_wait3A_270 : memref<10240x128xf32, #tpu.memory_space<vmem_shared>>)
      tpu.yield
    }) : () -> ()
    %dma_wait3A_41 = arith.constant 0 : i32
    %dma_wait3A_42 = arith.constant 39 : i32
    %dma_wait3A_43 = arith.constant 0 : i32
    %dma_wait3A_44 = tpu.memref_slice %arg7[%dma_wait3A_42, %dma_wait3A_43] : memref<40x128xi32, #tpu.memory_space<vmem>> -> memref<1x128xi32, #tpu.memory_space<vmem>>
    %dma_wait3A_45 = tpu.memref_squeeze %dma_wait3A_44 : memref<1x128xi32, #tpu.memory_space<vmem>> -> memref<128xi32, #tpu.memory_space<vmem>>
    %dma_wait3A_46 = arith.constant 0 : i32
    %dma_wait3A_47 = arith.constant 0 : i32
    %dma_wait3A_48 = tpu.memref_slice %arg2[%dma_wait3A_41, %dma_wait3A_46, %dma_wait3A_47] : memref<4x10240x128xf32, #tpu.memory_space<hbm>> -> memref<1x10240x128xf32, #tpu.memory_space<hbm>>
    %dma_wait3A_49 = tpu.memref_squeeze %dma_wait3A_48 : memref<1x10240x128xf32, #tpu.memory_space<hbm>> -> memref<10240x128xf32, #tpu.memory_space<hbm>>
    %dma_wait3A_50 = arith.constant 0 : i32
    %dma_wait3A_51 = arith.constant 0 : i32
    %dma_wait3A_52 = tpu.memref_slice %dma_wait3A_49[%dma_wait3A_50, %dma_wait3A_51] : memref<10240x128xf32, #tpu.memory_space<hbm>> -> memref<10240x128xf32, #tpu.memory_space<hbm>>
    tpu.wait_indirect_dma semaphore(%arg13 : memref<!tpu.dma_semaphore, #tpu.memory_space<semaphore_mem>>) src(%dma_wait3A_52 : memref<10240x128xf32, #tpu.memory_space<hbm>>) dst(%arg10 : memref<128x128xf32, #tpu.memory_space<vmem>>)
    %run_scoped3A_53 = arith.constant 39 : i32
    "tpu.region"() ({
      %run_scoped3A_258 = tpu.sem_alloc : memref<!tpu.dma_semaphore, #tpu.memory_space<semaphore_mem>>
      %dma_start3A_259 = arith.constant 0 : i32
      %dma_start3A_260 = tpu.memref_slice %arg8[%run_scoped3A_53, %dma_start3A_259] : memref<40x128xi32, #tpu.memory_space<vmem>> -> memref<1x128xi32, #tpu.memory_space<vmem>>
      %dma_start3A_261 = tpu.memref_squeeze %dma_start3A_260 : memref<1x128xi32, #tpu.memory_space<vmem>> -> memref<128xi32, #tpu.memory_space<vmem>>
      %dma_start3A_262 = arith.constant 0 : i32
      %dma_start3A_263 = arith.constant 0 : i32
      %dma_start3A_264 = tpu.memref_slice %arg11[%dma_start3A_262, %dma_start3A_263] : memref<10240x128xf32, #tpu.memory_space<vmem_shared>> -> memref<10240x128xf32, #tpu.memory_space<vmem_shared>>
      tpu.enqueue_indirect_dma source(%arg10 : memref<128x128xf32, #tpu.memory_space<vmem>>) target(%dma_start3A_264 : memref<10240x128xf32, #tpu.memory_space<vmem_shared>>) offsets(%dma_start3A_261 : memref<128xi32, #tpu.memory_space<vmem>>) semaphore(%run_scoped3A_258 : memref<!tpu.dma_semaphore, #tpu.memory_space<semaphore_mem>>) {add = true}
      %dma_wait3A_265 = arith.constant 0 : i32
      %dma_wait3A_266 = tpu.memref_slice %arg8[%run_scoped3A_53, %dma_wait3A_265] : memref<40x128xi32, #tpu.memory_space<vmem>> -> memref<1x128xi32, #tpu.memory_space<vmem>>
      %dma_wait3A_267 = tpu.memref_squeeze %dma_wait3A_266 : memref<1x128xi32, #tpu.memory_space<vmem>> -> memref<128xi32, #tpu.memory_space<vmem>>
      %dma_wait3A_268 = arith.constant 0 : i32
      %dma_wait3A_269 = arith.constant 0 : i32
      %dma_wait3A_270 = tpu.memref_slice %arg11[%dma_wait3A_268, %dma_wait3A_269] : memref<10240x128xf32, #tpu.memory_space<vmem_shared>> -> memref<10240x128xf32, #tpu.memory_space<vmem_shared>>
      tpu.wait_indirect_dma semaphore(%run_scoped3A_258 : memref<!tpu.dma_semaphore, #tpu.memory_space<semaphore_mem>>) src(%arg10 : memref<128x128xf32, #tpu.memory_space<vmem>>) dst(%dma_wait3A_270 : memref<10240x128xf32, #tpu.memory_space<vmem_shared>>)
      tpu.yield
    }) : () -> ()
    %barrier3A_54 = arith.constant 0 : index
    tpu.barrier barrier_id(%barrier3A_54)
    %mul3A_55 = arith.constant 640 : i32
    %mul3A_56 = arith.muli %arg1, %mul3A_55 : i32
    %mul3A_57 = arith.constant 640 : i32
    %mul3A_58 = arith.muli %arg1, %mul3A_57 : i32
    %run_scoped3A_59 = arith.constant 0 : i32
    "tpu.region"() ({
      %run_scoped3A_258 = tpu.sem_alloc : memref<!tpu.dma_semaphore, #tpu.memory_space<semaphore_mem>>
      %dma_start3A_259 = arith.constant 0 : i32
      %dma_start3A_260 = tpu.memref_slice %arg6[%arg0, %run_scoped3A_59, %mul3A_58, %dma_start3A_259] : memref<2x4x10240x128xf32, #tpu.memory_space<hbm>> -> memref<1x1x640x128xf32, #tpu.memory_space<hbm>>
      %dma_start3A_261 = tpu.memref_squeeze %dma_start3A_260 : memref<1x1x640x128xf32, #tpu.memory_space<hbm>> -> memref<640x128xf32, #tpu.memory_space<hbm>>
      %dma_start3A_262 = arith.constant 0 : i32
      %dma_start3A_263 = tpu.memref_slice %arg11[%mul3A_56, %dma_start3A_262] : memref<10240x128xf32, #tpu.memory_space<vmem_shared>> -> memref<640x128xf32, #tpu.memory_space<vmem_shared>>
      tpu.enqueue_dma source(%dma_start3A_263 : memref<640x128xf32, #tpu.memory_space<vmem_shared>>) target(%dma_start3A_261 : memref<640x128xf32, #tpu.memory_space<hbm>>) target_semaphore(%run_scoped3A_258 : memref<!tpu.dma_semaphore, #tpu.memory_space<semaphore_mem>>)
      %dma_wait3A_264 = arith.constant 0 : i32
      %dma_wait3A_265 = tpu.memref_slice %arg6[%arg0, %run_scoped3A_59, %mul3A_58, %dma_wait3A_264] : memref<2x4x10240x128xf32, #tpu.memory_space<hbm>> -> memref<1x1x640x128xf32, #tpu.memory_space<hbm>>
      %dma_wait3A_266 = tpu.memref_squeeze %dma_wait3A_265 : memref<1x1x640x128xf32, #tpu.memory_space<hbm>> -> memref<640x128xf32, #tpu.memory_space<hbm>>
      %dma_wait3A_267 = arith.constant 0 : i32
      %dma_wait3A_268 = tpu.memref_slice %arg11[%mul3A_56, %dma_wait3A_267] : memref<10240x128xf32, #tpu.memory_space<vmem_shared>> -> memref<640x128xf32, #tpu.memory_space<vmem_shared>>
      tpu.wait_dma2 semaphore(%run_scoped3A_258 : memref<!tpu.dma_semaphore, #tpu.memory_space<semaphore_mem>>) src(%dma_wait3A_268 : memref<640x128xf32, #tpu.memory_space<vmem_shared>>) dst(%dma_wait3A_266 : memref<640x128xf32, #tpu.memory_space<hbm>>)
      tpu.yield
    }) : () -> ()
    %mul3A_60 = arith.constant 640 : i32
    %mul3A_61 = arith.muli %arg1, %mul3A_60 : i32
    "tpu.region"() ({
      %run_scoped3A_258 = tpu.sem_alloc : memref<!tpu.dma_semaphore, #tpu.memory_space<semaphore_mem>>
      %dma_start3A_259 = arith.constant 0 : i32
      %dma_start3A_260 = tpu.memref_slice %arg11[%mul3A_61, %dma_start3A_259] : memref<10240x128xf32, #tpu.memory_space<vmem_shared>> -> memref<640x128xf32, #tpu.memory_space<vmem_shared>>
      tpu.enqueue_dma source(%arg5 : memref<640x128xf32, #tpu.memory_space<hbm>>) target(%dma_start3A_260 : memref<640x128xf32, #tpu.memory_space<vmem_shared>>) target_semaphore(%run_scoped3A_258 : memref<!tpu.dma_semaphore, #tpu.memory_space<semaphore_mem>>)
      %dma_wait3A_261 = arith.constant 0 : i32
      %dma_wait3A_262 = tpu.memref_slice %arg11[%mul3A_61, %dma_wait3A_261] : memref<10240x128xf32, #tpu.memory_space<vmem_shared>> -> memref<640x128xf32, #tpu.memory_space<vmem_shared>>
      tpu.wait_dma2 semaphore(%run_scoped3A_258 : memref<!tpu.dma_semaphore, #tpu.memory_space<semaphore_mem>>) src(%arg5 : memref<640x128xf32, #tpu.memory_space<hbm>>) dst(%dma_wait3A_262 : memref<640x128xf32, #tpu.memory_space<vmem_shared>>)
      tpu.yield
    }) : () -> ()
    %barrier3A_62 = arith.constant 0 : index
    tpu.barrier barrier_id(%barrier3A_62)
    %dma_start3A_63 = arith.constant 1 : i32
    %dma_start3A_64 = arith.constant 0 : i32
    %dma_start3A_65 = arith.constant 0 : i32
    %dma_start3A_66 = tpu.memref_slice %arg7[%dma_start3A_64, %dma_start3A_65] : memref<40x128xi32, #tpu.memory_space<vmem>> -> memref<1x128xi32, #tpu.memory_space<vmem>>
    %dma_start3A_67 = tpu.memref_squeeze %dma_start3A_66 : memref<1x128xi32, #tpu.memory_space<vmem>> -> memref<128xi32, #tpu.memory_space<vmem>>
    %dma_start3A_68 = arith.constant 0 : i32
    %dma_start3A_69 = arith.constant 0 : i32
    %dma_start3A_70 = tpu.memref_slice %arg2[%dma_start3A_63, %dma_start3A_68, %dma_start3A_69] : memref<4x10240x128xf32, #tpu.memory_space<hbm>> -> memref<1x10240x128xf32, #tpu.memory_space<hbm>>
    %dma_start3A_71 = tpu.memref_squeeze %dma_start3A_70 : memref<1x10240x128xf32, #tpu.memory_space<hbm>> -> memref<10240x128xf32, #tpu.memory_space<hbm>>
    %dma_start3A_72 = arith.constant 0 : i32
    %dma_start3A_73 = arith.constant 0 : i32
    %dma_start3A_74 = tpu.memref_slice %dma_start3A_71[%dma_start3A_72, %dma_start3A_73] : memref<10240x128xf32, #tpu.memory_space<hbm>> -> memref<10240x128xf32, #tpu.memory_space<hbm>>
    tpu.enqueue_indirect_dma source(%dma_start3A_74 : memref<10240x128xf32, #tpu.memory_space<hbm>>) target(%arg9 : memref<128x128xf32, #tpu.memory_space<vmem>>) offsets(%dma_start3A_67 : memref<128xi32, #tpu.memory_space<vmem>>) semaphore(%arg12 : memref<!tpu.dma_semaphore, #tpu.memory_space<semaphore_mem>>)
    %dma_start3A_75 = arith.constant 1 : i32
    %dma_start3A_76 = arith.constant 1 : i32
    %dma_start3A_77 = arith.constant 0 : i32
    %dma_start3A_78 = tpu.memref_slice %arg7[%dma_start3A_76, %dma_start3A_77] : memref<40x128xi32, #tpu.memory_space<vmem>> -> memref<1x128xi32, #tpu.memory_space<vmem>>
    %dma_start3A_79 = tpu.memref_squeeze %dma_start3A_78 : memref<1x128xi32, #tpu.memory_space<vmem>> -> memref<128xi32, #tpu.memory_space<vmem>>
    %dma_start3A_80 = arith.constant 0 : i32
    %dma_start3A_81 = arith.constant 0 : i32
    %dma_start3A_82 = tpu.memref_slice %arg2[%dma_start3A_75, %dma_start3A_80, %dma_start3A_81] : memref<4x10240x128xf32, #tpu.memory_space<hbm>> -> memref<1x10240x128xf32, #tpu.memory_space<hbm>>
    %dma_start3A_83 = tpu.memref_squeeze %dma_start3A_82 : memref<1x10240x128xf32, #tpu.memory_space<hbm>> -> memref<10240x128xf32, #tpu.memory_space<hbm>>
    %dma_start3A_84 = arith.constant 0 : i32
    %dma_start3A_85 = arith.constant 0 : i32
    %dma_start3A_86 = tpu.memref_slice %dma_start3A_83[%dma_start3A_84, %dma_start3A_85] : memref<10240x128xf32, #tpu.memory_space<hbm>> -> memref<10240x128xf32, #tpu.memory_space<hbm>>
    tpu.enqueue_indirect_dma source(%dma_start3A_86 : memref<10240x128xf32, #tpu.memory_space<hbm>>) target(%arg10 : memref<128x128xf32, #tpu.memory_space<vmem>>) offsets(%dma_start3A_79 : memref<128xi32, #tpu.memory_space<vmem>>) semaphore(%arg13 : memref<!tpu.dma_semaphore, #tpu.memory_space<semaphore_mem>>)
    %scan3A_87 = arith.constant 0 : i32
    %scan3A_88 = arith.constant 1 : i32
    %scan3A_89 = arith.constant 0 : i32
    %scan3A_90 = arith.constant 19 : i32
    %scan3A_91 = arith.addi %scan3A_89, %scan3A_90 : i32
    %scan3A_92 = arith.constant 1 : i32
    scf.for %scan3A_258 = %scan3A_89 to %scan3A_91 step %scan3A_92  : i32 {
      %mul3A_259 = arith.constant 2 : i32
      %mul3A_260 = arith.muli %scan3A_258, %mul3A_259 : i32
      %add3A = arith.constant 0 : i32
      %add3A_261 = arith.addi %mul3A_260, %add3A : i32
      %dma_wait3A_262 = arith.constant 0 : i32
      %dma_wait3A_263 = tpu.memref_slice %arg7[%add3A_261, %dma_wait3A_262] : memref<40x128xi32, #tpu.memory_space<vmem>> -> memref<1x128xi32, #tpu.memory_space<vmem>>
      %dma_wait3A_264 = tpu.memref_squeeze %dma_wait3A_263 : memref<1x128xi32, #tpu.memory_space<vmem>> -> memref<128xi32, #tpu.memory_space<vmem>>
      %dma_wait3A_265 = arith.constant 0 : i32
      %dma_wait3A_266 = arith.constant 0 : i32
      %dma_wait3A_267 = tpu.memref_slice %arg2[%scan3A_88, %dma_wait3A_265, %dma_wait3A_266] : memref<4x10240x128xf32, #tpu.memory_space<hbm>> -> memref<1x10240x128xf32, #tpu.memory_space<hbm>>
      %dma_wait3A_268 = tpu.memref_squeeze %dma_wait3A_267 : memref<1x10240x128xf32, #tpu.memory_space<hbm>> -> memref<10240x128xf32, #tpu.memory_space<hbm>>
      %dma_wait3A_269 = arith.constant 0 : i32
      %dma_wait3A_270 = arith.constant 0 : i32
      %dma_wait3A_271 = tpu.memref_slice %dma_wait3A_268[%dma_wait3A_269, %dma_wait3A_270] : memref<10240x128xf32, #tpu.memory_space<hbm>> -> memref<10240x128xf32, #tpu.memory_space<hbm>>
      tpu.wait_indirect_dma semaphore(%arg12 : memref<!tpu.dma_semaphore, #tpu.memory_space<semaphore_mem>>) src(%dma_wait3A_271 : memref<10240x128xf32, #tpu.memory_space<hbm>>) dst(%arg9 : memref<128x128xf32, #tpu.memory_space<vmem>>)
      "tpu.region"() ({
        %run_scoped3A_310 = tpu.sem_alloc : memref<!tpu.dma_semaphore, #tpu.memory_space<semaphore_mem>>
        %dma_start3A_311 = arith.constant 0 : i32
        %dma_start3A_312 = tpu.memref_slice %arg8[%add3A_261, %dma_start3A_311] : memref<40x128xi32, #tpu.memory_space<vmem>> -> memref<1x128xi32, #tpu.memory_space<vmem>>
        %dma_start3A_313 = tpu.memref_squeeze %dma_start3A_312 : memref<1x128xi32, #tpu.memory_space<vmem>> -> memref<128xi32, #tpu.memory_space<vmem>>
        %dma_start3A_314 = arith.constant 0 : i32
        %dma_start3A_315 = arith.constant 0 : i32
        %dma_start3A_316 = tpu.memref_slice %arg11[%dma_start3A_314, %dma_start3A_315] : memref<10240x128xf32, #tpu.memory_space<vmem_shared>> -> memref<10240x128xf32, #tpu.memory_space<vmem_shared>>
        tpu.enqueue_indirect_dma source(%arg9 : memref<128x128xf32, #tpu.memory_space<vmem>>) target(%dma_start3A_316 : memref<10240x128xf32, #tpu.memory_space<vmem_shared>>) offsets(%dma_start3A_313 : memref<128xi32, #tpu.memory_space<vmem>>) semaphore(%run_scoped3A_310 : memref<!tpu.dma_semaphore, #tpu.memory_space<semaphore_mem>>) {add = true}
        %dma_wait3A_317 = arith.constant 0 : i32
        %dma_wait3A_318 = tpu.memref_slice %arg8[%add3A_261, %dma_wait3A_317] : memref<40x128xi32, #tpu.memory_space<vmem>> -> memref<1x128xi32, #tpu.memory_space<vmem>>
        %dma_wait3A_319 = tpu.memref_squeeze %dma_wait3A_318 : memref<1x128xi32, #tpu.memory_space<vmem>> -> memref<128xi32, #tpu.memory_space<vmem>>
        %dma_wait3A_320 = arith.constant 0 : i32
        %dma_wait3A_321 = arith.constant 0 : i32
        %dma_wait3A_322 = tpu.memref_slice %arg11[%dma_wait3A_320, %dma_wait3A_321] : memref<10240x128xf32, #tpu.memory_space<vmem_shared>> -> memref<10240x128xf32, #tpu.memory_space<vmem_shared>>
        tpu.wait_indirect_dma semaphore(%run_scoped3A_310 : memref<!tpu.dma_semaphore, #tpu.memory_space<semaphore_mem>>) src(%arg9 : memref<128x128xf32, #tpu.memory_space<vmem>>) dst(%dma_wait3A_322 : memref<10240x128xf32, #tpu.memory_space<vmem_shared>>)
        tpu.yield
      }) : () -> ()
      %add3A_272 = arith.constant 2 : i32
      %add3A_273 = arith.addi %add3A_261, %add3A_272 : i32
      %dma_start3A_274 = arith.constant 0 : i32
      %dma_start3A_275 = tpu.memref_slice %arg7[%add3A_273, %dma_start3A_274] : memref<40x128xi32, #tpu.memory_space<vmem>> -> memref<1x128xi32, #tpu.memory_space<vmem>>
      %dma_start3A_276 = tpu.memref_squeeze %dma_start3A_275 : memref<1x128xi32, #tpu.memory_space<vmem>> -> memref<128xi32, #tpu.memory_space<vmem>>
      %dma_start3A_277 = arith.constant 0 : i32
      %dma_start3A_278 = arith.constant 0 : i32
      %dma_start3A_279 = tpu.memref_slice %arg2[%scan3A_88, %dma_start3A_277, %dma_start3A_278] : memref<4x10240x128xf32, #tpu.memory_space<hbm>> -> memref<1x10240x128xf32, #tpu.memory_space<hbm>>
      %dma_start3A_280 = tpu.memref_squeeze %dma_start3A_279 : memref<1x10240x128xf32, #tpu.memory_space<hbm>> -> memref<10240x128xf32, #tpu.memory_space<hbm>>
      %dma_start3A_281 = arith.constant 0 : i32
      %dma_start3A_282 = arith.constant 0 : i32
      %dma_start3A_283 = tpu.memref_slice %dma_start3A_280[%dma_start3A_281, %dma_start3A_282] : memref<10240x128xf32, #tpu.memory_space<hbm>> -> memref<10240x128xf32, #tpu.memory_space<hbm>>
      tpu.enqueue_indirect_dma source(%dma_start3A_283 : memref<10240x128xf32, #tpu.memory_space<hbm>>) target(%arg9 : memref<128x128xf32, #tpu.memory_space<vmem>>) offsets(%dma_start3A_276 : memref<128xi32, #tpu.memory_space<vmem>>) semaphore(%arg12 : memref<!tpu.dma_semaphore, #tpu.memory_space<semaphore_mem>>)
      %mul3A_284 = arith.constant 2 : i32
      %mul3A_285 = arith.muli %scan3A_258, %mul3A_284 : i32
      %add3A_286 = arith.constant 1 : i32
      %add3A_287 = arith.addi %mul3A_285, %add3A_286 : i32
      %dma_wait3A_288 = arith.constant 0 : i32
      %dma_wait3A_289 = tpu.memref_slice %arg7[%add3A_287, %dma_wait3A_288] : memref<40x128xi32, #tpu.memory_space<vmem>> -> memref<1x128xi32, #tpu.memory_space<vmem>>
      %dma_wait3A_290 = tpu.memref_squeeze %dma_wait3A_289 : memref<1x128xi32, #tpu.memory_space<vmem>> -> memref<128xi32, #tpu.memory_space<vmem>>
      %dma_wait3A_291 = arith.constant 0 : i32
      %dma_wait3A_292 = arith.constant 0 : i32
      %dma_wait3A_293 = tpu.memref_slice %arg2[%scan3A_88, %dma_wait3A_291, %dma_wait3A_292] : memref<4x10240x128xf32, #tpu.memory_space<hbm>> -> memref<1x10240x128xf32, #tpu.memory_space<hbm>>
      %dma_wait3A_294 = tpu.memref_squeeze %dma_wait3A_293 : memref<1x10240x128xf32, #tpu.memory_space<hbm>> -> memref<10240x128xf32, #tpu.memory_space<hbm>>
      %dma_wait3A_295 = arith.constant 0 : i32
      %dma_wait3A_296 = arith.constant 0 : i32
      %dma_wait3A_297 = tpu.memref_slice %dma_wait3A_294[%dma_wait3A_295, %dma_wait3A_296] : memref<10240x128xf32, #tpu.memory_space<hbm>> -> memref<10240x128xf32, #tpu.memory_space<hbm>>
      tpu.wait_indirect_dma semaphore(%arg13 : memref<!tpu.dma_semaphore, #tpu.memory_space<semaphore_mem>>) src(%dma_wait3A_297 : memref<10240x128xf32, #tpu.memory_space<hbm>>) dst(%arg10 : memref<128x128xf32, #tpu.memory_space<vmem>>)
      "tpu.region"() ({
        %run_scoped3A_310 = tpu.sem_alloc : memref<!tpu.dma_semaphore, #tpu.memory_space<semaphore_mem>>
        %dma_start3A_311 = arith.constant 0 : i32
        %dma_start3A_312 = tpu.memref_slice %arg8[%add3A_287, %dma_start3A_311] : memref<40x128xi32, #tpu.memory_space<vmem>> -> memref<1x128xi32, #tpu.memory_space<vmem>>
        %dma_start3A_313 = tpu.memref_squeeze %dma_start3A_312 : memref<1x128xi32, #tpu.memory_space<vmem>> -> memref<128xi32, #tpu.memory_space<vmem>>
        %dma_start3A_314 = arith.constant 0 : i32
        %dma_start3A_315 = arith.constant 0 : i32
        %dma_start3A_316 = tpu.memref_slice %arg11[%dma_start3A_314, %dma_start3A_315] : memref<10240x128xf32, #tpu.memory_space<vmem_shared>> -> memref<10240x128xf32, #tpu.memory_space<vmem_shared>>
        tpu.enqueue_indirect_dma source(%arg10 : memref<128x128xf32, #tpu.memory_space<vmem>>) target(%dma_start3A_316 : memref<10240x128xf32, #tpu.memory_space<vmem_shared>>) offsets(%dma_start3A_313 : memref<128xi32, #tpu.memory_space<vmem>>) semaphore(%run_scoped3A_310 : memref<!tpu.dma_semaphore, #tpu.memory_space<semaphore_mem>>) {add = true}
        %dma_wait3A_317 = arith.constant 0 : i32
        %dma_wait3A_318 = tpu.memref_slice %arg8[%add3A_287, %dma_wait3A_317] : memref<40x128xi32, #tpu.memory_space<vmem>> -> memref<1x128xi32, #tpu.memory_space<vmem>>
        %dma_wait3A_319 = tpu.memref_squeeze %dma_wait3A_318 : memref<1x128xi32, #tpu.memory_space<vmem>> -> memref<128xi32, #tpu.memory_space<vmem>>
        %dma_wait3A_320 = arith.constant 0 : i32
        %dma_wait3A_321 = arith.constant 0 : i32
        %dma_wait3A_322 = tpu.memref_slice %arg11[%dma_wait3A_320, %dma_wait3A_321] : memref<10240x128xf32, #tpu.memory_space<vmem_shared>> -> memref<10240x128xf32, #tpu.memory_space<vmem_shared>>
        tpu.wait_indirect_dma semaphore(%run_scoped3A_310 : memref<!tpu.dma_semaphore, #tpu.memory_space<semaphore_mem>>) src(%arg10 : memref<128x128xf32, #tpu.memory_space<vmem>>) dst(%dma_wait3A_322 : memref<10240x128xf32, #tpu.memory_space<vmem_shared>>)
        tpu.yield
      }) : () -> ()
      %add3A_298 = arith.constant 2 : i32
      %add3A_299 = arith.addi %add3A_287, %add3A_298 : i32
      %dma_start3A_300 = arith.constant 0 : i32
      %dma_start3A_301 = tpu.memref_slice %arg7[%add3A_299, %dma_start3A_300] : memref<40x128xi32, #tpu.memory_space<vmem>> -> memref<1x128xi32, #tpu.memory_space<vmem>>
      %dma_start3A_302 = tpu.memref_squeeze %dma_start3A_301 : memref<1x128xi32, #tpu.memory_space<vmem>> -> memref<128xi32, #tpu.memory_space<vmem>>
      %dma_start3A_303 = arith.constant 0 : i32
      %dma_start3A_304 = arith.constant 0 : i32
      %dma_start3A_305 = tpu.memref_slice %arg2[%scan3A_88, %dma_start3A_303, %dma_start3A_304] : memref<4x10240x128xf32, #tpu.memory_space<hbm>> -> memref<1x10240x128xf32, #tpu.memory_space<hbm>>
      %dma_start3A_306 = tpu.memref_squeeze %dma_start3A_305 : memref<1x10240x128xf32, #tpu.memory_space<hbm>> -> memref<10240x128xf32, #tpu.memory_space<hbm>>
      %dma_start3A_307 = arith.constant 0 : i32
      %dma_start3A_308 = arith.constant 0 : i32
      %dma_start3A_309 = tpu.memref_slice %dma_start3A_306[%dma_start3A_307, %dma_start3A_308] : memref<10240x128xf32, #tpu.memory_space<hbm>> -> memref<10240x128xf32, #tpu.memory_space<hbm>>
      tpu.enqueue_indirect_dma source(%dma_start3A_309 : memref<10240x128xf32, #tpu.memory_space<hbm>>) target(%arg10 : memref<128x128xf32, #tpu.memory_space<vmem>>) offsets(%dma_start3A_302 : memref<128xi32, #tpu.memory_space<vmem>>) semaphore(%arg13 : memref<!tpu.dma_semaphore, #tpu.memory_space<semaphore_mem>>)
    }
    %scan3A_93 = arith.constant 19 : i32
    %dma_wait3A_94 = arith.constant 1 : i32
    %dma_wait3A_95 = arith.constant 38 : i32
    %dma_wait3A_96 = arith.constant 0 : i32
    %dma_wait3A_97 = tpu.memref_slice %arg7[%dma_wait3A_95, %dma_wait3A_96] : memref<40x128xi32, #tpu.memory_space<vmem>> -> memref<1x128xi32, #tpu.memory_space<vmem>>
    %dma_wait3A_98 = tpu.memref_squeeze %dma_wait3A_97 : memref<1x128xi32, #tpu.memory_space<vmem>> -> memref<128xi32, #tpu.memory_space<vmem>>
    %dma_wait3A_99 = arith.constant 0 : i32
    %dma_wait3A_100 = arith.constant 0 : i32
    %dma_wait3A_101 = tpu.memref_slice %arg2[%dma_wait3A_94, %dma_wait3A_99, %dma_wait3A_100] : memref<4x10240x128xf32, #tpu.memory_space<hbm>> -> memref<1x10240x128xf32, #tpu.memory_space<hbm>>
    %dma_wait3A_102 = tpu.memref_squeeze %dma_wait3A_101 : memref<1x10240x128xf32, #tpu.memory_space<hbm>> -> memref<10240x128xf32, #tpu.memory_space<hbm>>
    %dma_wait3A_103 = arith.constant 0 : i32
    %dma_wait3A_104 = arith.constant 0 : i32
    %dma_wait3A_105 = tpu.memref_slice %dma_wait3A_102[%dma_wait3A_103, %dma_wait3A_104] : memref<10240x128xf32, #tpu.memory_space<hbm>> -> memref<10240x128xf32, #tpu.memory_space<hbm>>
    tpu.wait_indirect_dma semaphore(%arg12 : memref<!tpu.dma_semaphore, #tpu.memory_space<semaphore_mem>>) src(%dma_wait3A_105 : memref<10240x128xf32, #tpu.memory_space<hbm>>) dst(%arg9 : memref<128x128xf32, #tpu.memory_space<vmem>>)
    %run_scoped3A_106 = arith.constant 38 : i32
    "tpu.region"() ({
      %run_scoped3A_258 = tpu.sem_alloc : memref<!tpu.dma_semaphore, #tpu.memory_space<semaphore_mem>>
      %dma_start3A_259 = arith.constant 0 : i32
      %dma_start3A_260 = tpu.memref_slice %arg8[%run_scoped3A_106, %dma_start3A_259] : memref<40x128xi32, #tpu.memory_space<vmem>> -> memref<1x128xi32, #tpu.memory_space<vmem>>
      %dma_start3A_261 = tpu.memref_squeeze %dma_start3A_260 : memref<1x128xi32, #tpu.memory_space<vmem>> -> memref<128xi32, #tpu.memory_space<vmem>>
      %dma_start3A_262 = arith.constant 0 : i32
      %dma_start3A_263 = arith.constant 0 : i32
      %dma_start3A_264 = tpu.memref_slice %arg11[%dma_start3A_262, %dma_start3A_263] : memref<10240x128xf32, #tpu.memory_space<vmem_shared>> -> memref<10240x128xf32, #tpu.memory_space<vmem_shared>>
      tpu.enqueue_indirect_dma source(%arg9 : memref<128x128xf32, #tpu.memory_space<vmem>>) target(%dma_start3A_264 : memref<10240x128xf32, #tpu.memory_space<vmem_shared>>) offsets(%dma_start3A_261 : memref<128xi32, #tpu.memory_space<vmem>>) semaphore(%run_scoped3A_258 : memref<!tpu.dma_semaphore, #tpu.memory_space<semaphore_mem>>) {add = true}
      %dma_wait3A_265 = arith.constant 0 : i32
      %dma_wait3A_266 = tpu.memref_slice %arg8[%run_scoped3A_106, %dma_wait3A_265] : memref<40x128xi32, #tpu.memory_space<vmem>> -> memref<1x128xi32, #tpu.memory_space<vmem>>
      %dma_wait3A_267 = tpu.memref_squeeze %dma_wait3A_266 : memref<1x128xi32, #tpu.memory_space<vmem>> -> memref<128xi32, #tpu.memory_space<vmem>>
      %dma_wait3A_268 = arith.constant 0 : i32
      %dma_wait3A_269 = arith.constant 0 : i32
      %dma_wait3A_270 = tpu.memref_slice %arg11[%dma_wait3A_268, %dma_wait3A_269] : memref<10240x128xf32, #tpu.memory_space<vmem_shared>> -> memref<10240x128xf32, #tpu.memory_space<vmem_shared>>
      tpu.wait_indirect_dma semaphore(%run_scoped3A_258 : memref<!tpu.dma_semaphore, #tpu.memory_space<semaphore_mem>>) src(%arg9 : memref<128x128xf32, #tpu.memory_space<vmem>>) dst(%dma_wait3A_270 : memref<10240x128xf32, #tpu.memory_space<vmem_shared>>)
      tpu.yield
    }) : () -> ()
    %dma_wait3A_107 = arith.constant 1 : i32
    %dma_wait3A_108 = arith.constant 39 : i32
    %dma_wait3A_109 = arith.constant 0 : i32
    %dma_wait3A_110 = tpu.memref_slice %arg7[%dma_wait3A_108, %dma_wait3A_109] : memref<40x128xi32, #tpu.memory_space<vmem>> -> memref<1x128xi32, #tpu.memory_space<vmem>>
    %dma_wait3A_111 = tpu.memref_squeeze %dma_wait3A_110 : memref<1x128xi32, #tpu.memory_space<vmem>> -> memref<128xi32, #tpu.memory_space<vmem>>
    %dma_wait3A_112 = arith.constant 0 : i32
    %dma_wait3A_113 = arith.constant 0 : i32
    %dma_wait3A_114 = tpu.memref_slice %arg2[%dma_wait3A_107, %dma_wait3A_112, %dma_wait3A_113] : memref<4x10240x128xf32, #tpu.memory_space<hbm>> -> memref<1x10240x128xf32, #tpu.memory_space<hbm>>
    %dma_wait3A_115 = tpu.memref_squeeze %dma_wait3A_114 : memref<1x10240x128xf32, #tpu.memory_space<hbm>> -> memref<10240x128xf32, #tpu.memory_space<hbm>>
    %dma_wait3A_116 = arith.constant 0 : i32
    %dma_wait3A_117 = arith.constant 0 : i32
    %dma_wait3A_118 = tpu.memref_slice %dma_wait3A_115[%dma_wait3A_116, %dma_wait3A_117] : memref<10240x128xf32, #tpu.memory_space<hbm>> -> memref<10240x128xf32, #tpu.memory_space<hbm>>
    tpu.wait_indirect_dma semaphore(%arg13 : memref<!tpu.dma_semaphore, #tpu.memory_space<semaphore_mem>>) src(%dma_wait3A_118 : memref<10240x128xf32, #tpu.memory_space<hbm>>) dst(%arg10 : memref<128x128xf32, #tpu.memory_space<vmem>>)
    %run_scoped3A_119 = arith.constant 39 : i32
    "tpu.region"() ({
      %run_scoped3A_258 = tpu.sem_alloc : memref<!tpu.dma_semaphore, #tpu.memory_space<semaphore_mem>>
      %dma_start3A_259 = arith.constant 0 : i32
      %dma_start3A_260 = tpu.memref_slice %arg8[%run_scoped3A_119, %dma_start3A_259] : memref<40x128xi32, #tpu.memory_space<vmem>> -> memref<1x128xi32, #tpu.memory_space<vmem>>
      %dma_start3A_261 = tpu.memref_squeeze %dma_start3A_260 : memref<1x128xi32, #tpu.memory_space<vmem>> -> memref<128xi32, #tpu.memory_space<vmem>>
      %dma_start3A_262 = arith.constant 0 : i32
      %dma_start3A_263 = arith.constant 0 : i32
      %dma_start3A_264 = tpu.memref_slice %arg11[%dma_start3A_262, %dma_start3A_263] : memref<10240x128xf32, #tpu.memory_space<vmem_shared>> -> memref<10240x128xf32, #tpu.memory_space<vmem_shared>>
      tpu.enqueue_indirect_dma source(%arg10 : memref<128x128xf32, #tpu.memory_space<vmem>>) target(%dma_start3A_264 : memref<10240x128xf32, #tpu.memory_space<vmem_shared>>) offsets(%dma_start3A_261 : memref<128xi32, #tpu.memory_space<vmem>>) semaphore(%run_scoped3A_258 : memref<!tpu.dma_semaphore, #tpu.memory_space<semaphore_mem>>) {add = true}
      %dma_wait3A_265 = arith.constant 0 : i32
      %dma_wait3A_266 = tpu.memref_slice %arg8[%run_scoped3A_119, %dma_wait3A_265] : memref<40x128xi32, #tpu.memory_space<vmem>> -> memref<1x128xi32, #tpu.memory_space<vmem>>
      %dma_wait3A_267 = tpu.memref_squeeze %dma_wait3A_266 : memref<1x128xi32, #tpu.memory_space<vmem>> -> memref<128xi32, #tpu.memory_space<vmem>>
      %dma_wait3A_268 = arith.constant 0 : i32
      %dma_wait3A_269 = arith.constant 0 : i32
      %dma_wait3A_270 = tpu.memref_slice %arg11[%dma_wait3A_268, %dma_wait3A_269] : memref<10240x128xf32, #tpu.memory_space<vmem_shared>> -> memref<10240x128xf32, #tpu.memory_space<vmem_shared>>
      tpu.wait_indirect_dma semaphore(%run_scoped3A_258 : memref<!tpu.dma_semaphore, #tpu.memory_space<semaphore_mem>>) src(%arg10 : memref<128x128xf32, #tpu.memory_space<vmem>>) dst(%dma_wait3A_270 : memref<10240x128xf32, #tpu.memory_space<vmem_shared>>)
      tpu.yield
    }) : () -> ()
    %barrier3A_120 = arith.constant 0 : index
    tpu.barrier barrier_id(%barrier3A_120)
    %mul3A_121 = arith.constant 640 : i32
    %mul3A_122 = arith.muli %arg1, %mul3A_121 : i32
    %mul3A_123 = arith.constant 640 : i32
    %mul3A_124 = arith.muli %arg1, %mul3A_123 : i32
    %run_scoped3A_125 = arith.constant 1 : i32
    "tpu.region"() ({
      %run_scoped3A_258 = tpu.sem_alloc : memref<!tpu.dma_semaphore, #tpu.memory_space<semaphore_mem>>
      %dma_start3A_259 = arith.constant 0 : i32
      %dma_start3A_260 = tpu.memref_slice %arg6[%arg0, %run_scoped3A_125, %mul3A_124, %dma_start3A_259] : memref<2x4x10240x128xf32, #tpu.memory_space<hbm>> -> memref<1x1x640x128xf32, #tpu.memory_space<hbm>>
      %dma_start3A_261 = tpu.memref_squeeze %dma_start3A_260 : memref<1x1x640x128xf32, #tpu.memory_space<hbm>> -> memref<640x128xf32, #tpu.memory_space<hbm>>
      %dma_start3A_262 = arith.constant 0 : i32
      %dma_start3A_263 = tpu.memref_slice %arg11[%mul3A_122, %dma_start3A_262] : memref<10240x128xf32, #tpu.memory_space<vmem_shared>> -> memref<640x128xf32, #tpu.memory_space<vmem_shared>>
      tpu.enqueue_dma source(%dma_start3A_263 : memref<640x128xf32, #tpu.memory_space<vmem_shared>>) target(%dma_start3A_261 : memref<640x128xf32, #tpu.memory_space<hbm>>) target_semaphore(%run_scoped3A_258 : memref<!tpu.dma_semaphore, #tpu.memory_space<semaphore_mem>>)
      %dma_wait3A_264 = arith.constant 0 : i32
      %dma_wait3A_265 = tpu.memref_slice %arg6[%arg0, %run_scoped3A_125, %mul3A_124, %dma_wait3A_264] : memref<2x4x10240x128xf32, #tpu.memory_space<hbm>> -> memref<1x1x640x128xf32, #tpu.memory_space<hbm>>
      %dma_wait3A_266 = tpu.memref_squeeze %dma_wait3A_265 : memref<1x1x640x128xf32, #tpu.memory_space<hbm>> -> memref<640x128xf32, #tpu.memory_space<hbm>>
      %dma_wait3A_267 = arith.constant 0 : i32
      %dma_wait3A_268 = tpu.memref_slice %arg11[%mul3A_122, %dma_wait3A_267] : memref<10240x128xf32, #tpu.memory_space<vmem_shared>> -> memref<640x128xf32, #tpu.memory_space<vmem_shared>>
      tpu.wait_dma2 semaphore(%run_scoped3A_258 : memref<!tpu.dma_semaphore, #tpu.memory_space<semaphore_mem>>) src(%dma_wait3A_268 : memref<640x128xf32, #tpu.memory_space<vmem_shared>>) dst(%dma_wait3A_266 : memref<640x128xf32, #tpu.memory_space<hbm>>)
      tpu.yield
    }) : () -> ()
    %mul3A_126 = arith.constant 640 : i32
    %mul3A_127 = arith.muli %arg1, %mul3A_126 : i32
    "tpu.region"() ({
      %run_scoped3A_258 = tpu.sem_alloc : memref<!tpu.dma_semaphore, #tpu.memory_space<semaphore_mem>>
      %dma_start3A_259 = arith.constant 0 : i32
      %dma_start3A_260 = tpu.memref_slice %arg11[%mul3A_127, %dma_start3A_259] : memref<10240x128xf32, #tpu.memory_space<vmem_shared>> -> memref<640x128xf32, #tpu.memory_space<vmem_shared>>
      tpu.enqueue_dma source(%arg5 : memref<640x128xf32, #tpu.memory_space<hbm>>) target(%dma_start3A_260 : memref<640x128xf32, #tpu.memory_space<vmem_shared>>) target_semaphore(%run_scoped3A_258 : memref<!tpu.dma_semaphore, #tpu.memory_space<semaphore_mem>>)
      %dma_wait3A_261 = arith.constant 0 : i32
      %dma_wait3A_262 = tpu.memref_slice %arg11[%mul3A_127, %dma_wait3A_261] : memref<10240x128xf32, #tpu.memory_space<vmem_shared>> -> memref<640x128xf32, #tpu.memory_space<vmem_shared>>
      tpu.wait_dma2 semaphore(%run_scoped3A_258 : memref<!tpu.dma_semaphore, #tpu.memory_space<semaphore_mem>>) src(%arg5 : memref<640x128xf32, #tpu.memory_space<hbm>>) dst(%dma_wait3A_262 : memref<640x128xf32, #tpu.memory_space<vmem_shared>>)
      tpu.yield
    }) : () -> ()
    %barrier3A_128 = arith.constant 0 : index
    tpu.barrier barrier_id(%barrier3A_128)
    %dma_start3A_129 = arith.constant 2 : i32
    %dma_start3A_130 = arith.constant 0 : i32
    %dma_start3A_131 = arith.constant 0 : i32
    %dma_start3A_132 = tpu.memref_slice %arg7[%dma_start3A_130, %dma_start3A_131] : memref<40x128xi32, #tpu.memory_space<vmem>> -> memref<1x128xi32, #tpu.memory_space<vmem>>
    %dma_start3A_133 = tpu.memref_squeeze %dma_start3A_132 : memref<1x128xi32, #tpu.memory_space<vmem>> -> memref<128xi32, #tpu.memory_space<vmem>>
    %dma_start3A_134 = arith.constant 0 : i32
    %dma_start3A_135 = arith.constant 0 : i32
    %dma_start3A_136 = tpu.memref_slice %arg2[%dma_start3A_129, %dma_start3A_134, %dma_start3A_135] : memref<4x10240x128xf32, #tpu.memory_space<hbm>> -> memref<1x10240x128xf32, #tpu.memory_space<hbm>>
    %dma_start3A_137 = tpu.memref_squeeze %dma_start3A_136 : memref<1x10240x128xf32, #tpu.memory_space<hbm>> -> memref<10240x128xf32, #tpu.memory_space<hbm>>
    %dma_start3A_138 = arith.constant 0 : i32
    %dma_start3A_139 = arith.constant 0 : i32
    %dma_start3A_140 = tpu.memref_slice %dma_start3A_137[%dma_start3A_138, %dma_start3A_139] : memref<10240x128xf32, #tpu.memory_space<hbm>> -> memref<10240x128xf32, #tpu.memory_space<hbm>>
    tpu.enqueue_indirect_dma source(%dma_start3A_140 : memref<10240x128xf32, #tpu.memory_space<hbm>>) target(%arg9 : memref<128x128xf32, #tpu.memory_space<vmem>>) offsets(%dma_start3A_133 : memref<128xi32, #tpu.memory_space<vmem>>) semaphore(%arg12 : memref<!tpu.dma_semaphore, #tpu.memory_space<semaphore_mem>>)
    %dma_start3A_141 = arith.constant 2 : i32
    %dma_start3A_142 = arith.constant 1 : i32
    %dma_start3A_143 = arith.constant 0 : i32
    %dma_start3A_144 = tpu.memref_slice %arg7[%dma_start3A_142, %dma_start3A_143] : memref<40x128xi32, #tpu.memory_space<vmem>> -> memref<1x128xi32, #tpu.memory_space<vmem>>
    %dma_start3A_145 = tpu.memref_squeeze %dma_start3A_144 : memref<1x128xi32, #tpu.memory_space<vmem>> -> memref<128xi32, #tpu.memory_space<vmem>>
    %dma_start3A_146 = arith.constant 0 : i32
    %dma_start3A_147 = arith.constant 0 : i32
    %dma_start3A_148 = tpu.memref_slice %arg2[%dma_start3A_141, %dma_start3A_146, %dma_start3A_147] : memref<4x10240x128xf32, #tpu.memory_space<hbm>> -> memref<1x10240x128xf32, #tpu.memory_space<hbm>>
    %dma_start3A_149 = tpu.memref_squeeze %dma_start3A_148 : memref<1x10240x128xf32, #tpu.memory_space<hbm>> -> memref<10240x128xf32, #tpu.memory_space<hbm>>
    %dma_start3A_150 = arith.constant 0 : i32
    %dma_start3A_151 = arith.constant 0 : i32
    %dma_start3A_152 = tpu.memref_slice %dma_start3A_149[%dma_start3A_150, %dma_start3A_151] : memref<10240x128xf32, #tpu.memory_space<hbm>> -> memref<10240x128xf32, #tpu.memory_space<hbm>>
    tpu.enqueue_indirect_dma source(%dma_start3A_152 : memref<10240x128xf32, #tpu.memory_space<hbm>>) target(%arg10 : memref<128x128xf32, #tpu.memory_space<vmem>>) offsets(%dma_start3A_145 : memref<128xi32, #tpu.memory_space<vmem>>) semaphore(%arg13 : memref<!tpu.dma_semaphore, #tpu.memory_space<semaphore_mem>>)
    %scan3A_153 = arith.constant 0 : i32
    %scan3A_154 = arith.constant 2 : i32
    %scan3A_155 = arith.constant 0 : i32
    %scan3A_156 = arith.constant 19 : i32
    %scan3A_157 = arith.addi %scan3A_155, %scan3A_156 : i32
    %scan3A_158 = arith.constant 1 : i32
    scf.for %scan3A_258 = %scan3A_155 to %scan3A_157 step %scan3A_158  : i32 {
      %mul3A_259 = arith.constant 2 : i32
      %mul3A_260 = arith.muli %scan3A_258, %mul3A_259 : i32
      %add3A = arith.constant 0 : i32
      %add3A_261 = arith.addi %mul3A_260, %add3A : i32
      %dma_wait3A_262 = arith.constant 0 : i32
      %dma_wait3A_263 = tpu.memref_slice %arg7[%add3A_261, %dma_wait3A_262] : memref<40x128xi32, #tpu.memory_space<vmem>> -> memref<1x128xi32, #tpu.memory_space<vmem>>
      %dma_wait3A_264 = tpu.memref_squeeze %dma_wait3A_263 : memref<1x128xi32, #tpu.memory_space<vmem>> -> memref<128xi32, #tpu.memory_space<vmem>>
      %dma_wait3A_265 = arith.constant 0 : i32
      %dma_wait3A_266 = arith.constant 0 : i32
      %dma_wait3A_267 = tpu.memref_slice %arg2[%scan3A_154, %dma_wait3A_265, %dma_wait3A_266] : memref<4x10240x128xf32, #tpu.memory_space<hbm>> -> memref<1x10240x128xf32, #tpu.memory_space<hbm>>
      %dma_wait3A_268 = tpu.memref_squeeze %dma_wait3A_267 : memref<1x10240x128xf32, #tpu.memory_space<hbm>> -> memref<10240x128xf32, #tpu.memory_space<hbm>>
      %dma_wait3A_269 = arith.constant 0 : i32
      %dma_wait3A_270 = arith.constant 0 : i32
      %dma_wait3A_271 = tpu.memref_slice %dma_wait3A_268[%dma_wait3A_269, %dma_wait3A_270] : memref<10240x128xf32, #tpu.memory_space<hbm>> -> memref<10240x128xf32, #tpu.memory_space<hbm>>
      tpu.wait_indirect_dma semaphore(%arg12 : memref<!tpu.dma_semaphore, #tpu.memory_space<semaphore_mem>>) src(%dma_wait3A_271 : memref<10240x128xf32, #tpu.memory_space<hbm>>) dst(%arg9 : memref<128x128xf32, #tpu.memory_space<vmem>>)
      "tpu.region"() ({
        %run_scoped3A_310 = tpu.sem_alloc : memref<!tpu.dma_semaphore, #tpu.memory_space<semaphore_mem>>
        %dma_start3A_311 = arith.constant 0 : i32
        %dma_start3A_312 = tpu.memref_slice %arg8[%add3A_261, %dma_start3A_311] : memref<40x128xi32, #tpu.memory_space<vmem>> -> memref<1x128xi32, #tpu.memory_space<vmem>>
        %dma_start3A_313 = tpu.memref_squeeze %dma_start3A_312 : memref<1x128xi32, #tpu.memory_space<vmem>> -> memref<128xi32, #tpu.memory_space<vmem>>
        %dma_start3A_314 = arith.constant 0 : i32
        %dma_start3A_315 = arith.constant 0 : i32
        %dma_start3A_316 = tpu.memref_slice %arg11[%dma_start3A_314, %dma_start3A_315] : memref<10240x128xf32, #tpu.memory_space<vmem_shared>> -> memref<10240x128xf32, #tpu.memory_space<vmem_shared>>
        tpu.enqueue_indirect_dma source(%arg9 : memref<128x128xf32, #tpu.memory_space<vmem>>) target(%dma_start3A_316 : memref<10240x128xf32, #tpu.memory_space<vmem_shared>>) offsets(%dma_start3A_313 : memref<128xi32, #tpu.memory_space<vmem>>) semaphore(%run_scoped3A_310 : memref<!tpu.dma_semaphore, #tpu.memory_space<semaphore_mem>>) {add = true}
        %dma_wait3A_317 = arith.constant 0 : i32
        %dma_wait3A_318 = tpu.memref_slice %arg8[%add3A_261, %dma_wait3A_317] : memref<40x128xi32, #tpu.memory_space<vmem>> -> memref<1x128xi32, #tpu.memory_space<vmem>>
        %dma_wait3A_319 = tpu.memref_squeeze %dma_wait3A_318 : memref<1x128xi32, #tpu.memory_space<vmem>> -> memref<128xi32, #tpu.memory_space<vmem>>
        %dma_wait3A_320 = arith.constant 0 : i32
        %dma_wait3A_321 = arith.constant 0 : i32
        %dma_wait3A_322 = tpu.memref_slice %arg11[%dma_wait3A_320, %dma_wait3A_321] : memref<10240x128xf32, #tpu.memory_space<vmem_shared>> -> memref<10240x128xf32, #tpu.memory_space<vmem_shared>>
        tpu.wait_indirect_dma semaphore(%run_scoped3A_310 : memref<!tpu.dma_semaphore, #tpu.memory_space<semaphore_mem>>) src(%arg9 : memref<128x128xf32, #tpu.memory_space<vmem>>) dst(%dma_wait3A_322 : memref<10240x128xf32, #tpu.memory_space<vmem_shared>>)
        tpu.yield
      }) : () -> ()
      %add3A_272 = arith.constant 2 : i32
      %add3A_273 = arith.addi %add3A_261, %add3A_272 : i32
      %dma_start3A_274 = arith.constant 0 : i32
      %dma_start3A_275 = tpu.memref_slice %arg7[%add3A_273, %dma_start3A_274] : memref<40x128xi32, #tpu.memory_space<vmem>> -> memref<1x128xi32, #tpu.memory_space<vmem>>
      %dma_start3A_276 = tpu.memref_squeeze %dma_start3A_275 : memref<1x128xi32, #tpu.memory_space<vmem>> -> memref<128xi32, #tpu.memory_space<vmem>>
      %dma_start3A_277 = arith.constant 0 : i32
      %dma_start3A_278 = arith.constant 0 : i32
      %dma_start3A_279 = tpu.memref_slice %arg2[%scan3A_154, %dma_start3A_277, %dma_start3A_278] : memref<4x10240x128xf32, #tpu.memory_space<hbm>> -> memref<1x10240x128xf32, #tpu.memory_space<hbm>>
      %dma_start3A_280 = tpu.memref_squeeze %dma_start3A_279 : memref<1x10240x128xf32, #tpu.memory_space<hbm>> -> memref<10240x128xf32, #tpu.memory_space<hbm>>
      %dma_start3A_281 = arith.constant 0 : i32
      %dma_start3A_282 = arith.constant 0 : i32
      %dma_start3A_283 = tpu.memref_slice %dma_start3A_280[%dma_start3A_281, %dma_start3A_282] : memref<10240x128xf32, #tpu.memory_space<hbm>> -> memref<10240x128xf32, #tpu.memory_space<hbm>>
      tpu.enqueue_indirect_dma source(%dma_start3A_283 : memref<10240x128xf32, #tpu.memory_space<hbm>>) target(%arg9 : memref<128x128xf32, #tpu.memory_space<vmem>>) offsets(%dma_start3A_276 : memref<128xi32, #tpu.memory_space<vmem>>) semaphore(%arg12 : memref<!tpu.dma_semaphore, #tpu.memory_space<semaphore_mem>>)
      %mul3A_284 = arith.constant 2 : i32
      %mul3A_285 = arith.muli %scan3A_258, %mul3A_284 : i32
      %add3A_286 = arith.constant 1 : i32
      %add3A_287 = arith.addi %mul3A_285, %add3A_286 : i32
      %dma_wait3A_288 = arith.constant 0 : i32
      %dma_wait3A_289 = tpu.memref_slice %arg7[%add3A_287, %dma_wait3A_288] : memref<40x128xi32, #tpu.memory_space<vmem>> -> memref<1x128xi32, #tpu.memory_space<vmem>>
      %dma_wait3A_290 = tpu.memref_squeeze %dma_wait3A_289 : memref<1x128xi32, #tpu.memory_space<vmem>> -> memref<128xi32, #tpu.memory_space<vmem>>
      %dma_wait3A_291 = arith.constant 0 : i32
      %dma_wait3A_292 = arith.constant 0 : i32
      %dma_wait3A_293 = tpu.memref_slice %arg2[%scan3A_154, %dma_wait3A_291, %dma_wait3A_292] : memref<4x10240x128xf32, #tpu.memory_space<hbm>> -> memref<1x10240x128xf32, #tpu.memory_space<hbm>>
      %dma_wait3A_294 = tpu.memref_squeeze %dma_wait3A_293 : memref<1x10240x128xf32, #tpu.memory_space<hbm>> -> memref<10240x128xf32, #tpu.memory_space<hbm>>
      %dma_wait3A_295 = arith.constant 0 : i32
      %dma_wait3A_296 = arith.constant 0 : i32
      %dma_wait3A_297 = tpu.memref_slice %dma_wait3A_294[%dma_wait3A_295, %dma_wait3A_296] : memref<10240x128xf32, #tpu.memory_space<hbm>> -> memref<10240x128xf32, #tpu.memory_space<hbm>>
      tpu.wait_indirect_dma semaphore(%arg13 : memref<!tpu.dma_semaphore, #tpu.memory_space<semaphore_mem>>) src(%dma_wait3A_297 : memref<10240x128xf32, #tpu.memory_space<hbm>>) dst(%arg10 : memref<128x128xf32, #tpu.memory_space<vmem>>)
      "tpu.region"() ({
        %run_scoped3A_310 = tpu.sem_alloc : memref<!tpu.dma_semaphore, #tpu.memory_space<semaphore_mem>>
        %dma_start3A_311 = arith.constant 0 : i32
        %dma_start3A_312 = tpu.memref_slice %arg8[%add3A_287, %dma_start3A_311] : memref<40x128xi32, #tpu.memory_space<vmem>> -> memref<1x128xi32, #tpu.memory_space<vmem>>
        %dma_start3A_313 = tpu.memref_squeeze %dma_start3A_312 : memref<1x128xi32, #tpu.memory_space<vmem>> -> memref<128xi32, #tpu.memory_space<vmem>>
        %dma_start3A_314 = arith.constant 0 : i32
        %dma_start3A_315 = arith.constant 0 : i32
        %dma_start3A_316 = tpu.memref_slice %arg11[%dma_start3A_314, %dma_start3A_315] : memref<10240x128xf32, #tpu.memory_space<vmem_shared>> -> memref<10240x128xf32, #tpu.memory_space<vmem_shared>>
        tpu.enqueue_indirect_dma source(%arg10 : memref<128x128xf32, #tpu.memory_space<vmem>>) target(%dma_start3A_316 : memref<10240x128xf32, #tpu.memory_space<vmem_shared>>) offsets(%dma_start3A_313 : memref<128xi32, #tpu.memory_space<vmem>>) semaphore(%run_scoped3A_310 : memref<!tpu.dma_semaphore, #tpu.memory_space<semaphore_mem>>) {add = true}
        %dma_wait3A_317 = arith.constant 0 : i32
        %dma_wait3A_318 = tpu.memref_slice %arg8[%add3A_287, %dma_wait3A_317] : memref<40x128xi32, #tpu.memory_space<vmem>> -> memref<1x128xi32, #tpu.memory_space<vmem>>
        %dma_wait3A_319 = tpu.memref_squeeze %dma_wait3A_318 : memref<1x128xi32, #tpu.memory_space<vmem>> -> memref<128xi32, #tpu.memory_space<vmem>>
        %dma_wait3A_320 = arith.constant 0 : i32
        %dma_wait3A_321 = arith.constant 0 : i32
        %dma_wait3A_322 = tpu.memref_slice %arg11[%dma_wait3A_320, %dma_wait3A_321] : memref<10240x128xf32, #tpu.memory_space<vmem_shared>> -> memref<10240x128xf32, #tpu.memory_space<vmem_shared>>
        tpu.wait_indirect_dma semaphore(%run_scoped3A_310 : memref<!tpu.dma_semaphore, #tpu.memory_space<semaphore_mem>>) src(%arg10 : memref<128x128xf32, #tpu.memory_space<vmem>>) dst(%dma_wait3A_322 : memref<10240x128xf32, #tpu.memory_space<vmem_shared>>)
        tpu.yield
      }) : () -> ()
      %add3A_298 = arith.constant 2 : i32
      %add3A_299 = arith.addi %add3A_287, %add3A_298 : i32
      %dma_start3A_300 = arith.constant 0 : i32
      %dma_start3A_301 = tpu.memref_slice %arg7[%add3A_299, %dma_start3A_300] : memref<40x128xi32, #tpu.memory_space<vmem>> -> memref<1x128xi32, #tpu.memory_space<vmem>>
      %dma_start3A_302 = tpu.memref_squeeze %dma_start3A_301 : memref<1x128xi32, #tpu.memory_space<vmem>> -> memref<128xi32, #tpu.memory_space<vmem>>
      %dma_start3A_303 = arith.constant 0 : i32
      %dma_start3A_304 = arith.constant 0 : i32
      %dma_start3A_305 = tpu.memref_slice %arg2[%scan3A_154, %dma_start3A_303, %dma_start3A_304] : memref<4x10240x128xf32, #tpu.memory_space<hbm>> -> memref<1x10240x128xf32, #tpu.memory_space<hbm>>
      %dma_start3A_306 = tpu.memref_squeeze %dma_start3A_305 : memref<1x10240x128xf32, #tpu.memory_space<hbm>> -> memref<10240x128xf32, #tpu.memory_space<hbm>>
      %dma_start3A_307 = arith.constant 0 : i32
      %dma_start3A_308 = arith.constant 0 : i32
      %dma_start3A_309 = tpu.memref_slice %dma_start3A_306[%dma_start3A_307, %dma_start3A_308] : memref<10240x128xf32, #tpu.memory_space<hbm>> -> memref<10240x128xf32, #tpu.memory_space<hbm>>
      tpu.enqueue_indirect_dma source(%dma_start3A_309 : memref<10240x128xf32, #tpu.memory_space<hbm>>) target(%arg10 : memref<128x128xf32, #tpu.memory_space<vmem>>) offsets(%dma_start3A_302 : memref<128xi32, #tpu.memory_space<vmem>>) semaphore(%arg13 : memref<!tpu.dma_semaphore, #tpu.memory_space<semaphore_mem>>)
    }
    %scan3A_159 = arith.constant 19 : i32
    %dma_wait3A_160 = arith.constant 2 : i32
    %dma_wait3A_161 = arith.constant 38 : i32
    %dma_wait3A_162 = arith.constant 0 : i32
    %dma_wait3A_163 = tpu.memref_slice %arg7[%dma_wait3A_161, %dma_wait3A_162] : memref<40x128xi32, #tpu.memory_space<vmem>> -> memref<1x128xi32, #tpu.memory_space<vmem>>
    %dma_wait3A_164 = tpu.memref_squeeze %dma_wait3A_163 : memref<1x128xi32, #tpu.memory_space<vmem>> -> memref<128xi32, #tpu.memory_space<vmem>>
    %dma_wait3A_165 = arith.constant 0 : i32
    %dma_wait3A_166 = arith.constant 0 : i32
    %dma_wait3A_167 = tpu.memref_slice %arg2[%dma_wait3A_160, %dma_wait3A_165, %dma_wait3A_166] : memref<4x10240x128xf32, #tpu.memory_space<hbm>> -> memref<1x10240x128xf32, #tpu.memory_space<hbm>>
    %dma_wait3A_168 = tpu.memref_squeeze %dma_wait3A_167 : memref<1x10240x128xf32, #tpu.memory_space<hbm>> -> memref<10240x128xf32, #tpu.memory_space<hbm>>
    %dma_wait3A_169 = arith.constant 0 : i32
    %dma_wait3A_170 = arith.constant 0 : i32
    %dma_wait3A_171 = tpu.memref_slice %dma_wait3A_168[%dma_wait3A_169, %dma_wait3A_170] : memref<10240x128xf32, #tpu.memory_space<hbm>> -> memref<10240x128xf32, #tpu.memory_space<hbm>>
    tpu.wait_indirect_dma semaphore(%arg12 : memref<!tpu.dma_semaphore, #tpu.memory_space<semaphore_mem>>) src(%dma_wait3A_171 : memref<10240x128xf32, #tpu.memory_space<hbm>>) dst(%arg9 : memref<128x128xf32, #tpu.memory_space<vmem>>)
    %run_scoped3A_172 = arith.constant 38 : i32
    "tpu.region"() ({
      %run_scoped3A_258 = tpu.sem_alloc : memref<!tpu.dma_semaphore, #tpu.memory_space<semaphore_mem>>
      %dma_start3A_259 = arith.constant 0 : i32
      %dma_start3A_260 = tpu.memref_slice %arg8[%run_scoped3A_172, %dma_start3A_259] : memref<40x128xi32, #tpu.memory_space<vmem>> -> memref<1x128xi32, #tpu.memory_space<vmem>>
      %dma_start3A_261 = tpu.memref_squeeze %dma_start3A_260 : memref<1x128xi32, #tpu.memory_space<vmem>> -> memref<128xi32, #tpu.memory_space<vmem>>
      %dma_start3A_262 = arith.constant 0 : i32
      %dma_start3A_263 = arith.constant 0 : i32
      %dma_start3A_264 = tpu.memref_slice %arg11[%dma_start3A_262, %dma_start3A_263] : memref<10240x128xf32, #tpu.memory_space<vmem_shared>> -> memref<10240x128xf32, #tpu.memory_space<vmem_shared>>
      tpu.enqueue_indirect_dma source(%arg9 : memref<128x128xf32, #tpu.memory_space<vmem>>) target(%dma_start3A_264 : memref<10240x128xf32, #tpu.memory_space<vmem_shared>>) offsets(%dma_start3A_261 : memref<128xi32, #tpu.memory_space<vmem>>) semaphore(%run_scoped3A_258 : memref<!tpu.dma_semaphore, #tpu.memory_space<semaphore_mem>>) {add = true}
      %dma_wait3A_265 = arith.constant 0 : i32
      %dma_wait3A_266 = tpu.memref_slice %arg8[%run_scoped3A_172, %dma_wait3A_265] : memref<40x128xi32, #tpu.memory_space<vmem>> -> memref<1x128xi32, #tpu.memory_space<vmem>>
      %dma_wait3A_267 = tpu.memref_squeeze %dma_wait3A_266 : memref<1x128xi32, #tpu.memory_space<vmem>> -> memref<128xi32, #tpu.memory_space<vmem>>
      %dma_wait3A_268 = arith.constant 0 : i32
      %dma_wait3A_269 = arith.constant 0 : i32
      %dma_wait3A_270 = tpu.memref_slice %arg11[%dma_wait3A_268, %dma_wait3A_269] : memref<10240x128xf32, #tpu.memory_space<vmem_shared>> -> memref<10240x128xf32, #tpu.memory_space<vmem_shared>>
      tpu.wait_indirect_dma semaphore(%run_scoped3A_258 : memref<!tpu.dma_semaphore, #tpu.memory_space<semaphore_mem>>) src(%arg9 : memref<128x128xf32, #tpu.memory_space<vmem>>) dst(%dma_wait3A_270 : memref<10240x128xf32, #tpu.memory_space<vmem_shared>>)
      tpu.yield
    }) : () -> ()
    %dma_wait3A_173 = arith.constant 2 : i32
    %dma_wait3A_174 = arith.constant 39 : i32
    %dma_wait3A_175 = arith.constant 0 : i32
    %dma_wait3A_176 = tpu.memref_slice %arg7[%dma_wait3A_174, %dma_wait3A_175] : memref<40x128xi32, #tpu.memory_space<vmem>> -> memref<1x128xi32, #tpu.memory_space<vmem>>
    %dma_wait3A_177 = tpu.memref_squeeze %dma_wait3A_176 : memref<1x128xi32, #tpu.memory_space<vmem>> -> memref<128xi32, #tpu.memory_space<vmem>>
    %dma_wait3A_178 = arith.constant 0 : i32
    %dma_wait3A_179 = arith.constant 0 : i32
    %dma_wait3A_180 = tpu.memref_slice %arg2[%dma_wait3A_173, %dma_wait3A_178, %dma_wait3A_179] : memref<4x10240x128xf32, #tpu.memory_space<hbm>> -> memref<1x10240x128xf32, #tpu.memory_space<hbm>>
    %dma_wait3A_181 = tpu.memref_squeeze %dma_wait3A_180 : memref<1x10240x128xf32, #tpu.memory_space<hbm>> -> memref<10240x128xf32, #tpu.memory_space<hbm>>
    %dma_wait3A_182 = arith.constant 0 : i32
    %dma_wait3A_183 = arith.constant 0 : i32
    %dma_wait3A_184 = tpu.memref_slice %dma_wait3A_181[%dma_wait3A_182, %dma_wait3A_183] : memref<10240x128xf32, #tpu.memory_space<hbm>> -> memref<10240x128xf32, #tpu.memory_space<hbm>>
    tpu.wait_indirect_dma semaphore(%arg13 : memref<!tpu.dma_semaphore, #tpu.memory_space<semaphore_mem>>) src(%dma_wait3A_184 : memref<10240x128xf32, #tpu.memory_space<hbm>>) dst(%arg10 : memref<128x128xf32, #tpu.memory_space<vmem>>)
    %run_scoped3A_185 = arith.constant 39 : i32
    "tpu.region"() ({
      %run_scoped3A_258 = tpu.sem_alloc : memref<!tpu.dma_semaphore, #tpu.memory_space<semaphore_mem>>
      %dma_start3A_259 = arith.constant 0 : i32
      %dma_start3A_260 = tpu.memref_slice %arg8[%run_scoped3A_185, %dma_start3A_259] : memref<40x128xi32, #tpu.memory_space<vmem>> -> memref<1x128xi32, #tpu.memory_space<vmem>>
      %dma_start3A_261 = tpu.memref_squeeze %dma_start3A_260 : memref<1x128xi32, #tpu.memory_space<vmem>> -> memref<128xi32, #tpu.memory_space<vmem>>
      %dma_start3A_262 = arith.constant 0 : i32
      %dma_start3A_263 = arith.constant 0 : i32
      %dma_start3A_264 = tpu.memref_slice %arg11[%dma_start3A_262, %dma_start3A_263] : memref<10240x128xf32, #tpu.memory_space<vmem_shared>> -> memref<10240x128xf32, #tpu.memory_space<vmem_shared>>
      tpu.enqueue_indirect_dma source(%arg10 : memref<128x128xf32, #tpu.memory_space<vmem>>) target(%dma_start3A_264 : memref<10240x128xf32, #tpu.memory_space<vmem_shared>>) offsets(%dma_start3A_261 : memref<128xi32, #tpu.memory_space<vmem>>) semaphore(%run_scoped3A_258 : memref<!tpu.dma_semaphore, #tpu.memory_space<semaphore_mem>>) {add = true}
      %dma_wait3A_265 = arith.constant 0 : i32
      %dma_wait3A_266 = tpu.memref_slice %arg8[%run_scoped3A_185, %dma_wait3A_265] : memref<40x128xi32, #tpu.memory_space<vmem>> -> memref<1x128xi32, #tpu.memory_space<vmem>>
      %dma_wait3A_267 = tpu.memref_squeeze %dma_wait3A_266 : memref<1x128xi32, #tpu.memory_space<vmem>> -> memref<128xi32, #tpu.memory_space<vmem>>
      %dma_wait3A_268 = arith.constant 0 : i32
      %dma_wait3A_269 = arith.constant 0 : i32
      %dma_wait3A_270 = tpu.memref_slice %arg11[%dma_wait3A_268, %dma_wait3A_269] : memref<10240x128xf32, #tpu.memory_space<vmem_shared>> -> memref<10240x128xf32, #tpu.memory_space<vmem_shared>>
      tpu.wait_indirect_dma semaphore(%run_scoped3A_258 : memref<!tpu.dma_semaphore, #tpu.memory_space<semaphore_mem>>) src(%arg10 : memref<128x128xf32, #tpu.memory_space<vmem>>) dst(%dma_wait3A_270 : memref<10240x128xf32, #tpu.memory_space<vmem_shared>>)
      tpu.yield
    }) : () -> ()
    %barrier3A_186 = arith.constant 0 : index
    tpu.barrier barrier_id(%barrier3A_186)
    %mul3A_187 = arith.constant 640 : i32
    %mul3A_188 = arith.muli %arg1, %mul3A_187 : i32
    %mul3A_189 = arith.constant 640 : i32
    %mul3A_190 = arith.muli %arg1, %mul3A_189 : i32
    %run_scoped3A_191 = arith.constant 2 : i32
    "tpu.region"() ({
      %run_scoped3A_258 = tpu.sem_alloc : memref<!tpu.dma_semaphore, #tpu.memory_space<semaphore_mem>>
      %dma_start3A_259 = arith.constant 0 : i32
      %dma_start3A_260 = tpu.memref_slice %arg6[%arg0, %run_scoped3A_191, %mul3A_190, %dma_start3A_259] : memref<2x4x10240x128xf32, #tpu.memory_space<hbm>> -> memref<1x1x640x128xf32, #tpu.memory_space<hbm>>
      %dma_start3A_261 = tpu.memref_squeeze %dma_start3A_260 : memref<1x1x640x128xf32, #tpu.memory_space<hbm>> -> memref<640x128xf32, #tpu.memory_space<hbm>>
      %dma_start3A_262 = arith.constant 0 : i32
      %dma_start3A_263 = tpu.memref_slice %arg11[%mul3A_188, %dma_start3A_262] : memref<10240x128xf32, #tpu.memory_space<vmem_shared>> -> memref<640x128xf32, #tpu.memory_space<vmem_shared>>
      tpu.enqueue_dma source(%dma_start3A_263 : memref<640x128xf32, #tpu.memory_space<vmem_shared>>) target(%dma_start3A_261 : memref<640x128xf32, #tpu.memory_space<hbm>>) target_semaphore(%run_scoped3A_258 : memref<!tpu.dma_semaphore, #tpu.memory_space<semaphore_mem>>)
      %dma_wait3A_264 = arith.constant 0 : i32
      %dma_wait3A_265 = tpu.memref_slice %arg6[%arg0, %run_scoped3A_191, %mul3A_190, %dma_wait3A_264] : memref<2x4x10240x128xf32, #tpu.memory_space<hbm>> -> memref<1x1x640x128xf32, #tpu.memory_space<hbm>>
      %dma_wait3A_266 = tpu.memref_squeeze %dma_wait3A_265 : memref<1x1x640x128xf32, #tpu.memory_space<hbm>> -> memref<640x128xf32, #tpu.memory_space<hbm>>
      %dma_wait3A_267 = arith.constant 0 : i32
      %dma_wait3A_268 = tpu.memref_slice %arg11[%mul3A_188, %dma_wait3A_267] : memref<10240x128xf32, #tpu.memory_space<vmem_shared>> -> memref<640x128xf32, #tpu.memory_space<vmem_shared>>
      tpu.wait_dma2 semaphore(%run_scoped3A_258 : memref<!tpu.dma_semaphore, #tpu.memory_space<semaphore_mem>>) src(%dma_wait3A_268 : memref<640x128xf32, #tpu.memory_space<vmem_shared>>) dst(%dma_wait3A_266 : memref<640x128xf32, #tpu.memory_space<hbm>>)
      tpu.yield
    }) : () -> ()
    %mul3A_192 = arith.constant 640 : i32
    %mul3A_193 = arith.muli %arg1, %mul3A_192 : i32
    "tpu.region"() ({
      %run_scoped3A_258 = tpu.sem_alloc : memref<!tpu.dma_semaphore, #tpu.memory_space<semaphore_mem>>
      %dma_start3A_259 = arith.constant 0 : i32
      %dma_start3A_260 = tpu.memref_slice %arg11[%mul3A_193, %dma_start3A_259] : memref<10240x128xf32, #tpu.memory_space<vmem_shared>> -> memref<640x128xf32, #tpu.memory_space<vmem_shared>>
      tpu.enqueue_dma source(%arg5 : memref<640x128xf32, #tpu.memory_space<hbm>>) target(%dma_start3A_260 : memref<640x128xf32, #tpu.memory_space<vmem_shared>>) target_semaphore(%run_scoped3A_258 : memref<!tpu.dma_semaphore, #tpu.memory_space<semaphore_mem>>)
      %dma_wait3A_261 = arith.constant 0 : i32
      %dma_wait3A_262 = tpu.memref_slice %arg11[%mul3A_193, %dma_wait3A_261] : memref<10240x128xf32, #tpu.memory_space<vmem_shared>> -> memref<640x128xf32, #tpu.memory_space<vmem_shared>>
      tpu.wait_dma2 semaphore(%run_scoped3A_258 : memref<!tpu.dma_semaphore, #tpu.memory_space<semaphore_mem>>) src(%arg5 : memref<640x128xf32, #tpu.memory_space<hbm>>) dst(%dma_wait3A_262 : memref<640x128xf32, #tpu.memory_space<vmem_shared>>)
      tpu.yield
    }) : () -> ()
    %barrier3A_194 = arith.constant 0 : index
    tpu.barrier barrier_id(%barrier3A_194)
    %dma_start3A_195 = arith.constant 3 : i32
    %dma_start3A_196 = arith.constant 0 : i32
    %dma_start3A_197 = arith.constant 0 : i32
    %dma_start3A_198 = tpu.memref_slice %arg7[%dma_start3A_196, %dma_start3A_197] : memref<40x128xi32, #tpu.memory_space<vmem>> -> memref<1x128xi32, #tpu.memory_space<vmem>>
    %dma_start3A_199 = tpu.memref_squeeze %dma_start3A_198 : memref<1x128xi32, #tpu.memory_space<vmem>> -> memref<128xi32, #tpu.memory_space<vmem>>
    %dma_start3A_200 = arith.constant 0 : i32
    %dma_start3A_201 = arith.constant 0 : i32
    %dma_start3A_202 = tpu.memref_slice %arg2[%dma_start3A_195, %dma_start3A_200, %dma_start3A_201] : memref<4x10240x128xf32, #tpu.memory_space<hbm>> -> memref<1x10240x128xf32, #tpu.memory_space<hbm>>
    %dma_start3A_203 = tpu.memref_squeeze %dma_start3A_202 : memref<1x10240x128xf32, #tpu.memory_space<hbm>> -> memref<10240x128xf32, #tpu.memory_space<hbm>>
    %dma_start3A_204 = arith.constant 0 : i32
    %dma_start3A_205 = arith.constant 0 : i32
    %dma_start3A_206 = tpu.memref_slice %dma_start3A_203[%dma_start3A_204, %dma_start3A_205] : memref<10240x128xf32, #tpu.memory_space<hbm>> -> memref<10240x128xf32, #tpu.memory_space<hbm>>
    tpu.enqueue_indirect_dma source(%dma_start3A_206 : memref<10240x128xf32, #tpu.memory_space<hbm>>) target(%arg9 : memref<128x128xf32, #tpu.memory_space<vmem>>) offsets(%dma_start3A_199 : memref<128xi32, #tpu.memory_space<vmem>>) semaphore(%arg12 : memref<!tpu.dma_semaphore, #tpu.memory_space<semaphore_mem>>)
    %dma_start3A_207 = arith.constant 3 : i32
    %dma_start3A_208 = arith.constant 1 : i32
    %dma_start3A_209 = arith.constant 0 : i32
    %dma_start3A_210 = tpu.memref_slice %arg7[%dma_start3A_208, %dma_start3A_209] : memref<40x128xi32, #tpu.memory_space<vmem>> -> memref<1x128xi32, #tpu.memory_space<vmem>>
    %dma_start3A_211 = tpu.memref_squeeze %dma_start3A_210 : memref<1x128xi32, #tpu.memory_space<vmem>> -> memref<128xi32, #tpu.memory_space<vmem>>
    %dma_start3A_212 = arith.constant 0 : i32
    %dma_start3A_213 = arith.constant 0 : i32
    %dma_start3A_214 = tpu.memref_slice %arg2[%dma_start3A_207, %dma_start3A_212, %dma_start3A_213] : memref<4x10240x128xf32, #tpu.memory_space<hbm>> -> memref<1x10240x128xf32, #tpu.memory_space<hbm>>
    %dma_start3A_215 = tpu.memref_squeeze %dma_start3A_214 : memref<1x10240x128xf32, #tpu.memory_space<hbm>> -> memref<10240x128xf32, #tpu.memory_space<hbm>>
    %dma_start3A_216 = arith.constant 0 : i32
    %dma_start3A_217 = arith.constant 0 : i32
    %dma_start3A_218 = tpu.memref_slice %dma_start3A_215[%dma_start3A_216, %dma_start3A_217] : memref<10240x128xf32, #tpu.memory_space<hbm>> -> memref<10240x128xf32, #tpu.memory_space<hbm>>
    tpu.enqueue_indirect_dma source(%dma_start3A_218 : memref<10240x128xf32, #tpu.memory_space<hbm>>) target(%arg10 : memref<128x128xf32, #tpu.memory_space<vmem>>) offsets(%dma_start3A_211 : memref<128xi32, #tpu.memory_space<vmem>>) semaphore(%arg13 : memref<!tpu.dma_semaphore, #tpu.memory_space<semaphore_mem>>)
    %scan3A_219 = arith.constant 0 : i32
    %scan3A_220 = arith.constant 3 : i32
    %scan3A_221 = arith.constant 0 : i32
    %scan3A_222 = arith.constant 19 : i32
    %scan3A_223 = arith.addi %scan3A_221, %scan3A_222 : i32
    %scan3A_224 = arith.constant 1 : i32
    scf.for %scan3A_258 = %scan3A_221 to %scan3A_223 step %scan3A_224  : i32 {
      %mul3A_259 = arith.constant 2 : i32
      %mul3A_260 = arith.muli %scan3A_258, %mul3A_259 : i32
      %add3A = arith.constant 0 : i32
      %add3A_261 = arith.addi %mul3A_260, %add3A : i32
      %dma_wait3A_262 = arith.constant 0 : i32
      %dma_wait3A_263 = tpu.memref_slice %arg7[%add3A_261, %dma_wait3A_262] : memref<40x128xi32, #tpu.memory_space<vmem>> -> memref<1x128xi32, #tpu.memory_space<vmem>>
      %dma_wait3A_264 = tpu.memref_squeeze %dma_wait3A_263 : memref<1x128xi32, #tpu.memory_space<vmem>> -> memref<128xi32, #tpu.memory_space<vmem>>
      %dma_wait3A_265 = arith.constant 0 : i32
      %dma_wait3A_266 = arith.constant 0 : i32
      %dma_wait3A_267 = tpu.memref_slice %arg2[%scan3A_220, %dma_wait3A_265, %dma_wait3A_266] : memref<4x10240x128xf32, #tpu.memory_space<hbm>> -> memref<1x10240x128xf32, #tpu.memory_space<hbm>>
      %dma_wait3A_268 = tpu.memref_squeeze %dma_wait3A_267 : memref<1x10240x128xf32, #tpu.memory_space<hbm>> -> memref<10240x128xf32, #tpu.memory_space<hbm>>
      %dma_wait3A_269 = arith.constant 0 : i32
      %dma_wait3A_270 = arith.constant 0 : i32
      %dma_wait3A_271 = tpu.memref_slice %dma_wait3A_268[%dma_wait3A_269, %dma_wait3A_270] : memref<10240x128xf32, #tpu.memory_space<hbm>> -> memref<10240x128xf32, #tpu.memory_space<hbm>>
      tpu.wait_indirect_dma semaphore(%arg12 : memref<!tpu.dma_semaphore, #tpu.memory_space<semaphore_mem>>) src(%dma_wait3A_271 : memref<10240x128xf32, #tpu.memory_space<hbm>>) dst(%arg9 : memref<128x128xf32, #tpu.memory_space<vmem>>)
      "tpu.region"() ({
        %run_scoped3A_310 = tpu.sem_alloc : memref<!tpu.dma_semaphore, #tpu.memory_space<semaphore_mem>>
        %dma_start3A_311 = arith.constant 0 : i32
        %dma_start3A_312 = tpu.memref_slice %arg8[%add3A_261, %dma_start3A_311] : memref<40x128xi32, #tpu.memory_space<vmem>> -> memref<1x128xi32, #tpu.memory_space<vmem>>
        %dma_start3A_313 = tpu.memref_squeeze %dma_start3A_312 : memref<1x128xi32, #tpu.memory_space<vmem>> -> memref<128xi32, #tpu.memory_space<vmem>>
        %dma_start3A_314 = arith.constant 0 : i32
        %dma_start3A_315 = arith.constant 0 : i32
        %dma_start3A_316 = tpu.memref_slice %arg11[%dma_start3A_314, %dma_start3A_315] : memref<10240x128xf32, #tpu.memory_space<vmem_shared>> -> memref<10240x128xf32, #tpu.memory_space<vmem_shared>>
        tpu.enqueue_indirect_dma source(%arg9 : memref<128x128xf32, #tpu.memory_space<vmem>>) target(%dma_start3A_316 : memref<10240x128xf32, #tpu.memory_space<vmem_shared>>) offsets(%dma_start3A_313 : memref<128xi32, #tpu.memory_space<vmem>>) semaphore(%run_scoped3A_310 : memref<!tpu.dma_semaphore, #tpu.memory_space<semaphore_mem>>) {add = true}
        %dma_wait3A_317 = arith.constant 0 : i32
        %dma_wait3A_318 = tpu.memref_slice %arg8[%add3A_261, %dma_wait3A_317] : memref<40x128xi32, #tpu.memory_space<vmem>> -> memref<1x128xi32, #tpu.memory_space<vmem>>
        %dma_wait3A_319 = tpu.memref_squeeze %dma_wait3A_318 : memref<1x128xi32, #tpu.memory_space<vmem>> -> memref<128xi32, #tpu.memory_space<vmem>>
        %dma_wait3A_320 = arith.constant 0 : i32
        %dma_wait3A_321 = arith.constant 0 : i32
        %dma_wait3A_322 = tpu.memref_slice %arg11[%dma_wait3A_320, %dma_wait3A_321] : memref<10240x128xf32, #tpu.memory_space<vmem_shared>> -> memref<10240x128xf32, #tpu.memory_space<vmem_shared>>
        tpu.wait_indirect_dma semaphore(%run_scoped3A_310 : memref<!tpu.dma_semaphore, #tpu.memory_space<semaphore_mem>>) src(%arg9 : memref<128x128xf32, #tpu.memory_space<vmem>>) dst(%dma_wait3A_322 : memref<10240x128xf32, #tpu.memory_space<vmem_shared>>)
        tpu.yield
      }) : () -> ()
      %add3A_272 = arith.constant 2 : i32
      %add3A_273 = arith.addi %add3A_261, %add3A_272 : i32
      %dma_start3A_274 = arith.constant 0 : i32
      %dma_start3A_275 = tpu.memref_slice %arg7[%add3A_273, %dma_start3A_274] : memref<40x128xi32, #tpu.memory_space<vmem>> -> memref<1x128xi32, #tpu.memory_space<vmem>>
      %dma_start3A_276 = tpu.memref_squeeze %dma_start3A_275 : memref<1x128xi32, #tpu.memory_space<vmem>> -> memref<128xi32, #tpu.memory_space<vmem>>
      %dma_start3A_277 = arith.constant 0 : i32
      %dma_start3A_278 = arith.constant 0 : i32
      %dma_start3A_279 = tpu.memref_slice %arg2[%scan3A_220, %dma_start3A_277, %dma_start3A_278] : memref<4x10240x128xf32, #tpu.memory_space<hbm>> -> memref<1x10240x128xf32, #tpu.memory_space<hbm>>
      %dma_start3A_280 = tpu.memref_squeeze %dma_start3A_279 : memref<1x10240x128xf32, #tpu.memory_space<hbm>> -> memref<10240x128xf32, #tpu.memory_space<hbm>>
      %dma_start3A_281 = arith.constant 0 : i32
      %dma_start3A_282 = arith.constant 0 : i32
      %dma_start3A_283 = tpu.memref_slice %dma_start3A_280[%dma_start3A_281, %dma_start3A_282] : memref<10240x128xf32, #tpu.memory_space<hbm>> -> memref<10240x128xf32, #tpu.memory_space<hbm>>
      tpu.enqueue_indirect_dma source(%dma_start3A_283 : memref<10240x128xf32, #tpu.memory_space<hbm>>) target(%arg9 : memref<128x128xf32, #tpu.memory_space<vmem>>) offsets(%dma_start3A_276 : memref<128xi32, #tpu.memory_space<vmem>>) semaphore(%arg12 : memref<!tpu.dma_semaphore, #tpu.memory_space<semaphore_mem>>)
      %mul3A_284 = arith.constant 2 : i32
      %mul3A_285 = arith.muli %scan3A_258, %mul3A_284 : i32
      %add3A_286 = arith.constant 1 : i32
      %add3A_287 = arith.addi %mul3A_285, %add3A_286 : i32
      %dma_wait3A_288 = arith.constant 0 : i32
      %dma_wait3A_289 = tpu.memref_slice %arg7[%add3A_287, %dma_wait3A_288] : memref<40x128xi32, #tpu.memory_space<vmem>> -> memref<1x128xi32, #tpu.memory_space<vmem>>
      %dma_wait3A_290 = tpu.memref_squeeze %dma_wait3A_289 : memref<1x128xi32, #tpu.memory_space<vmem>> -> memref<128xi32, #tpu.memory_space<vmem>>
      %dma_wait3A_291 = arith.constant 0 : i32
      %dma_wait3A_292 = arith.constant 0 : i32
      %dma_wait3A_293 = tpu.memref_slice %arg2[%scan3A_220, %dma_wait3A_291, %dma_wait3A_292] : memref<4x10240x128xf32, #tpu.memory_space<hbm>> -> memref<1x10240x128xf32, #tpu.memory_space<hbm>>
      %dma_wait3A_294 = tpu.memref_squeeze %dma_wait3A_293 : memref<1x10240x128xf32, #tpu.memory_space<hbm>> -> memref<10240x128xf32, #tpu.memory_space<hbm>>
      %dma_wait3A_295 = arith.constant 0 : i32
      %dma_wait3A_296 = arith.constant 0 : i32
      %dma_wait3A_297 = tpu.memref_slice %dma_wait3A_294[%dma_wait3A_295, %dma_wait3A_296] : memref<10240x128xf32, #tpu.memory_space<hbm>> -> memref<10240x128xf32, #tpu.memory_space<hbm>>
      tpu.wait_indirect_dma semaphore(%arg13 : memref<!tpu.dma_semaphore, #tpu.memory_space<semaphore_mem>>) src(%dma_wait3A_297 : memref<10240x128xf32, #tpu.memory_space<hbm>>) dst(%arg10 : memref<128x128xf32, #tpu.memory_space<vmem>>)
      "tpu.region"() ({
        %run_scoped3A_310 = tpu.sem_alloc : memref<!tpu.dma_semaphore, #tpu.memory_space<semaphore_mem>>
        %dma_start3A_311 = arith.constant 0 : i32
        %dma_start3A_312 = tpu.memref_slice %arg8[%add3A_287, %dma_start3A_311] : memref<40x128xi32, #tpu.memory_space<vmem>> -> memref<1x128xi32, #tpu.memory_space<vmem>>
        %dma_start3A_313 = tpu.memref_squeeze %dma_start3A_312 : memref<1x128xi32, #tpu.memory_space<vmem>> -> memref<128xi32, #tpu.memory_space<vmem>>
        %dma_start3A_314 = arith.constant 0 : i32
        %dma_start3A_315 = arith.constant 0 : i32
        %dma_start3A_316 = tpu.memref_slice %arg11[%dma_start3A_314, %dma_start3A_315] : memref<10240x128xf32, #tpu.memory_space<vmem_shared>> -> memref<10240x128xf32, #tpu.memory_space<vmem_shared>>
        tpu.enqueue_indirect_dma source(%arg10 : memref<128x128xf32, #tpu.memory_space<vmem>>) target(%dma_start3A_316 : memref<10240x128xf32, #tpu.memory_space<vmem_shared>>) offsets(%dma_start3A_313 : memref<128xi32, #tpu.memory_space<vmem>>) semaphore(%run_scoped3A_310 : memref<!tpu.dma_semaphore, #tpu.memory_space<semaphore_mem>>) {add = true}
        %dma_wait3A_317 = arith.constant 0 : i32
        %dma_wait3A_318 = tpu.memref_slice %arg8[%add3A_287, %dma_wait3A_317] : memref<40x128xi32, #tpu.memory_space<vmem>> -> memref<1x128xi32, #tpu.memory_space<vmem>>
        %dma_wait3A_319 = tpu.memref_squeeze %dma_wait3A_318 : memref<1x128xi32, #tpu.memory_space<vmem>> -> memref<128xi32, #tpu.memory_space<vmem>>
        %dma_wait3A_320 = arith.constant 0 : i32
        %dma_wait3A_321 = arith.constant 0 : i32
        %dma_wait3A_322 = tpu.memref_slice %arg11[%dma_wait3A_320, %dma_wait3A_321] : memref<10240x128xf32, #tpu.memory_space<vmem_shared>> -> memref<10240x128xf32, #tpu.memory_space<vmem_shared>>
        tpu.wait_indirect_dma semaphore(%run_scoped3A_310 : memref<!tpu.dma_semaphore, #tpu.memory_space<semaphore_mem>>) src(%arg10 : memref<128x128xf32, #tpu.memory_space<vmem>>) dst(%dma_wait3A_322 : memref<10240x128xf32, #tpu.memory_space<vmem_shared>>)
        tpu.yield
      }) : () -> ()
      %add3A_298 = arith.constant 2 : i32
      %add3A_299 = arith.addi %add3A_287, %add3A_298 : i32
      %dma_start3A_300 = arith.constant 0 : i32
      %dma_start3A_301 = tpu.memref_slice %arg7[%add3A_299, %dma_start3A_300] : memref<40x128xi32, #tpu.memory_space<vmem>> -> memref<1x128xi32, #tpu.memory_space<vmem>>
      %dma_start3A_302 = tpu.memref_squeeze %dma_start3A_301 : memref<1x128xi32, #tpu.memory_space<vmem>> -> memref<128xi32, #tpu.memory_space<vmem>>
      %dma_start3A_303 = arith.constant 0 : i32
      %dma_start3A_304 = arith.constant 0 : i32
      %dma_start3A_305 = tpu.memref_slice %arg2[%scan3A_220, %dma_start3A_303, %dma_start3A_304] : memref<4x10240x128xf32, #tpu.memory_space<hbm>> -> memref<1x10240x128xf32, #tpu.memory_space<hbm>>
      %dma_start3A_306 = tpu.memref_squeeze %dma_start3A_305 : memref<1x10240x128xf32, #tpu.memory_space<hbm>> -> memref<10240x128xf32, #tpu.memory_space<hbm>>
      %dma_start3A_307 = arith.constant 0 : i32
      %dma_start3A_308 = arith.constant 0 : i32
      %dma_start3A_309 = tpu.memref_slice %dma_start3A_306[%dma_start3A_307, %dma_start3A_308] : memref<10240x128xf32, #tpu.memory_space<hbm>> -> memref<10240x128xf32, #tpu.memory_space<hbm>>
      tpu.enqueue_indirect_dma source(%dma_start3A_309 : memref<10240x128xf32, #tpu.memory_space<hbm>>) target(%arg10 : memref<128x128xf32, #tpu.memory_space<vmem>>) offsets(%dma_start3A_302 : memref<128xi32, #tpu.memory_space<vmem>>) semaphore(%arg13 : memref<!tpu.dma_semaphore, #tpu.memory_space<semaphore_mem>>)
    }
    %scan3A_225 = arith.constant 19 : i32
    %dma_wait3A_226 = arith.constant 3 : i32
    %dma_wait3A_227 = arith.constant 38 : i32
    %dma_wait3A_228 = arith.constant 0 : i32
    %dma_wait3A_229 = tpu.memref_slice %arg7[%dma_wait3A_227, %dma_wait3A_228] : memref<40x128xi32, #tpu.memory_space<vmem>> -> memref<1x128xi32, #tpu.memory_space<vmem>>
    %dma_wait3A_230 = tpu.memref_squeeze %dma_wait3A_229 : memref<1x128xi32, #tpu.memory_space<vmem>> -> memref<128xi32, #tpu.memory_space<vmem>>
    %dma_wait3A_231 = arith.constant 0 : i32
    %dma_wait3A_232 = arith.constant 0 : i32
    %dma_wait3A_233 = tpu.memref_slice %arg2[%dma_wait3A_226, %dma_wait3A_231, %dma_wait3A_232] : memref<4x10240x128xf32, #tpu.memory_space<hbm>> -> memref<1x10240x128xf32, #tpu.memory_space<hbm>>
    %dma_wait3A_234 = tpu.memref_squeeze %dma_wait3A_233 : memref<1x10240x128xf32, #tpu.memory_space<hbm>> -> memref<10240x128xf32, #tpu.memory_space<hbm>>
    %dma_wait3A_235 = arith.constant 0 : i32
    %dma_wait3A_236 = arith.constant 0 : i32
    %dma_wait3A_237 = tpu.memref_slice %dma_wait3A_234[%dma_wait3A_235, %dma_wait3A_236] : memref<10240x128xf32, #tpu.memory_space<hbm>> -> memref<10240x128xf32, #tpu.memory_space<hbm>>
    tpu.wait_indirect_dma semaphore(%arg12 : memref<!tpu.dma_semaphore, #tpu.memory_space<semaphore_mem>>) src(%dma_wait3A_237 : memref<10240x128xf32, #tpu.memory_space<hbm>>) dst(%arg9 : memref<128x128xf32, #tpu.memory_space<vmem>>)
    %run_scoped3A_238 = arith.constant 38 : i32
    "tpu.region"() ({
      %run_scoped3A_258 = tpu.sem_alloc : memref<!tpu.dma_semaphore, #tpu.memory_space<semaphore_mem>>
      %dma_start3A_259 = arith.constant 0 : i32
      %dma_start3A_260 = tpu.memref_slice %arg8[%run_scoped3A_238, %dma_start3A_259] : memref<40x128xi32, #tpu.memory_space<vmem>> -> memref<1x128xi32, #tpu.memory_space<vmem>>
      %dma_start3A_261 = tpu.memref_squeeze %dma_start3A_260 : memref<1x128xi32, #tpu.memory_space<vmem>> -> memref<128xi32, #tpu.memory_space<vmem>>
      %dma_start3A_262 = arith.constant 0 : i32
      %dma_start3A_263 = arith.constant 0 : i32
      %dma_start3A_264 = tpu.memref_slice %arg11[%dma_start3A_262, %dma_start3A_263] : memref<10240x128xf32, #tpu.memory_space<vmem_shared>> -> memref<10240x128xf32, #tpu.memory_space<vmem_shared>>
      tpu.enqueue_indirect_dma source(%arg9 : memref<128x128xf32, #tpu.memory_space<vmem>>) target(%dma_start3A_264 : memref<10240x128xf32, #tpu.memory_space<vmem_shared>>) offsets(%dma_start3A_261 : memref<128xi32, #tpu.memory_space<vmem>>) semaphore(%run_scoped3A_258 : memref<!tpu.dma_semaphore, #tpu.memory_space<semaphore_mem>>) {add = true}
      %dma_wait3A_265 = arith.constant 0 : i32
      %dma_wait3A_266 = tpu.memref_slice %arg8[%run_scoped3A_238, %dma_wait3A_265] : memref<40x128xi32, #tpu.memory_space<vmem>> -> memref<1x128xi32, #tpu.memory_space<vmem>>
      %dma_wait3A_267 = tpu.memref_squeeze %dma_wait3A_266 : memref<1x128xi32, #tpu.memory_space<vmem>> -> memref<128xi32, #tpu.memory_space<vmem>>
      %dma_wait3A_268 = arith.constant 0 : i32
      %dma_wait3A_269 = arith.constant 0 : i32
      %dma_wait3A_270 = tpu.memref_slice %arg11[%dma_wait3A_268, %dma_wait3A_269] : memref<10240x128xf32, #tpu.memory_space<vmem_shared>> -> memref<10240x128xf32, #tpu.memory_space<vmem_shared>>
      tpu.wait_indirect_dma semaphore(%run_scoped3A_258 : memref<!tpu.dma_semaphore, #tpu.memory_space<semaphore_mem>>) src(%arg9 : memref<128x128xf32, #tpu.memory_space<vmem>>) dst(%dma_wait3A_270 : memref<10240x128xf32, #tpu.memory_space<vmem_shared>>)
      tpu.yield
    }) : () -> ()
    %dma_wait3A_239 = arith.constant 3 : i32
    %dma_wait3A_240 = arith.constant 39 : i32
    %dma_wait3A_241 = arith.constant 0 : i32
    %dma_wait3A_242 = tpu.memref_slice %arg7[%dma_wait3A_240, %dma_wait3A_241] : memref<40x128xi32, #tpu.memory_space<vmem>> -> memref<1x128xi32, #tpu.memory_space<vmem>>
    %dma_wait3A_243 = tpu.memref_squeeze %dma_wait3A_242 : memref<1x128xi32, #tpu.memory_space<vmem>> -> memref<128xi32, #tpu.memory_space<vmem>>
    %dma_wait3A_244 = arith.constant 0 : i32
    %dma_wait3A_245 = arith.constant 0 : i32
    %dma_wait3A_246 = tpu.memref_slice %arg2[%dma_wait3A_239, %dma_wait3A_244, %dma_wait3A_245] : memref<4x10240x128xf32, #tpu.memory_space<hbm>> -> memref<1x10240x128xf32, #tpu.memory_space<hbm>>
    %dma_wait3A_247 = tpu.memref_squeeze %dma_wait3A_246 : memref<1x10240x128xf32, #tpu.memory_space<hbm>> -> memref<10240x128xf32, #tpu.memory_space<hbm>>
    %dma_wait3A_248 = arith.constant 0 : i32
    %dma_wait3A_249 = arith.constant 0 : i32
    %dma_wait3A_250 = tpu.memref_slice %dma_wait3A_247[%dma_wait3A_248, %dma_wait3A_249] : memref<10240x128xf32, #tpu.memory_space<hbm>> -> memref<10240x128xf32, #tpu.memory_space<hbm>>
    tpu.wait_indirect_dma semaphore(%arg13 : memref<!tpu.dma_semaphore, #tpu.memory_space<semaphore_mem>>) src(%dma_wait3A_250 : memref<10240x128xf32, #tpu.memory_space<hbm>>) dst(%arg10 : memref<128x128xf32, #tpu.memory_space<vmem>>)
    %run_scoped3A_251 = arith.constant 39 : i32
    "tpu.region"() ({
      %run_scoped3A_258 = tpu.sem_alloc : memref<!tpu.dma_semaphore, #tpu.memory_space<semaphore_mem>>
      %dma_start3A_259 = arith.constant 0 : i32
      %dma_start3A_260 = tpu.memref_slice %arg8[%run_scoped3A_251, %dma_start3A_259] : memref<40x128xi32, #tpu.memory_space<vmem>> -> memref<1x128xi32, #tpu.memory_space<vmem>>
      %dma_start3A_261 = tpu.memref_squeeze %dma_start3A_260 : memref<1x128xi32, #tpu.memory_space<vmem>> -> memref<128xi32, #tpu.memory_space<vmem>>
      %dma_start3A_262 = arith.constant 0 : i32
      %dma_start3A_263 = arith.constant 0 : i32
      %dma_start3A_264 = tpu.memref_slice %arg11[%dma_start3A_262, %dma_start3A_263] : memref<10240x128xf32, #tpu.memory_space<vmem_shared>> -> memref<10240x128xf32, #tpu.memory_space<vmem_shared>>
      tpu.enqueue_indirect_dma source(%arg10 : memref<128x128xf32, #tpu.memory_space<vmem>>) target(%dma_start3A_264 : memref<10240x128xf32, #tpu.memory_space<vmem_shared>>) offsets(%dma_start3A_261 : memref<128xi32, #tpu.memory_space<vmem>>) semaphore(%run_scoped3A_258 : memref<!tpu.dma_semaphore, #tpu.memory_space<semaphore_mem>>) {add = true}
      %dma_wait3A_265 = arith.constant 0 : i32
      %dma_wait3A_266 = tpu.memref_slice %arg8[%run_scoped3A_251, %dma_wait3A_265] : memref<40x128xi32, #tpu.memory_space<vmem>> -> memref<1x128xi32, #tpu.memory_space<vmem>>
      %dma_wait3A_267 = tpu.memref_squeeze %dma_wait3A_266 : memref<1x128xi32, #tpu.memory_space<vmem>> -> memref<128xi32, #tpu.memory_space<vmem>>
      %dma_wait3A_268 = arith.constant 0 : i32
      %dma_wait3A_269 = arith.constant 0 : i32
      %dma_wait3A_270 = tpu.memref_slice %arg11[%dma_wait3A_268, %dma_wait3A_269] : memref<10240x128xf32, #tpu.memory_space<vmem_shared>> -> memref<10240x128xf32, #tpu.memory_space<vmem_shared>>
      tpu.wait_indirect_dma semaphore(%run_scoped3A_258 : memref<!tpu.dma_semaphore, #tpu.memory_space<semaphore_mem>>) src(%arg10 : memref<128x128xf32, #tpu.memory_space<vmem>>) dst(%dma_wait3A_270 : memref<10240x128xf32, #tpu.memory_space<vmem_shared>>)
      tpu.yield
    }) : () -> ()
    %barrier3A_252 = arith.constant 0 : index
    tpu.barrier barrier_id(%barrier3A_252)
    %mul3A_253 = arith.constant 640 : i32
    %mul3A_254 = arith.muli %arg1, %mul3A_253 : i32
    %mul3A_255 = arith.constant 640 : i32
    %mul3A_256 = arith.muli %arg1, %mul3A_255 : i32
    %run_scoped3A_257 = arith.constant 3 : i32
    "tpu.region"() ({
      %run_scoped3A_258 = tpu.sem_alloc : memref<!tpu.dma_semaphore, #tpu.memory_space<semaphore_mem>>
      %dma_start3A_259 = arith.constant 0 : i32
      %dma_start3A_260 = tpu.memref_slice %arg6[%arg0, %run_scoped3A_257, %mul3A_256, %dma_start3A_259] : memref<2x4x10240x128xf32, #tpu.memory_space<hbm>> -> memref<1x1x640x128xf32, #tpu.memory_space<hbm>>
      %dma_start3A_261 = tpu.memref_squeeze %dma_start3A_260 : memref<1x1x640x128xf32, #tpu.memory_space<hbm>> -> memref<640x128xf32, #tpu.memory_space<hbm>>
      %dma_start3A_262 = arith.constant 0 : i32
      %dma_start3A_263 = tpu.memref_slice %arg11[%mul3A_254, %dma_start3A_262] : memref<10240x128xf32, #tpu.memory_space<vmem_shared>> -> memref<640x128xf32, #tpu.memory_space<vmem_shared>>
      tpu.enqueue_dma source(%dma_start3A_263 : memref<640x128xf32, #tpu.memory_space<vmem_shared>>) target(%dma_start3A_261 : memref<640x128xf32, #tpu.memory_space<hbm>>) target_semaphore(%run_scoped3A_258 : memref<!tpu.dma_semaphore, #tpu.memory_space<semaphore_mem>>)
      %dma_wait3A_264 = arith.constant 0 : i32
      %dma_wait3A_265 = tpu.memref_slice %arg6[%arg0, %run_scoped3A_257, %mul3A_256, %dma_wait3A_264] : memref<2x4x10240x128xf32, #tpu.memory_space<hbm>> -> memref<1x1x640x128xf32, #tpu.memory_space<hbm>>
      %dma_wait3A_266 = tpu.memref_squeeze %dma_wait3A_265 : memref<1x1x640x128xf32, #tpu.memory_space<hbm>> -> memref<640x128xf32, #tpu.memory_space<hbm>>
      %dma_wait3A_267 = arith.constant 0 : i32
      %dma_wait3A_268 = tpu.memref_slice %arg11[%mul3A_254, %dma_wait3A_267] : memref<10240x128xf32, #tpu.memory_space<vmem_shared>> -> memref<640x128xf32, #tpu.memory_space<vmem_shared>>
      tpu.wait_dma2 semaphore(%run_scoped3A_258 : memref<!tpu.dma_semaphore, #tpu.memory_space<semaphore_mem>>) src(%dma_wait3A_268 : memref<640x128xf32, #tpu.memory_space<vmem_shared>>) dst(%dma_wait3A_266 : memref<640x128xf32, #tpu.memory_space<hbm>>)
      tpu.yield
    }) : () -> ()
    return
  }
}

#map = affine_map<(d0, d1) -> (0, 0, 0)>
#map1 = affine_map<(d0, d1) -> (0, 0, 0, 0)>
#map2 = affine_map<(d0, d1) -> (0, 0)>
module attributes {stable_mosaic.version = 14 : i64} {
  func.func @_agg(%arg0: i32, %arg1: i32, %arg2: memref<2x10240x128xf32, #tpu.memory_space<hbm>>, %arg3: memref<2x16x40x128xi32, #tpu.memory_space<hbm>>, %arg4: memref<2x16x40x128xi32, #tpu.memory_space<hbm>>, %arg5: memref<640x128xf32, #tpu.memory_space<hbm>>, %arg6: memref<2x2x10240x128xf32, #tpu.memory_space<hbm>>, %arg7: memref<40x128xi32, #tpu.memory_space<vmem>>, %arg8: memref<40x128xi32, #tpu.memory_space<vmem>>, %arg9: memref<128x128xf32, #tpu.memory_space<vmem>>, %arg10: memref<128x128xf32, #tpu.memory_space<vmem>>, %arg11: memref<10240x128xf32, #tpu.memory_space<vmem_shared>>, %arg12: memref<!tpu.dma_semaphore, #tpu.memory_space<semaphore_mem>>, %arg13: memref<!tpu.dma_semaphore, #tpu.memory_space<semaphore_mem>>) attributes {dimension_semantics = [#tpu.dimension_semantics<core_parallel>, #tpu.dimension_semantics<subcore_parallel>], iteration_bounds = array<i64: 2, 16>, scalar_prefetch = 0 : i64, scratch_operands = 7 : i64, tpu.core_type = #tpu.core_type<sc_vector_subcore>, window_params = [{transform_indices = #map}, {transform_indices = #map1}, {transform_indices = #map1}, {transform_indices = #map2}, {transform_indices = #map1}]} {
    "tpu.region"() ({
      %run_scoped3A_126 = tpu.sem_alloc : memref<!tpu.dma_semaphore, #tpu.memory_space<semaphore_mem>>
      %dma_start3A_127 = arith.constant 0 : i32
      %dma_start3A_128 = arith.constant 0 : i32
      %dma_start3A_129 = tpu.memref_slice %arg3[%arg0, %arg1, %dma_start3A_127, %dma_start3A_128] : memref<2x16x40x128xi32, #tpu.memory_space<hbm>> -> memref<1x1x40x128xi32, #tpu.memory_space<hbm>>
      %dma_start3A_130 = tpu.memref_squeeze %dma_start3A_129 : memref<1x1x40x128xi32, #tpu.memory_space<hbm>> -> memref<40x128xi32, #tpu.memory_space<hbm>>
      %dma_start3A_131 = arith.constant 0 : i32
      %dma_start3A_132 = arith.constant 0 : i32
      %dma_start3A_133 = tpu.memref_slice %arg3[%arg0, %arg1, %dma_start3A_131, %dma_start3A_132] : memref<2x16x40x128xi32, #tpu.memory_space<hbm>> -> memref<1x1x40x128xi32, #tpu.memory_space<hbm>>
      %dma_start3A_134 = tpu.memref_squeeze %dma_start3A_133 : memref<1x1x40x128xi32, #tpu.memory_space<hbm>> -> memref<40x128xi32, #tpu.memory_space<hbm>>
      tpu.enqueue_dma source(%dma_start3A_134 : memref<40x128xi32, #tpu.memory_space<hbm>>) target(%arg7 : memref<40x128xi32, #tpu.memory_space<vmem>>) target_semaphore(%run_scoped3A_126 : memref<!tpu.dma_semaphore, #tpu.memory_space<semaphore_mem>>)
      %dma_wait3A_135 = arith.constant 0 : i32
      %dma_wait3A_136 = arith.constant 0 : i32
      %dma_wait3A_137 = tpu.memref_slice %arg3[%arg0, %arg1, %dma_wait3A_135, %dma_wait3A_136] : memref<2x16x40x128xi32, #tpu.memory_space<hbm>> -> memref<1x1x40x128xi32, #tpu.memory_space<hbm>>
      %dma_wait3A_138 = tpu.memref_squeeze %dma_wait3A_137 : memref<1x1x40x128xi32, #tpu.memory_space<hbm>> -> memref<40x128xi32, #tpu.memory_space<hbm>>
      %dma_wait3A_139 = arith.constant 0 : i32
      %dma_wait3A_140 = arith.constant 0 : i32
      %dma_wait3A_141 = tpu.memref_slice %arg3[%arg0, %arg1, %dma_wait3A_139, %dma_wait3A_140] : memref<2x16x40x128xi32, #tpu.memory_space<hbm>> -> memref<1x1x40x128xi32, #tpu.memory_space<hbm>>
      %dma_wait3A_142 = tpu.memref_squeeze %dma_wait3A_141 : memref<1x1x40x128xi32, #tpu.memory_space<hbm>> -> memref<40x128xi32, #tpu.memory_space<hbm>>
      tpu.wait_dma2 semaphore(%run_scoped3A_126 : memref<!tpu.dma_semaphore, #tpu.memory_space<semaphore_mem>>) src(%dma_wait3A_142 : memref<40x128xi32, #tpu.memory_space<hbm>>) dst(%arg7 : memref<40x128xi32, #tpu.memory_space<vmem>>)
      tpu.yield
    }) : () -> ()
    "tpu.region"() ({
      %run_scoped3A_126 = tpu.sem_alloc : memref<!tpu.dma_semaphore, #tpu.memory_space<semaphore_mem>>
      %dma_start3A_127 = arith.constant 0 : i32
      %dma_start3A_128 = arith.constant 0 : i32
      %dma_start3A_129 = tpu.memref_slice %arg4[%arg0, %arg1, %dma_start3A_127, %dma_start3A_128] : memref<2x16x40x128xi32, #tpu.memory_space<hbm>> -> memref<1x1x40x128xi32, #tpu.memory_space<hbm>>
      %dma_start3A_130 = tpu.memref_squeeze %dma_start3A_129 : memref<1x1x40x128xi32, #tpu.memory_space<hbm>> -> memref<40x128xi32, #tpu.memory_space<hbm>>
      %dma_start3A_131 = arith.constant 0 : i32
      %dma_start3A_132 = arith.constant 0 : i32
      %dma_start3A_133 = tpu.memref_slice %arg4[%arg0, %arg1, %dma_start3A_131, %dma_start3A_132] : memref<2x16x40x128xi32, #tpu.memory_space<hbm>> -> memref<1x1x40x128xi32, #tpu.memory_space<hbm>>
      %dma_start3A_134 = tpu.memref_squeeze %dma_start3A_133 : memref<1x1x40x128xi32, #tpu.memory_space<hbm>> -> memref<40x128xi32, #tpu.memory_space<hbm>>
      tpu.enqueue_dma source(%dma_start3A_134 : memref<40x128xi32, #tpu.memory_space<hbm>>) target(%arg8 : memref<40x128xi32, #tpu.memory_space<vmem>>) target_semaphore(%run_scoped3A_126 : memref<!tpu.dma_semaphore, #tpu.memory_space<semaphore_mem>>)
      %dma_wait3A_135 = arith.constant 0 : i32
      %dma_wait3A_136 = arith.constant 0 : i32
      %dma_wait3A_137 = tpu.memref_slice %arg4[%arg0, %arg1, %dma_wait3A_135, %dma_wait3A_136] : memref<2x16x40x128xi32, #tpu.memory_space<hbm>> -> memref<1x1x40x128xi32, #tpu.memory_space<hbm>>
      %dma_wait3A_138 = tpu.memref_squeeze %dma_wait3A_137 : memref<1x1x40x128xi32, #tpu.memory_space<hbm>> -> memref<40x128xi32, #tpu.memory_space<hbm>>
      %dma_wait3A_139 = arith.constant 0 : i32
      %dma_wait3A_140 = arith.constant 0 : i32
      %dma_wait3A_141 = tpu.memref_slice %arg4[%arg0, %arg1, %dma_wait3A_139, %dma_wait3A_140] : memref<2x16x40x128xi32, #tpu.memory_space<hbm>> -> memref<1x1x40x128xi32, #tpu.memory_space<hbm>>
      %dma_wait3A_142 = tpu.memref_squeeze %dma_wait3A_141 : memref<1x1x40x128xi32, #tpu.memory_space<hbm>> -> memref<40x128xi32, #tpu.memory_space<hbm>>
      tpu.wait_dma2 semaphore(%run_scoped3A_126 : memref<!tpu.dma_semaphore, #tpu.memory_space<semaphore_mem>>) src(%dma_wait3A_142 : memref<40x128xi32, #tpu.memory_space<hbm>>) dst(%arg8 : memref<40x128xi32, #tpu.memory_space<vmem>>)
      tpu.yield
    }) : () -> ()
    %mul3A = arith.constant 640 : i32
    %mul3A_0 = arith.muli %arg1, %mul3A : i32
    "tpu.region"() ({
      %run_scoped3A_126 = tpu.sem_alloc : memref<!tpu.dma_semaphore, #tpu.memory_space<semaphore_mem>>
      %dma_start3A_127 = arith.constant 0 : i32
      %dma_start3A_128 = tpu.memref_slice %arg11[%mul3A_0, %dma_start3A_127] : memref<10240x128xf32, #tpu.memory_space<vmem_shared>> -> memref<640x128xf32, #tpu.memory_space<vmem_shared>>
      tpu.enqueue_dma source(%arg5 : memref<640x128xf32, #tpu.memory_space<hbm>>) target(%dma_start3A_128 : memref<640x128xf32, #tpu.memory_space<vmem_shared>>) target_semaphore(%run_scoped3A_126 : memref<!tpu.dma_semaphore, #tpu.memory_space<semaphore_mem>>)
      %dma_wait3A_129 = arith.constant 0 : i32
      %dma_wait3A_130 = tpu.memref_slice %arg11[%mul3A_0, %dma_wait3A_129] : memref<10240x128xf32, #tpu.memory_space<vmem_shared>> -> memref<640x128xf32, #tpu.memory_space<vmem_shared>>
      tpu.wait_dma2 semaphore(%run_scoped3A_126 : memref<!tpu.dma_semaphore, #tpu.memory_space<semaphore_mem>>) src(%arg5 : memref<640x128xf32, #tpu.memory_space<hbm>>) dst(%dma_wait3A_130 : memref<640x128xf32, #tpu.memory_space<vmem_shared>>)
      tpu.yield
    }) : () -> ()
    %barrier3A = arith.constant 0 : index
    tpu.barrier barrier_id(%barrier3A)
    %dma_start3A = arith.constant 0 : i32
    %dma_start3A_1 = arith.constant 0 : i32
    %dma_start3A_2 = arith.constant 0 : i32
    %dma_start3A_3 = tpu.memref_slice %arg7[%dma_start3A_1, %dma_start3A_2] : memref<40x128xi32, #tpu.memory_space<vmem>> -> memref<1x128xi32, #tpu.memory_space<vmem>>
    %dma_start3A_4 = tpu.memref_squeeze %dma_start3A_3 : memref<1x128xi32, #tpu.memory_space<vmem>> -> memref<128xi32, #tpu.memory_space<vmem>>
    %dma_start3A_5 = arith.constant 0 : i32
    %dma_start3A_6 = arith.constant 0 : i32
    %dma_start3A_7 = tpu.memref_slice %arg2[%dma_start3A, %dma_start3A_5, %dma_start3A_6] : memref<2x10240x128xf32, #tpu.memory_space<hbm>> -> memref<1x10240x128xf32, #tpu.memory_space<hbm>>
    %dma_start3A_8 = tpu.memref_squeeze %dma_start3A_7 : memref<1x10240x128xf32, #tpu.memory_space<hbm>> -> memref<10240x128xf32, #tpu.memory_space<hbm>>
    %dma_start3A_9 = arith.constant 0 : i32
    %dma_start3A_10 = arith.constant 0 : i32
    %dma_start3A_11 = tpu.memref_slice %dma_start3A_8[%dma_start3A_9, %dma_start3A_10] : memref<10240x128xf32, #tpu.memory_space<hbm>> -> memref<10240x128xf32, #tpu.memory_space<hbm>>
    tpu.enqueue_indirect_dma source(%dma_start3A_11 : memref<10240x128xf32, #tpu.memory_space<hbm>>) target(%arg9 : memref<128x128xf32, #tpu.memory_space<vmem>>) offsets(%dma_start3A_4 : memref<128xi32, #tpu.memory_space<vmem>>) semaphore(%arg12 : memref<!tpu.dma_semaphore, #tpu.memory_space<semaphore_mem>>)
    %dma_start3A_12 = arith.constant 0 : i32
    %dma_start3A_13 = arith.constant 1 : i32
    %dma_start3A_14 = arith.constant 0 : i32
    %dma_start3A_15 = tpu.memref_slice %arg7[%dma_start3A_13, %dma_start3A_14] : memref<40x128xi32, #tpu.memory_space<vmem>> -> memref<1x128xi32, #tpu.memory_space<vmem>>
    %dma_start3A_16 = tpu.memref_squeeze %dma_start3A_15 : memref<1x128xi32, #tpu.memory_space<vmem>> -> memref<128xi32, #tpu.memory_space<vmem>>
    %dma_start3A_17 = arith.constant 0 : i32
    %dma_start3A_18 = arith.constant 0 : i32
    %dma_start3A_19 = tpu.memref_slice %arg2[%dma_start3A_12, %dma_start3A_17, %dma_start3A_18] : memref<2x10240x128xf32, #tpu.memory_space<hbm>> -> memref<1x10240x128xf32, #tpu.memory_space<hbm>>
    %dma_start3A_20 = tpu.memref_squeeze %dma_start3A_19 : memref<1x10240x128xf32, #tpu.memory_space<hbm>> -> memref<10240x128xf32, #tpu.memory_space<hbm>>
    %dma_start3A_21 = arith.constant 0 : i32
    %dma_start3A_22 = arith.constant 0 : i32
    %dma_start3A_23 = tpu.memref_slice %dma_start3A_20[%dma_start3A_21, %dma_start3A_22] : memref<10240x128xf32, #tpu.memory_space<hbm>> -> memref<10240x128xf32, #tpu.memory_space<hbm>>
    tpu.enqueue_indirect_dma source(%dma_start3A_23 : memref<10240x128xf32, #tpu.memory_space<hbm>>) target(%arg10 : memref<128x128xf32, #tpu.memory_space<vmem>>) offsets(%dma_start3A_16 : memref<128xi32, #tpu.memory_space<vmem>>) semaphore(%arg13 : memref<!tpu.dma_semaphore, #tpu.memory_space<semaphore_mem>>)
    %scan3A = arith.constant 0 : i32
    %scan3A_24 = arith.constant 0 : i32
    %scan3A_25 = arith.constant 0 : i32
    %scan3A_26 = arith.constant 19 : i32
    %scan3A_27 = arith.addi %scan3A_25, %scan3A_26 : i32
    %scan3A_28 = arith.constant 1 : i32
    scf.for %scan3A_126 = %scan3A_25 to %scan3A_27 step %scan3A_28  : i32 {
      %mul3A_127 = arith.constant 2 : i32
      %mul3A_128 = arith.muli %scan3A_126, %mul3A_127 : i32
      %add3A = arith.constant 0 : i32
      %add3A_129 = arith.addi %mul3A_128, %add3A : i32
      %dma_wait3A_130 = arith.constant 0 : i32
      %dma_wait3A_131 = tpu.memref_slice %arg7[%add3A_129, %dma_wait3A_130] : memref<40x128xi32, #tpu.memory_space<vmem>> -> memref<1x128xi32, #tpu.memory_space<vmem>>
      %dma_wait3A_132 = tpu.memref_squeeze %dma_wait3A_131 : memref<1x128xi32, #tpu.memory_space<vmem>> -> memref<128xi32, #tpu.memory_space<vmem>>
      %dma_wait3A_133 = arith.constant 0 : i32
      %dma_wait3A_134 = arith.constant 0 : i32
      %dma_wait3A_135 = tpu.memref_slice %arg2[%scan3A_24, %dma_wait3A_133, %dma_wait3A_134] : memref<2x10240x128xf32, #tpu.memory_space<hbm>> -> memref<1x10240x128xf32, #tpu.memory_space<hbm>>
      %dma_wait3A_136 = tpu.memref_squeeze %dma_wait3A_135 : memref<1x10240x128xf32, #tpu.memory_space<hbm>> -> memref<10240x128xf32, #tpu.memory_space<hbm>>
      %dma_wait3A_137 = arith.constant 0 : i32
      %dma_wait3A_138 = arith.constant 0 : i32
      %dma_wait3A_139 = tpu.memref_slice %dma_wait3A_136[%dma_wait3A_137, %dma_wait3A_138] : memref<10240x128xf32, #tpu.memory_space<hbm>> -> memref<10240x128xf32, #tpu.memory_space<hbm>>
      tpu.wait_indirect_dma semaphore(%arg12 : memref<!tpu.dma_semaphore, #tpu.memory_space<semaphore_mem>>) src(%dma_wait3A_139 : memref<10240x128xf32, #tpu.memory_space<hbm>>) dst(%arg9 : memref<128x128xf32, #tpu.memory_space<vmem>>)
      "tpu.region"() ({
        %run_scoped3A_178 = tpu.sem_alloc : memref<!tpu.dma_semaphore, #tpu.memory_space<semaphore_mem>>
        %dma_start3A_179 = arith.constant 0 : i32
        %dma_start3A_180 = tpu.memref_slice %arg8[%add3A_129, %dma_start3A_179] : memref<40x128xi32, #tpu.memory_space<vmem>> -> memref<1x128xi32, #tpu.memory_space<vmem>>
        %dma_start3A_181 = tpu.memref_squeeze %dma_start3A_180 : memref<1x128xi32, #tpu.memory_space<vmem>> -> memref<128xi32, #tpu.memory_space<vmem>>
        %dma_start3A_182 = arith.constant 0 : i32
        %dma_start3A_183 = arith.constant 0 : i32
        %dma_start3A_184 = tpu.memref_slice %arg11[%dma_start3A_182, %dma_start3A_183] : memref<10240x128xf32, #tpu.memory_space<vmem_shared>> -> memref<10240x128xf32, #tpu.memory_space<vmem_shared>>
        tpu.enqueue_indirect_dma source(%arg9 : memref<128x128xf32, #tpu.memory_space<vmem>>) target(%dma_start3A_184 : memref<10240x128xf32, #tpu.memory_space<vmem_shared>>) offsets(%dma_start3A_181 : memref<128xi32, #tpu.memory_space<vmem>>) semaphore(%run_scoped3A_178 : memref<!tpu.dma_semaphore, #tpu.memory_space<semaphore_mem>>) {add = true}
        %dma_wait3A_185 = arith.constant 0 : i32
        %dma_wait3A_186 = tpu.memref_slice %arg8[%add3A_129, %dma_wait3A_185] : memref<40x128xi32, #tpu.memory_space<vmem>> -> memref<1x128xi32, #tpu.memory_space<vmem>>
        %dma_wait3A_187 = tpu.memref_squeeze %dma_wait3A_186 : memref<1x128xi32, #tpu.memory_space<vmem>> -> memref<128xi32, #tpu.memory_space<vmem>>
        %dma_wait3A_188 = arith.constant 0 : i32
        %dma_wait3A_189 = arith.constant 0 : i32
        %dma_wait3A_190 = tpu.memref_slice %arg11[%dma_wait3A_188, %dma_wait3A_189] : memref<10240x128xf32, #tpu.memory_space<vmem_shared>> -> memref<10240x128xf32, #tpu.memory_space<vmem_shared>>
        tpu.wait_indirect_dma semaphore(%run_scoped3A_178 : memref<!tpu.dma_semaphore, #tpu.memory_space<semaphore_mem>>) src(%arg9 : memref<128x128xf32, #tpu.memory_space<vmem>>) dst(%dma_wait3A_190 : memref<10240x128xf32, #tpu.memory_space<vmem_shared>>)
        tpu.yield
      }) : () -> ()
      %add3A_140 = arith.constant 2 : i32
      %add3A_141 = arith.addi %add3A_129, %add3A_140 : i32
      %dma_start3A_142 = arith.constant 0 : i32
      %dma_start3A_143 = tpu.memref_slice %arg7[%add3A_141, %dma_start3A_142] : memref<40x128xi32, #tpu.memory_space<vmem>> -> memref<1x128xi32, #tpu.memory_space<vmem>>
      %dma_start3A_144 = tpu.memref_squeeze %dma_start3A_143 : memref<1x128xi32, #tpu.memory_space<vmem>> -> memref<128xi32, #tpu.memory_space<vmem>>
      %dma_start3A_145 = arith.constant 0 : i32
      %dma_start3A_146 = arith.constant 0 : i32
      %dma_start3A_147 = tpu.memref_slice %arg2[%scan3A_24, %dma_start3A_145, %dma_start3A_146] : memref<2x10240x128xf32, #tpu.memory_space<hbm>> -> memref<1x10240x128xf32, #tpu.memory_space<hbm>>
      %dma_start3A_148 = tpu.memref_squeeze %dma_start3A_147 : memref<1x10240x128xf32, #tpu.memory_space<hbm>> -> memref<10240x128xf32, #tpu.memory_space<hbm>>
      %dma_start3A_149 = arith.constant 0 : i32
      %dma_start3A_150 = arith.constant 0 : i32
      %dma_start3A_151 = tpu.memref_slice %dma_start3A_148[%dma_start3A_149, %dma_start3A_150] : memref<10240x128xf32, #tpu.memory_space<hbm>> -> memref<10240x128xf32, #tpu.memory_space<hbm>>
      tpu.enqueue_indirect_dma source(%dma_start3A_151 : memref<10240x128xf32, #tpu.memory_space<hbm>>) target(%arg9 : memref<128x128xf32, #tpu.memory_space<vmem>>) offsets(%dma_start3A_144 : memref<128xi32, #tpu.memory_space<vmem>>) semaphore(%arg12 : memref<!tpu.dma_semaphore, #tpu.memory_space<semaphore_mem>>)
      %mul3A_152 = arith.constant 2 : i32
      %mul3A_153 = arith.muli %scan3A_126, %mul3A_152 : i32
      %add3A_154 = arith.constant 1 : i32
      %add3A_155 = arith.addi %mul3A_153, %add3A_154 : i32
      %dma_wait3A_156 = arith.constant 0 : i32
      %dma_wait3A_157 = tpu.memref_slice %arg7[%add3A_155, %dma_wait3A_156] : memref<40x128xi32, #tpu.memory_space<vmem>> -> memref<1x128xi32, #tpu.memory_space<vmem>>
      %dma_wait3A_158 = tpu.memref_squeeze %dma_wait3A_157 : memref<1x128xi32, #tpu.memory_space<vmem>> -> memref<128xi32, #tpu.memory_space<vmem>>
      %dma_wait3A_159 = arith.constant 0 : i32
      %dma_wait3A_160 = arith.constant 0 : i32
      %dma_wait3A_161 = tpu.memref_slice %arg2[%scan3A_24, %dma_wait3A_159, %dma_wait3A_160] : memref<2x10240x128xf32, #tpu.memory_space<hbm>> -> memref<1x10240x128xf32, #tpu.memory_space<hbm>>
      %dma_wait3A_162 = tpu.memref_squeeze %dma_wait3A_161 : memref<1x10240x128xf32, #tpu.memory_space<hbm>> -> memref<10240x128xf32, #tpu.memory_space<hbm>>
      %dma_wait3A_163 = arith.constant 0 : i32
      %dma_wait3A_164 = arith.constant 0 : i32
      %dma_wait3A_165 = tpu.memref_slice %dma_wait3A_162[%dma_wait3A_163, %dma_wait3A_164] : memref<10240x128xf32, #tpu.memory_space<hbm>> -> memref<10240x128xf32, #tpu.memory_space<hbm>>
      tpu.wait_indirect_dma semaphore(%arg13 : memref<!tpu.dma_semaphore, #tpu.memory_space<semaphore_mem>>) src(%dma_wait3A_165 : memref<10240x128xf32, #tpu.memory_space<hbm>>) dst(%arg10 : memref<128x128xf32, #tpu.memory_space<vmem>>)
      "tpu.region"() ({
        %run_scoped3A_178 = tpu.sem_alloc : memref<!tpu.dma_semaphore, #tpu.memory_space<semaphore_mem>>
        %dma_start3A_179 = arith.constant 0 : i32
        %dma_start3A_180 = tpu.memref_slice %arg8[%add3A_155, %dma_start3A_179] : memref<40x128xi32, #tpu.memory_space<vmem>> -> memref<1x128xi32, #tpu.memory_space<vmem>>
        %dma_start3A_181 = tpu.memref_squeeze %dma_start3A_180 : memref<1x128xi32, #tpu.memory_space<vmem>> -> memref<128xi32, #tpu.memory_space<vmem>>
        %dma_start3A_182 = arith.constant 0 : i32
        %dma_start3A_183 = arith.constant 0 : i32
        %dma_start3A_184 = tpu.memref_slice %arg11[%dma_start3A_182, %dma_start3A_183] : memref<10240x128xf32, #tpu.memory_space<vmem_shared>> -> memref<10240x128xf32, #tpu.memory_space<vmem_shared>>
        tpu.enqueue_indirect_dma source(%arg10 : memref<128x128xf32, #tpu.memory_space<vmem>>) target(%dma_start3A_184 : memref<10240x128xf32, #tpu.memory_space<vmem_shared>>) offsets(%dma_start3A_181 : memref<128xi32, #tpu.memory_space<vmem>>) semaphore(%run_scoped3A_178 : memref<!tpu.dma_semaphore, #tpu.memory_space<semaphore_mem>>) {add = true}
        %dma_wait3A_185 = arith.constant 0 : i32
        %dma_wait3A_186 = tpu.memref_slice %arg8[%add3A_155, %dma_wait3A_185] : memref<40x128xi32, #tpu.memory_space<vmem>> -> memref<1x128xi32, #tpu.memory_space<vmem>>
        %dma_wait3A_187 = tpu.memref_squeeze %dma_wait3A_186 : memref<1x128xi32, #tpu.memory_space<vmem>> -> memref<128xi32, #tpu.memory_space<vmem>>
        %dma_wait3A_188 = arith.constant 0 : i32
        %dma_wait3A_189 = arith.constant 0 : i32
        %dma_wait3A_190 = tpu.memref_slice %arg11[%dma_wait3A_188, %dma_wait3A_189] : memref<10240x128xf32, #tpu.memory_space<vmem_shared>> -> memref<10240x128xf32, #tpu.memory_space<vmem_shared>>
        tpu.wait_indirect_dma semaphore(%run_scoped3A_178 : memref<!tpu.dma_semaphore, #tpu.memory_space<semaphore_mem>>) src(%arg10 : memref<128x128xf32, #tpu.memory_space<vmem>>) dst(%dma_wait3A_190 : memref<10240x128xf32, #tpu.memory_space<vmem_shared>>)
        tpu.yield
      }) : () -> ()
      %add3A_166 = arith.constant 2 : i32
      %add3A_167 = arith.addi %add3A_155, %add3A_166 : i32
      %dma_start3A_168 = arith.constant 0 : i32
      %dma_start3A_169 = tpu.memref_slice %arg7[%add3A_167, %dma_start3A_168] : memref<40x128xi32, #tpu.memory_space<vmem>> -> memref<1x128xi32, #tpu.memory_space<vmem>>
      %dma_start3A_170 = tpu.memref_squeeze %dma_start3A_169 : memref<1x128xi32, #tpu.memory_space<vmem>> -> memref<128xi32, #tpu.memory_space<vmem>>
      %dma_start3A_171 = arith.constant 0 : i32
      %dma_start3A_172 = arith.constant 0 : i32
      %dma_start3A_173 = tpu.memref_slice %arg2[%scan3A_24, %dma_start3A_171, %dma_start3A_172] : memref<2x10240x128xf32, #tpu.memory_space<hbm>> -> memref<1x10240x128xf32, #tpu.memory_space<hbm>>
      %dma_start3A_174 = tpu.memref_squeeze %dma_start3A_173 : memref<1x10240x128xf32, #tpu.memory_space<hbm>> -> memref<10240x128xf32, #tpu.memory_space<hbm>>
      %dma_start3A_175 = arith.constant 0 : i32
      %dma_start3A_176 = arith.constant 0 : i32
      %dma_start3A_177 = tpu.memref_slice %dma_start3A_174[%dma_start3A_175, %dma_start3A_176] : memref<10240x128xf32, #tpu.memory_space<hbm>> -> memref<10240x128xf32, #tpu.memory_space<hbm>>
      tpu.enqueue_indirect_dma source(%dma_start3A_177 : memref<10240x128xf32, #tpu.memory_space<hbm>>) target(%arg10 : memref<128x128xf32, #tpu.memory_space<vmem>>) offsets(%dma_start3A_170 : memref<128xi32, #tpu.memory_space<vmem>>) semaphore(%arg13 : memref<!tpu.dma_semaphore, #tpu.memory_space<semaphore_mem>>)
    }
    %scan3A_29 = arith.constant 19 : i32
    %dma_wait3A = arith.constant 0 : i32
    %dma_wait3A_30 = arith.constant 38 : i32
    %dma_wait3A_31 = arith.constant 0 : i32
    %dma_wait3A_32 = tpu.memref_slice %arg7[%dma_wait3A_30, %dma_wait3A_31] : memref<40x128xi32, #tpu.memory_space<vmem>> -> memref<1x128xi32, #tpu.memory_space<vmem>>
    %dma_wait3A_33 = tpu.memref_squeeze %dma_wait3A_32 : memref<1x128xi32, #tpu.memory_space<vmem>> -> memref<128xi32, #tpu.memory_space<vmem>>
    %dma_wait3A_34 = arith.constant 0 : i32
    %dma_wait3A_35 = arith.constant 0 : i32
    %dma_wait3A_36 = tpu.memref_slice %arg2[%dma_wait3A, %dma_wait3A_34, %dma_wait3A_35] : memref<2x10240x128xf32, #tpu.memory_space<hbm>> -> memref<1x10240x128xf32, #tpu.memory_space<hbm>>
    %dma_wait3A_37 = tpu.memref_squeeze %dma_wait3A_36 : memref<1x10240x128xf32, #tpu.memory_space<hbm>> -> memref<10240x128xf32, #tpu.memory_space<hbm>>
    %dma_wait3A_38 = arith.constant 0 : i32
    %dma_wait3A_39 = arith.constant 0 : i32
    %dma_wait3A_40 = tpu.memref_slice %dma_wait3A_37[%dma_wait3A_38, %dma_wait3A_39] : memref<10240x128xf32, #tpu.memory_space<hbm>> -> memref<10240x128xf32, #tpu.memory_space<hbm>>
    tpu.wait_indirect_dma semaphore(%arg12 : memref<!tpu.dma_semaphore, #tpu.memory_space<semaphore_mem>>) src(%dma_wait3A_40 : memref<10240x128xf32, #tpu.memory_space<hbm>>) dst(%arg9 : memref<128x128xf32, #tpu.memory_space<vmem>>)
    %run_scoped3A = arith.constant 38 : i32
    "tpu.region"() ({
      %run_scoped3A_126 = tpu.sem_alloc : memref<!tpu.dma_semaphore, #tpu.memory_space<semaphore_mem>>
      %dma_start3A_127 = arith.constant 0 : i32
      %dma_start3A_128 = tpu.memref_slice %arg8[%run_scoped3A, %dma_start3A_127] : memref<40x128xi32, #tpu.memory_space<vmem>> -> memref<1x128xi32, #tpu.memory_space<vmem>>
      %dma_start3A_129 = tpu.memref_squeeze %dma_start3A_128 : memref<1x128xi32, #tpu.memory_space<vmem>> -> memref<128xi32, #tpu.memory_space<vmem>>
      %dma_start3A_130 = arith.constant 0 : i32
      %dma_start3A_131 = arith.constant 0 : i32
      %dma_start3A_132 = tpu.memref_slice %arg11[%dma_start3A_130, %dma_start3A_131] : memref<10240x128xf32, #tpu.memory_space<vmem_shared>> -> memref<10240x128xf32, #tpu.memory_space<vmem_shared>>
      tpu.enqueue_indirect_dma source(%arg9 : memref<128x128xf32, #tpu.memory_space<vmem>>) target(%dma_start3A_132 : memref<10240x128xf32, #tpu.memory_space<vmem_shared>>) offsets(%dma_start3A_129 : memref<128xi32, #tpu.memory_space<vmem>>) semaphore(%run_scoped3A_126 : memref<!tpu.dma_semaphore, #tpu.memory_space<semaphore_mem>>) {add = true}
      %dma_wait3A_133 = arith.constant 0 : i32
      %dma_wait3A_134 = tpu.memref_slice %arg8[%run_scoped3A, %dma_wait3A_133] : memref<40x128xi32, #tpu.memory_space<vmem>> -> memref<1x128xi32, #tpu.memory_space<vmem>>
      %dma_wait3A_135 = tpu.memref_squeeze %dma_wait3A_134 : memref<1x128xi32, #tpu.memory_space<vmem>> -> memref<128xi32, #tpu.memory_space<vmem>>
      %dma_wait3A_136 = arith.constant 0 : i32
      %dma_wait3A_137 = arith.constant 0 : i32
      %dma_wait3A_138 = tpu.memref_slice %arg11[%dma_wait3A_136, %dma_wait3A_137] : memref<10240x128xf32, #tpu.memory_space<vmem_shared>> -> memref<10240x128xf32, #tpu.memory_space<vmem_shared>>
      tpu.wait_indirect_dma semaphore(%run_scoped3A_126 : memref<!tpu.dma_semaphore, #tpu.memory_space<semaphore_mem>>) src(%arg9 : memref<128x128xf32, #tpu.memory_space<vmem>>) dst(%dma_wait3A_138 : memref<10240x128xf32, #tpu.memory_space<vmem_shared>>)
      tpu.yield
    }) : () -> ()
    %dma_wait3A_41 = arith.constant 0 : i32
    %dma_wait3A_42 = arith.constant 39 : i32
    %dma_wait3A_43 = arith.constant 0 : i32
    %dma_wait3A_44 = tpu.memref_slice %arg7[%dma_wait3A_42, %dma_wait3A_43] : memref<40x128xi32, #tpu.memory_space<vmem>> -> memref<1x128xi32, #tpu.memory_space<vmem>>
    %dma_wait3A_45 = tpu.memref_squeeze %dma_wait3A_44 : memref<1x128xi32, #tpu.memory_space<vmem>> -> memref<128xi32, #tpu.memory_space<vmem>>
    %dma_wait3A_46 = arith.constant 0 : i32
    %dma_wait3A_47 = arith.constant 0 : i32
    %dma_wait3A_48 = tpu.memref_slice %arg2[%dma_wait3A_41, %dma_wait3A_46, %dma_wait3A_47] : memref<2x10240x128xf32, #tpu.memory_space<hbm>> -> memref<1x10240x128xf32, #tpu.memory_space<hbm>>
    %dma_wait3A_49 = tpu.memref_squeeze %dma_wait3A_48 : memref<1x10240x128xf32, #tpu.memory_space<hbm>> -> memref<10240x128xf32, #tpu.memory_space<hbm>>
    %dma_wait3A_50 = arith.constant 0 : i32
    %dma_wait3A_51 = arith.constant 0 : i32
    %dma_wait3A_52 = tpu.memref_slice %dma_wait3A_49[%dma_wait3A_50, %dma_wait3A_51] : memref<10240x128xf32, #tpu.memory_space<hbm>> -> memref<10240x128xf32, #tpu.memory_space<hbm>>
    tpu.wait_indirect_dma semaphore(%arg13 : memref<!tpu.dma_semaphore, #tpu.memory_space<semaphore_mem>>) src(%dma_wait3A_52 : memref<10240x128xf32, #tpu.memory_space<hbm>>) dst(%arg10 : memref<128x128xf32, #tpu.memory_space<vmem>>)
    %run_scoped3A_53 = arith.constant 39 : i32
    "tpu.region"() ({
      %run_scoped3A_126 = tpu.sem_alloc : memref<!tpu.dma_semaphore, #tpu.memory_space<semaphore_mem>>
      %dma_start3A_127 = arith.constant 0 : i32
      %dma_start3A_128 = tpu.memref_slice %arg8[%run_scoped3A_53, %dma_start3A_127] : memref<40x128xi32, #tpu.memory_space<vmem>> -> memref<1x128xi32, #tpu.memory_space<vmem>>
      %dma_start3A_129 = tpu.memref_squeeze %dma_start3A_128 : memref<1x128xi32, #tpu.memory_space<vmem>> -> memref<128xi32, #tpu.memory_space<vmem>>
      %dma_start3A_130 = arith.constant 0 : i32
      %dma_start3A_131 = arith.constant 0 : i32
      %dma_start3A_132 = tpu.memref_slice %arg11[%dma_start3A_130, %dma_start3A_131] : memref<10240x128xf32, #tpu.memory_space<vmem_shared>> -> memref<10240x128xf32, #tpu.memory_space<vmem_shared>>
      tpu.enqueue_indirect_dma source(%arg10 : memref<128x128xf32, #tpu.memory_space<vmem>>) target(%dma_start3A_132 : memref<10240x128xf32, #tpu.memory_space<vmem_shared>>) offsets(%dma_start3A_129 : memref<128xi32, #tpu.memory_space<vmem>>) semaphore(%run_scoped3A_126 : memref<!tpu.dma_semaphore, #tpu.memory_space<semaphore_mem>>) {add = true}
      %dma_wait3A_133 = arith.constant 0 : i32
      %dma_wait3A_134 = tpu.memref_slice %arg8[%run_scoped3A_53, %dma_wait3A_133] : memref<40x128xi32, #tpu.memory_space<vmem>> -> memref<1x128xi32, #tpu.memory_space<vmem>>
      %dma_wait3A_135 = tpu.memref_squeeze %dma_wait3A_134 : memref<1x128xi32, #tpu.memory_space<vmem>> -> memref<128xi32, #tpu.memory_space<vmem>>
      %dma_wait3A_136 = arith.constant 0 : i32
      %dma_wait3A_137 = arith.constant 0 : i32
      %dma_wait3A_138 = tpu.memref_slice %arg11[%dma_wait3A_136, %dma_wait3A_137] : memref<10240x128xf32, #tpu.memory_space<vmem_shared>> -> memref<10240x128xf32, #tpu.memory_space<vmem_shared>>
      tpu.wait_indirect_dma semaphore(%run_scoped3A_126 : memref<!tpu.dma_semaphore, #tpu.memory_space<semaphore_mem>>) src(%arg10 : memref<128x128xf32, #tpu.memory_space<vmem>>) dst(%dma_wait3A_138 : memref<10240x128xf32, #tpu.memory_space<vmem_shared>>)
      tpu.yield
    }) : () -> ()
    %barrier3A_54 = arith.constant 0 : index
    tpu.barrier barrier_id(%barrier3A_54)
    %mul3A_55 = arith.constant 640 : i32
    %mul3A_56 = arith.muli %arg1, %mul3A_55 : i32
    %mul3A_57 = arith.constant 640 : i32
    %mul3A_58 = arith.muli %arg1, %mul3A_57 : i32
    %run_scoped3A_59 = arith.constant 0 : i32
    "tpu.region"() ({
      %run_scoped3A_126 = tpu.sem_alloc : memref<!tpu.dma_semaphore, #tpu.memory_space<semaphore_mem>>
      %dma_start3A_127 = arith.constant 0 : i32
      %dma_start3A_128 = tpu.memref_slice %arg6[%arg0, %run_scoped3A_59, %mul3A_58, %dma_start3A_127] : memref<2x2x10240x128xf32, #tpu.memory_space<hbm>> -> memref<1x1x640x128xf32, #tpu.memory_space<hbm>>
      %dma_start3A_129 = tpu.memref_squeeze %dma_start3A_128 : memref<1x1x640x128xf32, #tpu.memory_space<hbm>> -> memref<640x128xf32, #tpu.memory_space<hbm>>
      %dma_start3A_130 = arith.constant 0 : i32
      %dma_start3A_131 = tpu.memref_slice %arg11[%mul3A_56, %dma_start3A_130] : memref<10240x128xf32, #tpu.memory_space<vmem_shared>> -> memref<640x128xf32, #tpu.memory_space<vmem_shared>>
      tpu.enqueue_dma source(%dma_start3A_131 : memref<640x128xf32, #tpu.memory_space<vmem_shared>>) target(%dma_start3A_129 : memref<640x128xf32, #tpu.memory_space<hbm>>) target_semaphore(%run_scoped3A_126 : memref<!tpu.dma_semaphore, #tpu.memory_space<semaphore_mem>>)
      %dma_wait3A_132 = arith.constant 0 : i32
      %dma_wait3A_133 = tpu.memref_slice %arg6[%arg0, %run_scoped3A_59, %mul3A_58, %dma_wait3A_132] : memref<2x2x10240x128xf32, #tpu.memory_space<hbm>> -> memref<1x1x640x128xf32, #tpu.memory_space<hbm>>
      %dma_wait3A_134 = tpu.memref_squeeze %dma_wait3A_133 : memref<1x1x640x128xf32, #tpu.memory_space<hbm>> -> memref<640x128xf32, #tpu.memory_space<hbm>>
      %dma_wait3A_135 = arith.constant 0 : i32
      %dma_wait3A_136 = tpu.memref_slice %arg11[%mul3A_56, %dma_wait3A_135] : memref<10240x128xf32, #tpu.memory_space<vmem_shared>> -> memref<640x128xf32, #tpu.memory_space<vmem_shared>>
      tpu.wait_dma2 semaphore(%run_scoped3A_126 : memref<!tpu.dma_semaphore, #tpu.memory_space<semaphore_mem>>) src(%dma_wait3A_136 : memref<640x128xf32, #tpu.memory_space<vmem_shared>>) dst(%dma_wait3A_134 : memref<640x128xf32, #tpu.memory_space<hbm>>)
      tpu.yield
    }) : () -> ()
    %mul3A_60 = arith.constant 640 : i32
    %mul3A_61 = arith.muli %arg1, %mul3A_60 : i32
    "tpu.region"() ({
      %run_scoped3A_126 = tpu.sem_alloc : memref<!tpu.dma_semaphore, #tpu.memory_space<semaphore_mem>>
      %dma_start3A_127 = arith.constant 0 : i32
      %dma_start3A_128 = tpu.memref_slice %arg11[%mul3A_61, %dma_start3A_127] : memref<10240x128xf32, #tpu.memory_space<vmem_shared>> -> memref<640x128xf32, #tpu.memory_space<vmem_shared>>
      tpu.enqueue_dma source(%arg5 : memref<640x128xf32, #tpu.memory_space<hbm>>) target(%dma_start3A_128 : memref<640x128xf32, #tpu.memory_space<vmem_shared>>) target_semaphore(%run_scoped3A_126 : memref<!tpu.dma_semaphore, #tpu.memory_space<semaphore_mem>>)
      %dma_wait3A_129 = arith.constant 0 : i32
      %dma_wait3A_130 = tpu.memref_slice %arg11[%mul3A_61, %dma_wait3A_129] : memref<10240x128xf32, #tpu.memory_space<vmem_shared>> -> memref<640x128xf32, #tpu.memory_space<vmem_shared>>
      tpu.wait_dma2 semaphore(%run_scoped3A_126 : memref<!tpu.dma_semaphore, #tpu.memory_space<semaphore_mem>>) src(%arg5 : memref<640x128xf32, #tpu.memory_space<hbm>>) dst(%dma_wait3A_130 : memref<640x128xf32, #tpu.memory_space<vmem_shared>>)
      tpu.yield
    }) : () -> ()
    %barrier3A_62 = arith.constant 0 : index
    tpu.barrier barrier_id(%barrier3A_62)
    %dma_start3A_63 = arith.constant 1 : i32
    %dma_start3A_64 = arith.constant 0 : i32
    %dma_start3A_65 = arith.constant 0 : i32
    %dma_start3A_66 = tpu.memref_slice %arg7[%dma_start3A_64, %dma_start3A_65] : memref<40x128xi32, #tpu.memory_space<vmem>> -> memref<1x128xi32, #tpu.memory_space<vmem>>
    %dma_start3A_67 = tpu.memref_squeeze %dma_start3A_66 : memref<1x128xi32, #tpu.memory_space<vmem>> -> memref<128xi32, #tpu.memory_space<vmem>>
    %dma_start3A_68 = arith.constant 0 : i32
    %dma_start3A_69 = arith.constant 0 : i32
    %dma_start3A_70 = tpu.memref_slice %arg2[%dma_start3A_63, %dma_start3A_68, %dma_start3A_69] : memref<2x10240x128xf32, #tpu.memory_space<hbm>> -> memref<1x10240x128xf32, #tpu.memory_space<hbm>>
    %dma_start3A_71 = tpu.memref_squeeze %dma_start3A_70 : memref<1x10240x128xf32, #tpu.memory_space<hbm>> -> memref<10240x128xf32, #tpu.memory_space<hbm>>
    %dma_start3A_72 = arith.constant 0 : i32
    %dma_start3A_73 = arith.constant 0 : i32
    %dma_start3A_74 = tpu.memref_slice %dma_start3A_71[%dma_start3A_72, %dma_start3A_73] : memref<10240x128xf32, #tpu.memory_space<hbm>> -> memref<10240x128xf32, #tpu.memory_space<hbm>>
    tpu.enqueue_indirect_dma source(%dma_start3A_74 : memref<10240x128xf32, #tpu.memory_space<hbm>>) target(%arg9 : memref<128x128xf32, #tpu.memory_space<vmem>>) offsets(%dma_start3A_67 : memref<128xi32, #tpu.memory_space<vmem>>) semaphore(%arg12 : memref<!tpu.dma_semaphore, #tpu.memory_space<semaphore_mem>>)
    %dma_start3A_75 = arith.constant 1 : i32
    %dma_start3A_76 = arith.constant 1 : i32
    %dma_start3A_77 = arith.constant 0 : i32
    %dma_start3A_78 = tpu.memref_slice %arg7[%dma_start3A_76, %dma_start3A_77] : memref<40x128xi32, #tpu.memory_space<vmem>> -> memref<1x128xi32, #tpu.memory_space<vmem>>
    %dma_start3A_79 = tpu.memref_squeeze %dma_start3A_78 : memref<1x128xi32, #tpu.memory_space<vmem>> -> memref<128xi32, #tpu.memory_space<vmem>>
    %dma_start3A_80 = arith.constant 0 : i32
    %dma_start3A_81 = arith.constant 0 : i32
    %dma_start3A_82 = tpu.memref_slice %arg2[%dma_start3A_75, %dma_start3A_80, %dma_start3A_81] : memref<2x10240x128xf32, #tpu.memory_space<hbm>> -> memref<1x10240x128xf32, #tpu.memory_space<hbm>>
    %dma_start3A_83 = tpu.memref_squeeze %dma_start3A_82 : memref<1x10240x128xf32, #tpu.memory_space<hbm>> -> memref<10240x128xf32, #tpu.memory_space<hbm>>
    %dma_start3A_84 = arith.constant 0 : i32
    %dma_start3A_85 = arith.constant 0 : i32
    %dma_start3A_86 = tpu.memref_slice %dma_start3A_83[%dma_start3A_84, %dma_start3A_85] : memref<10240x128xf32, #tpu.memory_space<hbm>> -> memref<10240x128xf32, #tpu.memory_space<hbm>>
    tpu.enqueue_indirect_dma source(%dma_start3A_86 : memref<10240x128xf32, #tpu.memory_space<hbm>>) target(%arg10 : memref<128x128xf32, #tpu.memory_space<vmem>>) offsets(%dma_start3A_79 : memref<128xi32, #tpu.memory_space<vmem>>) semaphore(%arg13 : memref<!tpu.dma_semaphore, #tpu.memory_space<semaphore_mem>>)
    %scan3A_87 = arith.constant 0 : i32
    %scan3A_88 = arith.constant 1 : i32
    %scan3A_89 = arith.constant 0 : i32
    %scan3A_90 = arith.constant 19 : i32
    %scan3A_91 = arith.addi %scan3A_89, %scan3A_90 : i32
    %scan3A_92 = arith.constant 1 : i32
    scf.for %scan3A_126 = %scan3A_89 to %scan3A_91 step %scan3A_92  : i32 {
      %mul3A_127 = arith.constant 2 : i32
      %mul3A_128 = arith.muli %scan3A_126, %mul3A_127 : i32
      %add3A = arith.constant 0 : i32
      %add3A_129 = arith.addi %mul3A_128, %add3A : i32
      %dma_wait3A_130 = arith.constant 0 : i32
      %dma_wait3A_131 = tpu.memref_slice %arg7[%add3A_129, %dma_wait3A_130] : memref<40x128xi32, #tpu.memory_space<vmem>> -> memref<1x128xi32, #tpu.memory_space<vmem>>
      %dma_wait3A_132 = tpu.memref_squeeze %dma_wait3A_131 : memref<1x128xi32, #tpu.memory_space<vmem>> -> memref<128xi32, #tpu.memory_space<vmem>>
      %dma_wait3A_133 = arith.constant 0 : i32
      %dma_wait3A_134 = arith.constant 0 : i32
      %dma_wait3A_135 = tpu.memref_slice %arg2[%scan3A_88, %dma_wait3A_133, %dma_wait3A_134] : memref<2x10240x128xf32, #tpu.memory_space<hbm>> -> memref<1x10240x128xf32, #tpu.memory_space<hbm>>
      %dma_wait3A_136 = tpu.memref_squeeze %dma_wait3A_135 : memref<1x10240x128xf32, #tpu.memory_space<hbm>> -> memref<10240x128xf32, #tpu.memory_space<hbm>>
      %dma_wait3A_137 = arith.constant 0 : i32
      %dma_wait3A_138 = arith.constant 0 : i32
      %dma_wait3A_139 = tpu.memref_slice %dma_wait3A_136[%dma_wait3A_137, %dma_wait3A_138] : memref<10240x128xf32, #tpu.memory_space<hbm>> -> memref<10240x128xf32, #tpu.memory_space<hbm>>
      tpu.wait_indirect_dma semaphore(%arg12 : memref<!tpu.dma_semaphore, #tpu.memory_space<semaphore_mem>>) src(%dma_wait3A_139 : memref<10240x128xf32, #tpu.memory_space<hbm>>) dst(%arg9 : memref<128x128xf32, #tpu.memory_space<vmem>>)
      "tpu.region"() ({
        %run_scoped3A_178 = tpu.sem_alloc : memref<!tpu.dma_semaphore, #tpu.memory_space<semaphore_mem>>
        %dma_start3A_179 = arith.constant 0 : i32
        %dma_start3A_180 = tpu.memref_slice %arg8[%add3A_129, %dma_start3A_179] : memref<40x128xi32, #tpu.memory_space<vmem>> -> memref<1x128xi32, #tpu.memory_space<vmem>>
        %dma_start3A_181 = tpu.memref_squeeze %dma_start3A_180 : memref<1x128xi32, #tpu.memory_space<vmem>> -> memref<128xi32, #tpu.memory_space<vmem>>
        %dma_start3A_182 = arith.constant 0 : i32
        %dma_start3A_183 = arith.constant 0 : i32
        %dma_start3A_184 = tpu.memref_slice %arg11[%dma_start3A_182, %dma_start3A_183] : memref<10240x128xf32, #tpu.memory_space<vmem_shared>> -> memref<10240x128xf32, #tpu.memory_space<vmem_shared>>
        tpu.enqueue_indirect_dma source(%arg9 : memref<128x128xf32, #tpu.memory_space<vmem>>) target(%dma_start3A_184 : memref<10240x128xf32, #tpu.memory_space<vmem_shared>>) offsets(%dma_start3A_181 : memref<128xi32, #tpu.memory_space<vmem>>) semaphore(%run_scoped3A_178 : memref<!tpu.dma_semaphore, #tpu.memory_space<semaphore_mem>>) {add = true}
        %dma_wait3A_185 = arith.constant 0 : i32
        %dma_wait3A_186 = tpu.memref_slice %arg8[%add3A_129, %dma_wait3A_185] : memref<40x128xi32, #tpu.memory_space<vmem>> -> memref<1x128xi32, #tpu.memory_space<vmem>>
        %dma_wait3A_187 = tpu.memref_squeeze %dma_wait3A_186 : memref<1x128xi32, #tpu.memory_space<vmem>> -> memref<128xi32, #tpu.memory_space<vmem>>
        %dma_wait3A_188 = arith.constant 0 : i32
        %dma_wait3A_189 = arith.constant 0 : i32
        %dma_wait3A_190 = tpu.memref_slice %arg11[%dma_wait3A_188, %dma_wait3A_189] : memref<10240x128xf32, #tpu.memory_space<vmem_shared>> -> memref<10240x128xf32, #tpu.memory_space<vmem_shared>>
        tpu.wait_indirect_dma semaphore(%run_scoped3A_178 : memref<!tpu.dma_semaphore, #tpu.memory_space<semaphore_mem>>) src(%arg9 : memref<128x128xf32, #tpu.memory_space<vmem>>) dst(%dma_wait3A_190 : memref<10240x128xf32, #tpu.memory_space<vmem_shared>>)
        tpu.yield
      }) : () -> ()
      %add3A_140 = arith.constant 2 : i32
      %add3A_141 = arith.addi %add3A_129, %add3A_140 : i32
      %dma_start3A_142 = arith.constant 0 : i32
      %dma_start3A_143 = tpu.memref_slice %arg7[%add3A_141, %dma_start3A_142] : memref<40x128xi32, #tpu.memory_space<vmem>> -> memref<1x128xi32, #tpu.memory_space<vmem>>
      %dma_start3A_144 = tpu.memref_squeeze %dma_start3A_143 : memref<1x128xi32, #tpu.memory_space<vmem>> -> memref<128xi32, #tpu.memory_space<vmem>>
      %dma_start3A_145 = arith.constant 0 : i32
      %dma_start3A_146 = arith.constant 0 : i32
      %dma_start3A_147 = tpu.memref_slice %arg2[%scan3A_88, %dma_start3A_145, %dma_start3A_146] : memref<2x10240x128xf32, #tpu.memory_space<hbm>> -> memref<1x10240x128xf32, #tpu.memory_space<hbm>>
      %dma_start3A_148 = tpu.memref_squeeze %dma_start3A_147 : memref<1x10240x128xf32, #tpu.memory_space<hbm>> -> memref<10240x128xf32, #tpu.memory_space<hbm>>
      %dma_start3A_149 = arith.constant 0 : i32
      %dma_start3A_150 = arith.constant 0 : i32
      %dma_start3A_151 = tpu.memref_slice %dma_start3A_148[%dma_start3A_149, %dma_start3A_150] : memref<10240x128xf32, #tpu.memory_space<hbm>> -> memref<10240x128xf32, #tpu.memory_space<hbm>>
      tpu.enqueue_indirect_dma source(%dma_start3A_151 : memref<10240x128xf32, #tpu.memory_space<hbm>>) target(%arg9 : memref<128x128xf32, #tpu.memory_space<vmem>>) offsets(%dma_start3A_144 : memref<128xi32, #tpu.memory_space<vmem>>) semaphore(%arg12 : memref<!tpu.dma_semaphore, #tpu.memory_space<semaphore_mem>>)
      %mul3A_152 = arith.constant 2 : i32
      %mul3A_153 = arith.muli %scan3A_126, %mul3A_152 : i32
      %add3A_154 = arith.constant 1 : i32
      %add3A_155 = arith.addi %mul3A_153, %add3A_154 : i32
      %dma_wait3A_156 = arith.constant 0 : i32
      %dma_wait3A_157 = tpu.memref_slice %arg7[%add3A_155, %dma_wait3A_156] : memref<40x128xi32, #tpu.memory_space<vmem>> -> memref<1x128xi32, #tpu.memory_space<vmem>>
      %dma_wait3A_158 = tpu.memref_squeeze %dma_wait3A_157 : memref<1x128xi32, #tpu.memory_space<vmem>> -> memref<128xi32, #tpu.memory_space<vmem>>
      %dma_wait3A_159 = arith.constant 0 : i32
      %dma_wait3A_160 = arith.constant 0 : i32
      %dma_wait3A_161 = tpu.memref_slice %arg2[%scan3A_88, %dma_wait3A_159, %dma_wait3A_160] : memref<2x10240x128xf32, #tpu.memory_space<hbm>> -> memref<1x10240x128xf32, #tpu.memory_space<hbm>>
      %dma_wait3A_162 = tpu.memref_squeeze %dma_wait3A_161 : memref<1x10240x128xf32, #tpu.memory_space<hbm>> -> memref<10240x128xf32, #tpu.memory_space<hbm>>
      %dma_wait3A_163 = arith.constant 0 : i32
      %dma_wait3A_164 = arith.constant 0 : i32
      %dma_wait3A_165 = tpu.memref_slice %dma_wait3A_162[%dma_wait3A_163, %dma_wait3A_164] : memref<10240x128xf32, #tpu.memory_space<hbm>> -> memref<10240x128xf32, #tpu.memory_space<hbm>>
      tpu.wait_indirect_dma semaphore(%arg13 : memref<!tpu.dma_semaphore, #tpu.memory_space<semaphore_mem>>) src(%dma_wait3A_165 : memref<10240x128xf32, #tpu.memory_space<hbm>>) dst(%arg10 : memref<128x128xf32, #tpu.memory_space<vmem>>)
      "tpu.region"() ({
        %run_scoped3A_178 = tpu.sem_alloc : memref<!tpu.dma_semaphore, #tpu.memory_space<semaphore_mem>>
        %dma_start3A_179 = arith.constant 0 : i32
        %dma_start3A_180 = tpu.memref_slice %arg8[%add3A_155, %dma_start3A_179] : memref<40x128xi32, #tpu.memory_space<vmem>> -> memref<1x128xi32, #tpu.memory_space<vmem>>
        %dma_start3A_181 = tpu.memref_squeeze %dma_start3A_180 : memref<1x128xi32, #tpu.memory_space<vmem>> -> memref<128xi32, #tpu.memory_space<vmem>>
        %dma_start3A_182 = arith.constant 0 : i32
        %dma_start3A_183 = arith.constant 0 : i32
        %dma_start3A_184 = tpu.memref_slice %arg11[%dma_start3A_182, %dma_start3A_183] : memref<10240x128xf32, #tpu.memory_space<vmem_shared>> -> memref<10240x128xf32, #tpu.memory_space<vmem_shared>>
        tpu.enqueue_indirect_dma source(%arg10 : memref<128x128xf32, #tpu.memory_space<vmem>>) target(%dma_start3A_184 : memref<10240x128xf32, #tpu.memory_space<vmem_shared>>) offsets(%dma_start3A_181 : memref<128xi32, #tpu.memory_space<vmem>>) semaphore(%run_scoped3A_178 : memref<!tpu.dma_semaphore, #tpu.memory_space<semaphore_mem>>) {add = true}
        %dma_wait3A_185 = arith.constant 0 : i32
        %dma_wait3A_186 = tpu.memref_slice %arg8[%add3A_155, %dma_wait3A_185] : memref<40x128xi32, #tpu.memory_space<vmem>> -> memref<1x128xi32, #tpu.memory_space<vmem>>
        %dma_wait3A_187 = tpu.memref_squeeze %dma_wait3A_186 : memref<1x128xi32, #tpu.memory_space<vmem>> -> memref<128xi32, #tpu.memory_space<vmem>>
        %dma_wait3A_188 = arith.constant 0 : i32
        %dma_wait3A_189 = arith.constant 0 : i32
        %dma_wait3A_190 = tpu.memref_slice %arg11[%dma_wait3A_188, %dma_wait3A_189] : memref<10240x128xf32, #tpu.memory_space<vmem_shared>> -> memref<10240x128xf32, #tpu.memory_space<vmem_shared>>
        tpu.wait_indirect_dma semaphore(%run_scoped3A_178 : memref<!tpu.dma_semaphore, #tpu.memory_space<semaphore_mem>>) src(%arg10 : memref<128x128xf32, #tpu.memory_space<vmem>>) dst(%dma_wait3A_190 : memref<10240x128xf32, #tpu.memory_space<vmem_shared>>)
        tpu.yield
      }) : () -> ()
      %add3A_166 = arith.constant 2 : i32
      %add3A_167 = arith.addi %add3A_155, %add3A_166 : i32
      %dma_start3A_168 = arith.constant 0 : i32
      %dma_start3A_169 = tpu.memref_slice %arg7[%add3A_167, %dma_start3A_168] : memref<40x128xi32, #tpu.memory_space<vmem>> -> memref<1x128xi32, #tpu.memory_space<vmem>>
      %dma_start3A_170 = tpu.memref_squeeze %dma_start3A_169 : memref<1x128xi32, #tpu.memory_space<vmem>> -> memref<128xi32, #tpu.memory_space<vmem>>
      %dma_start3A_171 = arith.constant 0 : i32
      %dma_start3A_172 = arith.constant 0 : i32
      %dma_start3A_173 = tpu.memref_slice %arg2[%scan3A_88, %dma_start3A_171, %dma_start3A_172] : memref<2x10240x128xf32, #tpu.memory_space<hbm>> -> memref<1x10240x128xf32, #tpu.memory_space<hbm>>
      %dma_start3A_174 = tpu.memref_squeeze %dma_start3A_173 : memref<1x10240x128xf32, #tpu.memory_space<hbm>> -> memref<10240x128xf32, #tpu.memory_space<hbm>>
      %dma_start3A_175 = arith.constant 0 : i32
      %dma_start3A_176 = arith.constant 0 : i32
      %dma_start3A_177 = tpu.memref_slice %dma_start3A_174[%dma_start3A_175, %dma_start3A_176] : memref<10240x128xf32, #tpu.memory_space<hbm>> -> memref<10240x128xf32, #tpu.memory_space<hbm>>
      tpu.enqueue_indirect_dma source(%dma_start3A_177 : memref<10240x128xf32, #tpu.memory_space<hbm>>) target(%arg10 : memref<128x128xf32, #tpu.memory_space<vmem>>) offsets(%dma_start3A_170 : memref<128xi32, #tpu.memory_space<vmem>>) semaphore(%arg13 : memref<!tpu.dma_semaphore, #tpu.memory_space<semaphore_mem>>)
    }
    %scan3A_93 = arith.constant 19 : i32
    %dma_wait3A_94 = arith.constant 1 : i32
    %dma_wait3A_95 = arith.constant 38 : i32
    %dma_wait3A_96 = arith.constant 0 : i32
    %dma_wait3A_97 = tpu.memref_slice %arg7[%dma_wait3A_95, %dma_wait3A_96] : memref<40x128xi32, #tpu.memory_space<vmem>> -> memref<1x128xi32, #tpu.memory_space<vmem>>
    %dma_wait3A_98 = tpu.memref_squeeze %dma_wait3A_97 : memref<1x128xi32, #tpu.memory_space<vmem>> -> memref<128xi32, #tpu.memory_space<vmem>>
    %dma_wait3A_99 = arith.constant 0 : i32
    %dma_wait3A_100 = arith.constant 0 : i32
    %dma_wait3A_101 = tpu.memref_slice %arg2[%dma_wait3A_94, %dma_wait3A_99, %dma_wait3A_100] : memref<2x10240x128xf32, #tpu.memory_space<hbm>> -> memref<1x10240x128xf32, #tpu.memory_space<hbm>>
    %dma_wait3A_102 = tpu.memref_squeeze %dma_wait3A_101 : memref<1x10240x128xf32, #tpu.memory_space<hbm>> -> memref<10240x128xf32, #tpu.memory_space<hbm>>
    %dma_wait3A_103 = arith.constant 0 : i32
    %dma_wait3A_104 = arith.constant 0 : i32
    %dma_wait3A_105 = tpu.memref_slice %dma_wait3A_102[%dma_wait3A_103, %dma_wait3A_104] : memref<10240x128xf32, #tpu.memory_space<hbm>> -> memref<10240x128xf32, #tpu.memory_space<hbm>>
    tpu.wait_indirect_dma semaphore(%arg12 : memref<!tpu.dma_semaphore, #tpu.memory_space<semaphore_mem>>) src(%dma_wait3A_105 : memref<10240x128xf32, #tpu.memory_space<hbm>>) dst(%arg9 : memref<128x128xf32, #tpu.memory_space<vmem>>)
    %run_scoped3A_106 = arith.constant 38 : i32
    "tpu.region"() ({
      %run_scoped3A_126 = tpu.sem_alloc : memref<!tpu.dma_semaphore, #tpu.memory_space<semaphore_mem>>
      %dma_start3A_127 = arith.constant 0 : i32
      %dma_start3A_128 = tpu.memref_slice %arg8[%run_scoped3A_106, %dma_start3A_127] : memref<40x128xi32, #tpu.memory_space<vmem>> -> memref<1x128xi32, #tpu.memory_space<vmem>>
      %dma_start3A_129 = tpu.memref_squeeze %dma_start3A_128 : memref<1x128xi32, #tpu.memory_space<vmem>> -> memref<128xi32, #tpu.memory_space<vmem>>
      %dma_start3A_130 = arith.constant 0 : i32
      %dma_start3A_131 = arith.constant 0 : i32
      %dma_start3A_132 = tpu.memref_slice %arg11[%dma_start3A_130, %dma_start3A_131] : memref<10240x128xf32, #tpu.memory_space<vmem_shared>> -> memref<10240x128xf32, #tpu.memory_space<vmem_shared>>
      tpu.enqueue_indirect_dma source(%arg9 : memref<128x128xf32, #tpu.memory_space<vmem>>) target(%dma_start3A_132 : memref<10240x128xf32, #tpu.memory_space<vmem_shared>>) offsets(%dma_start3A_129 : memref<128xi32, #tpu.memory_space<vmem>>) semaphore(%run_scoped3A_126 : memref<!tpu.dma_semaphore, #tpu.memory_space<semaphore_mem>>) {add = true}
      %dma_wait3A_133 = arith.constant 0 : i32
      %dma_wait3A_134 = tpu.memref_slice %arg8[%run_scoped3A_106, %dma_wait3A_133] : memref<40x128xi32, #tpu.memory_space<vmem>> -> memref<1x128xi32, #tpu.memory_space<vmem>>
      %dma_wait3A_135 = tpu.memref_squeeze %dma_wait3A_134 : memref<1x128xi32, #tpu.memory_space<vmem>> -> memref<128xi32, #tpu.memory_space<vmem>>
      %dma_wait3A_136 = arith.constant 0 : i32
      %dma_wait3A_137 = arith.constant 0 : i32
      %dma_wait3A_138 = tpu.memref_slice %arg11[%dma_wait3A_136, %dma_wait3A_137] : memref<10240x128xf32, #tpu.memory_space<vmem_shared>> -> memref<10240x128xf32, #tpu.memory_space<vmem_shared>>
      tpu.wait_indirect_dma semaphore(%run_scoped3A_126 : memref<!tpu.dma_semaphore, #tpu.memory_space<semaphore_mem>>) src(%arg9 : memref<128x128xf32, #tpu.memory_space<vmem>>) dst(%dma_wait3A_138 : memref<10240x128xf32, #tpu.memory_space<vmem_shared>>)
      tpu.yield
    }) : () -> ()
    %dma_wait3A_107 = arith.constant 1 : i32
    %dma_wait3A_108 = arith.constant 39 : i32
    %dma_wait3A_109 = arith.constant 0 : i32
    %dma_wait3A_110 = tpu.memref_slice %arg7[%dma_wait3A_108, %dma_wait3A_109] : memref<40x128xi32, #tpu.memory_space<vmem>> -> memref<1x128xi32, #tpu.memory_space<vmem>>
    %dma_wait3A_111 = tpu.memref_squeeze %dma_wait3A_110 : memref<1x128xi32, #tpu.memory_space<vmem>> -> memref<128xi32, #tpu.memory_space<vmem>>
    %dma_wait3A_112 = arith.constant 0 : i32
    %dma_wait3A_113 = arith.constant 0 : i32
    %dma_wait3A_114 = tpu.memref_slice %arg2[%dma_wait3A_107, %dma_wait3A_112, %dma_wait3A_113] : memref<2x10240x128xf32, #tpu.memory_space<hbm>> -> memref<1x10240x128xf32, #tpu.memory_space<hbm>>
    %dma_wait3A_115 = tpu.memref_squeeze %dma_wait3A_114 : memref<1x10240x128xf32, #tpu.memory_space<hbm>> -> memref<10240x128xf32, #tpu.memory_space<hbm>>
    %dma_wait3A_116 = arith.constant 0 : i32
    %dma_wait3A_117 = arith.constant 0 : i32
    %dma_wait3A_118 = tpu.memref_slice %dma_wait3A_115[%dma_wait3A_116, %dma_wait3A_117] : memref<10240x128xf32, #tpu.memory_space<hbm>> -> memref<10240x128xf32, #tpu.memory_space<hbm>>
    tpu.wait_indirect_dma semaphore(%arg13 : memref<!tpu.dma_semaphore, #tpu.memory_space<semaphore_mem>>) src(%dma_wait3A_118 : memref<10240x128xf32, #tpu.memory_space<hbm>>) dst(%arg10 : memref<128x128xf32, #tpu.memory_space<vmem>>)
    %run_scoped3A_119 = arith.constant 39 : i32
    "tpu.region"() ({
      %run_scoped3A_126 = tpu.sem_alloc : memref<!tpu.dma_semaphore, #tpu.memory_space<semaphore_mem>>
      %dma_start3A_127 = arith.constant 0 : i32
      %dma_start3A_128 = tpu.memref_slice %arg8[%run_scoped3A_119, %dma_start3A_127] : memref<40x128xi32, #tpu.memory_space<vmem>> -> memref<1x128xi32, #tpu.memory_space<vmem>>
      %dma_start3A_129 = tpu.memref_squeeze %dma_start3A_128 : memref<1x128xi32, #tpu.memory_space<vmem>> -> memref<128xi32, #tpu.memory_space<vmem>>
      %dma_start3A_130 = arith.constant 0 : i32
      %dma_start3A_131 = arith.constant 0 : i32
      %dma_start3A_132 = tpu.memref_slice %arg11[%dma_start3A_130, %dma_start3A_131] : memref<10240x128xf32, #tpu.memory_space<vmem_shared>> -> memref<10240x128xf32, #tpu.memory_space<vmem_shared>>
      tpu.enqueue_indirect_dma source(%arg10 : memref<128x128xf32, #tpu.memory_space<vmem>>) target(%dma_start3A_132 : memref<10240x128xf32, #tpu.memory_space<vmem_shared>>) offsets(%dma_start3A_129 : memref<128xi32, #tpu.memory_space<vmem>>) semaphore(%run_scoped3A_126 : memref<!tpu.dma_semaphore, #tpu.memory_space<semaphore_mem>>) {add = true}
      %dma_wait3A_133 = arith.constant 0 : i32
      %dma_wait3A_134 = tpu.memref_slice %arg8[%run_scoped3A_119, %dma_wait3A_133] : memref<40x128xi32, #tpu.memory_space<vmem>> -> memref<1x128xi32, #tpu.memory_space<vmem>>
      %dma_wait3A_135 = tpu.memref_squeeze %dma_wait3A_134 : memref<1x128xi32, #tpu.memory_space<vmem>> -> memref<128xi32, #tpu.memory_space<vmem>>
      %dma_wait3A_136 = arith.constant 0 : i32
      %dma_wait3A_137 = arith.constant 0 : i32
      %dma_wait3A_138 = tpu.memref_slice %arg11[%dma_wait3A_136, %dma_wait3A_137] : memref<10240x128xf32, #tpu.memory_space<vmem_shared>> -> memref<10240x128xf32, #tpu.memory_space<vmem_shared>>
      tpu.wait_indirect_dma semaphore(%run_scoped3A_126 : memref<!tpu.dma_semaphore, #tpu.memory_space<semaphore_mem>>) src(%arg10 : memref<128x128xf32, #tpu.memory_space<vmem>>) dst(%dma_wait3A_138 : memref<10240x128xf32, #tpu.memory_space<vmem_shared>>)
      tpu.yield
    }) : () -> ()
    %barrier3A_120 = arith.constant 0 : index
    tpu.barrier barrier_id(%barrier3A_120)
    %mul3A_121 = arith.constant 640 : i32
    %mul3A_122 = arith.muli %arg1, %mul3A_121 : i32
    %mul3A_123 = arith.constant 640 : i32
    %mul3A_124 = arith.muli %arg1, %mul3A_123 : i32
    %run_scoped3A_125 = arith.constant 1 : i32
    "tpu.region"() ({
      %run_scoped3A_126 = tpu.sem_alloc : memref<!tpu.dma_semaphore, #tpu.memory_space<semaphore_mem>>
      %dma_start3A_127 = arith.constant 0 : i32
      %dma_start3A_128 = tpu.memref_slice %arg6[%arg0, %run_scoped3A_125, %mul3A_124, %dma_start3A_127] : memref<2x2x10240x128xf32, #tpu.memory_space<hbm>> -> memref<1x1x640x128xf32, #tpu.memory_space<hbm>>
      %dma_start3A_129 = tpu.memref_squeeze %dma_start3A_128 : memref<1x1x640x128xf32, #tpu.memory_space<hbm>> -> memref<640x128xf32, #tpu.memory_space<hbm>>
      %dma_start3A_130 = arith.constant 0 : i32
      %dma_start3A_131 = tpu.memref_slice %arg11[%mul3A_122, %dma_start3A_130] : memref<10240x128xf32, #tpu.memory_space<vmem_shared>> -> memref<640x128xf32, #tpu.memory_space<vmem_shared>>
      tpu.enqueue_dma source(%dma_start3A_131 : memref<640x128xf32, #tpu.memory_space<vmem_shared>>) target(%dma_start3A_129 : memref<640x128xf32, #tpu.memory_space<hbm>>) target_semaphore(%run_scoped3A_126 : memref<!tpu.dma_semaphore, #tpu.memory_space<semaphore_mem>>)
      %dma_wait3A_132 = arith.constant 0 : i32
      %dma_wait3A_133 = tpu.memref_slice %arg6[%arg0, %run_scoped3A_125, %mul3A_124, %dma_wait3A_132] : memref<2x2x10240x128xf32, #tpu.memory_space<hbm>> -> memref<1x1x640x128xf32, #tpu.memory_space<hbm>>
      %dma_wait3A_134 = tpu.memref_squeeze %dma_wait3A_133 : memref<1x1x640x128xf32, #tpu.memory_space<hbm>> -> memref<640x128xf32, #tpu.memory_space<hbm>>
      %dma_wait3A_135 = arith.constant 0 : i32
      %dma_wait3A_136 = tpu.memref_slice %arg11[%mul3A_122, %dma_wait3A_135] : memref<10240x128xf32, #tpu.memory_space<vmem_shared>> -> memref<640x128xf32, #tpu.memory_space<vmem_shared>>
      tpu.wait_dma2 semaphore(%run_scoped3A_126 : memref<!tpu.dma_semaphore, #tpu.memory_space<semaphore_mem>>) src(%dma_wait3A_136 : memref<640x128xf32, #tpu.memory_space<vmem_shared>>) dst(%dma_wait3A_134 : memref<640x128xf32, #tpu.memory_space<hbm>>)
      tpu.yield
    }) : () -> ()
    return
  }
}

module attributes {stable_mosaic.version = 14 : i64} {
  func.func @_norm_body(%arg0: memref<2x2x10240xf32, #tpu.memory_space<vmem>>, %arg1: memref<2x10240xf32, #tpu.memory_space<vmem>>) attributes {dimension_semantics = [], scalar_prefetch = 0 : i64, scratch_operands = 0 : i64, tpu.core_type = #tpu.core_type<tc>} {
    %get3A = arith.constant 0 : index
    %get3A_0 = arith.constant 0 : index
    %get3A_1 = arith.constant 0 : index
    %get3A_2 = vector.load %arg0[%get3A, %get3A_0, %get3A_1] : memref<2x2x10240xf32, #tpu.memory_space<vmem>>, vector<1x2x10240xf32>
    %get3A_3 = vector.shape_cast %get3A_2 : vector<1x2x10240xf32> to vector<2x10240xf32>
    %get3A_4 = arith.constant 1 : index
    %get3A_5 = arith.constant 0 : index
    %get3A_6 = arith.constant 0 : index
    %get3A_7 = vector.load %arg0[%get3A_4, %get3A_5, %get3A_6] : memref<2x2x10240xf32, #tpu.memory_space<vmem>>, vector<1x2x10240xf32>
    %get3A_8 = vector.shape_cast %get3A_7 : vector<1x2x10240xf32> to vector<2x10240xf32>
    %add3A = arith.addf %get3A_3, %get3A_8 : vector<2x10240xf32>
    %max3A = arith.constant 1.000000e+00 : f32
    %max3A_9 = vector.broadcast %max3A : f32 to vector<2x10240xf32>
    %max3A_10 = arith.maximumf %add3A, %max3A_9 : vector<2x10240xf32>
    %rsqrt3A = math.rsqrt %max3A_10 : vector<2x10240xf32>
    %swap3A = arith.constant 0 : index
    %swap3A_11 = arith.constant 0 : index
    %swap3A_12 = vector.load %arg1[%swap3A, %swap3A_11] : memref<2x10240xf32, #tpu.memory_space<vmem>>, vector<2x10240xf32>
    tpu.vector_store %arg1[%swap3A, %swap3A_11], %rsqrt3A {strides = array<i32>} : memref<2x10240xf32, #tpu.memory_space<vmem>>, vector<2x10240xf32>,
    return
  }
}

module attributes {stable_mosaic.version = 14 : i64} {
  func.func @_g0_body(%arg0: i32, %arg1: memref<256x256xf32, #tpu.memory_space<vmem>>, %arg2: memref<2x256xf32, #tpu.memory_space<vmem>>, %arg3: memref<2x256x128xf32, #tpu.memory_space<vmem>>) attributes {dimension_semantics = [#tpu.dimension_semantics<arbitrary>], iteration_bounds = array<i64: 40>, scalar_prefetch = 0 : i64, scratch_operands = 0 : i64, tpu.core_type = #tpu.core_type<tc>, window_params = [{transform_indices = @transform_0, window_bounds = array<i64: 256, 256>}, {transform_indices = @transform_1, window_bounds = array<i64: 2, 256>}, {transform_indices = @transform_2, window_bounds = array<i64: 2, 256, 128>}]} {
    %get3A = arith.constant 0 : index
    %get3A_0 = arith.constant 0 : index
    %get3A_1 = vector.load %arg1[%get3A, %get3A_0] : memref<256x256xf32, #tpu.memory_space<vmem>>, vector<256x256xf32>
    %get3A_2 = arith.constant 0 : index
    %get3A_3 = arith.constant 0 : index
    %get3A_4 = vector.load %arg2[%get3A_2, %get3A_3] : memref<2x256xf32, #tpu.memory_space<vmem>>, vector<1x256xf32>
    %get3A_5 = vector.shape_cast %get3A_4 : vector<1x256xf32> to vector<256xf32>
    %broadcast_in_dim3A = vector.shape_cast %get3A_5 : vector<256xf32> to vector<256x1xf32>
    %mul3A = vector.broadcast %broadcast_in_dim3A : vector<256x1xf32> to vector<256x256xf32>
    %mul3A_6 = arith.mulf %get3A_1, %mul3A : vector<256x256xf32>
    %slice3A = vector.extract_strided_slice %mul3A_6 {offsets = [0, 0], sizes = [256, 128], strides = [1, 1]} : vector<256x256xf32> to vector<256x128xf32>
    %swap3A = arith.constant 0 : index
    %swap3A_7 = arith.constant 0 : index
    %swap3A_8 = arith.constant 0 : index
    %swap3A_9 = vector.load %arg3[%swap3A, %swap3A_7, %swap3A_8] : memref<2x256x128xf32, #tpu.memory_space<vmem>>, vector<1x256x128xf32>
    %swap3A_10 = vector.shape_cast %swap3A_9 : vector<1x256x128xf32> to vector<256x128xf32>
    %swap3A_11 = vector.shape_cast %slice3A : vector<256x128xf32> to vector<1x256x128xf32>
    tpu.vector_store %arg3[%swap3A, %swap3A_7, %swap3A_8], %swap3A_11 {strides = array<i32>} : memref<2x256x128xf32, #tpu.memory_space<vmem>>, vector<1x256x128xf32>,
    %slice3A_12 = vector.extract_strided_slice %mul3A_6 {offsets = [0, 128], sizes = [256, 128], strides = [1, 1]} : vector<256x256xf32> to vector<256x128xf32>
    %swap3A_13 = arith.constant 1 : index
    %swap3A_14 = arith.constant 0 : index
    %swap3A_15 = arith.constant 0 : index
    %swap3A_16 = vector.load %arg3[%swap3A_13, %swap3A_14, %swap3A_15] : memref<2x256x128xf32, #tpu.memory_space<vmem>>, vector<1x256x128xf32>
    %swap3A_17 = vector.shape_cast %swap3A_16 : vector<1x256x128xf32> to vector<256x128xf32>
    %swap3A_18 = vector.shape_cast %slice3A_12 : vector<256x128xf32> to vector<1x256x128xf32>
    tpu.vector_store %arg3[%swap3A_13, %swap3A_14, %swap3A_15], %swap3A_18 {strides = array<i32>} : memref<2x256x128xf32, #tpu.memory_space<vmem>>, vector<1x256x128xf32>,
    return
  }
  func.func @transform_0(%arg0: i32) -> (i32, i32) {
    %c0_i32 = arith.constant 0 : i32
    %c0_i32_0 = arith.constant 0 : i32
    return %arg0, %c0_i32 : i32, i32
  }
  func.func @transform_1(%arg0: i32) -> (i32, i32) {
    %c0_i32 = arith.constant 0 : i32
    %c0_i32_0 = arith.constant 0 : i32
    return %c0_i32, %arg0 : i32, i32
  }
  func.func @transform_2(%arg0: i32) -> (i32, i32, i32) {
    %c0_i32 = arith.constant 0 : i32
    %c0_i32_0 = arith.constant 0 : i32
    %c0_i32_1 = arith.constant 0 : i32
    return %c0_i32, %arg0, %c0_i32_0 : i32, i32, i32
  }
}

module attributes {stable_mosaic.version = 14 : i64} {
  func.func @_mm1_body(%arg0: i32, %arg1: memref<2x2x256x128xf32, #tpu.memory_space<vmem>>, %arg2: memref<2x128x512xf32, #tpu.memory_space<vmem>>, %arg3: memref<1x512xf32, #tpu.memory_space<vmem>>, %arg4: memref<2x256xf32, #tpu.memory_space<vmem>>, %arg5: memref<4x256x128xf32, #tpu.memory_space<vmem>>) attributes {dimension_semantics = [#tpu.dimension_semantics<arbitrary>], iteration_bounds = array<i64: 40>, scalar_prefetch = 0 : i64, scratch_operands = 0 : i64, tpu.core_type = #tpu.core_type<tc>, window_params = [{transform_indices = @transform_0, window_bounds = array<i64: 2, 2, 256, 128>}, {pipeline_mode = #tpu.pipeline_mode<synchronous>, transform_indices = @transform_1, window_bounds = array<i64: 2, 128, 512>}, {pipeline_mode = #tpu.pipeline_mode<synchronous>, transform_indices = @transform_2, window_bounds = array<i64: 1, 512>}, {transform_indices = @transform_3, window_bounds = array<i64: 2, 256>}, {transform_indices = @transform_4, window_bounds = array<i64: 4, 256, 128>}]} {
    %get3A = arith.constant 0 : index
    %get3A_0 = arith.constant 0 : index
    %get3A_1 = arith.constant 0 : index
    %get3A_2 = arith.constant 0 : index
    %get3A_3 = vector.load %arg1[%get3A, %get3A_0, %get3A_1, %get3A_2] : memref<2x2x256x128xf32, #tpu.memory_space<vmem>>, vector<1x2x256x128xf32>
    %get3A_4 = vector.shape_cast %get3A_3 : vector<1x2x256x128xf32> to vector<2x256x128xf32>
    %get3A_5 = arith.constant 1 : index
    %get3A_6 = arith.constant 0 : index
    %get3A_7 = arith.constant 0 : index
    %get3A_8 = arith.constant 0 : index
    %get3A_9 = vector.load %arg1[%get3A_5, %get3A_6, %get3A_7, %get3A_8] : memref<2x2x256x128xf32, #tpu.memory_space<vmem>>, vector<1x2x256x128xf32>
    %get3A_10 = vector.shape_cast %get3A_9 : vector<1x2x256x128xf32> to vector<2x256x128xf32>
    %add3A = arith.addf %get3A_4, %get3A_10 : vector<2x256x128xf32>
    %slice3A = vector.extract_strided_slice %add3A {offsets = [0, 0, 0], sizes = [1, 256, 128], strides = [1, 1, 1]} : vector<2x256x128xf32> to vector<1x256x128xf32>
    %squeeze3A = vector.shape_cast %slice3A : vector<1x256x128xf32> to vector<256x128xf32>
    %get3A_11 = arith.constant 0 : index
    %get3A_12 = arith.constant 0 : index
    %get3A_13 = arith.constant 0 : index
    %get3A_14 = vector.load %arg2[%get3A_11, %get3A_12, %get3A_13] : memref<2x128x512xf32, #tpu.memory_space<vmem>>, vector<1x128x512xf32>
    %get3A_15 = vector.shape_cast %get3A_14 : vector<1x128x512xf32> to vector<128x512xf32>
    %dot_general3A = arith.constant dense<0.000000e+00> : vector<256x512xf32>
    %dot_general3A_16 = tpu.matmul %squeeze3A, %get3A_15, %dot_general3A {dimension_numbers = #tpu.dot_dimension_numbers<[1], [0], [0], [1], [0, 0, 1, 1], [], []>, transpose_lhs_hint = false} : vector<256x128xf32>, vector<128x512xf32>, vector<256x512xf32> -> vector<256x512xf32>
    %slice3A_17 = vector.extract_strided_slice %add3A {offsets = [1, 0, 0], sizes = [1, 256, 128], strides = [1, 1, 1]} : vector<2x256x128xf32> to vector<1x256x128xf32>
    %squeeze3A_18 = vector.shape_cast %slice3A_17 : vector<1x256x128xf32> to vector<256x128xf32>
    %get3A_19 = arith.constant 1 : index
    %get3A_20 = arith.constant 0 : index
    %get3A_21 = arith.constant 0 : index
    %get3A_22 = vector.load %arg2[%get3A_19, %get3A_20, %get3A_21] : memref<2x128x512xf32, #tpu.memory_space<vmem>>, vector<1x128x512xf32>
    %get3A_23 = vector.shape_cast %get3A_22 : vector<1x128x512xf32> to vector<128x512xf32>
    %dot_general3A_24 = arith.constant dense<0.000000e+00> : vector<256x512xf32>
    %dot_general3A_25 = tpu.matmul %squeeze3A_18, %get3A_23, %dot_general3A_24 {dimension_numbers = #tpu.dot_dimension_numbers<[1], [0], [0], [1], [0, 0, 1, 1], [], []>, transpose_lhs_hint = false} : vector<256x128xf32>, vector<128x512xf32>, vector<256x512xf32> -> vector<256x512xf32>
    %add3A_26 = arith.addf %dot_general3A_16, %dot_general3A_25 : vector<256x512xf32>
    %get3A_27 = arith.constant 1 : index
    %get3A_28 = arith.constant 0 : index
    %get3A_29 = vector.load %arg4[%get3A_27, %get3A_28] : memref<2x256xf32, #tpu.memory_space<vmem>>, vector<1x256xf32>
    %get3A_30 = vector.shape_cast %get3A_29 : vector<1x256xf32> to vector<256xf32>
    %broadcast_in_dim3A = vector.shape_cast %get3A_30 : vector<256xf32> to vector<256x1xf32>
    %mul3A = vector.broadcast %broadcast_in_dim3A : vector<256x1xf32> to vector<256x512xf32>
    %mul3A_31 = arith.mulf %add3A_26, %mul3A : vector<256x512xf32>
    %get3A_32 = arith.constant 0 : index
    %get3A_33 = arith.constant 0 : index
    %get3A_34 = vector.load %arg3[%get3A_32, %get3A_33] : memref<1x512xf32, #tpu.memory_space<vmem>>, vector<1x512xf32>
    %add3A_35 = vector.broadcast %get3A_34 : vector<1x512xf32> to vector<256x512xf32>
    %add3A_36 = arith.addf %mul3A_31, %add3A_35 : vector<256x512xf32>
    %max3A = arith.constant 0.000000e+00 : f32
    %max3A_37 = vector.broadcast %max3A : f32 to vector<256x512xf32>
    %max3A_38 = arith.maximumf %add3A_36, %max3A_37 : vector<256x512xf32>
    %get3A_39 = arith.constant 0 : index
    %get3A_40 = arith.constant 0 : index
    %get3A_41 = vector.load %arg4[%get3A_39, %get3A_40] : memref<2x256xf32, #tpu.memory_space<vmem>>, vector<1x256xf32>
    %get3A_42 = vector.shape_cast %get3A_41 : vector<1x256xf32> to vector<256xf32>
    %broadcast_in_dim3A_43 = vector.shape_cast %get3A_42 : vector<256xf32> to vector<256x1xf32>
    %mul3A_44 = vector.broadcast %broadcast_in_dim3A_43 : vector<256x1xf32> to vector<256x512xf32>
    %mul3A_45 = arith.mulf %max3A_38, %mul3A_44 : vector<256x512xf32>
    %slice3A_46 = vector.extract_strided_slice %mul3A_45 {offsets = [0, 0], sizes = [256, 128], strides = [1, 1]} : vector<256x512xf32> to vector<256x128xf32>
    %swap3A = arith.constant 0 : index
    %swap3A_47 = arith.constant 0 : index
    %swap3A_48 = arith.constant 0 : index
    %swap3A_49 = vector.load %arg5[%swap3A, %swap3A_47, %swap3A_48] : memref<4x256x128xf32, #tpu.memory_space<vmem>>, vector<1x256x128xf32>
    %swap3A_50 = vector.shape_cast %swap3A_49 : vector<1x256x128xf32> to vector<256x128xf32>
    %swap3A_51 = vector.shape_cast %slice3A_46 : vector<256x128xf32> to vector<1x256x128xf32>
    tpu.vector_store %arg5[%swap3A, %swap3A_47, %swap3A_48], %swap3A_51 {strides = array<i32>} : memref<4x256x128xf32, #tpu.memory_space<vmem>>, vector<1x256x128xf32>,
    %slice3A_52 = vector.extract_strided_slice %mul3A_45 {offsets = [0, 128], sizes = [256, 128], strides = [1, 1]} : vector<256x512xf32> to vector<256x128xf32>
    %swap3A_53 = arith.constant 1 : index
    %swap3A_54 = arith.constant 0 : index
    %swap3A_55 = arith.constant 0 : index
    %swap3A_56 = vector.load %arg5[%swap3A_53, %swap3A_54, %swap3A_55] : memref<4x256x128xf32, #tpu.memory_space<vmem>>, vector<1x256x128xf32>
    %swap3A_57 = vector.shape_cast %swap3A_56 : vector<1x256x128xf32> to vector<256x128xf32>
    %swap3A_58 = vector.shape_cast %slice3A_52 : vector<256x128xf32> to vector<1x256x128xf32>
    tpu.vector_store %arg5[%swap3A_53, %swap3A_54, %swap3A_55], %swap3A_58 {strides = array<i32>} : memref<4x256x128xf32, #tpu.memory_space<vmem>>, vector<1x256x128xf32>,
    %slice3A_59 = vector.extract_strided_slice %mul3A_45 {offsets = [0, 256], sizes = [256, 128], strides = [1, 1]} : vector<256x512xf32> to vector<256x128xf32>
    %swap3A_60 = arith.constant 2 : index
    %swap3A_61 = arith.constant 0 : index
    %swap3A_62 = arith.constant 0 : index
    %swap3A_63 = vector.load %arg5[%swap3A_60, %swap3A_61, %swap3A_62] : memref<4x256x128xf32, #tpu.memory_space<vmem>>, vector<1x256x128xf32>
    %swap3A_64 = vector.shape_cast %swap3A_63 : vector<1x256x128xf32> to vector<256x128xf32>
    %swap3A_65 = vector.shape_cast %slice3A_59 : vector<256x128xf32> to vector<1x256x128xf32>
    tpu.vector_store %arg5[%swap3A_60, %swap3A_61, %swap3A_62], %swap3A_65 {strides = array<i32>} : memref<4x256x128xf32, #tpu.memory_space<vmem>>, vector<1x256x128xf32>,
    %slice3A_66 = vector.extract_strided_slice %mul3A_45 {offsets = [0, 384], sizes = [256, 128], strides = [1, 1]} : vector<256x512xf32> to vector<256x128xf32>
    %swap3A_67 = arith.constant 3 : index
    %swap3A_68 = arith.constant 0 : index
    %swap3A_69 = arith.constant 0 : index
    %swap3A_70 = vector.load %arg5[%swap3A_67, %swap3A_68, %swap3A_69] : memref<4x256x128xf32, #tpu.memory_space<vmem>>, vector<1x256x128xf32>
    %swap3A_71 = vector.shape_cast %swap3A_70 : vector<1x256x128xf32> to vector<256x128xf32>
    %swap3A_72 = vector.shape_cast %slice3A_66 : vector<256x128xf32> to vector<1x256x128xf32>
    tpu.vector_store %arg5[%swap3A_67, %swap3A_68, %swap3A_69], %swap3A_72 {strides = array<i32>} : memref<4x256x128xf32, #tpu.memory_space<vmem>>, vector<1x256x128xf32>,
    return
  }
  func.func @transform_0(%arg0: i32) -> (i32, i32, i32, i32) {
    %c0_i32 = arith.constant 0 : i32
    %c0_i32_0 = arith.constant 0 : i32
    %c0_i32_1 = arith.constant 0 : i32
    %c0_i32_2 = arith.constant 0 : i32
    return %c0_i32, %c0_i32_0, %arg0, %c0_i32_1 : i32, i32, i32, i32
  }
  func.func @transform_1(%arg0: i32) -> (i32, i32, i32) {
    %c0_i32 = arith.constant 0 : i32
    %c0_i32_0 = arith.constant 0 : i32
    %c0_i32_1 = arith.constant 0 : i32
    %c0_i32_2 = arith.constant 0 : i32
    return %c0_i32, %c0_i32_0, %c0_i32_1 : i32, i32, i32
  }
  func.func @transform_2(%arg0: i32) -> (i32, i32) {
    %c0_i32 = arith.constant 0 : i32
    %c0_i32_0 = arith.constant 0 : i32
    %c0_i32_1 = arith.constant 0 : i32
    return %c0_i32, %c0_i32_0 : i32, i32
  }
  func.func @transform_3(%arg0: i32) -> (i32, i32) {
    %c0_i32 = arith.constant 0 : i32
    %c0_i32_0 = arith.constant 0 : i32
    return %c0_i32, %arg0 : i32, i32
  }
  func.func @transform_4(%arg0: i32) -> (i32, i32, i32) {
    %c0_i32 = arith.constant 0 : i32
    %c0_i32_0 = arith.constant 0 : i32
    %c0_i32_1 = arith.constant 0 : i32
    return %c0_i32, %arg0, %c0_i32_0 : i32, i32, i32
  }
}

module attributes {stable_mosaic.version = 14 : i64} {
  func.func @_mm23_body(%arg0: i32, %arg1: memref<2x4x256x128xf32, #tpu.memory_space<vmem>>, %arg2: memref<4x128x512xf32, #tpu.memory_space<vmem>>, %arg3: memref<1x512xf32, #tpu.memory_space<vmem>>, %arg4: memref<2x256xf32, #tpu.memory_space<vmem>>, %arg5: memref<512x128xf32, #tpu.memory_space<vmem>>, %arg6: memref<1x256x128xf32, #tpu.memory_space<vmem>>) attributes {dimension_semantics = [#tpu.dimension_semantics<arbitrary>], iteration_bounds = array<i64: 40>, scalar_prefetch = 0 : i64, scratch_operands = 0 : i64, tpu.core_type = #tpu.core_type<tc>, window_params = [{transform_indices = @transform_0, window_bounds = array<i64: 2, 4, 256, 128>}, {pipeline_mode = #tpu.pipeline_mode<synchronous>, transform_indices = @transform_1, window_bounds = array<i64: 4, 128, 512>}, {pipeline_mode = #tpu.pipeline_mode<synchronous>, transform_indices = @transform_2, window_bounds = array<i64: 1, 512>}, {transform_indices = @transform_3, window_bounds = array<i64: 2, 256>}, {pipeline_mode = #tpu.pipeline_mode<synchronous>, transform_indices = @transform_4, window_bounds = array<i64: 512, 128>}, {transform_indices = @transform_5, window_bounds = array<i64: 1, 256, 128>}]} {
    %get3A = arith.constant 0 : index
    %get3A_0 = arith.constant 0 : index
    %get3A_1 = arith.constant 0 : index
    %get3A_2 = arith.constant 0 : index
    %get3A_3 = vector.load %arg1[%get3A, %get3A_0, %get3A_1, %get3A_2] : memref<2x4x256x128xf32, #tpu.memory_space<vmem>>, vector<1x4x256x128xf32>
    %get3A_4 = vector.shape_cast %get3A_3 : vector<1x4x256x128xf32> to vector<4x256x128xf32>
    %get3A_5 = arith.constant 1 : index
    %get3A_6 = arith.constant 0 : index
    %get3A_7 = arith.constant 0 : index
    %get3A_8 = arith.constant 0 : index
    %get3A_9 = vector.load %arg1[%get3A_5, %get3A_6, %get3A_7, %get3A_8] : memref<2x4x256x128xf32, #tpu.memory_space<vmem>>, vector<1x4x256x128xf32>
    %get3A_10 = vector.shape_cast %get3A_9 : vector<1x4x256x128xf32> to vector<4x256x128xf32>
    %add3A = arith.addf %get3A_4, %get3A_10 : vector<4x256x128xf32>
    %slice3A = vector.extract_strided_slice %add3A {offsets = [0, 0, 0], sizes = [1, 256, 128], strides = [1, 1, 1]} : vector<4x256x128xf32> to vector<1x256x128xf32>
    %squeeze3A = vector.shape_cast %slice3A : vector<1x256x128xf32> to vector<256x128xf32>
    %get3A_11 = arith.constant 0 : index
    %get3A_12 = arith.constant 0 : index
    %get3A_13 = arith.constant 0 : index
    %get3A_14 = vector.load %arg2[%get3A_11, %get3A_12, %get3A_13] : memref<4x128x512xf32, #tpu.memory_space<vmem>>, vector<1x128x512xf32>
    %get3A_15 = vector.shape_cast %get3A_14 : vector<1x128x512xf32> to vector<128x512xf32>
    %dot_general3A = arith.constant dense<0.000000e+00> : vector<256x512xf32>
    %dot_general3A_16 = tpu.matmul %squeeze3A, %get3A_15, %dot_general3A {dimension_numbers = #tpu.dot_dimension_numbers<[1], [0], [0], [1], [0, 0, 1, 1], [], []>, transpose_lhs_hint = false} : vector<256x128xf32>, vector<128x512xf32>, vector<256x512xf32> -> vector<256x512xf32>
    %slice3A_17 = vector.extract_strided_slice %add3A {offsets = [1, 0, 0], sizes = [1, 256, 128], strides = [1, 1, 1]} : vector<4x256x128xf32> to vector<1x256x128xf32>
    %squeeze3A_18 = vector.shape_cast %slice3A_17 : vector<1x256x128xf32> to vector<256x128xf32>
    %get3A_19 = arith.constant 1 : index
    %get3A_20 = arith.constant 0 : index
    %get3A_21 = arith.constant 0 : index
    %get3A_22 = vector.load %arg2[%get3A_19, %get3A_20, %get3A_21] : memref<4x128x512xf32, #tpu.memory_space<vmem>>, vector<1x128x512xf32>
    %get3A_23 = vector.shape_cast %get3A_22 : vector<1x128x512xf32> to vector<128x512xf32>
    %dot_general3A_24 = arith.constant dense<0.000000e+00> : vector<256x512xf32>
    %dot_general3A_25 = tpu.matmul %squeeze3A_18, %get3A_23, %dot_general3A_24 {dimension_numbers = #tpu.dot_dimension_numbers<[1], [0], [0], [1], [0, 0, 1, 1], [], []>, transpose_lhs_hint = false} : vector<256x128xf32>, vector<128x512xf32>, vector<256x512xf32> -> vector<256x512xf32>
    %add3A_26 = arith.addf %dot_general3A_16, %dot_general3A_25 : vector<256x512xf32>
    %slice3A_27 = vector.extract_strided_slice %add3A {offsets = [2, 0, 0], sizes = [1, 256, 128], strides = [1, 1, 1]} : vector<4x256x128xf32> to vector<1x256x128xf32>
    %squeeze3A_28 = vector.shape_cast %slice3A_27 : vector<1x256x128xf32> to vector<256x128xf32>
    %get3A_29 = arith.constant 2 : index
    %get3A_30 = arith.constant 0 : index
    %get3A_31 = arith.constant 0 : index
    %get3A_32 = vector.load %arg2[%get3A_29, %get3A_30, %get3A_31] : memref<4x128x512xf32, #tpu.memory_space<vmem>>, vector<1x128x512xf32>
    %get3A_33 = vector.shape_cast %get3A_32 : vector<1x128x512xf32> to vector<128x512xf32>
    %dot_general3A_34 = arith.constant dense<0.000000e+00> : vector<256x512xf32>
    %dot_general3A_35 = tpu.matmul %squeeze3A_28, %get3A_33, %dot_general3A_34 {dimension_numbers = #tpu.dot_dimension_numbers<[1], [0], [0], [1], [0, 0, 1, 1], [], []>, transpose_lhs_hint = false} : vector<256x128xf32>, vector<128x512xf32>, vector<256x512xf32> -> vector<256x512xf32>
    %add3A_36 = arith.addf %add3A_26, %dot_general3A_35 : vector<256x512xf32>
    %slice3A_37 = vector.extract_strided_slice %add3A {offsets = [3, 0, 0], sizes = [1, 256, 128], strides = [1, 1, 1]} : vector<4x256x128xf32> to vector<1x256x128xf32>
    %squeeze3A_38 = vector.shape_cast %slice3A_37 : vector<1x256x128xf32> to vector<256x128xf32>
    %get3A_39 = arith.constant 3 : index
    %get3A_40 = arith.constant 0 : index
    %get3A_41 = arith.constant 0 : index
    %get3A_42 = vector.load %arg2[%get3A_39, %get3A_40, %get3A_41] : memref<4x128x512xf32, #tpu.memory_space<vmem>>, vector<1x128x512xf32>
    %get3A_43 = vector.shape_cast %get3A_42 : vector<1x128x512xf32> to vector<128x512xf32>
    %dot_general3A_44 = arith.constant dense<0.000000e+00> : vector<256x512xf32>
    %dot_general3A_45 = tpu.matmul %squeeze3A_38, %get3A_43, %dot_general3A_44 {dimension_numbers = #tpu.dot_dimension_numbers<[1], [0], [0], [1], [0, 0, 1, 1], [], []>, transpose_lhs_hint = false} : vector<256x128xf32>, vector<128x512xf32>, vector<256x512xf32> -> vector<256x512xf32>
    %add3A_46 = arith.addf %add3A_36, %dot_general3A_45 : vector<256x512xf32>
    %get3A_47 = arith.constant 1 : index
    %get3A_48 = arith.constant 0 : index
    %get3A_49 = vector.load %arg4[%get3A_47, %get3A_48] : memref<2x256xf32, #tpu.memory_space<vmem>>, vector<1x256xf32>
    %get3A_50 = vector.shape_cast %get3A_49 : vector<1x256xf32> to vector<256xf32>
    %broadcast_in_dim3A = vector.shape_cast %get3A_50 : vector<256xf32> to vector<256x1xf32>
    %mul3A = vector.broadcast %broadcast_in_dim3A : vector<256x1xf32> to vector<256x512xf32>
    %mul3A_51 = arith.mulf %add3A_46, %mul3A : vector<256x512xf32>
    %get3A_52 = arith.constant 0 : index
    %get3A_53 = arith.constant 0 : index
    %get3A_54 = vector.load %arg3[%get3A_52, %get3A_53] : memref<1x512xf32, #tpu.memory_space<vmem>>, vector<1x512xf32>
    %add3A_55 = vector.broadcast %get3A_54 : vector<1x512xf32> to vector<256x512xf32>
    %add3A_56 = arith.addf %mul3A_51, %add3A_55 : vector<256x512xf32>
    %max3A = arith.constant 0.000000e+00 : f32
    %max3A_57 = vector.broadcast %max3A : f32 to vector<256x512xf32>
    %max3A_58 = arith.maximumf %add3A_56, %max3A_57 : vector<256x512xf32>
    %get3A_59 = arith.constant 0 : index
    %get3A_60 = arith.constant 0 : index
    %get3A_61 = vector.load %arg4[%get3A_59, %get3A_60] : memref<2x256xf32, #tpu.memory_space<vmem>>, vector<1x256xf32>
    %get3A_62 = vector.shape_cast %get3A_61 : vector<1x256xf32> to vector<256xf32>
    %broadcast_in_dim3A_63 = vector.shape_cast %get3A_62 : vector<256xf32> to vector<256x1xf32>
    %mul3A_64 = vector.broadcast %broadcast_in_dim3A_63 : vector<256x1xf32> to vector<256x512xf32>
    %mul3A_65 = arith.mulf %max3A_58, %mul3A_64 : vector<256x512xf32>
    %get3A_66 = arith.constant 0 : index
    %get3A_67 = arith.constant 0 : index
    %get3A_68 = vector.load %arg5[%get3A_66, %get3A_67] : memref<512x128xf32, #tpu.memory_space<vmem>>, vector<512x128xf32>
    %dot_general3A_69 = arith.constant dense<0.000000e+00> : vector<256x128xf32>
    %dot_general3A_70 = tpu.matmul %mul3A_65, %get3A_68, %dot_general3A_69 {dimension_numbers = #tpu.dot_dimension_numbers<[1], [0], [0], [1], [0, 0, 1, 1], [], []>, transpose_lhs_hint = false} : vector<256x512xf32>, vector<512x128xf32>, vector<256x128xf32> -> vector<256x128xf32>
    %swap3A = arith.constant 0 : index
    %swap3A_71 = arith.constant 0 : index
    %swap3A_72 = arith.constant 0 : index
    %swap3A_73 = vector.load %arg6[%swap3A, %swap3A_71, %swap3A_72] : memref<1x256x128xf32, #tpu.memory_space<vmem>>, vector<1x256x128xf32>
    %swap3A_74 = vector.shape_cast %swap3A_73 : vector<1x256x128xf32> to vector<256x128xf32>
    %swap3A_75 = vector.shape_cast %dot_general3A_70 : vector<256x128xf32> to vector<1x256x128xf32>
    tpu.vector_store %arg6[%swap3A, %swap3A_71, %swap3A_72], %swap3A_75 {strides = array<i32>} : memref<1x256x128xf32, #tpu.memory_space<vmem>>, vector<1x256x128xf32>,
    return
  }
  func.func @transform_0(%arg0: i32) -> (i32, i32, i32, i32) {
    %c0_i32 = arith.constant 0 : i32
    %c0_i32_0 = arith.constant 0 : i32
    %c0_i32_1 = arith.constant 0 : i32
    %c0_i32_2 = arith.constant 0 : i32
    return %c0_i32, %c0_i32_0, %arg0, %c0_i32_1 : i32, i32, i32, i32
  }
  func.func @transform_1(%arg0: i32) -> (i32, i32, i32) {
    %c0_i32 = arith.constant 0 : i32
    %c0_i32_0 = arith.constant 0 : i32
    %c0_i32_1 = arith.constant 0 : i32
    %c0_i32_2 = arith.constant 0 : i32
    return %c0_i32, %c0_i32_0, %c0_i32_1 : i32, i32, i32
  }
  func.func @transform_2(%arg0: i32) -> (i32, i32) {
    %c0_i32 = arith.constant 0 : i32
    %c0_i32_0 = arith.constant 0 : i32
    %c0_i32_1 = arith.constant 0 : i32
    return %c0_i32, %c0_i32_0 : i32, i32
  }
  func.func @transform_3(%arg0: i32) -> (i32, i32) {
    %c0_i32 = arith.constant 0 : i32
    %c0_i32_0 = arith.constant 0 : i32
    return %c0_i32, %arg0 : i32, i32
  }
  func.func @transform_4(%arg0: i32) -> (i32, i32) {
    %c0_i32 = arith.constant 0 : i32
    %c0_i32_0 = arith.constant 0 : i32
    %c0_i32_1 = arith.constant 0 : i32
    return %c0_i32, %c0_i32_0 : i32, i32
  }
  func.func @transform_5(%arg0: i32) -> (i32, i32, i32) {
    %c0_i32 = arith.constant 0 : i32
    %c0_i32_0 = arith.constant 0 : i32
    %c0_i32_1 = arith.constant 0 : i32
    return %c0_i32, %arg0, %c0_i32_0 : i32, i32, i32
  }
}

module attributes {stable_mosaic.version = 14 : i64} {
  func.func @_fin_body(%arg0: i32, %arg1: memref<2x1x256x128xf32, #tpu.memory_space<vmem>>, %arg2: memref<2x256xf32, #tpu.memory_space<vmem>>, %arg3: memref<1x128xf32, #tpu.memory_space<vmem>>, %arg4: memref<256x128xf32, #tpu.memory_space<vmem>>) attributes {dimension_semantics = [#tpu.dimension_semantics<arbitrary>], iteration_bounds = array<i64: 40>, scalar_prefetch = 0 : i64, scratch_operands = 0 : i64, tpu.core_type = #tpu.core_type<tc>, window_params = [{transform_indices = @transform_0, window_bounds = array<i64: 2, 1, 256, 128>}, {transform_indices = @transform_1, window_bounds = array<i64: 2, 256>}, {pipeline_mode = #tpu.pipeline_mode<synchronous>, transform_indices = @transform_2, window_bounds = array<i64: 1, 128>}, {transform_indices = @transform_3, window_bounds = array<i64: 256, 128>}]} {
    %get3A = arith.constant 0 : index
    %get3A_0 = arith.constant 0 : index
    %get3A_1 = arith.constant 0 : index
    %get3A_2 = arith.constant 0 : index
    %get3A_3 = vector.load %arg1[%get3A, %get3A_0, %get3A_1, %get3A_2] : memref<2x1x256x128xf32, #tpu.memory_space<vmem>>, vector<1x1x256x128xf32>
    %get3A_4 = vector.shape_cast %get3A_3 : vector<1x1x256x128xf32> to vector<256x128xf32>
    %get3A_5 = arith.constant 1 : index
    %get3A_6 = arith.constant 0 : index
    %get3A_7 = arith.constant 0 : index
    %get3A_8 = arith.constant 0 : index
    %get3A_9 = vector.load %arg1[%get3A_5, %get3A_6, %get3A_7, %get3A_8] : memref<2x1x256x128xf32, #tpu.memory_space<vmem>>, vector<1x1x256x128xf32>
    %get3A_10 = vector.shape_cast %get3A_9 : vector<1x1x256x128xf32> to vector<256x128xf32>
    %add3A = arith.addf %get3A_4, %get3A_10 : vector<256x128xf32>
    %get3A_11 = arith.constant 1 : index
    %get3A_12 = arith.constant 0 : index
    %get3A_13 = vector.load %arg2[%get3A_11, %get3A_12] : memref<2x256xf32, #tpu.memory_space<vmem>>, vector<1x256xf32>
    %get3A_14 = vector.shape_cast %get3A_13 : vector<1x256xf32> to vector<256xf32>
    %broadcast_in_dim3A = vector.shape_cast %get3A_14 : vector<256xf32> to vector<256x1xf32>
    %mul3A = vector.broadcast %broadcast_in_dim3A : vector<256x1xf32> to vector<256x128xf32>
    %mul3A_15 = arith.mulf %add3A, %mul3A : vector<256x128xf32>
    %get3A_16 = arith.constant 0 : index
    %get3A_17 = arith.constant 0 : index
    %get3A_18 = vector.load %arg3[%get3A_16, %get3A_17] : memref<1x128xf32, #tpu.memory_space<vmem>>, vector<1x128xf32>
    %add3A_19 = vector.broadcast %get3A_18 : vector<1x128xf32> to vector<256x128xf32>
    %add3A_20 = arith.addf %mul3A_15, %add3A_19 : vector<256x128xf32>
    %swap3A = arith.constant 0 : index
    %swap3A_21 = arith.constant 0 : index
    %swap3A_22 = vector.load %arg4[%swap3A, %swap3A_21] : memref<256x128xf32, #tpu.memory_space<vmem>>, vector<256x128xf32>
    tpu.vector_store %arg4[%swap3A, %swap3A_21], %add3A_20 {strides = array<i32>} : memref<256x128xf32, #tpu.memory_space<vmem>>, vector<256x128xf32>,
    return
  }
  func.func @transform_0(%arg0: i32) -> (i32, i32, i32, i32) {
    %c0_i32 = arith.constant 0 : i32
    %c0_i32_0 = arith.constant 0 : i32
    %c0_i32_1 = arith.constant 0 : i32
    %c0_i32_2 = arith.constant 0 : i32
    return %c0_i32, %c0_i32_0, %arg0, %c0_i32_1 : i32, i32, i32, i32
  }
  func.func @transform_1(%arg0: i32) -> (i32, i32) {
    %c0_i32 = arith.constant 0 : i32
    %c0_i32_0 = arith.constant 0 : i32
    return %c0_i32, %arg0 : i32, i32
  }
  func.func @transform_2(%arg0: i32) -> (i32, i32) {
    %c0_i32 = arith.constant 0 : i32
    %c0_i32_0 = arith.constant 0 : i32
    %c0_i32_1 = arith.constant 0 : i32
    return %c0_i32, %c0_i32_0 : i32, i32
  }
  func.func @transform_3(%arg0: i32) -> (i32, i32) {
    %c0_i32 = arith.constant 0 : i32
    %c0_i32_0 = arith.constant 0 : i32
    return %arg0, %c0_i32 : i32, i32
  }
}

</mosaic_0001>

<sc_bundles>
// kernel: kernel.11.cloned.1.call-start
scs
__scs_entry_jumppad:
0x0: {  	(pc) =	sbr.rel $0x88, $3  }
0x1: {  	(tag) =	ssettag $0x0;
	lr =	simm.s32 $0x1  }
0x2: {  	[smem:$0x3F99] =	sst lr;
	_ =	strace $0xD0000000  }
0x3: {  	_ = 	snop  }
0x4: {  	_ = 	snop  }
0x5: {  	_ = 	snop  }
0x6: {  	_ = 	snop  }
0x7: {  	_ = 	snop  }
__scs_overlays_trampoline_lowered:
0x8: {  	[smem:$0x3FA8] =	sst s0  }
0x9: {  	[smem:$0x3FA9] =	sst s1  }
0xa: {  	[smem:$0x3FAA] =	sst s2  }
0xb: {  	[smem:$0x3FAB] =	sst s3  }
0xc: {  	[smem:$0x3FAC] =	sst s4  }
0xd: {  	[smem:$0x3FAD] =	sst s5  }
0xe: {  	[smem:$0x3FAE] =	sst s6  }
0xf: {  	[smem:$0x3FAF] =	sst s7  }
0x10: {  	[smem:$0x3FB0] =	sst s8  }
0x11: {  	[smem:$0x3FB1] =	sst s9;
	s0 =	simm.s32 @!p0 $0x0  }
0x12: {  	s1 =	sld [smem:$0x3F97];
	s0 =	simm.s32 @p0 $0x1  }
0x13: {  	[smem:$0x3FB2] =	sst s0;
	s0 =	simm.s32 @!p1 $0x0  }
0x14: {  	s2 =	sld [smem:$0x3F96];
	s0 =	simm.s32 @p1 $0x1  }
0x15: {  	[smem:$0x3FB3] =	sst s0;
	s0 =	simm.s32 @!p2 $0x0  }
0x16: {  	s3 =	sld [smem:$0x3FDB];
	s0 =	simm.s32 @p2 $0x1  }
0x17: {  	s4 =	simm.s32 $0x1BF5;
	[smem:$0x3FB5] =	sst s0  }
0x18: {  	s0 =	sld [smem:$0x3F98];
	_ =	swait.ge [sflag:s4], $0x0  }
0x19: {  	s7 =	sld [smem:$0x3F99]  }
0x1a: {  	s8 =	sadd.s32 $0xFFFFE003, lr  }
0x1b: {  	s9 =	sadd.s32 $0xFFFFFEF7, lr;
	s5 =	simm.s32 $0xFFFFFFFF;
	p2 =	slt.u32 s8, $0xFFFFF086  }
0x1c: {  	p1 =	slt.u32 s9, $0xF7A;
	s5 =	simm.s32 @!p2 $0x0  }
0x1d: {  	s5 =	simm.s32 @p1 $0x1;
	p0 =	seq.s32 s7, s2  }
0x1e: {  	s7 =	smul.u32 @!p0 $0xF7A, s2;
	p2 =	seq.s32 @!p0 s5, $0x0  }
0x1f: {  	s9 =	smul.u32 $0xF7A, s1;
	s8 =	simm.s32 @!p0 $0x1BF5;
	p2 =	por !p2, p0  }
0x20: {  	[sflag:s8] =	ssyncset.s32 @!p0 $0xFFFFF086;
	s6 =	sadd.s32 @!p0 s3, s7;
	s7 =	simm.s32 @!p0 $0x108  }
0x21: {  	s3 =	sadd.s32 s3, s9;
	s6 =	sadd.s32 @!p0 $0x88, s6;
	s7 =	simm.s32 @p2 $0x1082  }
0x22: {  	[simem:s7], [sflag:s8] =	dma.local @!p0 [hbm:s6], $0xF7A  }
0x23: {  	s9 =	sor.u32 $0xD0000000, s2;
	s6 =	simm.s32 $0x108;
	_ =	swait.ge @!p0 [sflag:s8], $0x0  }
0x24: {  	s3 =	sadd.s32 $0x88, s3;
	s6 =	simm.s32 @!p1 $0x1082;
	[sflag:s4] =	ssyncset.s32 $0xFFFFF086  }
0x25: {  	[simem:s6], [sflag:s4] =	dma.local [hbm:s3], $0xF7A  }
0x26: {  	[smem:$0x3F99] =	sst s1;
	(tag) =	ssettag s2;
	_ =	strace s9  }
0x27: {  	s1 =	sld [smem:$0x3FA9]  }
0x28: {  	s2 =	sld [smem:$0x3FAA]  }
0x29: {  	s4 =	sld [smem:$0x3FAC]  }
0x2a: {  	p0 =	seq.s32 s5, $0x0;
	s5 =	sld [smem:$0x3FAD]  }
0x2b: {  	s6 =	sld [smem:$0x3FAE]  }
0x2c: {  	s7 =	sld [smem:$0x3FAF]  }
0x2d: {  	s3 =	simm.s32 $0x108;
	s8 =	sld [smem:$0x3FB0]  }
0x2e: {  	s3 =	simm.s32 @!p0 $0x1082;
	s9 =	sld [smem:$0x3FB1]  }
0x2f: {  	lr =	sadd.s32 s0, s3;
	s0 =	sld [smem:$0x3FA8]  }
0x30: {  	s3 =	sld [smem:$0x3FAB]  }
0x31: {  	[smem:$0x3FB4] =	sst s10  }
0x32: {  	s10 =	sld [smem:$0x3FB2];
	_ =	sdelay $0x3  }
0x33: {  	p0 =	seq.s32 s10, $0x1;
	s10 =	sld [smem:$0x3FB4];
	_ =	sdelay $0x3  }
0x34: {  	[smem:$0x3FB4] =	sst s10  }
0x35: {  	s10 =	sld [smem:$0x3FB3];
	_ =	sdelay $0x3  }
0x36: {  	p1 =	seq.s32 s10, $0x1;
	s10 =	sld [smem:$0x3FB4];
	_ =	sdelay $0x3  }
0x37: {  	[smem:$0x3FB4] =	sst s10  }
0x38: {  	s10 =	sld [smem:$0x3FB5]  }
0x39: {  	_ = 	snop;
	(pc) =	sbr.ind lr, $3  }
0x3a: {  	_ = 	snop  }
0x3b: {  	_ = 	snop  }
0x3c: {  	p2 =	seq.s32 s10, $0x1;
	s10 =	sld [smem:$0x3FB4]  }
0x3d: {  	_ =	shalt  }
0x3e: {  	_ =	shalt  }
0x3f: {  	_ =	shalt  }
0x40: {  	_ =	shalt  }
0x41: {  	_ =	shalt  }
0x42: {  	_ =	shalt  }
0x43: {  	_ =	shalt  }
0x44: {  	_ =	shalt  }
0x45: {  	_ =	shalt  }
0x46: {  	_ =	shalt  }
0x47: {  	_ =	shalt  }
0x48: {  	_ =	shalt  }
0x49: {  	_ =	shalt  }
0x4a: {  	_ =	shalt  }
0x4b: {  	_ =	shalt  }
0x4c: {  	_ =	shalt  }
0x4d: {  	_ =	shalt  }
0x4e: {  	_ =	shalt  }
0x4f: {  	_ =	shalt  }
0x50: {  	_ =	shalt  }
0x51: {  	_ =	shalt  }
0x52: {  	_ =	shalt  }
0x53: {  	_ =	shalt  }
0x54: {  	_ =	shalt  }
0x55: {  	_ =	shalt  }
0x56: {  	_ =	shalt  }
0x57: {  	_ =	shalt  }
0x58: {  	_ =	shalt  }
0x59: {  	_ =	shalt  }
0x5a: {  	_ =	shalt  }
0x5b: {  	_ =	shalt  }
0x5c: {  	_ =	shalt  }
0x5d: {  	_ =	shalt  }
0x5e: {  	_ =	shalt  }
0x5f: {  	_ =	shalt  }
0x60: {  	_ =	shalt  }
0x61: {  	_ =	shalt  }
0x62: {  	_ =	shalt  }
0x63: {  	_ =	shalt  }
0x64: {  	_ =	shalt  }
0x65: {  	_ =	shalt  }
0x66: {  	_ =	shalt  }
0x67: {  	_ =	shalt  }
0x68: {  	_ =	shalt  }
0x69: {  	_ =	shalt  }
0x6a: {  	_ =	shalt  }
0x6b: {  	_ =	shalt  }
0x6c: {  	_ =	shalt  }
0x6d: {  	_ =	shalt  }
0x6e: {  	_ =	shalt  }
0x6f: {  	_ =	shalt  }
0x70: {  	_ =	shalt  }
0x71: {  	_ =	shalt  }
0x72: {  	_ =	shalt  }
0x73: {  	_ =	shalt  }
0x74: {  	_ =	shalt  }
0x75: {  	_ =	shalt  }
0x76: {  	_ =	shalt  }
0x77: {  	_ =	shalt  }
0x78: {  	_ =	shalt  }
0x79: {  	_ =	shalt  }
0x7a: {  	_ =	shalt  }
0x7b: {  	_ =	shalt  }
0x7c: {  	_ =	shalt  }
0x7d: {  	_ =	shalt  }
0x7e: {  	_ =	shalt  }
0x7f: {  	_ =	shalt  }
0x80: {  	_ =	shalt  }
0x81: {  	_ =	shalt  }
0x82: {  	_ =	shalt  }
0x83: {  	_ =	shalt  }
0x84: {  	_ =	shalt  }
0x85: {  	_ =	shalt  }
0x86: {  	_ =	shalt  }
0x87: {  	_ =	shalt  }
.Lfunc_end0:
.L_simem_size_0:
called_computation_lowered:
.L_overlay_start_0:
0x88: {  	s2 =	sld [smem:$0x3FD9]  }
0x89: {  	s3 =	sld [smem:$0x3FFE];
	_ =	sdelay $0x1  }
0x8a: {  	s1 =	srdreg.scid  }
0x8b: {  	s0 =	sand.u32 $0x1, s1  }
0x8c: {  	s17 =	sshll.u32 s0, $0xA;
	s2 =	sadd.s32 s3, s2  }
0x8d: {  	s2 =	sadd.s32 s2, s17  }
0x8e: {  	[smem:$0x3FC0] =	sst s2  }
0x8f: {  	_ = 	snop  }
0x90: {  	s2 =	sld [smem:$0x3FD0];
	(tm) =	ssettm $0x1  }
0x91: {  	s18 =	sld [smem:$0x3FFB];
	_ =	sdelay $0x3  }
0x92: {  	_ =	strace s18  }
0x93: {  	s3 =	sld [smem:$0x3FFC];
	_ =	sdelay $0x3  }
0x94: {  	_ =	strace s3  }
0x95: {  	s3 =	sld [smem:$0x3FFD];
	_ =	sdelay $0x3  }
0x96: {  	_ =	strace s3  }
0x97: {  	_ =	strace $0x8FFFFFFF  }
0x98: {  	s19 =	sld [smem:$0x3FDB];
	_ =	sdelay $0x1  }
0x99: {  	s4 =	simm.s32 $_scs_section_size  }
0x9a: {  	s5 =	simm.s32 $_size__tile_overlayer_lowered;
	s6 =	simm.s32 $_tile_overlayer_lowered  }
0x9b: {  	s22 =	simm.s32 $0x1BFF;
	s21 =	sshll.u32 s6, $0x1;
	s3 =	sadd.s32 s4, s19  }
0x9c: {  	s7 =	simm.s32 $0x0;
	s20 =	sshll.u32 s5, $0x1;
	s5 =	sadd.s32 s21, s3  }
0x9d: {  	[timem:s7], [sflag:s22] =	dma.local [hbm:s5], s20  }
0x9e: {  	_ =	swait.ge [sflag:s22], s20  }
0x9f: {  	s4 =	ssub.s32 $0x0, s20;
	[sflag:s22] =	ssyncset.done $0x0  }
0xa0: {  	[sflag:s22] =	ssyncadd.s32 s4;
	_ =	sdelay $0x1  }
0xa1: {  	s23 =	simm.s32 $0x1B8B  }
0xa2: {  	_ =	swait.ge [sflag:s23], $0x1  }
0xa3: {  	[sflag:s23] =	ssyncset.done $0x0  }
0xa4: {  	s25 =	simm.s32 $0x1B8E;
	s24 =	sld [smem:$0x3FFE];
	[sflag:s23] =	ssyncadd.s32 $0xFFFFFFFF  }
0xa5: {  	s26 =	simm.s32 $execute0_lowered;
	[smem:$0x3FD2] =	sst s25  }
0xa6: {  	s5 =	sshll.u32 s26, $0x1;
	_ =	strace $0x80000046;
	[dreg:$0x1] =	wrdreg $0xFFFFFFFF  }
0xa7: {  	s28 =	simm.s32 $_size_execute0_lowered;
	s3 =	sadd.s32 s3, s5;
	[dreg:$0x0] =	wrdreg $0x0  }
0xa8: {  	s5 =	sshll.u32 s28, $0x1;
	[dreg:$0x2] =	wrdreg s3  }
0xa9: {  	[dreg:$0x3] =	wrdreg s5  }
0xaa: {  	[dreg:$0x4] =	wrdreg $0xC0  }
0xab: {  	_ =	task [dreg:s7], $0x5FFFF  }
0xac: {  	[dreg:$0x1] =	wrdreg $0xFFFFFFFF  }
0xad: {  	[dreg:$0x0] =	wrdreg $0x60  }
0xae: {  	[dreg:$0x2] =	wrdreg s2  }
0xaf: {  	[dreg:$0x3] =	wrdreg s24  }
0xb0: {  	[dreg:$0x4] =	wrdreg $0x82000  }
0xb1: {  	[dreg:$0x5] =	wrdreg $0x9  }
0xb2: {  	_ =	task.clear_ibuf [dreg:s7], $0x6FFFF;
	_ =	strace $0x90000046  }
0xb3: {  	s29 =	simm.s32 $0x9;
	_ =	strace $0x80000048  }
0xb4: {  	_ =	swait.ge [sflag:s29], $0x1  }
0xb5: {  	[sflag:s29] =	ssyncadd.s32 $0xFFFFFFFF  }
0xb6: {  	_ =	strace $0x90000048  }
0xb7: {  	_ =	sfence  }
0xb8: {  	s30 =	sld [smem:$0x0];
	_ =	sdelay $0x2  }
0xb9: {  	s31 =	sshll.u32 s1, $0xD;
	s1 =	sshrl.u32 s1, $0x2  }
0xba: {  	s3 =	sand.u32 $0x4000, s31;
	s1 =	sadd.s32 s1, s30  }
0xbb: {  	s0 =	sor.u32 s3, s0;
	s1 =	sshll.u32 s1, $0x11  }
0xbc: {  	s0 =	sor.u32 s1, s0  }
0xbd: {  	s0 =	sadd.s32 $0x8F2B, s0  }
0xbe: {  	[sflag:s0] =	ssyncadd.remote.s32 $0x1  }
0xbf: {  	_ =	sfence.sel $0xFFFF  }
0xc0: {  	[dreg:$0x0] =	wrdreg $0xFFFFFFFF;
	(pc) =	sbr.abs _section_cstart, $3  }
0xc1: {  	[dreg:$0x1] =	wrdreg $0xFFFFFFFF  }
0xc2: {  	_ =	task.clear_ibuf [dreg:s7], $0x2FFFF;
	_ =	strace $0x9FFFFFFF  }
0xc3: {  	(tm) =	ssettm $0x7FFFFFFF  }
tec
execute0_lowered:
.L_overlay_start_1:
0x0: {  	(tag) =	ssettag $0x1  }
0x1: {  	s0 =	srdreg.scid;
	s4 =	rddreg [dreg:$0x0]  }
0x2: {  	s11 =	stileid.u32;
	s5 =	rddreg [dreg:$0x1]  }
0x3: {  	s7 =	rddreg [dreg:$0x2];
	s22 =	simm.s32 $0x0;
	s28 =	simm.s32 $0x1  }
0x4: {  	s30 =	simm.s32 $0x2800;
	s0 =	sand.u32 $0x1, s0;
	s23 =	smul.u32 $0xA00, s11  }
0x5: {  	s1 =	sshrl.u32 s11, $0x3;
	s6 =	sshll.u32 s11, $0x7;
	s11 =	smul.u32 $0xA000, s11  }
0x6: {  	s31 =	simm.s32 $0x7800;
	s29 =	simm.s32 $0x0;
	s2 =	smul.u32 $0x14000, s0  }
0x7: {  	[smem:$0x7FF] =	sst s22;
	s25 =	sadd.s32 $0x11200, s5;
	s3 =	smul.u32 $0xA000, s1  }
0x8: {  	s8 =	sand.u32 $0x380, s6;
	_ =	strace $0x80000047;
	s9 =	sshll.u32 s0, $0x7  }
0x9: {  	s0 =	ssub.s32 $0x2, s0;
	s1 =	smul.u32 $0xA0000, s1;
	[dreg:$0x4] =	wrdreg s25  }
0xa: {  	s25 =	simm.s32 $0x80;
	s10 =	sshrl.u32 s0, $0x1;
	s26 =	sshrl.u32 s11, $0x2  }
0xb: {  	s2 =	sadd.s32 s2, s3;
	s3 =	sor.u32 s9, s23;
	s0 =	ssub.s32 s0, s10  }
0xc: {  	s1 =	sshrl.u32 s1, $0x2;
	s6 =	sadd.s32 s26, s7;
	s26 =	simm.s32 $0x400  }
0xd: {  	s2 =	sor.u32 s8, s2;
	s9 =	sshrl.u32 s3, $0x3;
	s1 =	sadd.s32 s1, s7  }
0xe: {  	s10 =	sadd.s32 $0x180, s6;
	s11 =	sadd.s32 $0x200, s6;
	s12 =	sadd.s32 $0x280, s6  }
0xf: {  	s13 =	sadd.s32 $0x300, s6;
	s14 =	sadd.s32 $0x380, s6;
	s15 =	sadd.s32 $0x28000, s6  }
0x10: {  	s16 =	sadd.s32 $0x28080, s6;
	s17 =	sadd.s32 $0x28100, s6;
	s18 =	sadd.s32 $0x28180, s6  }
0x11: {  	s19 =	sadd.s32 $0x28200, s6;
	s20 =	sadd.s32 $0x28280, s6;
	s21 =	sadd.s32 $0x28300, s6  }
0x12: {  	s22 =	sadd.s32 $0x28380, s6;
	s2 =	sshrl.u32 s2, $0x3;
	s23 =	sadd.s32 s9, s5  }
0x13: {  	s7 =	sadd.s32 s8, s1;
	s8 =	sadd.s32 $0x80, s6;
	s9 =	sadd.s32 $0x100, s6  }
0x14: {  	s1 =	simm.s32 $0x7D00;
	s24 =	sadd.s32 s2, s5;
	s4 =	sadd.s32 s4, s2  }
0x15: {  	v0 =	vimm.f32 $1.000000000e+00;
	s23 =	sadd.s32 $0x11C00, s23;
	s5 =	sadd.s32 $0xC200, s24;
	s24 =	smax.u32 s0, $0x1  }
.LBB2_1:
0x16: {  	s0 =	simm.s32 $0x0  }
0x17: {  	[tilespmem:s0], [sflag:$0x1] =	stream.strided.gather [hbm4b:s4+s25], $0x1400, s26, s25, $0x38;
	[tilespmem:$0xD200] =	vst v63  }
0x18: {  	_ =	swait.ge [sflag:s28], $0x1400  }
0x19: {  	[sflag:s28] =	ssyncset.done $0x0  }
0x1a: {  	s2 =	simm.s32 $0x1400;
	[sflag:s28] =	ssyncadd.s32 $0xFFFFEC00  }
0x1b: {  	[tilespmem:s2], [sflag:$0x1] =	stream.strided.gather [hbm4b:s5+s25], $0x1400, s26, s25, $0x38;
	[tilespmem:$0xD200] =	vst v63  }
0x1c: {  	_ =	swait.ge [sflag:s28], $0x1400  }
0x1d: {  	[sflag:s28] =	ssyncset.done $0x0  }
0x1e: {  	s3 =	rddreg [dreg:$0x4];
	[sflag:s28] =	ssyncadd.s32 $0xFFFFEC00  }
0x1f: {  	[tilespmem:s30], [sflag:$0x1] =	stream.linear.gather [hbm4b:s3+s0], $0x5000, $0x38;
	[tilespmem:$0xD200] =	vst v63  }
0x20: {  	_ =	swait.ge [sflag:s28], $0x5000  }
0x21: {  	[sflag:s28] =	ssyncset.done $0x0  }
0x22: {  	s2 =	simm.s32 $0x0;
	s0 =	simm.s32 $0x40;
	[sflag:s28] =	ssyncadd.s32 $0xFFFFB000  }
.LBB2_2:
0x23: {  	p0 =	sne.s32 s0, $0x4FC0;
	v1 =	vld [tilespmem:s2+$0x1400]  }
0x24: {  	v2 =	vld [tilespmem:s2+$0x0];
	_ =	sdelay $0x3  }
0x25: {  	v1 =	vadd.s32 $0x2800, v1  }
.Ltmp0:
0x26: {  	(pc) =	sbr.rel @p0 .LBB2_2-.Ltmp0, $3  }
0x27: {  	_ =	sdelay $0x1  }
0x28: {  	[tilespmem:v2+s30+$0x0] =	vst.idx.add.f32.msk $0xffff, v0  }
0x29: {  	s2 =	sshra.s32 s0, $0x2;
	s0 =	sadd.s32 $0x40, s0;
	[tilespmem:v1+s30+$0x0] =	vst.idx.add.f32.msk $0xffff, v0  }
0x2a: {  	v1 =	vld [tilespmem:s2+$0x1400]  }
0x2b: {  	v2 =	vld [tilespmem:s2+$0x0];
	_ =	sdelay $0x3  }
0x2c: {  	v1 =	vadd.s32 $0x2800, v1;
	_ =	sdelay $0x3  }
0x2d: {  	[tilespmem:v2+s30+$0x0] =	vst.idx.add.f32.msk $0xffff, v0  }
0x2e: {  	[tilespmem:v1+s30+$0x0] =	vst.idx.add.f32.msk $0xffff, v0  }
0x2f: {  	[spmem:s7] =	stream.strided.scatter [tilespmem:s30], [sflag:$0x1], $0x5000, s26, s25, $0x38;
	[tilespmem:$0xD200] =	vst v63  }
0x30: {  	_ =	swait.ge [sflag:s28], $0x5000  }
0x31: {  	[sflag:s28] =	ssyncset.done $0x0  }
0x32: {  	[sflag:s28] =	ssyncadd.s32 $0xFFFFB000  }
0x33: {  	[bflag:$0x0] =	sbarrier.arrive $0xFFFF  }
0x34: {  	[tilespmem:s31], [sflag:$0x1] =	stream.strided.gather [spmem:s6], $0x500, s26, s25, $0x38;
	[tilespmem:$0xD200] =	vst v63  }
0x35: {  	_ =	swait.ge [sflag:s28], $0x500  }
0x36: {  	[sflag:s28] =	ssyncset.done $0x0  }
0x37: {  	[sflag:s28] =	ssyncadd.s32 $0xFFFFFB00  }
0x38: {  	[tilespmem:s1], [sflag:$0x1] =	stream.strided.gather [spmem:s8], $0x500, s26, s25, $0x38;
	[tilespmem:$0xD200] =	vst v63  }
0x39: {  	_ =	swait.ge [sflag:s28], $0x500  }
0x3a: {  	[sflag:s28] =	ssyncset.done $0x0  }
0x3b: {  	s0 =	simm.s32 $0x0;
	[sflag:s28] =	ssyncadd.s32 $0xFFFFFB00  }
0x3c: {  	s2 =	simm.s32 $0x40;
	v1 =	vld [tilespmem:s0+$0x7D00]  }
.LBB2_4:
0x3d: {  	p0 =	sne.s32 s2, $0x13C0;
	v2 =	vld [tilespmem:s0+$0x7800];
	_ =	sdelay $0x2  }
.Ltmp1:
0x3e: {  	(pc) =	sbr.rel @p0 .LBB2_4-.Ltmp1, $4  }
0x3f: {  	_ = 	snop  }
0x40: {  	v2 =	vadd.f32 v1, v2  }
0x41: {  	s3 =	sshra.s32 s2, $0x2  }
0x42: {  	s2 =	sadd.s32 $0x40, s2;
	v1 =	vld [tilespmem:s3+$0x7D00];
	[tilespmem:s0+$0x7800] =	vst v2;
	s0 =	smov.u32 s3  }
0x43: {  	v2 =	vld [tilespmem:s0+$0x7800];
	_ =	sdelay $0x4  }
0x44: {  	v1 =	vadd.f32 v1, v2;
	_ =	sdelay $0x1  }
0x45: {  	[tilespmem:s0+$0x7800] =	vst v1  }
0x46: {  	[tilespmem:s1], [sflag:$0x1] =	stream.strided.gather [spmem:s9], $0x500, s26, s25, $0x38;
	[tilespmem:$0xD200] =	vst v63  }
0x47: {  	_ =	swait.ge [sflag:s28], $0x500  }
0x48: {  	[sflag:s28] =	ssyncset.done $0x0  }
0x49: {  	s0 =	simm.s32 $0x0;
	[sflag:s28] =	ssyncadd.s32 $0xFFFFFB00  }
0x4a: {  	s2 =	simm.s32 $0x40;
	v1 =	vld [tilespmem:s0+$0x7D00]  }
.LBB2_6:
0x4b: {  	p0 =	sne.s32 s2, $0x13C0;
	v2 =	vld [tilespmem:s0+$0x7800];
	_ =	sdelay $0x2  }
.Ltmp2:
0x4c: {  	(pc) =	sbr.rel @p0 .LBB2_6-.Ltmp2, $4  }
0x4d: {  	_ = 	snop  }
0x4e: {  	v2 =	vadd.f32 v1, v2  }
0x4f: {  	s3 =	sshra.s32 s2, $0x2  }
0x50: {  	s2 =	sadd.s32 $0x40, s2;
	v1 =	vld [tilespmem:s3+$0x7D00];
	[tilespmem:s0+$0x7800] =	vst v2;
	s0 =	smov.u32 s3  }
0x51: {  	v2 =	vld [tilespmem:s0+$0x7800];
	_ =	sdelay $0x4  }
0x52: {  	v1 =	vadd.f32 v1, v2;
	_ =	sdelay $0x1  }
0x53: {  	[tilespmem:s0+$0x7800] =	vst v1  }
0x54: {  	[tilespmem:s1], [sflag:$0x1] =	stream.strided.gather [spmem:s10], $0x500, s26, s25, $0x38;
	[tilespmem:$0xD200] =	vst v63  }
0x55: {  	_ =	swait.ge [sflag:s28], $0x500  }
0x56: {  	[sflag:s28] =	ssyncset.done $0x0  }
0x57: {  	s0 =	simm.s32 $0x0;
	[sflag:s28] =	ssyncadd.s32 $0xFFFFFB00  }
0x58: {  	s2 =	simm.s32 $0x40;
	v1 =	vld [tilespmem:s0+$0x7D00]  }
.LBB2_8:
0x59: {  	p0 =	sne.s32 s2, $0x13C0;
	v2 =	vld [tilespmem:s0+$0x7800];
	_ =	sdelay $0x2  }
.Ltmp3:
0x5a: {  	(pc) =	sbr.rel @p0 .LBB2_8-.Ltmp3, $4  }
0x5b: {  	_ = 	snop  }
0x5c: {  	v2 =	vadd.f32 v1, v2  }
0x5d: {  	s3 =	sshra.s32 s2, $0x2  }
0x5e: {  	s2 =	sadd.s32 $0x40, s2;
	v1 =	vld [tilespmem:s3+$0x7D00];
	[tilespmem:s0+$0x7800] =	vst v2;
	s0 =	smov.u32 s3  }
0x5f: {  	v2 =	vld [tilespmem:s0+$0x7800];
	_ =	sdelay $0x4  }
0x60: {  	v1 =	vadd.f32 v1, v2;
	_ =	sdelay $0x1  }
0x61: {  	[tilespmem:s0+$0x7800] =	vst v1  }
0x62: {  	[tilespmem:s1], [sflag:$0x1] =	stream.strided.gather [spmem:s11], $0x500, s26, s25, $0x38;
	[tilespmem:$0xD200] =	vst v63  }
0x63: {  	_ =	swait.ge [sflag:s28], $0x500  }
0x64: {  	[sflag:s28] =	ssyncset.done $0x0  }
0x65: {  	s0 =	simm.s32 $0x0;
	[sflag:s28] =	ssyncadd.s32 $0xFFFFFB00  }
0x66: {  	s2 =	simm.s32 $0x40;
	v1 =	vld [tilespmem:s0+$0x7D00]  }
.LBB2_10:
0x67: {  	p0 =	sne.s32 s2, $0x13C0;
	v2 =	vld [tilespmem:s0+$0x7800];
	_ =	sdelay $0x2  }
.Ltmp4:
0x68: {  	(pc) =	sbr.rel @p0 .LBB2_10-.Ltmp4, $4  }
0x69: {  	_ = 	snop  }
0x6a: {  	v2 =	vadd.f32 v1, v2  }
0x6b: {  	s3 =	sshra.s32 s2, $0x2  }
0x6c: {  	s2 =	sadd.s32 $0x40, s2;
	v1 =	vld [tilespmem:s3+$0x7D00];
	[tilespmem:s0+$0x7800] =	vst v2;
	s0 =	smov.u32 s3  }
0x6d: {  	v2 =	vld [tilespmem:s0+$0x7800];
	_ =	sdelay $0x4  }
0x6e: {  	v1 =	vadd.f32 v1, v2;
	_ =	sdelay $0x1  }
0x6f: {  	[tilespmem:s0+$0x7800] =	vst v1  }
0x70: {  	[tilespmem:s1], [sflag:$0x1] =	stream.strided.gather [spmem:s12], $0x500, s26, s25, $0x38;
	[tilespmem:$0xD200] =	vst v63  }
0x71: {  	_ =	swait.ge [sflag:s28], $0x500  }
0x72: {  	[sflag:s28] =	ssyncset.done $0x0  }
0x73: {  	s0 =	simm.s32 $0x0;
	[sflag:s28] =	ssyncadd.s32 $0xFFFFFB00  }
0x74: {  	s2 =	simm.s32 $0x40;
	v1 =	vld [tilespmem:s0+$0x7D00]  }
.LBB2_12:
0x75: {  	p0 =	sne.s32 s2, $0x13C0;
	v2 =	vld [tilespmem:s0+$0x7800];
	_ =	sdelay $0x2  }
.Ltmp5:
0x76: {  	(pc) =	sbr.rel @p0 .LBB2_12-.Ltmp5, $4  }
0x77: {  	_ = 	snop  }
0x78: {  	v2 =	vadd.f32 v1, v2  }
0x79: {  	s3 =	sshra.s32 s2, $0x2  }
0x7a: {  	s2 =	sadd.s32 $0x40, s2;
	v1 =	vld [tilespmem:s3+$0x7D00];
	[tilespmem:s0+$0x7800] =	vst v2;
	s0 =	smov.u32 s3  }
0x7b: {  	v2 =	vld [tilespmem:s0+$0x7800];
	_ =	sdelay $0x4  }
0x7c: {  	v1 =	vadd.f32 v1, v2;
	_ =	sdelay $0x1  }
0x7d: {  	[tilespmem:s0+$0x7800] =	vst v1  }
0x7e: {  	[tilespmem:s1], [sflag:$0x1] =	stream.strided.gather [spmem:s13], $0x500, s26, s25, $0x38;
	[tilespmem:$0xD200] =	vst v63  }
0x7f: {  	_ =	swait.ge [sflag:s28], $0x500  }
0x80: {  	[sflag:s28] =	ssyncset.done $0x0  }
0x81: {  	s0 =	simm.s32 $0x0;
	[sflag:s28] =	ssyncadd.s32 $0xFFFFFB00  }
0x82: {  	s2 =	simm.s32 $0x40;
	v1 =	vld [tilespmem:s0+$0x7D00]  }
.LBB2_14:
0x83: {  	p0 =	sne.s32 s2, $0x13C0;
	v2 =	vld [tilespmem:s0+$0x7800];
	_ =	sdelay $0x2  }
.Ltmp6:
0x84: {  	(pc) =	sbr.rel @p0 .LBB2_14-.Ltmp6, $4  }
0x85: {  	_ = 	snop  }
0x86: {  	v2 =	vadd.f32 v1, v2  }
0x87: {  	s3 =	sshra.s32 s2, $0x2  }
0x88: {  	s2 =	sadd.s32 $0x40, s2;
	v1 =	vld [tilespmem:s3+$0x7D00];
	[tilespmem:s0+$0x7800] =	vst v2;
	s0 =	smov.u32 s3  }
0x89: {  	v2 =	vld [tilespmem:s0+$0x7800];
	_ =	sdelay $0x4  }
0x8a: {  	v1 =	vadd.f32 v1, v2;
	_ =	sdelay $0x1  }
0x8b: {  	[tilespmem:s0+$0x7800] =	vst v1  }
0x8c: {  	[tilespmem:s1], [sflag:$0x1] =	stream.strided.gather [spmem:s14], $0x500, s26, s25, $0x38;
	[tilespmem:$0xD200] =	vst v63  }
0x8d: {  	_ =	swait.ge [sflag:s28], $0x500  }
0x8e: {  	[sflag:s28] =	ssyncset.done $0x0  }
0x8f: {  	s0 =	simm.s32 $0x0;
	[sflag:s28] =	ssyncadd.s32 $0xFFFFFB00  }
0x90: {  	s2 =	simm.s32 $0x40;
	v1 =	vld [tilespmem:s0+$0x7D00]  }
.LBB2_16:
0x91: {  	p0 =	sne.s32 s2, $0x13C0;
	v2 =	vld [tilespmem:s0+$0x7800];
	_ =	sdelay $0x2  }
.Ltmp7:
0x92: {  	(pc) =	sbr.rel @p0 .LBB2_16-.Ltmp7, $4  }
0x93: {  	_ = 	snop  }
0x94: {  	v2 =	vadd.f32 v1, v2  }
0x95: {  	s3 =	sshra.s32 s2, $0x2  }
0x96: {  	s2 =	sadd.s32 $0x40, s2;
	v1 =	vld [tilespmem:s3+$0x7D00];
	[tilespmem:s0+$0x7800] =	vst v2;
	s0 =	smov.u32 s3  }
0x97: {  	v2 =	vld [tilespmem:s0+$0x7800];
	_ =	sdelay $0x4  }
0x98: {  	v1 =	vadd.f32 v1, v2;
	_ =	sdelay $0x1  }
0x99: {  	[tilespmem:s0+$0x7800] =	vst v1  }
0x9a: {  	[tilespmem:s1], [sflag:$0x1] =	stream.strided.gather [spmem:s15], $0x500, s26, s25, $0x38;
	[tilespmem:$0xD200] =	vst v63  }
0x9b: {  	_ =	swait.ge [sflag:s28], $0x500  }
0x9c: {  	[sflag:s28] =	ssyncset.done $0x0  }
0x9d: {  	s0 =	simm.s32 $0x0;
	[sflag:s28] =	ssyncadd.s32 $0xFFFFFB00  }
0x9e: {  	s2 =	simm.s32 $0x40;
	v1 =	vld [tilespmem:s0+$0x7D00]  }
.LBB2_18:
0x9f: {  	p0 =	sne.s32 s2, $0x13C0;
	v2 =	vld [tilespmem:s0+$0x7800];
	_ =	sdelay $0x2  }
.Ltmp8:
0xa0: {  	(pc) =	sbr.rel @p0 .LBB2_18-.Ltmp8, $4  }
0xa1: {  	_ = 	snop  }
0xa2: {  	v2 =	vadd.f32 v1, v2  }
0xa3: {  	s3 =	sshra.s32 s2, $0x2  }
0xa4: {  	s2 =	sadd.s32 $0x40, s2;
	v1 =	vld [tilespmem:s3+$0x7D00];
	[tilespmem:s0+$0x7800] =	vst v2;
	s0 =	smov.u32 s3  }
0xa5: {  	v2 =	vld [tilespmem:s0+$0x7800];
	_ =	sdelay $0x4  }
0xa6: {  	v1 =	vadd.f32 v1, v2;
	_ =	sdelay $0x1  }
0xa7: {  	[tilespmem:s0+$0x7800] =	vst v1  }
0xa8: {  	[tilespmem:s1], [sflag:$0x1] =	stream.strided.gather [spmem:s16], $0x500, s26, s25, $0x38;
	[tilespmem:$0xD200] =	vst v63  }
0xa9: {  	_ =	swait.ge [sflag:s28], $0x500  }
0xaa: {  	[sflag:s28] =	ssyncset.done $0x0  }
0xab: {  	s0 =	simm.s32 $0x0;
	[sflag:s28] =	ssyncadd.s32 $0xFFFFFB00  }
0xac: {  	s2 =	simm.s32 $0x40;
	v1 =	vld [tilespmem:s0+$0x7D00]  }
.LBB2_20:
0xad: {  	p0 =	sne.s32 s2, $0x13C0;
	v2 =	vld [tilespmem:s0+$0x7800];
	_ =	sdelay $0x2  }
.Ltmp9:
0xae: {  	(pc) =	sbr.rel @p0 .LBB2_20-.Ltmp9, $4  }
0xaf: {  	_ = 	snop  }
0xb0: {  	v2 =	vadd.f32 v1, v2  }
0xb1: {  	s3 =	sshra.s32 s2, $0x2  }
0xb2: {  	s2 =	sadd.s32 $0x40, s2;
	v1 =	vld [tilespmem:s3+$0x7D00];
	[tilespmem:s0+$0x7800] =	vst v2;
	s0 =	smov.u32 s3  }
0xb3: {  	v2 =	vld [tilespmem:s0+$0x7800];
	_ =	sdelay $0x4  }
0xb4: {  	v1 =	vadd.f32 v1, v2;
	_ =	sdelay $0x1  }
0xb5: {  	[tilespmem:s0+$0x7800] =	vst v1  }
0xb6: {  	[tilespmem:s1], [sflag:$0x1] =	stream.strided.gather [spmem:s17], $0x500, s26, s25, $0x38;
	[tilespmem:$0xD200] =	vst v63  }
0xb7: {  	_ =	swait.ge [sflag:s28], $0x500  }
0xb8: {  	[sflag:s28] =	ssyncset.done $0x0  }
0xb9: {  	s0 =	simm.s32 $0x0;
	[sflag:s28] =	ssyncadd.s32 $0xFFFFFB00  }
0xba: {  	s2 =	simm.s32 $0x40;
	v1 =	vld [tilespmem:s0+$0x7D00]  }
.LBB2_22:
0xbb: {  	p0 =	sne.s32 s2, $0x13C0;
	v2 =	vld [tilespmem:s0+$0x7800];
	_ =	sdelay $0x2  }
.Ltmp10:
0xbc: {  	(pc) =	sbr.rel @p0 .LBB2_22-.Ltmp10, $4  }
0xbd: {  	_ = 	snop  }
0xbe: {  	v2 =	vadd.f32 v1, v2  }
0xbf: {  	s3 =	sshra.s32 s2, $0x2  }
0xc0: {  	s2 =	sadd.s32 $0x40, s2;
	v1 =	vld [tilespmem:s3+$0x7D00];
	[tilespmem:s0+$0x7800] =	vst v2;
	s0 =	smov.u32 s3  }
0xc1: {  	v2 =	vld [tilespmem:s0+$0x7800];
	_ =	sdelay $0x4  }
0xc2: {  	v1 =	vadd.f32 v1, v2;
	_ =	sdelay $0x1  }
0xc3: {  	[tilespmem:s0+$0x7800] =	vst v1  }
0xc4: {  	[tilespmem:s1], [sflag:$0x1] =	stream.strided.gather [spmem:s18], $0x500, s26, s25, $0x38;
	[tilespmem:$0xD200] =	vst v63  }
0xc5: {  	_ =	swait.ge [sflag:s28], $0x500  }
0xc6: {  	[sflag:s28] =	ssyncset.done $0x0  }
0xc7: {  	s0 =	simm.s32 $0x0;
	[sflag:s28] =	ssyncadd.s32 $0xFFFFFB00  }
0xc8: {  	s2 =	simm.s32 $0x40;
	v1 =	vld [tilespmem:s0+$0x7D00]  }
.LBB2_24:
0xc9: {  	p0 =	sne.s32 s2, $0x13C0;
	v2 =	vld [tilespmem:s0+$0x7800];
	_ =	sdelay $0x2  }
.Ltmp11:
0xca: {  	(pc) =	sbr.rel @p0 .LBB2_24-.Ltmp11, $4  }
0xcb: {  	_ = 	snop  }
0xcc: {  	v2 =	vadd.f32 v1, v2  }
0xcd: {  	s3 =	sshra.s32 s2, $0x2  }
0xce: {  	s2 =	sadd.s32 $0x40, s2;
	v1 =	vld [tilespmem:s3+$0x7D00];
	[tilespmem:s0+$0x7800] =	vst v2;
	s0 =	smov.u32 s3  }
0xcf: {  	v2 =	vld [tilespmem:s0+$0x7800];
	_ =	sdelay $0x4  }
0xd0: {  	v1 =	vadd.f32 v1, v2;
	_ =	sdelay $0x1  }
0xd1: {  	[tilespmem:s0+$0x7800] =	vst v1  }
0xd2: {  	[tilespmem:s1], [sflag:$0x1] =	stream.strided.gather [spmem:s19], $0x500, s26, s25, $0x38;
	[tilespmem:$0xD200] =	vst v63  }
0xd3: {  	_ =	swait.ge [sflag:s28], $0x500  }
0xd4: {  	[sflag:s28] =	ssyncset.done $0x0  }
0xd5: {  	s0 =	simm.s32 $0x0;
	[sflag:s28] =	ssyncadd.s32 $0xFFFFFB00  }
0xd6: {  	s2 =	simm.s32 $0x40;
	v1 =	vld [tilespmem:s0+$0x7D00]  }
.LBB2_26:
0xd7: {  	p0 =	sne.s32 s2, $0x13C0;
	v2 =	vld [tilespmem:s0+$0x7800];
	_ =	sdelay $0x2  }
.Ltmp12:
0xd8: {  	(pc) =	sbr.rel @p0 .LBB2_26-.Ltmp12, $4  }
0xd9: {  	_ = 	snop  }
0xda: {  	v2 =	vadd.f32 v1, v2  }
0xdb: {  	s3 =	sshra.s32 s2, $0x2  }
0xdc: {  	s2 =	sadd.s32 $0x40, s2;
	v1 =	vld [tilespmem:s3+$0x7D00];
	[tilespmem:s0+$0x7800] =	vst v2;
	s0 =	smov.u32 s3  }
0xdd: {  	v2 =	vld [tilespmem:s0+$0x7800];
	_ =	sdelay $0x4  }
0xde: {  	v1 =	vadd.f32 v1, v2;
	_ =	sdelay $0x1  }
0xdf: {  	[tilespmem:s0+$0x7800] =	vst v1  }
0xe0: {  	[tilespmem:s1], [sflag:$0x1] =	stream.strided.gather [spmem:s20], $0x500, s26, s25, $0x38;
	[tilespmem:$0xD200] =	vst v63  }
0xe1: {  	_ =	swait.ge [sflag:s28], $0x500  }
0xe2: {  	[sflag:s28] =	ssyncset.done $0x0  }
0xe3: {  	s0 =	simm.s32 $0x0;
	[sflag:s28] =	ssyncadd.s32 $0xFFFFFB00  }
0xe4: {  	s2 =	simm.s32 $0x40;
	v1 =	vld [tilespmem:s0+$0x7D00]  }
.LBB2_28:
0xe5: {  	p0 =	sne.s32 s2, $0x13C0;
	v2 =	vld [tilespmem:s0+$0x7800];
	_ =	sdelay $0x2  }
.Ltmp13:
0xe6: {  	(pc) =	sbr.rel @p0 .LBB2_28-.Ltmp13, $4  }
0xe7: {  	_ = 	snop  }
0xe8: {  	v2 =	vadd.f32 v1, v2  }
0xe9: {  	s3 =	sshra.s32 s2, $0x2  }
0xea: {  	s2 =	sadd.s32 $0x40, s2;
	v1 =	vld [tilespmem:s3+$0x7D00];
	[tilespmem:s0+$0x7800] =	vst v2;
	s0 =	smov.u32 s3  }
0xeb: {  	v2 =	vld [tilespmem:s0+$0x7800];
	_ =	sdelay $0x4  }
0xec: {  	v1 =	vadd.f32 v1, v2;
	_ =	sdelay $0x1  }
0xed: {  	[tilespmem:s0+$0x7800] =	vst v1  }
0xee: {  	[tilespmem:s1], [sflag:$0x1] =	stream.strided.gather [spmem:s21], $0x500, s26, s25, $0x38;
	[tilespmem:$0xD200] =	vst v63  }
0xef: {  	_ =	swait.ge [sflag:s28], $0x500  }
0xf0: {  	[sflag:s28] =	ssyncset.done $0x0  }
0xf1: {  	s0 =	simm.s32 $0x0;
	[sflag:s28] =	ssyncadd.s32 $0xFFFFFB00  }
0xf2: {  	s2 =	simm.s32 $0x40;
	v1 =	vld [tilespmem:s0+$0x7D00]  }
.LBB2_30:
0xf3: {  	p0 =	sne.s32 s2, $0x13C0;
	v2 =	vld [tilespmem:s0+$0x7800];
	_ =	sdelay $0x2  }
.Ltmp14:
0xf4: {  	(pc) =	sbr.rel @p0 .LBB2_30-.Ltmp14, $4  }
0xf5: {  	_ = 	snop  }
0xf6: {  	v2 =	vadd.f32 v1, v2  }
0xf7: {  	s3 =	sshra.s32 s2, $0x2  }
0xf8: {  	s2 =	sadd.s32 $0x40, s2;
	v1 =	vld [tilespmem:s3+$0x7D00];
	[tilespmem:s0+$0x7800] =	vst v2;
	s0 =	smov.u32 s3  }
0xf9: {  	v2 =	vld [tilespmem:s0+$0x7800];
	_ =	sdelay $0x4  }
0xfa: {  	v1 =	vadd.f32 v1, v2;
	_ =	sdelay $0x1  }
0xfb: {  	[tilespmem:s0+$0x7800] =	vst v1  }
0xfc: {  	[tilespmem:s1], [sflag:$0x1] =	stream.strided.gather [spmem:s22], $0x500, s26, s25, $0x38;
	[tilespmem:$0xD200] =	vst v63  }
0xfd: {  	_ =	swait.ge [sflag:s28], $0x500  }
0xfe: {  	[sflag:s28] =	ssyncset.done $0x0  }
0xff: {  	s0 =	simm.s32 $0x0;
	[sflag:s28] =	ssyncadd.s32 $0xFFFFFB00  }
0x100: {  	s2 =	simm.s32 $0x40;
	v1 =	vld [tilespmem:s0+$0x7D00]  }
.LBB2_32:
0x101: {  	p0 =	sne.s32 s2, $0x13C0;
	v2 =	vld [tilespmem:s0+$0x7800];
	_ =	sdelay $0x2  }
.Ltmp15:
0x102: {  	(pc) =	sbr.rel @p0 .LBB2_32-.Ltmp15, $4  }
0x103: {  	_ = 	snop  }
0x104: {  	v2 =	vadd.f32 v1, v2  }
0x105: {  	s3 =	sshra.s32 s2, $0x2  }
0x106: {  	s2 =	sadd.s32 $0x40, s2;
	v1 =	vld [tilespmem:s3+$0x7D00];
	[tilespmem:s0+$0x7800] =	vst v2;
	s0 =	smov.u32 s3  }
0x107: {  	v2 =	vld [tilespmem:s0+$0x7800];
	_ =	sdelay $0x4  }
0x108: {  	s29 =	sadd.s32 $0x1, s29;
	v1 =	vadd.f32 v1, v2  }
0x109: {  	p0 =	sne.s32 s29, s24  }
.Ltmp16:
0x10a: {  	s3 =	simm.s32 $0x100;
	[tilespmem:s0+$0x7800] =	vst v1;
	(pc) =	sbr.rel @p0 .LBB2_1-.Ltmp16, $4  }
0x10b: {  	[hbm4b:s23+s25] =	stream.strided.scatter [tilespmem:s31], [sflag:$0x1], $0x500, s3, s25, $0x38;
	[tilespmem:$0xD200] =	vst v63  }
0x10c: {  	_ =	swait.ge [sflag:s28], $0x500  }
0x10d: {  	[sflag:s28] =	ssyncset.done $0x0  }
0x10e: {  	[sflag:s28] =	ssyncadd.s32 $0xFFFFFB00  }
0x10f: {  	_ =	sfence.sel $0x180000  }
0x110: {  	[bflag:$0x0] =	sbarrier.arrive $0xFFFF  }
0x111: {  	_ =	strace $0x90000047  }
0x112: {  	s0 =	stileid.u32;
	[bflag:$0x2] =	sbarrier.arrive $0xFFFF  }
0x113: {  	p0 =	sne.s32 s0, $0x0;
	s0 =	rddreg [dreg:$0x3]  }
0x114: {  	s0 =	sadd.s32 @!p0 $0x100000, s0  }
0x115: {  	[sflag:s0] =	ssyncadd.tile.s32 @!p0 $0x1;
	_ =	shalt  }
.Lfunc_end2:
_tile_overlayer_lowered:
.L_overlay_start_2:
0x116: {  	(tag) =	ssettag $0x2  }
0x117: {  	s0 =	rddreg [dreg:$0x0];
	s2 =	stileid.u32  }
0x118: {  	s1 =	rddreg [dreg:$0x1];
	p0 =	sne.s32 s2, $0x0  }
0x119: {  	s3 =	rddreg [dreg:$0x2];
	[bflag:$0x3] =	sbarrier.arrive $0xFFFF;
	s2 =	simm.s32 @!p0 $0x1C01  }
0x11a: {  	[timem:s3], [sflag:s2] =	dma.local @!p0 [hbm:s0], s1  }
0x11b: {  	s0 =	simm.s32 @!p0 $0x1  }
0x11c: {  	_ =	swait.ge @!p0 [sflag:s0], s1  }
0x11d: {  	s1 =	ssub.s32 @!p0 $0x0, s1;
	[sflag:s0] =	ssyncset.done @!p0 $0x0  }
0x11e: {  	[sflag:s0] =	ssyncadd.s32 @!p0 s1  }
0x11f: {  	[bflag:$0x3] =	sbarrier.arrive $0xFFFF  }
0x120: {  	_ =	shalt  }

// kernel: kernel.14.cloned.1.call-start
scs
__scs_entry_jumppad:
0x0: {  	(pc) =	sbr.rel $0x88, $3  }
0x1: {  	(tag) =	ssettag $0x0;
	lr =	simm.s32 $0x1  }
0x2: {  	[smem:$0x3F99] =	sst lr;
	_ =	strace $0xD0000000  }
0x3: {  	_ = 	snop  }
0x4: {  	_ = 	snop  }
0x5: {  	_ = 	snop  }
0x6: {  	_ = 	snop  }
0x7: {  	_ = 	snop  }
__scs_overlays_trampoline_lowered:
0x8: {  	[smem:$0x3FA8] =	sst s0  }
0x9: {  	[smem:$0x3FA9] =	sst s1  }
0xa: {  	[smem:$0x3FAA] =	sst s2  }
0xb: {  	[smem:$0x3FAB] =	sst s3  }
0xc: {  	[smem:$0x3FAC] =	sst s4  }
0xd: {  	[smem:$0x3FAD] =	sst s5  }
0xe: {  	[smem:$0x3FAE] =	sst s6  }
0xf: {  	[smem:$0x3FAF] =	sst s7  }
0x10: {  	[smem:$0x3FB0] =	sst s8  }
0x11: {  	[smem:$0x3FB1] =	sst s9;
	s0 =	simm.s32 @!p0 $0x0  }
0x12: {  	s1 =	sld [smem:$0x3F97];
	s0 =	simm.s32 @p0 $0x1  }
0x13: {  	[smem:$0x3FB2] =	sst s0;
	s0 =	simm.s32 @!p1 $0x0  }
0x14: {  	s2 =	sld [smem:$0x3F96];
	s0 =	simm.s32 @p1 $0x1  }
0x15: {  	[smem:$0x3FB3] =	sst s0;
	s0 =	simm.s32 @!p2 $0x0  }
0x16: {  	s3 =	sld [smem:$0x3FDB];
	s0 =	simm.s32 @p2 $0x1  }
0x17: {  	s4 =	simm.s32 $0x1BF5;
	[smem:$0x3FB5] =	sst s0  }
0x18: {  	s0 =	sld [smem:$0x3F98];
	_ =	swait.ge [sflag:s4], $0x0  }
0x19: {  	s7 =	sld [smem:$0x3F99]  }
0x1a: {  	s8 =	sadd.s32 $0xFFFFE003, lr  }
0x1b: {  	s9 =	sadd.s32 $0xFFFFFEF7, lr;
	s5 =	simm.s32 $0xFFFFFFFF;
	p2 =	slt.u32 s8, $0xFFFFF086  }
0x1c: {  	p1 =	slt.u32 s9, $0xF7A;
	s5 =	simm.s32 @!p2 $0x0  }
0x1d: {  	s5 =	simm.s32 @p1 $0x1;
	p0 =	seq.s32 s7, s2  }
0x1e: {  	s7 =	smul.u32 @!p0 $0xF7A, s2;
	p2 =	seq.s32 @!p0 s5, $0x0  }
0x1f: {  	s9 =	smul.u32 $0xF7A, s1;
	s8 =	simm.s32 @!p0 $0x1BF5;
	p2 =	por !p2, p0  }
0x20: {  	[sflag:s8] =	ssyncset.s32 @!p0 $0xFFFFF086;
	s6 =	sadd.s32 @!p0 s3, s7;
	s7 =	simm.s32 @!p0 $0x108  }
0x21: {  	s3 =	sadd.s32 s3, s9;
	s6 =	sadd.s32 @!p0 $0x88, s6;
	s7 =	simm.s32 @p2 $0x1082  }
0x22: {  	[simem:s7], [sflag:s8] =	dma.local @!p0 [hbm:s6], $0xF7A  }
0x23: {  	s9 =	sor.u32 $0xD0000000, s2;
	s6 =	simm.s32 $0x108;
	_ =	swait.ge @!p0 [sflag:s8], $0x0  }
0x24: {  	s3 =	sadd.s32 $0x88, s3;
	s6 =	simm.s32 @!p1 $0x1082;
	[sflag:s4] =	ssyncset.s32 $0xFFFFF086  }
0x25: {  	[simem:s6], [sflag:s4] =	dma.local [hbm:s3], $0xF7A  }
0x26: {  	[smem:$0x3F99] =	sst s1;
	(tag) =	ssettag s2;
	_ =	strace s9  }
0x27: {  	s1 =	sld [smem:$0x3FA9]  }
0x28: {  	s2 =	sld [smem:$0x3FAA]  }
0x29: {  	s4 =	sld [smem:$0x3FAC]  }
0x2a: {  	p0 =	seq.s32 s5, $0x0;
	s5 =	sld [smem:$0x3FAD]  }
0x2b: {  	s6 =	sld [smem:$0x3FAE]  }
0x2c: {  	s7 =	sld [smem:$0x3FAF]  }
0x2d: {  	s3 =	simm.s32 $0x108;
	s8 =	sld [smem:$0x3FB0]  }
0x2e: {  	s3 =	simm.s32 @!p0 $0x1082;
	s9 =	sld [smem:$0x3FB1]  }
0x2f: {  	lr =	sadd.s32 s0, s3;
	s0 =	sld [smem:$0x3FA8]  }
0x30: {  	s3 =	sld [smem:$0x3FAB]  }
0x31: {  	[smem:$0x3FB4] =	sst s10  }
0x32: {  	s10 =	sld [smem:$0x3FB2];
	_ =	sdelay $0x3  }
0x33: {  	p0 =	seq.s32 s10, $0x1;
	s10 =	sld [smem:$0x3FB4];
	_ =	sdelay $0x3  }
0x34: {  	[smem:$0x3FB4] =	sst s10  }
0x35: {  	s10 =	sld [smem:$0x3FB3];
	_ =	sdelay $0x3  }
0x36: {  	p1 =	seq.s32 s10, $0x1;
	s10 =	sld [smem:$0x3FB4];
	_ =	sdelay $0x3  }
0x37: {  	[smem:$0x3FB4] =	sst s10  }
0x38: {  	s10 =	sld [smem:$0x3FB5]  }
0x39: {  	_ = 	snop;
	(pc) =	sbr.ind lr, $3  }
0x3a: {  	_ = 	snop  }
0x3b: {  	_ = 	snop  }
0x3c: {  	p2 =	seq.s32 s10, $0x1;
	s10 =	sld [smem:$0x3FB4]  }
0x3d: {  	_ =	shalt  }
0x3e: {  	_ =	shalt  }
0x3f: {  	_ =	shalt  }
0x40: {  	_ =	shalt  }
0x41: {  	_ =	shalt  }
0x42: {  	_ =	shalt  }
0x43: {  	_ =	shalt  }
0x44: {  	_ =	shalt  }
0x45: {  	_ =	shalt  }
0x46: {  	_ =	shalt  }
0x47: {  	_ =	shalt  }
0x48: {  	_ =	shalt  }
0x49: {  	_ =	shalt  }
0x4a: {  	_ =	shalt  }
0x4b: {  	_ =	shalt  }
0x4c: {  	_ =	shalt  }
0x4d: {  	_ =	shalt  }
0x4e: {  	_ =	shalt  }
0x4f: {  	_ =	shalt  }
0x50: {  	_ =	shalt  }
0x51: {  	_ =	shalt  }
0x52: {  	_ =	shalt  }
0x53: {  	_ =	shalt  }
0x54: {  	_ =	shalt  }
0x55: {  	_ =	shalt  }
0x56: {  	_ =	shalt  }
0x57: {  	_ =	shalt  }
0x58: {  	_ =	shalt  }
0x59: {  	_ =	shalt  }
0x5a: {  	_ =	shalt  }
0x5b: {  	_ =	shalt  }
0x5c: {  	_ =	shalt  }
0x5d: {  	_ =	shalt  }
0x5e: {  	_ =	shalt  }
0x5f: {  	_ =	shalt  }
0x60: {  	_ =	shalt  }
0x61: {  	_ =	shalt  }
0x62: {  	_ =	shalt  }
0x63: {  	_ =	shalt  }
0x64: {  	_ =	shalt  }
0x65: {  	_ =	shalt  }
0x66: {  	_ =	shalt  }
0x67: {  	_ =	shalt  }
0x68: {  	_ =	shalt  }
0x69: {  	_ =	shalt  }
0x6a: {  	_ =	shalt  }
0x6b: {  	_ =	shalt  }
0x6c: {  	_ =	shalt  }
0x6d: {  	_ =	shalt  }
0x6e: {  	_ =	shalt  }
0x6f: {  	_ =	shalt  }
0x70: {  	_ =	shalt  }
0x71: {  	_ =	shalt  }
0x72: {  	_ =	shalt  }
0x73: {  	_ =	shalt  }
0x74: {  	_ =	shalt  }
0x75: {  	_ =	shalt  }
0x76: {  	_ =	shalt  }
0x77: {  	_ =	shalt  }
0x78: {  	_ =	shalt  }
0x79: {  	_ =	shalt  }
0x7a: {  	_ =	shalt  }
0x7b: {  	_ =	shalt  }
0x7c: {  	_ =	shalt  }
0x7d: {  	_ =	shalt  }
0x7e: {  	_ =	shalt  }
0x7f: {  	_ =	shalt  }
0x80: {  	_ =	shalt  }
0x81: {  	_ =	shalt  }
0x82: {  	_ =	shalt  }
0x83: {  	_ =	shalt  }
0x84: {  	_ =	shalt  }
0x85: {  	_ =	shalt  }
0x86: {  	_ =	shalt  }
0x87: {  	_ =	shalt  }
.Lfunc_end0:
.L_simem_size_0:
called_computation.1_lowered:
.L_overlay_start_0:
0x88: {  	s2 =	sld [smem:$0x3FD9]  }
0x89: {  	s3 =	sld [smem:$0x3FFE];
	_ =	sdelay $0x1  }
0x8a: {  	s1 =	srdreg.scid  }
0x8b: {  	s0 =	sand.u32 $0x1, s1  }
0x8c: {  	s17 =	sshll.u32 s0, $0xA;
	s2 =	sadd.s32 s3, s2  }
0x8d: {  	s2 =	sadd.s32 s2, s17  }
0x8e: {  	[smem:$0x3FC0] =	sst s2  }
0x8f: {  	_ = 	snop  }
0x90: {  	s2 =	sld [smem:$0x3FD0];
	(tm) =	ssettm $0x1  }
0x91: {  	s18 =	sld [smem:$0x3FFB];
	_ =	sdelay $0x3  }
0x92: {  	_ =	strace s18  }
0x93: {  	s3 =	sld [smem:$0x3FFC];
	_ =	sdelay $0x3  }
0x94: {  	_ =	strace s3  }
0x95: {  	s3 =	sld [smem:$0x3FFD];
	_ =	sdelay $0x3  }
0x96: {  	_ =	strace s3  }
0x97: {  	_ =	strace $0x8FFFFFFF  }
0x98: {  	s19 =	sld [smem:$0x3FDB];
	_ =	sdelay $0x1  }
0x99: {  	s4 =	simm.s32 $_scs_section_size  }
0x9a: {  	s5 =	simm.s32 $_size__tile_overlayer_lowered;
	s6 =	simm.s32 $_tile_overlayer_lowered  }
0x9b: {  	s22 =	simm.s32 $0x1BFF;
	s21 =	sshll.u32 s6, $0x1;
	s3 =	sadd.s32 s4, s19  }
0x9c: {  	s7 =	simm.s32 $0x0;
	s20 =	sshll.u32 s5, $0x1;
	s5 =	sadd.s32 s21, s3  }
0x9d: {  	[timem:s7], [sflag:s22] =	dma.local [hbm:s5], s20  }
0x9e: {  	_ =	swait.ge [sflag:s22], s20  }
0x9f: {  	s4 =	ssub.s32 $0x0, s20;
	[sflag:s22] =	ssyncset.done $0x0  }
0xa0: {  	[sflag:s22] =	ssyncadd.s32 s4;
	_ =	sdelay $0x1  }
0xa1: {  	s23 =	simm.s32 $0x1B8B  }
0xa2: {  	_ =	swait.ge [sflag:s23], $0x1  }
0xa3: {  	[sflag:s23] =	ssyncset.done $0x0  }
0xa4: {  	s25 =	simm.s32 $0x1B8E;
	s24 =	sld [smem:$0x3FFE];
	[sflag:s23] =	ssyncadd.s32 $0xFFFFFFFF  }
0xa5: {  	s26 =	simm.s32 $execute0_lowered;
	[smem:$0x3FD2] =	sst s25  }
0xa6: {  	s5 =	sshll.u32 s26, $0x1;
	_ =	strace $0x80000049;
	[dreg:$0x1] =	wrdreg $0xFFFFFFFF  }
0xa7: {  	s28 =	simm.s32 $_size_execute0_lowered;
	s3 =	sadd.s32 s3, s5;
	[dreg:$0x0] =	wrdreg $0x0  }
0xa8: {  	s5 =	sshll.u32 s28, $0x1;
	[dreg:$0x2] =	wrdreg s3  }
0xa9: {  	[dreg:$0x3] =	wrdreg s5  }
0xaa: {  	[dreg:$0x4] =	wrdreg $0xC0  }
0xab: {  	_ =	task [dreg:s7], $0x5FFFF  }
0xac: {  	[dreg:$0x1] =	wrdreg $0xFFFFFFFF  }
0xad: {  	[dreg:$0x0] =	wrdreg $0x60  }
0xae: {  	[dreg:$0x2] =	wrdreg s24  }
0xaf: {  	[dreg:$0x3] =	wrdreg s2  }
0xb0: {  	[dreg:$0x4] =	wrdreg $0xA8000  }
0xb1: {  	[dreg:$0x5] =	wrdreg $0x9  }
0xb2: {  	_ =	task.clear_ibuf [dreg:s7], $0x6FFFF;
	_ =	strace $0x90000049  }
0xb3: {  	s29 =	simm.s32 $0x9;
	_ =	strace $0x8000004B  }
0xb4: {  	_ =	swait.ge [sflag:s29], $0x1  }
0xb5: {  	[sflag:s29] =	ssyncadd.s32 $0xFFFFFFFF  }
0xb6: {  	_ =	strace $0x9000004B  }
0xb7: {  	_ =	sfence  }
0xb8: {  	s30 =	sld [smem:$0x0];
	_ =	sdelay $0x2  }
0xb9: {  	s31 =	sshll.u32 s1, $0xD;
	s1 =	sshrl.u32 s1, $0x2  }
0xba: {  	s3 =	sand.u32 $0x4000, s31;
	s1 =	sadd.s32 s1, s30  }
0xbb: {  	s0 =	sor.u32 s3, s0;
	s1 =	sshll.u32 s1, $0x11  }
0xbc: {  	s0 =	sor.u32 s1, s0  }
0xbd: {  	s0 =	sadd.s32 $0x8F2B, s0  }
0xbe: {  	[sflag:s0] =	ssyncadd.remote.s32 $0x1  }
0xbf: {  	_ =	sfence.sel $0xFFFF  }
0xc0: {  	[dreg:$0x0] =	wrdreg $0xFFFFFFFF;
	(pc) =	sbr.abs _section_cstart, $3  }
0xc1: {  	[dreg:$0x1] =	wrdreg $0xFFFFFFFF  }
0xc2: {  	_ =	task.clear_ibuf [dreg:s7], $0x2FFFF;
	_ =	strace $0x9FFFFFFF  }
0xc3: {  	(tm) =	ssettm $0x7FFFFFFF  }
tec
execute0_lowered:
.L_overlay_start_1:
0x0: {  	(tag) =	ssettag $0x1  }
0x1: {  	s9 =	rddreg [dreg:$0x0]  }
0x2: {  	s2 =	rddreg [dreg:$0x1]  }
0x3: {  	s0 =	srdreg.scid;
	s3 =	rddreg [dreg:$0x2]  }
0x4: {  	s1 =	rddreg [dreg:$0x3];
	s4 =	simm.s32 $0x0;
	s16 =	simm.s32 $0x80  }
0x5: {  	s17 =	simm.s32 $0x2800;
	s18 =	simm.s32 $0x6800;
	s6 =	sand.u32 $0x1, s0  }
0x6: {  	s19 =	simm.s32 $0x1;
	s0 =	stileid.u32;
	s7 =	smul.u32 $0x14000, s6  }
0x7: {  	s20 =	simm.s32 $0x2;
	s21 =	simm.s32 $0x2700;
	s8 =	smul.u32 $0x1400, s0  }
0x8: {  	s22 =	simm.s32 $0x2780;
	s23 =	simm.s32 $0x0;
	s10 =	smul.u32 $0x280000, s6  }
0x9: {  	[smem:$0x7FF] =	sst s4;
	s5 =	sadd.s32 $0xC200, s9;
	s11 =	smul.u32 $0x14000, s0  }
0xa: {  	_ =	strace $0x8000004A;
	s6 =	ssub.s32 $0x2, s6;
	s14 =	sshll.u32 s0, $0x6  }
0xb: {  	s30 =	smul.u32 $0x50000, s0;
	s29 =	sshrl.u32 s6, $0x1;
	s14 =	sor.u32 $0x1C03, s14  }
0xc: {  	s7 =	sadd.s32 s8, s7;
	s28 =	sadd.s32 s11, s10;
	s13 =	ssub.s32 s6, s29  }
0xd: {  	s31 =	sshrl.u32 s30, $0x2;
	s7 =	sshrl.u32 s7, $0x3;
	s8 =	sshrl.u32 s28, $0x3  }
0xe: {  	s15 =	sadd.s32 s31, s3;
	s11 =	smax.u32 s13, $0x1;
	s13 =	simm.s32 $0x1400  }
0xf: {  	s7 =	sadd.s32 s7, s9;
	s12 =	sadd.s32 s8, s9;
	s9 =	sadd.s32 $0x34200, s9  }
0x10: {  	s15 =	sshrl.u32 s15, $0x3;
	s6 =	sadd.s32 $0x7200, s7;
	s7 =	sadd.s32 $0x2200, s7  }
0x11: {  	s8 =	sadd.s32 $0x5C200, s12;
	s10 =	sadd.s32 $0x84200, s12;
	s12 =	simm.s32 $0x3  }
.LBB2_1:
0x12: {  	[tilespmem:s4], [sflag:$0x3] =	stream.linear.gather [hbm4b:s6+s4], $0x1400, $0x38;
	[tilespmem:$0x1E800] =	vst v63  }
0x13: {  	_ =	swait.ge [sflag:s12], $0x1400  }
0x14: {  	[sflag:s12] =	ssyncset.done $0x0  }
0x15: {  	[sflag:s12] =	ssyncadd.s32 $0xFFFFEC00  }
0x16: {  	[tilespmem:s13], [sflag:$0x3] =	stream.linear.gather [hbm4b:s7+s4], $0x1400, $0x38;
	[tilespmem:$0x1E800] =	vst v63  }
0x17: {  	_ =	swait.ge [sflag:s12], $0x1400  }
0x18: {  	[sflag:s12] =	ssyncset.done $0x0  }
0x19: {  	[sflag:s12] =	ssyncadd.s32 $0xFFFFEC00  }
0x1a: {  	[spmem:s15], [sflag:s14] =	dma.local [hbm:s2], $0x2800  }
0x1b: {  	_ =	swait.ge [sflag:s12], $0x2800  }
0x1c: {  	[sflag:s12] =	ssyncset.done $0x0  }
0x1d: {  	[sflag:s12] =	ssyncadd.s32 $0xFFFFD800  }
0x1e: {  	[bflag:$0x0] =	sbarrier.arrive $0xFFFF  }
0x1f: {  	[tilespmem:s17], [sflag:$0x1] =	stream.indirect.gather [hbm4b:s5+s16], $0x80, s4, s16, $0xb8;
	[tilespmem:$0x1E800] =	vst v63  }
0x20: {  	_ = 	snop  }
0x21: {  	[tilespmem:s18], [sflag:$0x2] =	stream.indirect.gather [hbm4b:s5+s16], $0x80, s16, s16, $0xb8;
	[tilespmem:$0x1E800] =	vst v63  }
0x22: {  	_ =	swait.ge [sflag:s19], $0x4000  }
0x23: {  	[sflag:s19] =	ssyncset.done $0x0  }
0x24: {  	s24 =	simm.s32 $0x1400;
	[sflag:s19] =	ssyncadd.s32 $0xFFFFC000  }
0x25: {  	[spmem:s3] =	stream.indirect.scatter.add.f32 [tilespmem:s17], [sflag:$0x3], $0x80, s24, s16, $0xb8;
	[tilespmem:$0x1E800] =	vst v63  }
0x26: {  	_ =	swait.ge [sflag:s12], $0x4000  }
0x27: {  	[sflag:s12] =	ssyncset.done $0x0  }
0x28: {  	s30 =	simm.s32 $0x100;
	[sflag:s12] =	ssyncadd.s32 $0xFFFFC000  }
0x29: {  	[tilespmem:s17], [sflag:$0x1] =	stream.indirect.gather [hbm4b:s5+s16], $0x80, s30, s16, $0xb8;
	[tilespmem:$0x1E800] =	vst v63  }
0x2a: {  	_ =	swait.ge [sflag:s20], $0x4000  }
0x2b: {  	[sflag:s20] =	ssyncset.done $0x0  }
0x2c: {  	s31 =	simm.s32 $0x1480;
	[sflag:s20] =	ssyncadd.s32 $0xFFFFC000  }
0x2d: {  	[spmem:s3] =	stream.indirect.scatter.add.f32 [tilespmem:s18], [sflag:$0x3], $0x80, s31, s16, $0xb8;
	[tilespmem:$0x1E800] =	vst v63  }
0x2e: {  	_ =	swait.ge [sflag:s12], $0x4000  }
0x2f: {  	[sflag:s12] =	ssyncset.done $0x0  }
0x30: {  	s25 =	simm.s32 $0x180;
	s24 =	simm.s32 $0x400;
	[sflag:s12] =	ssyncadd.s32 $0xFFFFC000  }
.LBB2_2:
0x31: {  	[tilespmem:s18], [sflag:$0x2] =	stream.indirect.gather [hbm4b:s5+s16], $0x80, s25, s16, $0xb8;
	[tilespmem:$0x1E800] =	vst v63  }
0x32: {  	s25 =	smov.u32 s24  }
0x33: {  	p0 =	sne.s32 s24, $0x4800;
	s24 =	sadd.s32 $0x400, s24;
	_ =	swait.ge [sflag:s19], $0x4000  }
0x34: {  	s25 =	sshra.s32 s25, $0x2;
	[sflag:s19] =	ssyncset.done $0x0  }
0x35: {  	s26 =	sadd.s32 $0x1400, s25;
	[sflag:s19] =	ssyncadd.s32 $0xFFFFC000  }
0x36: {  	[spmem:s3] =	stream.indirect.scatter.add.f32 [tilespmem:s17], [sflag:$0x3], $0x80, s26, s16, $0xb8;
	[tilespmem:$0x1E800] =	vst v63  }
0x37: {  	_ =	swait.ge [sflag:s12], $0x4000  }
0x38: {  	[sflag:s12] =	ssyncset.done $0x0  }
0x39: {  	s26 =	sadd.s32 $0x100, s25;
	[sflag:s12] =	ssyncadd.s32 $0xFFFFC000  }
0x3a: {  	[tilespmem:s17], [sflag:$0x1] =	stream.indirect.gather [hbm4b:s5+s16], $0x80, s26, s16, $0xb8;
	[tilespmem:$0x1E800] =	vst v63  }
0x3b: {  	_ =	swait.ge [sflag:s20], $0x4000  }
0x3c: {  	[sflag:s20] =	ssyncset.done $0x0  }
.Ltmp0:
0x3d: {  	s26 =	sadd.s32 $0x1480, s25;
	[sflag:s20] =	ssyncadd.s32 $0xFFFFC000;
	(pc) =	sbr.rel @p0 .LBB2_2-.Ltmp0, $4  }
0x3e: {  	[spmem:s3] =	stream.indirect.scatter.add.f32 [tilespmem:s18], [sflag:$0x3], $0x80, s26, s16, $0xb8;
	[tilespmem:$0x1E800] =	vst v63  }
0x3f: {  	_ =	swait.ge [sflag:s12], $0x4000  }
0x40: {  	[sflag:s12] =	ssyncset.done $0x0  }
0x41: {  	s25 =	sadd.s32 $0x180, s25;
	[sflag:s12] =	ssyncadd.s32 $0xFFFFC000  }
0x42: {  	[tilespmem:s18], [sflag:$0x2] =	stream.indirect.gather [hbm4b:s5+s16], $0x80, s25, s16, $0xb8;
	[tilespmem:$0x1E800] =	vst v63  }
0x43: {  	_ =	swait.ge [sflag:s19], $0x4000  }
0x44: {  	[sflag:s19] =	ssyncset.done $0x0  }
0x45: {  	[sflag:s19] =	ssyncadd.s32 $0xFFFFC000  }
0x46: {  	[spmem:s3] =	stream.indirect.scatter.add.f32 [tilespmem:s17], [sflag:$0x3], $0x80, s21, s16, $0xb8;
	[tilespmem:$0x1E800] =	vst v63  }
0x47: {  	_ =	swait.ge [sflag:s12], $0x4000  }
0x48: {  	[sflag:s12] =	ssyncset.done $0x0  }
0x49: {  	[sflag:s12] =	ssyncadd.s32 $0xFFFFC000  }
0x4a: {  	_ =	swait.ge [sflag:s20], $0x4000  }
0x4b: {  	[sflag:s20] =	ssyncset.done $0x0  }
0x4c: {  	[sflag:s20] =	ssyncadd.s32 $0xFFFFC000  }
0x4d: {  	[spmem:s3] =	stream.indirect.scatter.add.f32 [tilespmem:s18], [sflag:$0x3], $0x80, s22, s16, $0xb8;
	[tilespmem:$0x1E800] =	vst v63  }
0x4e: {  	_ =	swait.ge [sflag:s12], $0x4000  }
0x4f: {  	[sflag:s12] =	ssyncset.done $0x0  }
0x50: {  	[sflag:s12] =	ssyncadd.s32 $0xFFFFC000  }
0x51: {  	[bflag:$0x0] =	sbarrier.arrive $0xFFFF  }
0x52: {  	[hbm:s8], [sflag:s14] =	dma.local [spmem:s15], $0x2800  }
0x53: {  	_ =	swait.ge [sflag:s12], $0x2800  }
0x54: {  	[sflag:s12] =	ssyncset.done $0x0  }
0x55: {  	[sflag:s12] =	ssyncadd.s32 $0xFFFFD800  }
0x56: {  	[spmem:s15], [sflag:s14] =	dma.local [hbm:s2], $0x2800  }
0x57: {  	_ =	swait.ge [sflag:s12], $0x2800  }
0x58: {  	[sflag:s12] =	ssyncset.done $0x0  }
0x59: {  	[sflag:s12] =	ssyncadd.s32 $0xFFFFD800  }
0x5a: {  	s24 =	simm.s32 $0x0;
	[bflag:$0x0] =	sbarrier.arrive $0xFFFF  }
0x5b: {  	[tilespmem:s17], [sflag:$0x1] =	stream.indirect.gather [hbm4b:s9+s16], $0x80, s24, s16, $0xb8;
	[tilespmem:$0x1E800] =	vst v63  }
0x5c: {  	_ = 	snop  }
0x5d: {  	[tilespmem:s18], [sflag:$0x2] =	stream.indirect.gather [hbm4b:s9+s16], $0x80, s16, s16, $0xb8;
	[tilespmem:$0x1E800] =	vst v63  }
0x5e: {  	_ =	swait.ge [sflag:s19], $0x4000  }
0x5f: {  	[sflag:s19] =	ssyncset.done $0x0  }
0x60: {  	s29 =	simm.s32 $0x1400;
	[sflag:s19] =	ssyncadd.s32 $0xFFFFC000  }
0x61: {  	[spmem:s3] =	stream.indirect.scatter.add.f32 [tilespmem:s17], [sflag:$0x3], $0x80, s29, s16, $0xb8;
	[tilespmem:$0x1E800] =	vst v63  }
0x62: {  	_ =	swait.ge [sflag:s12], $0x4000  }
0x63: {  	[sflag:s12] =	ssyncset.done $0x0  }
0x64: {  	s30 =	simm.s32 $0x100;
	[sflag:s12] =	ssyncadd.s32 $0xFFFFC000  }
0x65: {  	[tilespmem:s17], [sflag:$0x1] =	stream.indirect.gather [hbm4b:s9+s16], $0x80, s30, s16, $0xb8;
	[tilespmem:$0x1E800] =	vst v63  }
0x66: {  	_ =	swait.ge [sflag:s20], $0x4000  }
0x67: {  	[sflag:s20] =	ssyncset.done $0x0  }
0x68: {  	s31 =	simm.s32 $0x1480;
	[sflag:s20] =	ssyncadd.s32 $0xFFFFC000  }
0x69: {  	[spmem:s3] =	stream.indirect.scatter.add.f32 [tilespmem:s18], [sflag:$0x3], $0x80, s31, s16, $0xb8;
	[tilespmem:$0x1E800] =	vst v63  }
0x6a: {  	_ =	swait.ge [sflag:s12], $0x4000  }
0x6b: {  	[sflag:s12] =	ssyncset.done $0x0  }
0x6c: {  	s25 =	simm.s32 $0x180;
	s24 =	simm.s32 $0x400;
	[sflag:s12] =	ssyncadd.s32 $0xFFFFC000  }
.LBB2_4:
0x6d: {  	[tilespmem:s18], [sflag:$0x2] =	stream.indirect.gather [hbm4b:s9+s16], $0x80, s25, s16, $0xb8;
	[tilespmem:$0x1E800] =	vst v63  }
0x6e: {  	s25 =	smov.u32 s24  }
0x6f: {  	p0 =	sne.s32 s24, $0x4800;
	s24 =	sadd.s32 $0x400, s24;
	_ =	swait.ge [sflag:s19], $0x4000  }
0x70: {  	s25 =	sshra.s32 s25, $0x2;
	[sflag:s19] =	ssyncset.done $0x0  }
0x71: {  	s26 =	sadd.s32 $0x1400, s25;
	[sflag:s19] =	ssyncadd.s32 $0xFFFFC000  }
0x72: {  	[spmem:s3] =	stream.indirect.scatter.add.f32 [tilespmem:s17], [sflag:$0x3], $0x80, s26, s16, $0xb8;
	[tilespmem:$0x1E800] =	vst v63  }
0x73: {  	_ =	swait.ge [sflag:s12], $0x4000  }
0x74: {  	[sflag:s12] =	ssyncset.done $0x0  }
0x75: {  	s26 =	sadd.s32 $0x100, s25;
	[sflag:s12] =	ssyncadd.s32 $0xFFFFC000  }
0x76: {  	[tilespmem:s17], [sflag:$0x1] =	stream.indirect.gather [hbm4b:s9+s16], $0x80, s26, s16, $0xb8;
	[tilespmem:$0x1E800] =	vst v63  }
0x77: {  	_ =	swait.ge [sflag:s20], $0x4000  }
0x78: {  	[sflag:s20] =	ssyncset.done $0x0  }
.Ltmp1:
0x79: {  	s26 =	sadd.s32 $0x1480, s25;
	[sflag:s20] =	ssyncadd.s32 $0xFFFFC000;
	(pc) =	sbr.rel @p0 .LBB2_4-.Ltmp1, $4  }
0x7a: {  	[spmem:s3] =	stream.indirect.scatter.add.f32 [tilespmem:s18], [sflag:$0x3], $0x80, s26, s16, $0xb8;
	[tilespmem:$0x1E800] =	vst v63  }
0x7b: {  	_ =	swait.ge [sflag:s12], $0x4000  }
0x7c: {  	[sflag:s12] =	ssyncset.done $0x0  }
0x7d: {  	s25 =	sadd.s32 $0x180, s25;
	[sflag:s12] =	ssyncadd.s32 $0xFFFFC000  }
0x7e: {  	[tilespmem:s18], [sflag:$0x2] =	stream.indirect.gather [hbm4b:s9+s16], $0x80, s25, s16, $0xb8;
	[tilespmem:$0x1E800] =	vst v63  }
0x7f: {  	_ =	swait.ge [sflag:s19], $0x4000  }
0x80: {  	[sflag:s19] =	ssyncset.done $0x0  }
0x81: {  	[sflag:s19] =	ssyncadd.s32 $0xFFFFC000  }
0x82: {  	[spmem:s3] =	stream.indirect.scatter.add.f32 [tilespmem:s17], [sflag:$0x3], $0x80, s21, s16, $0xb8;
	[tilespmem:$0x1E800] =	vst v63  }
0x83: {  	_ =	swait.ge [sflag:s12], $0x4000  }
0x84: {  	[sflag:s12] =	ssyncset.done $0x0  }
0x85: {  	[sflag:s12] =	ssyncadd.s32 $0xFFFFC000  }
0x86: {  	_ =	swait.ge [sflag:s20], $0x4000  }
0x87: {  	[sflag:s20] =	ssyncset.done $0x0  }
0x88: {  	[sflag:s20] =	ssyncadd.s32 $0xFFFFC000  }
0x89: {  	[spmem:s3] =	stream.indirect.scatter.add.f32 [tilespmem:s18], [sflag:$0x3], $0x80, s22, s16, $0xb8;
	[tilespmem:$0x1E800] =	vst v63  }
0x8a: {  	_ =	swait.ge [sflag:s12], $0x4000  }
0x8b: {  	s23 =	sadd.s32 $0x1, s23;
	[sflag:s12] =	ssyncset.done $0x0  }
0x8c: {  	p0 =	sne.s32 s23, s11;
	[sflag:s12] =	ssyncadd.s32 $0xFFFFC000  }
.Ltmp2:
0x8d: {  	[bflag:$0x0] =	sbarrier.arrive $0xFFFF;
	(pc) =	sbr.rel @p0 .LBB2_1-.Ltmp2, $4  }
0x8e: {  	[hbm:s10], [sflag:s14] =	dma.local [spmem:s15], $0x2800  }
0x8f: {  	_ =	swait.ge [sflag:s12], $0x2800  }
0x90: {  	[sflag:s12] =	ssyncset.done $0x0  }
0x91: {  	[sflag:s12] =	ssyncadd.s32 $0xFFFFD800  }
0x92: {  	_ =	sfence.sel $0x180000  }
0x93: {  	[bflag:$0x0] =	sbarrier.arrive $0xFFFF  }
0x94: {  	p0 =	sne.s32 s0, $0x0;
	_ =	strace $0x9000004A  }
0x95: {  	s0 =	sadd.s32 @!p0 $0x100000, s1;
	[bflag:$0x2] =	sbarrier.arrive $0xFFFF  }
0x96: {  	[sflag:s0] =	ssyncadd.tile.s32 @!p0 $0x1;
	_ =	shalt  }
.Lfunc_end2:
_tile_overlayer_lowered:
.L_overlay_start_2:
0x97: {  	(tag) =	ssettag $0x2  }
0x98: {  	s0 =	rddreg [dreg:$0x0];
	s2 =	stileid.u32  }
0x99: {  	s1 =	rddreg [dreg:$0x1];
	p0 =	sne.s32 s2, $0x0  }
0x9a: {  	s3 =	rddreg [dreg:$0x2];
	[bflag:$0x3] =	sbarrier.arrive $0xFFFF;
	s2 =	simm.s32 @!p0 $0x1C03  }
0x9b: {  	[timem:s3], [sflag:s2] =	dma.local @!p0 [hbm:s0], s1  }
0x9c: {  	s0 =	simm.s32 @!p0 $0x3  }
0x9d: {  	_ =	swait.ge @!p0 [sflag:s0], s1  }
0x9e: {  	s1 =	ssub.s32 @!p0 $0x0, s1;
	[sflag:s0] =	ssyncset.done @!p0 $0x0  }
0x9f: {  	[sflag:s0] =	ssyncadd.s32 @!p0 s1  }
0xa0: {  	[bflag:$0x3] =	sbarrier.arrive $0xFFFF  }
0xa1: {  	_ =	shalt  }

// kernel: kernel.17.cloned.1.call-start
scs
__scs_entry_jumppad:
0x0: {  	(pc) =	sbr.rel $0x88, $3  }
0x1: {  	(tag) =	ssettag $0x0;
	lr =	simm.s32 $0x1  }
0x2: {  	[smem:$0x3F99] =	sst lr;
	_ =	strace $0xD0000000  }
0x3: {  	_ = 	snop  }
0x4: {  	_ = 	snop  }
0x5: {  	_ = 	snop  }
0x6: {  	_ = 	snop  }
0x7: {  	_ = 	snop  }
__scs_overlays_trampoline_lowered:
0x8: {  	[smem:$0x3FA8] =	sst s0  }
0x9: {  	[smem:$0x3FA9] =	sst s1  }
0xa: {  	[smem:$0x3FAA] =	sst s2  }
0xb: {  	[smem:$0x3FAB] =	sst s3  }
0xc: {  	[smem:$0x3FAC] =	sst s4  }
0xd: {  	[smem:$0x3FAD] =	sst s5  }
0xe: {  	[smem:$0x3FAE] =	sst s6  }
0xf: {  	[smem:$0x3FAF] =	sst s7  }
0x10: {  	[smem:$0x3FB0] =	sst s8  }
0x11: {  	[smem:$0x3FB1] =	sst s9;
	s0 =	simm.s32 @!p0 $0x0  }
0x12: {  	s1 =	sld [smem:$0x3F97];
	s0 =	simm.s32 @p0 $0x1  }
0x13: {  	[smem:$0x3FB2] =	sst s0;
	s0 =	simm.s32 @!p1 $0x0  }
0x14: {  	s2 =	sld [smem:$0x3F96];
	s0 =	simm.s32 @p1 $0x1  }
0x15: {  	[smem:$0x3FB3] =	sst s0;
	s0 =	simm.s32 @!p2 $0x0  }
0x16: {  	s3 =	sld [smem:$0x3FDB];
	s0 =	simm.s32 @p2 $0x1  }
0x17: {  	s4 =	simm.s32 $0x1BF5;
	[smem:$0x3FB5] =	sst s0  }
0x18: {  	s0 =	sld [smem:$0x3F98];
	_ =	swait.ge [sflag:s4], $0x0  }
0x19: {  	s7 =	sld [smem:$0x3F99]  }
0x1a: {  	s8 =	sadd.s32 $0xFFFFE003, lr  }
0x1b: {  	s9 =	sadd.s32 $0xFFFFFEF7, lr;
	s5 =	simm.s32 $0xFFFFFFFF;
	p2 =	slt.u32 s8, $0xFFFFF086  }
0x1c: {  	p1 =	slt.u32 s9, $0xF7A;
	s5 =	simm.s32 @!p2 $0x0  }
0x1d: {  	s5 =	simm.s32 @p1 $0x1;
	p0 =	seq.s32 s7, s2  }
0x1e: {  	s7 =	smul.u32 @!p0 $0xF7A, s2;
	p2 =	seq.s32 @!p0 s5, $0x0  }
0x1f: {  	s9 =	smul.u32 $0xF7A, s1;
	s8 =	simm.s32 @!p0 $0x1BF5;
	p2 =	por !p2, p0  }
0x20: {  	[sflag:s8] =	ssyncset.s32 @!p0 $0xFFFFF086;
	s6 =	sadd.s32 @!p0 s3, s7;
	s7 =	simm.s32 @!p0 $0x108  }
0x21: {  	s3 =	sadd.s32 s3, s9;
	s6 =	sadd.s32 @!p0 $0x88, s6;
	s7 =	simm.s32 @p2 $0x1082  }
0x22: {  	[simem:s7], [sflag:s8] =	dma.local @!p0 [hbm:s6], $0xF7A  }
0x23: {  	s9 =	sor.u32 $0xD0000000, s2;
	s6 =	simm.s32 $0x108;
	_ =	swait.ge @!p0 [sflag:s8], $0x0  }
0x24: {  	s3 =	sadd.s32 $0x88, s3;
	s6 =	simm.s32 @!p1 $0x1082;
	[sflag:s4] =	ssyncset.s32 $0xFFFFF086  }
0x25: {  	[simem:s6], [sflag:s4] =	dma.local [hbm:s3], $0xF7A  }
0x26: {  	[smem:$0x3F99] =	sst s1;
	(tag) =	ssettag s2;
	_ =	strace s9  }
0x27: {  	s1 =	sld [smem:$0x3FA9]  }
0x28: {  	s2 =	sld [smem:$0x3FAA]  }
0x29: {  	s4 =	sld [smem:$0x3FAC]  }
0x2a: {  	p0 =	seq.s32 s5, $0x0;
	s5 =	sld [smem:$0x3FAD]  }
0x2b: {  	s6 =	sld [smem:$0x3FAE]  }
0x2c: {  	s7 =	sld [smem:$0x3FAF]  }
0x2d: {  	s3 =	simm.s32 $0x108;
	s8 =	sld [smem:$0x3FB0]  }
0x2e: {  	s3 =	simm.s32 @!p0 $0x1082;
	s9 =	sld [smem:$0x3FB1]  }
0x2f: {  	lr =	sadd.s32 s0, s3;
	s0 =	sld [smem:$0x3FA8]  }
0x30: {  	s3 =	sld [smem:$0x3FAB]  }
0x31: {  	[smem:$0x3FB4] =	sst s10  }
0x32: {  	s10 =	sld [smem:$0x3FB2];
	_ =	sdelay $0x3  }
0x33: {  	p0 =	seq.s32 s10, $0x1;
	s10 =	sld [smem:$0x3FB4];
	_ =	sdelay $0x3  }
0x34: {  	[smem:$0x3FB4] =	sst s10  }
0x35: {  	s10 =	sld [smem:$0x3FB3];
	_ =	sdelay $0x3  }
0x36: {  	p1 =	seq.s32 s10, $0x1;
	s10 =	sld [smem:$0x3FB4];
	_ =	sdelay $0x3  }
0x37: {  	[smem:$0x3FB4] =	sst s10  }
0x38: {  	s10 =	sld [smem:$0x3FB5]  }
0x39: {  	_ = 	snop;
	(pc) =	sbr.ind lr, $3  }
0x3a: {  	_ = 	snop  }
0x3b: {  	_ = 	snop  }
0x3c: {  	p2 =	seq.s32 s10, $0x1;
	s10 =	sld [smem:$0x3FB4]  }
0x3d: {  	_ =	shalt  }
0x3e: {  	_ =	shalt  }
0x3f: {  	_ =	shalt  }
0x40: {  	_ =	shalt  }
0x41: {  	_ =	shalt  }
0x42: {  	_ =	shalt  }
0x43: {  	_ =	shalt  }
0x44: {  	_ =	shalt  }
0x45: {  	_ =	shalt  }
0x46: {  	_ =	shalt  }
0x47: {  	_ =	shalt  }
0x48: {  	_ =	shalt  }
0x49: {  	_ =	shalt  }
0x4a: {  	_ =	shalt  }
0x4b: {  	_ =	shalt  }
0x4c: {  	_ =	shalt  }
0x4d: {  	_ =	shalt  }
0x4e: {  	_ =	shalt  }
0x4f: {  	_ =	shalt  }
0x50: {  	_ =	shalt  }
0x51: {  	_ =	shalt  }
0x52: {  	_ =	shalt  }
0x53: {  	_ =	shalt  }
0x54: {  	_ =	shalt  }
0x55: {  	_ =	shalt  }
0x56: {  	_ =	shalt  }
0x57: {  	_ =	shalt  }
0x58: {  	_ =	shalt  }
0x59: {  	_ =	shalt  }
0x5a: {  	_ =	shalt  }
0x5b: {  	_ =	shalt  }
0x5c: {  	_ =	shalt  }
0x5d: {  	_ =	shalt  }
0x5e: {  	_ =	shalt  }
0x5f: {  	_ =	shalt  }
0x60: {  	_ =	shalt  }
0x61: {  	_ =	shalt  }
0x62: {  	_ =	shalt  }
0x63: {  	_ =	shalt  }
0x64: {  	_ =	shalt  }
0x65: {  	_ =	shalt  }
0x66: {  	_ =	shalt  }
0x67: {  	_ =	shalt  }
0x68: {  	_ =	shalt  }
0x69: {  	_ =	shalt  }
0x6a: {  	_ =	shalt  }
0x6b: {  	_ =	shalt  }
0x6c: {  	_ =	shalt  }
0x6d: {  	_ =	shalt  }
0x6e: {  	_ =	shalt  }
0x6f: {  	_ =	shalt  }
0x70: {  	_ =	shalt  }
0x71: {  	_ =	shalt  }
0x72: {  	_ =	shalt  }
0x73: {  	_ =	shalt  }
0x74: {  	_ =	shalt  }
0x75: {  	_ =	shalt  }
0x76: {  	_ =	shalt  }
0x77: {  	_ =	shalt  }
0x78: {  	_ =	shalt  }
0x79: {  	_ =	shalt  }
0x7a: {  	_ =	shalt  }
0x7b: {  	_ =	shalt  }
0x7c: {  	_ =	shalt  }
0x7d: {  	_ =	shalt  }
0x7e: {  	_ =	shalt  }
0x7f: {  	_ =	shalt  }
0x80: {  	_ =	shalt  }
0x81: {  	_ =	shalt  }
0x82: {  	_ =	shalt  }
0x83: {  	_ =	shalt  }
0x84: {  	_ =	shalt  }
0x85: {  	_ =	shalt  }
0x86: {  	_ =	shalt  }
0x87: {  	_ =	shalt  }
.Lfunc_end0:
.L_simem_size_0:
called_computation.2_lowered:
.L_overlay_start_0:
0x88: {  	s2 =	sld [smem:$0x3FD9]  }
0x89: {  	s3 =	sld [smem:$0x3FFE];
	_ =	sdelay $0x1  }
0x8a: {  	s1 =	srdreg.scid  }
0x8b: {  	s0 =	sand.u32 $0x1, s1  }
0x8c: {  	s17 =	sshll.u32 s0, $0xA;
	s2 =	sadd.s32 s3, s2  }
0x8d: {  	s2 =	sadd.s32 s2, s17  }
0x8e: {  	[smem:$0x3FC0] =	sst s2  }
0x8f: {  	_ = 	snop  }
0x90: {  	s2 =	sld [smem:$0x3FD0];
	(tm) =	ssettm $0x1  }
0x91: {  	s18 =	sld [smem:$0x3FFB];
	_ =	sdelay $0x3  }
0x92: {  	_ =	strace s18  }
0x93: {  	s3 =	sld [smem:$0x3FFC];
	_ =	sdelay $0x3  }
0x94: {  	_ =	strace s3  }
0x95: {  	s3 =	sld [smem:$0x3FFD];
	_ =	sdelay $0x3  }
0x96: {  	_ =	strace s3  }
0x97: {  	_ =	strace $0x8FFFFFFF  }
0x98: {  	s19 =	sld [smem:$0x3FDB];
	_ =	sdelay $0x1  }
0x99: {  	s4 =	simm.s32 $_scs_section_size  }
0x9a: {  	s5 =	simm.s32 $_size__tile_overlayer_lowered;
	s6 =	simm.s32 $_tile_overlayer_lowered  }
0x9b: {  	s22 =	simm.s32 $0x1BFF;
	s21 =	sshll.u32 s6, $0x1;
	s3 =	sadd.s32 s4, s19  }
0x9c: {  	s7 =	simm.s32 $0x0;
	s20 =	sshll.u32 s5, $0x1;
	s5 =	sadd.s32 s21, s3  }
0x9d: {  	[timem:s7], [sflag:s22] =	dma.local [hbm:s5], s20  }
0x9e: {  	_ =	swait.ge [sflag:s22], s20  }
0x9f: {  	s4 =	ssub.s32 $0x0, s20;
	[sflag:s22] =	ssyncset.done $0x0  }
0xa0: {  	[sflag:s22] =	ssyncadd.s32 s4;
	_ =	sdelay $0x1  }
0xa1: {  	s23 =	simm.s32 $0x1B8B  }
0xa2: {  	_ =	swait.ge [sflag:s23], $0x1  }
0xa3: {  	[sflag:s23] =	ssyncset.done $0x0  }
0xa4: {  	s25 =	simm.s32 $0x1B8E;
	s24 =	sld [smem:$0x3FFE];
	[sflag:s23] =	ssyncadd.s32 $0xFFFFFFFF  }
0xa5: {  	s26 =	simm.s32 $execute0_lowered;
	[smem:$0x3FD2] =	sst s25  }
0xa6: {  	s5 =	sshll.u32 s26, $0x1;
	_ =	strace $0x8000004C;
	[dreg:$0x1] =	wrdreg $0xFFFFFFFF  }
0xa7: {  	s28 =	simm.s32 $_size_execute0_lowered;
	s3 =	sadd.s32 s3, s5;
	[dreg:$0x0] =	wrdreg $0x0  }
0xa8: {  	s5 =	sshll.u32 s28, $0x1;
	[dreg:$0x2] =	wrdreg s3  }
0xa9: {  	[dreg:$0x3] =	wrdreg s5  }
0xaa: {  	[dreg:$0x4] =	wrdreg $0xC0  }
0xab: {  	_ =	task [dreg:s7], $0x5FFFF  }
0xac: {  	[dreg:$0x1] =	wrdreg $0xFFFFFFFF  }
0xad: {  	[dreg:$0x0] =	wrdreg $0x60  }
0xae: {  	[dreg:$0x2] =	wrdreg s24  }
0xaf: {  	[dreg:$0x3] =	wrdreg s2  }
0xb0: {  	[dreg:$0x4] =	wrdreg $0xA8000  }
0xb1: {  	[dreg:$0x5] =	wrdreg $0x9  }
0xb2: {  	_ =	task.clear_ibuf [dreg:s7], $0x6FFFF;
	_ =	strace $0x9000004C  }
0xb3: {  	s29 =	simm.s32 $0x9;
	_ =	strace $0x8000004E  }
0xb4: {  	_ =	swait.ge [sflag:s29], $0x1  }
0xb5: {  	[sflag:s29] =	ssyncadd.s32 $0xFFFFFFFF  }
0xb6: {  	_ =	strace $0x9000004E  }
0xb7: {  	_ =	sfence  }
0xb8: {  	s30 =	sld [smem:$0x0];
	_ =	sdelay $0x2  }
0xb9: {  	s31 =	sshll.u32 s1, $0xD;
	s1 =	sshrl.u32 s1, $0x2  }
0xba: {  	s3 =	sand.u32 $0x4000, s31;
	s1 =	sadd.s32 s1, s30  }
0xbb: {  	s0 =	sor.u32 s3, s0;
	s1 =	sshll.u32 s1, $0x11  }
0xbc: {  	s0 =	sor.u32 s1, s0  }
0xbd: {  	s0 =	sadd.s32 $0x8F2B, s0  }
0xbe: {  	[sflag:s0] =	ssyncadd.remote.s32 $0x1  }
0xbf: {  	_ =	sfence.sel $0xFFFF  }
0xc0: {  	[dreg:$0x0] =	wrdreg $0xFFFFFFFF;
	(pc) =	sbr.abs _section_cstart, $3  }
0xc1: {  	[dreg:$0x1] =	wrdreg $0xFFFFFFFF  }
0xc2: {  	_ =	task.clear_ibuf [dreg:s7], $0x2FFFF;
	_ =	strace $0x9FFFFFFF  }
0xc3: {  	(tm) =	ssettm $0x7FFFFFFF  }
tec
execute0_lowered:
.L_overlay_start_1:
0x0: {  	(tag) =	ssettag $0x1  }
0x1: {  	s13 =	rddreg [dreg:$0x0]  }
0x2: {  	s2 =	rddreg [dreg:$0x1]  }
0x3: {  	s3 =	rddreg [dreg:$0x2]  }
0x4: {  	s0 =	srdreg.scid;
	s1 =	rddreg [dreg:$0x3]  }
0x5: {  	s4 =	simm.s32 $0x0;
	s16 =	simm.s32 $0x3;
	s17 =	simm.s32 $0x1400  }
0x6: {  	s20 =	simm.s32 $0x80;
	s21 =	simm.s32 $0x2800;
	s22 =	simm.s32 $0x6800  }
0x7: {  	s23 =	simm.s32 $0x1;
	s24 =	simm.s32 $0x2;
	s6 =	sand.u32 $0x1, s0  }
0x8: {  	s25 =	simm.s32 $0x2700;
	s0 =	stileid.u32;
	s5 =	smul.u32 $0x14000, s6  }
0x9: {  	s26 =	simm.s32 $0x2780;
	s28 =	simm.s32 $0x0;
	s7 =	smul.u32 $0x1400, s0  }
0xa: {  	[smem:$0x7FF] =	sst s4;
	s11 =	sadd.s32 $0x5C200, s13;
	s8 =	smul.u32 $0x500000, s6  }
0xb: {  	s9 =	smul.u32 $0x14000, s0;
	_ =	strace $0x8000004D;
	s6 =	ssub.s32 $0x2, s6  }
0xc: {  	s30 =	smul.u32 $0x50000, s0;
	s18 =	sshll.u32 s0, $0x6;
	s10 =	sshrl.u32 s6, $0x1  }
0xd: {  	s18 =	sor.u32 $0x1C03, s18;
	s7 =	sadd.s32 s7, s5;
	s5 =	sadd.s32 $0xC200, s13  }
0xe: {  	s8 =	sadd.s32 s9, s8;
	s15 =	ssub.s32 s6, s10;
	s31 =	sshrl.u32 s30, $0x2  }
0xf: {  	s9 =	sadd.s32 $0x34200, s13;
	s7 =	sshrl.u32 s7, $0x3;
	s8 =	sshrl.u32 s8, $0x3  }
0x10: {  	s19 =	sadd.s32 s31, s3;
	s15 =	smax.u32 s15, $0x1;
	s7 =	sadd.s32 s7, s13  }
0x11: {  	s14 =	sadd.s32 s8, s13;
	s13 =	sadd.s32 $0x84200, s13;
	s19 =	sshrl.u32 s19, $0x3  }
0x12: {  	s6 =	sadd.s32 $0x7200, s7;
	s7 =	sadd.s32 $0x2200, s7;
	s8 =	sadd.s32 $0xAC200, s14  }
0x13: {  	s10 =	sadd.s32 $0xD4200, s14;
	s12 =	sadd.s32 $0xFC200, s14;
	s14 =	sadd.s32 $0x124200, s14  }
.LBB2_1:
0x14: {  	[tilespmem:s4], [sflag:$0x3] =	stream.linear.gather [hbm4b:s6+s4], $0x1400, $0x38;
	[tilespmem:$0x1E800] =	vst v63  }
0x15: {  	_ =	swait.ge [sflag:s16], $0x1400  }
0x16: {  	[sflag:s16] =	ssyncset.done $0x0  }
0x17: {  	[sflag:s16] =	ssyncadd.s32 $0xFFFFEC00  }
0x18: {  	[tilespmem:s17], [sflag:$0x3] =	stream.linear.gather [hbm4b:s7+s4], $0x1400, $0x38;
	[tilespmem:$0x1E800] =	vst v63  }
0x19: {  	_ =	swait.ge [sflag:s16], $0x1400  }
0x1a: {  	[sflag:s16] =	ssyncset.done $0x0  }
0x1b: {  	[sflag:s16] =	ssyncadd.s32 $0xFFFFEC00  }
0x1c: {  	[spmem:s19], [sflag:s18] =	dma.local [hbm:s2], $0x2800  }
0x1d: {  	_ =	swait.ge [sflag:s16], $0x2800  }
0x1e: {  	[sflag:s16] =	ssyncset.done $0x0  }
0x1f: {  	[sflag:s16] =	ssyncadd.s32 $0xFFFFD800  }
0x20: {  	[bflag:$0x0] =	sbarrier.arrive $0xFFFF  }
0x21: {  	[tilespmem:s21], [sflag:$0x1] =	stream.indirect.gather [hbm4b:s5+s20], $0x80, s4, s20, $0xb8;
	[tilespmem:$0x1E800] =	vst v63  }
0x22: {  	_ = 	snop  }
0x23: {  	[tilespmem:s22], [sflag:$0x2] =	stream.indirect.gather [hbm4b:s5+s20], $0x80, s20, s20, $0xb8;
	[tilespmem:$0x1E800] =	vst v63  }
0x24: {  	_ =	swait.ge [sflag:s23], $0x4000  }
0x25: {  	[sflag:s23] =	ssyncset.done $0x0  }
0x26: {  	s29 =	simm.s32 $0x1400;
	[sflag:s23] =	ssyncadd.s32 $0xFFFFC000  }
0x27: {  	[spmem:s3] =	stream.indirect.scatter.add.f32 [tilespmem:s21], [sflag:$0x3], $0x80, s29, s20, $0xb8;
	[tilespmem:$0x1E800] =	vst v63  }
0x28: {  	_ =	swait.ge [sflag:s16], $0x4000  }
0x29: {  	[sflag:s16] =	ssyncset.done $0x0  }
0x2a: {  	s29 =	simm.s32 $0x100;
	[sflag:s16] =	ssyncadd.s32 $0xFFFFC000  }
0x2b: {  	[tilespmem:s21], [sflag:$0x1] =	stream.indirect.gather [hbm4b:s5+s20], $0x80, s29, s20, $0xb8;
	[tilespmem:$0x1E800] =	vst v63  }
0x2c: {  	_ =	swait.ge [sflag:s24], $0x4000  }
0x2d: {  	[sflag:s24] =	ssyncset.done $0x0  }
0x2e: {  	s29 =	simm.s32 $0x1480;
	[sflag:s24] =	ssyncadd.s32 $0xFFFFC000  }
0x2f: {  	[spmem:s3] =	stream.indirect.scatter.add.f32 [tilespmem:s22], [sflag:$0x3], $0x80, s29, s20, $0xb8;
	[tilespmem:$0x1E800] =	vst v63  }
0x30: {  	_ =	swait.ge [sflag:s16], $0x4000  }
0x31: {  	[sflag:s16] =	ssyncset.done $0x0  }
0x32: {  	s30 =	simm.s32 $0x180;
	s29 =	simm.s32 $0x400;
	[sflag:s16] =	ssyncadd.s32 $0xFFFFC000  }
.LBB2_2:
0x33: {  	[tilespmem:s22], [sflag:$0x2] =	stream.indirect.gather [hbm4b:s5+s20], $0x80, s30, s20, $0xb8;
	[tilespmem:$0x1E800] =	vst v63  }
0x34: {  	s30 =	smov.u32 s29  }
0x35: {  	p0 =	sne.s32 s29, $0x4800;
	s29 =	sadd.s32 $0x400, s29;
	_ =	swait.ge [sflag:s23], $0x4000  }
0x36: {  	s30 =	sshra.s32 s30, $0x2;
	[sflag:s23] =	ssyncset.done $0x0  }
0x37: {  	s31 =	sadd.s32 $0x1400, s30;
	[sflag:s23] =	ssyncadd.s32 $0xFFFFC000  }
0x38: {  	[spmem:s3] =	stream.indirect.scatter.add.f32 [tilespmem:s21], [sflag:$0x3], $0x80, s31, s20, $0xb8;
	[tilespmem:$0x1E800] =	vst v63  }
0x39: {  	_ =	swait.ge [sflag:s16], $0x4000  }
0x3a: {  	[sflag:s16] =	ssyncset.done $0x0  }
0x3b: {  	s31 =	sadd.s32 $0x100, s30;
	[sflag:s16] =	ssyncadd.s32 $0xFFFFC000  }
0x3c: {  	[tilespmem:s21], [sflag:$0x1] =	stream.indirect.gather [hbm4b:s5+s20], $0x80, s31, s20, $0xb8;
	[tilespmem:$0x1E800] =	vst v63  }
0x3d: {  	_ =	swait.ge [sflag:s24], $0x4000  }
0x3e: {  	[sflag:s24] =	ssyncset.done $0x0  }
.Ltmp0:
0x3f: {  	s31 =	sadd.s32 $0x1480, s30;
	[sflag:s24] =	ssyncadd.s32 $0xFFFFC000;
	(pc) =	sbr.rel @p0 .LBB2_2-.Ltmp0, $4  }
0x40: {  	[spmem:s3] =	stream.indirect.scatter.add.f32 [tilespmem:s22], [sflag:$0x3], $0x80, s31, s20, $0xb8;
	[tilespmem:$0x1E800] =	vst v63  }
0x41: {  	_ =	swait.ge [sflag:s16], $0x4000  }
0x42: {  	[sflag:s16] =	ssyncset.done $0x0  }
0x43: {  	s30 =	sadd.s32 $0x180, s30;
	[sflag:s16] =	ssyncadd.s32 $0xFFFFC000  }
0x44: {  	[tilespmem:s22], [sflag:$0x2] =	stream.indirect.gather [hbm4b:s5+s20], $0x80, s30, s20, $0xb8;
	[tilespmem:$0x1E800] =	vst v63  }
0x45: {  	_ =	swait.ge [sflag:s23], $0x4000  }
0x46: {  	[sflag:s23] =	ssyncset.done $0x0  }
0x47: {  	[sflag:s23] =	ssyncadd.s32 $0xFFFFC000  }
0x48: {  	[spmem:s3] =	stream.indirect.scatter.add.f32 [tilespmem:s21], [sflag:$0x3], $0x80, s25, s20, $0xb8;
	[tilespmem:$0x1E800] =	vst v63  }
0x49: {  	_ =	swait.ge [sflag:s16], $0x4000  }
0x4a: {  	[sflag:s16] =	ssyncset.done $0x0  }
0x4b: {  	[sflag:s16] =	ssyncadd.s32 $0xFFFFC000  }
0x4c: {  	_ =	swait.ge [sflag:s24], $0x4000  }
0x4d: {  	[sflag:s24] =	ssyncset.done $0x0  }
0x4e: {  	[sflag:s24] =	ssyncadd.s32 $0xFFFFC000  }
0x4f: {  	[spmem:s3] =	stream.indirect.scatter.add.f32 [tilespmem:s22], [sflag:$0x3], $0x80, s26, s20, $0xb8;
	[tilespmem:$0x1E800] =	vst v63  }
0x50: {  	_ =	swait.ge [sflag:s16], $0x4000  }
0x51: {  	[sflag:s16] =	ssyncset.done $0x0  }
0x52: {  	[sflag:s16] =	ssyncadd.s32 $0xFFFFC000  }
0x53: {  	[bflag:$0x0] =	sbarrier.arrive $0xFFFF  }
0x54: {  	[hbm:s8], [sflag:s18] =	dma.local [spmem:s19], $0x2800  }
0x55: {  	_ =	swait.ge [sflag:s16], $0x2800  }
0x56: {  	[sflag:s16] =	ssyncset.done $0x0  }
0x57: {  	[sflag:s16] =	ssyncadd.s32 $0xFFFFD800  }
0x58: {  	[spmem:s19], [sflag:s18] =	dma.local [hbm:s2], $0x2800  }
0x59: {  	_ =	swait.ge [sflag:s16], $0x2800  }
0x5a: {  	[sflag:s16] =	ssyncset.done $0x0  }
0x5b: {  	[sflag:s16] =	ssyncadd.s32 $0xFFFFD800  }
0x5c: {  	s29 =	simm.s32 $0x0;
	[bflag:$0x0] =	sbarrier.arrive $0xFFFF  }
0x5d: {  	[tilespmem:s21], [sflag:$0x1] =	stream.indirect.gather [hbm4b:s9+s20], $0x80, s29, s20, $0xb8;
	[tilespmem:$0x1E800] =	vst v63  }
0x5e: {  	_ = 	snop  }
0x5f: {  	[tilespmem:s22], [sflag:$0x2] =	stream.indirect.gather [hbm4b:s9+s20], $0x80, s20, s20, $0xb8;
	[tilespmem:$0x1E800] =	vst v63  }
0x60: {  	_ =	swait.ge [sflag:s23], $0x4000  }
0x61: {  	[sflag:s23] =	ssyncset.done $0x0  }
0x62: {  	s29 =	simm.s32 $0x1400;
	[sflag:s23] =	ssyncadd.s32 $0xFFFFC000  }
0x63: {  	[spmem:s3] =	stream.indirect.scatter.add.f32 [tilespmem:s21], [sflag:$0x3], $0x80, s29, s20, $0xb8;
	[tilespmem:$0x1E800] =	vst v63  }
0x64: {  	_ =	swait.ge [sflag:s16], $0x4000  }
0x65: {  	[sflag:s16] =	ssyncset.done $0x0  }
0x66: {  	s29 =	simm.s32 $0x100;
	[sflag:s16] =	ssyncadd.s32 $0xFFFFC000  }
0x67: {  	[tilespmem:s21], [sflag:$0x1] =	stream.indirect.gather [hbm4b:s9+s20], $0x80, s29, s20, $0xb8;
	[tilespmem:$0x1E800] =	vst v63  }
0x68: {  	_ =	swait.ge [sflag:s24], $0x4000  }
0x69: {  	[sflag:s24] =	ssyncset.done $0x0  }
0x6a: {  	s29 =	simm.s32 $0x1480;
	[sflag:s24] =	ssyncadd.s32 $0xFFFFC000  }
0x6b: {  	[spmem:s3] =	stream.indirect.scatter.add.f32 [tilespmem:s22], [sflag:$0x3], $0x80, s29, s20, $0xb8;
	[tilespmem:$0x1E800] =	vst v63  }
0x6c: {  	_ =	swait.ge [sflag:s16], $0x4000  }
0x6d: {  	[sflag:s16] =	ssyncset.done $0x0  }
0x6e: {  	s30 =	simm.s32 $0x180;
	s29 =	simm.s32 $0x400;
	[sflag:s16] =	ssyncadd.s32 $0xFFFFC000  }
.LBB2_4:
0x6f: {  	[tilespmem:s22], [sflag:$0x2] =	stream.indirect.gather [hbm4b:s9+s20], $0x80, s30, s20, $0xb8;
	[tilespmem:$0x1E800] =	vst v63  }
0x70: {  	s30 =	smov.u32 s29  }
0x71: {  	p0 =	sne.s32 s29, $0x4800;
	s29 =	sadd.s32 $0x400, s29;
	_ =	swait.ge [sflag:s23], $0x4000  }
0x72: {  	s30 =	sshra.s32 s30, $0x2;
	[sflag:s23] =	ssyncset.done $0x0  }
0x73: {  	s31 =	sadd.s32 $0x1400, s30;
	[sflag:s23] =	ssyncadd.s32 $0xFFFFC000  }
0x74: {  	[spmem:s3] =	stream.indirect.scatter.add.f32 [tilespmem:s21], [sflag:$0x3], $0x80, s31, s20, $0xb8;
	[tilespmem:$0x1E800] =	vst v63  }
0x75: {  	_ =	swait.ge [sflag:s16], $0x4000  }
0x76: {  	[sflag:s16] =	ssyncset.done $0x0  }
0x77: {  	s31 =	sadd.s32 $0x100, s30;
	[sflag:s16] =	ssyncadd.s32 $0xFFFFC000  }
0x78: {  	[tilespmem:s21], [sflag:$0x1] =	stream.indirect.gather [hbm4b:s9+s20], $0x80, s31, s20, $0xb8;
	[tilespmem:$0x1E800] =	vst v63  }
0x79: {  	_ =	swait.ge [sflag:s24], $0x4000  }
0x7a: {  	[sflag:s24] =	ssyncset.done $0x0  }
.Ltmp1:
0x7b: {  	s31 =	sadd.s32 $0x1480, s30;
	[sflag:s24] =	ssyncadd.s32 $0xFFFFC000;
	(pc) =	sbr.rel @p0 .LBB2_4-.Ltmp1, $4  }
0x7c: {  	[spmem:s3] =	stream.indirect.scatter.add.f32 [tilespmem:s22], [sflag:$0x3], $0x80, s31, s20, $0xb8;
	[tilespmem:$0x1E800] =	vst v63  }
0x7d: {  	_ =	swait.ge [sflag:s16], $0x4000  }
0x7e: {  	[sflag:s16] =	ssyncset.done $0x0  }
0x7f: {  	s30 =	sadd.s32 $0x180, s30;
	[sflag:s16] =	ssyncadd.s32 $0xFFFFC000  }
0x80: {  	[tilespmem:s22], [sflag:$0x2] =	stream.indirect.gather [hbm4b:s9+s20], $0x80, s30, s20, $0xb8;
	[tilespmem:$0x1E800] =	vst v63  }
0x81: {  	_ =	swait.ge [sflag:s23], $0x4000  }
0x82: {  	[sflag:s23] =	ssyncset.done $0x0  }
0x83: {  	[sflag:s23] =	ssyncadd.s32 $0xFFFFC000  }
0x84: {  	[spmem:s3] =	stream.indirect.scatter.add.f32 [tilespmem:s21], [sflag:$0x3], $0x80, s25, s20, $0xb8;
	[tilespmem:$0x1E800] =	vst v63  }
0x85: {  	_ =	swait.ge [sflag:s16], $0x4000  }
0x86: {  	[sflag:s16] =	ssyncset.done $0x0  }
0x87: {  	[sflag:s16] =	ssyncadd.s32 $0xFFFFC000  }
0x88: {  	_ =	swait.ge [sflag:s24], $0x4000  }
0x89: {  	[sflag:s24] =	ssyncset.done $0x0  }
0x8a: {  	[sflag:s24] =	ssyncadd.s32 $0xFFFFC000  }
0x8b: {  	[spmem:s3] =	stream.indirect.scatter.add.f32 [tilespmem:s22], [sflag:$0x3], $0x80, s26, s20, $0xb8;
	[tilespmem:$0x1E800] =	vst v63  }
0x8c: {  	_ =	swait.ge [sflag:s16], $0x4000  }
0x8d: {  	[sflag:s16] =	ssyncset.done $0x0  }
0x8e: {  	[sflag:s16] =	ssyncadd.s32 $0xFFFFC000  }
0x8f: {  	[bflag:$0x0] =	sbarrier.arrive $0xFFFF  }
0x90: {  	[hbm:s10], [sflag:s18] =	dma.local [spmem:s19], $0x2800  }
0x91: {  	_ =	swait.ge [sflag:s16], $0x2800  }
0x92: {  	[sflag:s16] =	ssyncset.done $0x0  }
0x93: {  	[sflag:s16] =	ssyncadd.s32 $0xFFFFD800  }
0x94: {  	[spmem:s19], [sflag:s18] =	dma.local [hbm:s2], $0x2800  }
0x95: {  	_ =	swait.ge [sflag:s16], $0x2800  }
0x96: {  	[sflag:s16] =	ssyncset.done $0x0  }
0x97: {  	[sflag:s16] =	ssyncadd.s32 $0xFFFFD800  }
0x98: {  	s29 =	simm.s32 $0x0;
	[bflag:$0x0] =	sbarrier.arrive $0xFFFF  }
0x99: {  	[tilespmem:s21], [sflag:$0x1] =	stream.indirect.gather [hbm4b:s11+s20], $0x80, s29, s20, $0xb8;
	[tilespmem:$0x1E800] =	vst v63  }
0x9a: {  	_ = 	snop  }
0x9b: {  	[tilespmem:s22], [sflag:$0x2] =	stream.indirect.gather [hbm4b:s11+s20], $0x80, s20, s20, $0xb8;
	[tilespmem:$0x1E800] =	vst v63  }
0x9c: {  	_ =	swait.ge [sflag:s23], $0x4000  }
0x9d: {  	[sflag:s23] =	ssyncset.done $0x0  }
0x9e: {  	s29 =	simm.s32 $0x1400;
	[sflag:s23] =	ssyncadd.s32 $0xFFFFC000  }
0x9f: {  	[spmem:s3] =	stream.indirect.scatter.add.f32 [tilespmem:s21], [sflag:$0x3], $0x80, s29, s20, $0xb8;
	[tilespmem:$0x1E800] =	vst v63  }
0xa0: {  	_ =	swait.ge [sflag:s16], $0x4000  }
0xa1: {  	[sflag:s16] =	ssyncset.done $0x0  }
0xa2: {  	s29 =	simm.s32 $0x100;
	[sflag:s16] =	ssyncadd.s32 $0xFFFFC000  }
0xa3: {  	[tilespmem:s21], [sflag:$0x1] =	stream.indirect.gather [hbm4b:s11+s20], $0x80, s29, s20, $0xb8;
	[tilespmem:$0x1E800] =	vst v63  }
0xa4: {  	_ =	swait.ge [sflag:s24], $0x4000  }
0xa5: {  	[sflag:s24] =	ssyncset.done $0x0  }
0xa6: {  	s29 =	simm.s32 $0x1480;
	[sflag:s24] =	ssyncadd.s32 $0xFFFFC000  }
0xa7: {  	[spmem:s3] =	stream.indirect.scatter.add.f32 [tilespmem:s22], [sflag:$0x3], $0x80, s29, s20, $0xb8;
	[tilespmem:$0x1E800] =	vst v63  }
0xa8: {  	_ =	swait.ge [sflag:s16], $0x4000  }
0xa9: {  	[sflag:s16] =	ssyncset.done $0x0  }
0xaa: {  	s30 =	simm.s32 $0x180;
	s29 =	simm.s32 $0x400;
	[sflag:s16] =	ssyncadd.s32 $0xFFFFC000  }
.LBB2_6:
0xab: {  	[tilespmem:s22], [sflag:$0x2] =	stream.indirect.gather [hbm4b:s11+s20], $0x80, s30, s20, $0xb8;
	[tilespmem:$0x1E800] =	vst v63  }
0xac: {  	s30 =	smov.u32 s29  }
0xad: {  	p0 =	sne.s32 s29, $0x4800;
	s29 =	sadd.s32 $0x400, s29;
	_ =	swait.ge [sflag:s23], $0x4000  }
0xae: {  	s30 =	sshra.s32 s30, $0x2;
	[sflag:s23] =	ssyncset.done $0x0  }
0xaf: {  	s31 =	sadd.s32 $0x1400, s30;
	[sflag:s23] =	ssyncadd.s32 $0xFFFFC000  }
0xb0: {  	[spmem:s3] =	stream.indirect.scatter.add.f32 [tilespmem:s21], [sflag:$0x3], $0x80, s31, s20, $0xb8;
	[tilespmem:$0x1E800] =	vst v63  }
0xb1: {  	_ =	swait.ge [sflag:s16], $0x4000  }
0xb2: {  	[sflag:s16] =	ssyncset.done $0x0  }
0xb3: {  	s31 =	sadd.s32 $0x100, s30;
	[sflag:s16] =	ssyncadd.s32 $0xFFFFC000  }
0xb4: {  	[tilespmem:s21], [sflag:$0x1] =	stream.indirect.gather [hbm4b:s11+s20], $0x80, s31, s20, $0xb8;
	[tilespmem:$0x1E800] =	vst v63  }
0xb5: {  	_ =	swait.ge [sflag:s24], $0x4000  }
0xb6: {  	[sflag:s24] =	ssyncset.done $0x0  }
.Ltmp2:
0xb7: {  	s31 =	sadd.s32 $0x1480, s30;
	[sflag:s24] =	ssyncadd.s32 $0xFFFFC000;
	(pc) =	sbr.rel @p0 .LBB2_6-.Ltmp2, $4  }
0xb8: {  	[spmem:s3] =	stream.indirect.scatter.add.f32 [tilespmem:s22], [sflag:$0x3], $0x80, s31, s20, $0xb8;
	[tilespmem:$0x1E800] =	vst v63  }
0xb9: {  	_ =	swait.ge [sflag:s16], $0x4000  }
0xba: {  	[sflag:s16] =	ssyncset.done $0x0  }
0xbb: {  	s30 =	sadd.s32 $0x180, s30;
	[sflag:s16] =	ssyncadd.s32 $0xFFFFC000  }
0xbc: {  	[tilespmem:s22], [sflag:$0x2] =	stream.indirect.gather [hbm4b:s11+s20], $0x80, s30, s20, $0xb8;
	[tilespmem:$0x1E800] =	vst v63  }
0xbd: {  	_ =	swait.ge [sflag:s23], $0x4000  }
0xbe: {  	[sflag:s23] =	ssyncset.done $0x0  }
0xbf: {  	[sflag:s23] =	ssyncadd.s32 $0xFFFFC000  }
0xc0: {  	[spmem:s3] =	stream.indirect.scatter.add.f32 [tilespmem:s21], [sflag:$0x3], $0x80, s25, s20, $0xb8;
	[tilespmem:$0x1E800] =	vst v63  }
0xc1: {  	_ =	swait.ge [sflag:s16], $0x4000  }
0xc2: {  	[sflag:s16] =	ssyncset.done $0x0  }
0xc3: {  	[sflag:s16] =	ssyncadd.s32 $0xFFFFC000  }
0xc4: {  	_ =	swait.ge [sflag:s24], $0x4000  }
0xc5: {  	[sflag:s24] =	ssyncset.done $0x0  }
0xc6: {  	[sflag:s24] =	ssyncadd.s32 $0xFFFFC000  }
0xc7: {  	[spmem:s3] =	stream.indirect.scatter.add.f32 [tilespmem:s22], [sflag:$0x3], $0x80, s26, s20, $0xb8;
	[tilespmem:$0x1E800] =	vst v63  }
0xc8: {  	_ =	swait.ge [sflag:s16], $0x4000  }
0xc9: {  	[sflag:s16] =	ssyncset.done $0x0  }
0xca: {  	[sflag:s16] =	ssyncadd.s32 $0xFFFFC000  }
0xcb: {  	[bflag:$0x0] =	sbarrier.arrive $0xFFFF  }
0xcc: {  	[hbm:s12], [sflag:s18] =	dma.local [spmem:s19], $0x2800  }
0xcd: {  	_ =	swait.ge [sflag:s16], $0x2800  }
0xce: {  	[sflag:s16] =	ssyncset.done $0x0  }
0xcf: {  	[sflag:s16] =	ssyncadd.s32 $0xFFFFD800  }
0xd0: {  	[spmem:s19], [sflag:s18] =	dma.local [hbm:s2], $0x2800  }
0xd1: {  	_ =	swait.ge [sflag:s16], $0x2800  }
0xd2: {  	[sflag:s16] =	ssyncset.done $0x0  }
0xd3: {  	[sflag:s16] =	ssyncadd.s32 $0xFFFFD800  }
0xd4: {  	s29 =	simm.s32 $0x0;
	[bflag:$0x0] =	sbarrier.arrive $0xFFFF  }
0xd5: {  	[tilespmem:s21], [sflag:$0x1] =	stream.indirect.gather [hbm4b:s13+s20], $0x80, s29, s20, $0xb8;
	[tilespmem:$0x1E800] =	vst v63  }
0xd6: {  	_ = 	snop  }
0xd7: {  	[tilespmem:s22], [sflag:$0x2] =	stream.indirect.gather [hbm4b:s13+s20], $0x80, s20, s20, $0xb8;
	[tilespmem:$0x1E800] =	vst v63  }
0xd8: {  	_ =	swait.ge [sflag:s23], $0x4000  }
0xd9: {  	[sflag:s23] =	ssyncset.done $0x0  }
0xda: {  	s29 =	simm.s32 $0x1400;
	[sflag:s23] =	ssyncadd.s32 $0xFFFFC000  }
0xdb: {  	[spmem:s3] =	stream.indirect.scatter.add.f32 [tilespmem:s21], [sflag:$0x3], $0x80, s29, s20, $0xb8;
	[tilespmem:$0x1E800] =	vst v63  }
0xdc: {  	_ =	swait.ge [sflag:s16], $0x4000  }
0xdd: {  	[sflag:s16] =	ssyncset.done $0x0  }
0xde: {  	s29 =	simm.s32 $0x100;
	[sflag:s16] =	ssyncadd.s32 $0xFFFFC000  }
0xdf: {  	[tilespmem:s21], [sflag:$0x1] =	stream.indirect.gather [hbm4b:s13+s20], $0x80, s29, s20, $0xb8;
	[tilespmem:$0x1E800] =	vst v63  }
0xe0: {  	_ =	swait.ge [sflag:s24], $0x4000  }
0xe1: {  	[sflag:s24] =	ssyncset.done $0x0  }
0xe2: {  	s29 =	simm.s32 $0x1480;
	[sflag:s24] =	ssyncadd.s32 $0xFFFFC000  }
0xe3: {  	[spmem:s3] =	stream.indirect.scatter.add.f32 [tilespmem:s22], [sflag:$0x3], $0x80, s29, s20, $0xb8;
	[tilespmem:$0x1E800] =	vst v63  }
0xe4: {  	_ =	swait.ge [sflag:s16], $0x4000  }
0xe5: {  	[sflag:s16] =	ssyncset.done $0x0  }
0xe6: {  	s30 =	simm.s32 $0x180;
	s29 =	simm.s32 $0x400;
	[sflag:s16] =	ssyncadd.s32 $0xFFFFC000  }
.LBB2_8:
0xe7: {  	[tilespmem:s22], [sflag:$0x2] =	stream.indirect.gather [hbm4b:s13+s20], $0x80, s30, s20, $0xb8;
	[tilespmem:$0x1E800] =	vst v63  }
0xe8: {  	s30 =	smov.u32 s29  }
0xe9: {  	p0 =	sne.s32 s29, $0x4800;
	s29 =	sadd.s32 $0x400, s29;
	_ =	swait.ge [sflag:s23], $0x4000  }
0xea: {  	s30 =	sshra.s32 s30, $0x2;
	[sflag:s23] =	ssyncset.done $0x0  }
0xeb: {  	s31 =	sadd.s32 $0x1400, s30;
	[sflag:s23] =	ssyncadd.s32 $0xFFFFC000  }
0xec: {  	[spmem:s3] =	stream.indirect.scatter.add.f32 [tilespmem:s21], [sflag:$0x3], $0x80, s31, s20, $0xb8;
	[tilespmem:$0x1E800] =	vst v63  }
0xed: {  	_ =	swait.ge [sflag:s16], $0x4000  }
0xee: {  	[sflag:s16] =	ssyncset.done $0x0  }
0xef: {  	s31 =	sadd.s32 $0x100, s30;
	[sflag:s16] =	ssyncadd.s32 $0xFFFFC000  }
0xf0: {  	[tilespmem:s21], [sflag:$0x1] =	stream.indirect.gather [hbm4b:s13+s20], $0x80, s31, s20, $0xb8;
	[tilespmem:$0x1E800] =	vst v63  }
0xf1: {  	_ =	swait.ge [sflag:s24], $0x4000  }
0xf2: {  	[sflag:s24] =	ssyncset.done $0x0  }
.Ltmp3:
0xf3: {  	s31 =	sadd.s32 $0x1480, s30;
	[sflag:s24] =	ssyncadd.s32 $0xFFFFC000;
	(pc) =	sbr.rel @p0 .LBB2_8-.Ltmp3, $4  }
0xf4: {  	[spmem:s3] =	stream.indirect.scatter.add.f32 [tilespmem:s22], [sflag:$0x3], $0x80, s31, s20, $0xb8;
	[tilespmem:$0x1E800] =	vst v63  }
0xf5: {  	_ =	swait.ge [sflag:s16], $0x4000  }
0xf6: {  	[sflag:s16] =	ssyncset.done $0x0  }
0xf7: {  	s30 =	sadd.s32 $0x180, s30;
	[sflag:s16] =	ssyncadd.s32 $0xFFFFC000  }
0xf8: {  	[tilespmem:s22], [sflag:$0x2] =	stream.indirect.gather [hbm4b:s13+s20], $0x80, s30, s20, $0xb8;
	[tilespmem:$0x1E800] =	vst v63  }
0xf9: {  	_ =	swait.ge [sflag:s23], $0x4000  }
0xfa: {  	[sflag:s23] =	ssyncset.done $0x0  }
0xfb: {  	[sflag:s23] =	ssyncadd.s32 $0xFFFFC000  }
0xfc: {  	[spmem:s3] =	stream.indirect.scatter.add.f32 [tilespmem:s21], [sflag:$0x3], $0x80, s25, s20, $0xb8;
	[tilespmem:$0x1E800] =	vst v63  }
0xfd: {  	_ =	swait.ge [sflag:s16], $0x4000  }
0xfe: {  	[sflag:s16] =	ssyncset.done $0x0  }
0xff: {  	[sflag:s16] =	ssyncadd.s32 $0xFFFFC000  }
0x100: {  	_ =	swait.ge [sflag:s24], $0x4000  }
0x101: {  	[sflag:s24] =	ssyncset.done $0x0  }
0x102: {  	[sflag:s24] =	ssyncadd.s32 $0xFFFFC000  }
0x103: {  	[spmem:s3] =	stream.indirect.scatter.add.f32 [tilespmem:s22], [sflag:$0x3], $0x80, s26, s20, $0xb8;
	[tilespmem:$0x1E800] =	vst v63  }
0x104: {  	_ =	swait.ge [sflag:s16], $0x4000  }
0x105: {  	s28 =	sadd.s32 $0x1, s28;
	[sflag:s16] =	ssyncset.done $0x0  }
0x106: {  	p0 =	sne.s32 s28, s15;
	[sflag:s16] =	ssyncadd.s32 $0xFFFFC000  }
.Ltmp4:
0x107: {  	[bflag:$0x0] =	sbarrier.arrive $0xFFFF;
	(pc) =	sbr.rel @p0 .LBB2_1-.Ltmp4, $4  }
0x108: {  	[hbm:s14], [sflag:s18] =	dma.local [spmem:s19], $0x2800  }
0x109: {  	_ =	swait.ge [sflag:s16], $0x2800  }
0x10a: {  	[sflag:s16] =	ssyncset.done $0x0  }
0x10b: {  	[sflag:s16] =	ssyncadd.s32 $0xFFFFD800  }
0x10c: {  	_ =	sfence.sel $0x180000  }
0x10d: {  	[bflag:$0x0] =	sbarrier.arrive $0xFFFF  }
0x10e: {  	p0 =	sne.s32 s0, $0x0;
	_ =	strace $0x9000004D  }
0x10f: {  	s0 =	sadd.s32 @!p0 $0x100000, s1;
	[bflag:$0x2] =	sbarrier.arrive $0xFFFF  }
0x110: {  	[sflag:s0] =	ssyncadd.tile.s32 @!p0 $0x1;
	_ =	shalt  }
.Lfunc_end2:
_tile_overlayer_lowered:
.L_overlay_start_2:
0x111: {  	(tag) =	ssettag $0x2  }
0x112: {  	s0 =	rddreg [dreg:$0x0];
	s2 =	stileid.u32  }
0x113: {  	s1 =	rddreg [dreg:$0x1];
	p0 =	sne.s32 s2, $0x0  }
0x114: {  	s3 =	rddreg [dreg:$0x2];
	[bflag:$0x3] =	sbarrier.arrive $0xFFFF;
	s2 =	simm.s32 @!p0 $0x1C03  }
0x115: {  	[timem:s3], [sflag:s2] =	dma.local @!p0 [hbm:s0], s1  }
0x116: {  	s0 =	simm.s32 @!p0 $0x3  }
0x117: {  	_ =	swait.ge @!p0 [sflag:s0], s1  }
0x118: {  	s1 =	ssub.s32 @!p0 $0x0, s1;
	[sflag:s0] =	ssyncset.done @!p0 $0x0  }
0x119: {  	[sflag:s0] =	ssyncadd.s32 @!p0 s1  }
0x11a: {  	[bflag:$0x3] =	sbarrier.arrive $0xFFFF  }
0x11b: {  	_ =	shalt  }

// kernel: kernel.20.cloned.1.call-start
scs
__scs_entry_jumppad:
0x0: {  	(pc) =	sbr.rel $0x88, $3  }
0x1: {  	(tag) =	ssettag $0x0;
	lr =	simm.s32 $0x1  }
0x2: {  	[smem:$0x3F99] =	sst lr;
	_ =	strace $0xD0000000  }
0x3: {  	_ = 	snop  }
0x4: {  	_ = 	snop  }
0x5: {  	_ = 	snop  }
0x6: {  	_ = 	snop  }
0x7: {  	_ = 	snop  }
__scs_overlays_trampoline_lowered:
0x8: {  	[smem:$0x3FA8] =	sst s0  }
0x9: {  	[smem:$0x3FA9] =	sst s1  }
0xa: {  	[smem:$0x3FAA] =	sst s2  }
0xb: {  	[smem:$0x3FAB] =	sst s3  }
0xc: {  	[smem:$0x3FAC] =	sst s4  }
0xd: {  	[smem:$0x3FAD] =	sst s5  }
0xe: {  	[smem:$0x3FAE] =	sst s6  }
0xf: {  	[smem:$0x3FAF] =	sst s7  }
0x10: {  	[smem:$0x3FB0] =	sst s8  }
0x11: {  	[smem:$0x3FB1] =	sst s9;
	s0 =	simm.s32 @!p0 $0x0  }
0x12: {  	s1 =	sld [smem:$0x3F97];
	s0 =	simm.s32 @p0 $0x1  }
0x13: {  	[smem:$0x3FB2] =	sst s0;
	s0 =	simm.s32 @!p1 $0x0  }
0x14: {  	s2 =	sld [smem:$0x3F96];
	s0 =	simm.s32 @p1 $0x1  }
0x15: {  	[smem:$0x3FB3] =	sst s0;
	s0 =	simm.s32 @!p2 $0x0  }
0x16: {  	s3 =	sld [smem:$0x3FDB];
	s0 =	simm.s32 @p2 $0x1  }
0x17: {  	s4 =	simm.s32 $0x1BF5;
	[smem:$0x3FB5] =	sst s0  }
0x18: {  	s0 =	sld [smem:$0x3F98];
	_ =	swait.ge [sflag:s4], $0x0  }
0x19: {  	s7 =	sld [smem:$0x3F99]  }
0x1a: {  	s8 =	sadd.s32 $0xFFFFE003, lr  }
0x1b: {  	s9 =	sadd.s32 $0xFFFFFEF7, lr;
	s5 =	simm.s32 $0xFFFFFFFF;
	p2 =	slt.u32 s8, $0xFFFFF086  }
0x1c: {  	p1 =	slt.u32 s9, $0xF7A;
	s5 =	simm.s32 @!p2 $0x0  }
0x1d: {  	s5 =	simm.s32 @p1 $0x1;
	p0 =	seq.s32 s7, s2  }
0x1e: {  	s7 =	smul.u32 @!p0 $0xF7A, s2;
	p2 =	seq.s32 @!p0 s5, $0x0  }
0x1f: {  	s9 =	smul.u32 $0xF7A, s1;
	s8 =	simm.s32 @!p0 $0x1BF5;
	p2 =	por !p2, p0  }
0x20: {  	[sflag:s8] =	ssyncset.s32 @!p0 $0xFFFFF086;
	s6 =	sadd.s32 @!p0 s3, s7;
	s7 =	simm.s32 @!p0 $0x108  }
0x21: {  	s3 =	sadd.s32 s3, s9;
	s6 =	sadd.s32 @!p0 $0x88, s6;
	s7 =	simm.s32 @p2 $0x1082  }
0x22: {  	[simem:s7], [sflag:s8] =	dma.local @!p0 [hbm:s6], $0xF7A  }
0x23: {  	s9 =	sor.u32 $0xD0000000, s2;
	s6 =	simm.s32 $0x108;
	_ =	swait.ge @!p0 [sflag:s8], $0x0  }
0x24: {  	s3 =	sadd.s32 $0x88, s3;
	s6 =	simm.s32 @!p1 $0x1082;
	[sflag:s4] =	ssyncset.s32 $0xFFFFF086  }
0x25: {  	[simem:s6], [sflag:s4] =	dma.local [hbm:s3], $0xF7A  }
0x26: {  	[smem:$0x3F99] =	sst s1;
	(tag) =	ssettag s2;
	_ =	strace s9  }
0x27: {  	s1 =	sld [smem:$0x3FA9]  }
0x28: {  	s2 =	sld [smem:$0x3FAA]  }
0x29: {  	s4 =	sld [smem:$0x3FAC]  }
0x2a: {  	p0 =	seq.s32 s5, $0x0;
	s5 =	sld [smem:$0x3FAD]  }
0x2b: {  	s6 =	sld [smem:$0x3FAE]  }
0x2c: {  	s7 =	sld [smem:$0x3FAF]  }
0x2d: {  	s3 =	simm.s32 $0x108;
	s8 =	sld [smem:$0x3FB0]  }
0x2e: {  	s3 =	simm.s32 @!p0 $0x1082;
	s9 =	sld [smem:$0x3FB1]  }
0x2f: {  	lr =	sadd.s32 s0, s3;
	s0 =	sld [smem:$0x3FA8]  }
0x30: {  	s3 =	sld [smem:$0x3FAB]  }
0x31: {  	[smem:$0x3FB4] =	sst s10  }
0x32: {  	s10 =	sld [smem:$0x3FB2];
	_ =	sdelay $0x3  }
0x33: {  	p0 =	seq.s32 s10, $0x1;
	s10 =	sld [smem:$0x3FB4];
	_ =	sdelay $0x3  }
0x34: {  	[smem:$0x3FB4] =	sst s10  }
0x35: {  	s10 =	sld [smem:$0x3FB3];
	_ =	sdelay $0x3  }
0x36: {  	p1 =	seq.s32 s10, $0x1;
	s10 =	sld [smem:$0x3FB4];
	_ =	sdelay $0x3  }
0x37: {  	[smem:$0x3FB4] =	sst s10  }
0x38: {  	s10 =	sld [smem:$0x3FB5]  }
0x39: {  	_ = 	snop;
	(pc) =	sbr.ind lr, $3  }
0x3a: {  	_ = 	snop  }
0x3b: {  	_ = 	snop  }
0x3c: {  	p2 =	seq.s32 s10, $0x1;
	s10 =	sld [smem:$0x3FB4]  }
0x3d: {  	_ =	shalt  }
0x3e: {  	_ =	shalt  }
0x3f: {  	_ =	shalt  }
0x40: {  	_ =	shalt  }
0x41: {  	_ =	shalt  }
0x42: {  	_ =	shalt  }
0x43: {  	_ =	shalt  }
0x44: {  	_ =	shalt  }
0x45: {  	_ =	shalt  }
0x46: {  	_ =	shalt  }
0x47: {  	_ =	shalt  }
0x48: {  	_ =	shalt  }
0x49: {  	_ =	shalt  }
0x4a: {  	_ =	shalt  }
0x4b: {  	_ =	shalt  }
0x4c: {  	_ =	shalt  }
0x4d: {  	_ =	shalt  }
0x4e: {  	_ =	shalt  }
0x4f: {  	_ =	shalt  }
0x50: {  	_ =	shalt  }
0x51: {  	_ =	shalt  }
0x52: {  	_ =	shalt  }
0x53: {  	_ =	shalt  }
0x54: {  	_ =	shalt  }
0x55: {  	_ =	shalt  }
0x56: {  	_ =	shalt  }
0x57: {  	_ =	shalt  }
0x58: {  	_ =	shalt  }
0x59: {  	_ =	shalt  }
0x5a: {  	_ =	shalt  }
0x5b: {  	_ =	shalt  }
0x5c: {  	_ =	shalt  }
0x5d: {  	_ =	shalt  }
0x5e: {  	_ =	shalt  }
0x5f: {  	_ =	shalt  }
0x60: {  	_ =	shalt  }
0x61: {  	_ =	shalt  }
0x62: {  	_ =	shalt  }
0x63: {  	_ =	shalt  }
0x64: {  	_ =	shalt  }
0x65: {  	_ =	shalt  }
0x66: {  	_ =	shalt  }
0x67: {  	_ =	shalt  }
0x68: {  	_ =	shalt  }
0x69: {  	_ =	shalt  }
0x6a: {  	_ =	shalt  }
0x6b: {  	_ =	shalt  }
0x6c: {  	_ =	shalt  }
0x6d: {  	_ =	shalt  }
0x6e: {  	_ =	shalt  }
0x6f: {  	_ =	shalt  }
0x70: {  	_ =	shalt  }
0x71: {  	_ =	shalt  }
0x72: {  	_ =	shalt  }
0x73: {  	_ =	shalt  }
0x74: {  	_ =	shalt  }
0x75: {  	_ =	shalt  }
0x76: {  	_ =	shalt  }
0x77: {  	_ =	shalt  }
0x78: {  	_ =	shalt  }
0x79: {  	_ =	shalt  }
0x7a: {  	_ =	shalt  }
0x7b: {  	_ =	shalt  }
0x7c: {  	_ =	shalt  }
0x7d: {  	_ =	shalt  }
0x7e: {  	_ =	shalt  }
0x7f: {  	_ =	shalt  }
0x80: {  	_ =	shalt  }
0x81: {  	_ =	shalt  }
0x82: {  	_ =	shalt  }
0x83: {  	_ =	shalt  }
0x84: {  	_ =	shalt  }
0x85: {  	_ =	shalt  }
0x86: {  	_ =	shalt  }
0x87: {  	_ =	shalt  }
.Lfunc_end0:
.L_simem_size_0:
called_computation.3_lowered:
.L_overlay_start_0:
0x88: {  	s2 =	sld [smem:$0x3FD9]  }
0x89: {  	s3 =	sld [smem:$0x3FFE];
	_ =	sdelay $0x1  }
0x8a: {  	s1 =	srdreg.scid  }
0x8b: {  	s0 =	sand.u32 $0x1, s1  }
0x8c: {  	s17 =	sshll.u32 s0, $0xA;
	s2 =	sadd.s32 s3, s2  }
0x8d: {  	s2 =	sadd.s32 s2, s17  }
0x8e: {  	[smem:$0x3FC0] =	sst s2  }
0x8f: {  	_ = 	snop  }
0x90: {  	s2 =	sld [smem:$0x3FD0];
	(tm) =	ssettm $0x1  }
0x91: {  	s18 =	sld [smem:$0x3FFB];
	_ =	sdelay $0x3  }
0x92: {  	_ =	strace s18  }
0x93: {  	s3 =	sld [smem:$0x3FFC];
	_ =	sdelay $0x3  }
0x94: {  	_ =	strace s3  }
0x95: {  	s3 =	sld [smem:$0x3FFD];
	_ =	sdelay $0x3  }
0x96: {  	_ =	strace s3  }
0x97: {  	_ =	strace $0x8FFFFFFF  }
0x98: {  	s19 =	sld [smem:$0x3FDB];
	_ =	sdelay $0x1  }
0x99: {  	s4 =	simm.s32 $_scs_section_size  }
0x9a: {  	s5 =	simm.s32 $_size__tile_overlayer_lowered;
	s6 =	simm.s32 $_tile_overlayer_lowered  }
0x9b: {  	s22 =	simm.s32 $0x1BFF;
	s21 =	sshll.u32 s6, $0x1;
	s3 =	sadd.s32 s4, s19  }
0x9c: {  	s7 =	simm.s32 $0x0;
	s20 =	sshll.u32 s5, $0x1;
	s5 =	sadd.s32 s21, s3  }
0x9d: {  	[timem:s7], [sflag:s22] =	dma.local [hbm:s5], s20  }
0x9e: {  	_ =	swait.ge [sflag:s22], s20  }
0x9f: {  	s4 =	ssub.s32 $0x0, s20;
	[sflag:s22] =	ssyncset.done $0x0  }
0xa0: {  	[sflag:s22] =	ssyncadd.s32 s4;
	_ =	sdelay $0x1  }
0xa1: {  	s23 =	simm.s32 $0x1B8B  }
0xa2: {  	_ =	swait.ge [sflag:s23], $0x1  }
0xa3: {  	[sflag:s23] =	ssyncset.done $0x0  }
0xa4: {  	s25 =	simm.s32 $0x1B8E;
	s24 =	sld [smem:$0x3FFE];
	[sflag:s23] =	ssyncadd.s32 $0xFFFFFFFF  }
0xa5: {  	s26 =	simm.s32 $execute0_lowered;
	[smem:$0x3FD2] =	sst s25  }
0xa6: {  	s5 =	sshll.u32 s26, $0x1;
	_ =	strace $0x8000004F;
	[dreg:$0x1] =	wrdreg $0xFFFFFFFF  }
0xa7: {  	s28 =	simm.s32 $_size_execute0_lowered;
	s3 =	sadd.s32 s3, s5;
	[dreg:$0x0] =	wrdreg $0x0  }
0xa8: {  	s5 =	sshll.u32 s28, $0x1;
	[dreg:$0x2] =	wrdreg s3  }
0xa9: {  	[dreg:$0x3] =	wrdreg s5  }
0xaa: {  	[dreg:$0x4] =	wrdreg $0xC0  }
0xab: {  	_ =	task [dreg:s7], $0x5FFFF  }
0xac: {  	[dreg:$0x1] =	wrdreg $0xFFFFFFFF  }
0xad: {  	[dreg:$0x0] =	wrdreg $0x60  }
0xae: {  	[dreg:$0x2] =	wrdreg s24  }
0xaf: {  	[dreg:$0x3] =	wrdreg s2  }
0xb0: {  	[dreg:$0x4] =	wrdreg $0xA8000  }
0xb1: {  	[dreg:$0x5] =	wrdreg $0x9  }
0xb2: {  	_ =	task.clear_ibuf [dreg:s7], $0x6FFFF;
	_ =	strace $0x9000004F  }
0xb3: {  	s29 =	simm.s32 $0x9;
	_ =	strace $0x80000051  }
0xb4: {  	_ =	swait.ge [sflag:s29], $0x1  }
0xb5: {  	[sflag:s29] =	ssyncadd.s32 $0xFFFFFFFF  }
0xb6: {  	_ =	strace $0x90000051  }
0xb7: {  	_ =	sfence  }
0xb8: {  	s30 =	sld [smem:$0x0];
	_ =	sdelay $0x2  }
0xb9: {  	s31 =	sshll.u32 s1, $0xD;
	s1 =	sshrl.u32 s1, $0x2  }
0xba: {  	s3 =	sand.u32 $0x4000, s31;
	s1 =	sadd.s32 s1, s30  }
0xbb: {  	s0 =	sor.u32 s3, s0;
	s1 =	sshll.u32 s1, $0x11  }
0xbc: {  	s0 =	sor.u32 s1, s0  }
0xbd: {  	s0 =	sadd.s32 $0x8F2B, s0  }
0xbe: {  	[sflag:s0] =	ssyncadd.remote.s32 $0x1  }
0xbf: {  	_ =	sfence.sel $0xFFFF  }
0xc0: {  	[dreg:$0x0] =	wrdreg $0xFFFFFFFF;
	(pc) =	sbr.abs _section_cstart, $3  }
0xc1: {  	[dreg:$0x1] =	wrdreg $0xFFFFFFFF  }
0xc2: {  	_ =	task.clear_ibuf [dreg:s7], $0x2FFFF;
	_ =	strace $0x9FFFFFFF  }
0xc3: {  	(tm) =	ssettm $0x7FFFFFFF  }
tec
execute0_lowered:
.L_overlay_start_1:
0x0: {  	(tag) =	ssettag $0x1  }
0x1: {  	s6 =	rddreg [dreg:$0x0]  }
0x2: {  	s2 =	rddreg [dreg:$0x1]  }
0x3: {  	s3 =	rddreg [dreg:$0x2]  }
0x4: {  	s0 =	srdreg.scid;
	s1 =	rddreg [dreg:$0x3]  }
0x5: {  	s4 =	simm.s32 $0x0;
	s14 =	simm.s32 $0x80;
	s15 =	simm.s32 $0x2800  }
0x6: {  	s16 =	simm.s32 $0x6800;
	s17 =	simm.s32 $0x1;
	s7 =	sand.u32 $0x1, s0  }
0x7: {  	s18 =	simm.s32 $0x2;
	s0 =	stileid.u32;
	s5 =	smul.u32 $0x14000, s7  }
0x8: {  	s19 =	simm.s32 $0x2700;
	s20 =	simm.s32 $0x2780;
	s8 =	smul.u32 $0x1400, s0  }
0x9: {  	s21 =	simm.s32 $0x0;
	[smem:$0x7FF] =	sst s4;
	s9 =	smul.u32 $0x140000, s7  }
0xa: {  	s10 =	smul.u32 $0x14000, s0;
	_ =	strace $0x80000050;
	s7 =	ssub.s32 $0x2, s7  }
0xb: {  	s31 =	smul.u32 $0x50000, s0;
	s12 =	sshll.u32 s0, $0x6;
	s11 =	sshrl.u32 s7, $0x1  }
0xc: {  	s12 =	sor.u32 $0x1C03, s12;
	s8 =	sadd.s32 s8, s5;
	s5 =	sadd.s32 $0xC200, s6  }
0xd: {  	s9 =	sadd.s32 s10, s9;
	s11 =	ssub.s32 s7, s11;
	s10 =	sshrl.u32 s31, $0x2  }
0xe: {  	s8 =	sshrl.u32 s8, $0x3;
	s9 =	sshrl.u32 s9, $0x3;
	s13 =	sadd.s32 s10, s3  }
0xf: {  	s10 =	simm.s32 $0x3;
	s8 =	sadd.s32 s8, s6;
	s9 =	sadd.s32 s9, s6  }
0x10: {  	s13 =	sshrl.u32 s13, $0x3;
	s6 =	sadd.s32 $0x7200, s8;
	s7 =	sadd.s32 $0x2200, s8  }
0x11: {  	s8 =	sadd.s32 $0x34200, s9;
	s9 =	smax.u32 s11, $0x1;
	s11 =	simm.s32 $0x1400  }
.LBB2_1:
0x12: {  	[tilespmem:s4], [sflag:$0x3] =	stream.linear.gather [hbm4b:s6+s4], $0x1400, $0x38;
	[tilespmem:$0x1E800] =	vst v63  }
0x13: {  	_ =	swait.ge [sflag:s10], $0x1400  }
0x14: {  	[sflag:s10] =	ssyncset.done $0x0  }
0x15: {  	[sflag:s10] =	ssyncadd.s32 $0xFFFFEC00  }
0x16: {  	[tilespmem:s11], [sflag:$0x3] =	stream.linear.gather [hbm4b:s7+s4], $0x1400, $0x38;
	[tilespmem:$0x1E800] =	vst v63  }
0x17: {  	_ =	swait.ge [sflag:s10], $0x1400  }
0x18: {  	[sflag:s10] =	ssyncset.done $0x0  }
0x19: {  	[sflag:s10] =	ssyncadd.s32 $0xFFFFEC00  }
0x1a: {  	[spmem:s13], [sflag:s12] =	dma.local [hbm:s2], $0x2800  }
0x1b: {  	_ =	swait.ge [sflag:s10], $0x2800  }
0x1c: {  	[sflag:s10] =	ssyncset.done $0x0  }
0x1d: {  	[sflag:s10] =	ssyncadd.s32 $0xFFFFD800  }
0x1e: {  	[bflag:$0x0] =	sbarrier.arrive $0xFFFF  }
0x1f: {  	[tilespmem:s15], [sflag:$0x1] =	stream.indirect.gather [hbm4b:s5+s14], $0x80, s4, s14, $0xb8;
	[tilespmem:$0x1E800] =	vst v63  }
0x20: {  	_ = 	snop  }
0x21: {  	[tilespmem:s16], [sflag:$0x2] =	stream.indirect.gather [hbm4b:s5+s14], $0x80, s14, s14, $0xb8;
	[tilespmem:$0x1E800] =	vst v63  }
0x22: {  	_ =	swait.ge [sflag:s17], $0x4000  }
0x23: {  	[sflag:s17] =	ssyncset.done $0x0  }
0x24: {  	s22 =	simm.s32 $0x1400;
	[sflag:s17] =	ssyncadd.s32 $0xFFFFC000  }
0x25: {  	[spmem:s3] =	stream.indirect.scatter.add.f32 [tilespmem:s15], [sflag:$0x3], $0x80, s22, s14, $0xb8;
	[tilespmem:$0x1E800] =	vst v63  }
0x26: {  	_ =	swait.ge [sflag:s10], $0x4000  }
0x27: {  	[sflag:s10] =	ssyncset.done $0x0  }
0x28: {  	s30 =	simm.s32 $0x100;
	[sflag:s10] =	ssyncadd.s32 $0xFFFFC000  }
0x29: {  	[tilespmem:s15], [sflag:$0x1] =	stream.indirect.gather [hbm4b:s5+s14], $0x80, s30, s14, $0xb8;
	[tilespmem:$0x1E800] =	vst v63  }
0x2a: {  	_ =	swait.ge [sflag:s18], $0x4000  }
0x2b: {  	[sflag:s18] =	ssyncset.done $0x0  }
0x2c: {  	s31 =	simm.s32 $0x1480;
	[sflag:s18] =	ssyncadd.s32 $0xFFFFC000  }
0x2d: {  	[spmem:s3] =	stream.indirect.scatter.add.f32 [tilespmem:s16], [sflag:$0x3], $0x80, s31, s14, $0xb8;
	[tilespmem:$0x1E800] =	vst v63  }
0x2e: {  	_ =	swait.ge [sflag:s10], $0x4000  }
0x2f: {  	[sflag:s10] =	ssyncset.done $0x0  }
0x30: {  	s23 =	simm.s32 $0x180;
	s22 =	simm.s32 $0x400;
	[sflag:s10] =	ssyncadd.s32 $0xFFFFC000  }
.LBB2_2:
0x31: {  	[tilespmem:s16], [sflag:$0x2] =	stream.indirect.gather [hbm4b:s5+s14], $0x80, s23, s14, $0xb8;
	[tilespmem:$0x1E800] =	vst v63  }
0x32: {  	s23 =	smov.u32 s22  }
0x33: {  	p0 =	sne.s32 s22, $0x4800;
	s22 =	sadd.s32 $0x400, s22;
	_ =	swait.ge [sflag:s17], $0x4000  }
0x34: {  	s23 =	sshra.s32 s23, $0x2;
	[sflag:s17] =	ssyncset.done $0x0  }
0x35: {  	s24 =	sadd.s32 $0x1400, s23;
	[sflag:s17] =	ssyncadd.s32 $0xFFFFC000  }
0x36: {  	[spmem:s3] =	stream.indirect.scatter.add.f32 [tilespmem:s15], [sflag:$0x3], $0x80, s24, s14, $0xb8;
	[tilespmem:$0x1E800] =	vst v63  }
0x37: {  	_ =	swait.ge [sflag:s10], $0x4000  }
0x38: {  	[sflag:s10] =	ssyncset.done $0x0  }
0x39: {  	s24 =	sadd.s32 $0x100, s23;
	[sflag:s10] =	ssyncadd.s32 $0xFFFFC000  }
0x3a: {  	[tilespmem:s15], [sflag:$0x1] =	stream.indirect.gather [hbm4b:s5+s14], $0x80, s24, s14, $0xb8;
	[tilespmem:$0x1E800] =	vst v63  }
0x3b: {  	_ =	swait.ge [sflag:s18], $0x4000  }
0x3c: {  	[sflag:s18] =	ssyncset.done $0x0  }
.Ltmp0:
0x3d: {  	s24 =	sadd.s32 $0x1480, s23;
	[sflag:s18] =	ssyncadd.s32 $0xFFFFC000;
	(pc) =	sbr.rel @p0 .LBB2_2-.Ltmp0, $4  }
0x3e: {  	[spmem:s3] =	stream.indirect.scatter.add.f32 [tilespmem:s16], [sflag:$0x3], $0x80, s24, s14, $0xb8;
	[tilespmem:$0x1E800] =	vst v63  }
0x3f: {  	_ =	swait.ge [sflag:s10], $0x4000  }
0x40: {  	[sflag:s10] =	ssyncset.done $0x0  }
0x41: {  	s23 =	sadd.s32 $0x180, s23;
	[sflag:s10] =	ssyncadd.s32 $0xFFFFC000  }
0x42: {  	[tilespmem:s16], [sflag:$0x2] =	stream.indirect.gather [hbm4b:s5+s14], $0x80, s23, s14, $0xb8;
	[tilespmem:$0x1E800] =	vst v63  }
0x43: {  	_ =	swait.ge [sflag:s17], $0x4000  }
0x44: {  	[sflag:s17] =	ssyncset.done $0x0  }
0x45: {  	[sflag:s17] =	ssyncadd.s32 $0xFFFFC000  }
0x46: {  	[spmem:s3] =	stream.indirect.scatter.add.f32 [tilespmem:s15], [sflag:$0x3], $0x80, s19, s14, $0xb8;
	[tilespmem:$0x1E800] =	vst v63  }
0x47: {  	_ =	swait.ge [sflag:s10], $0x4000  }
0x48: {  	[sflag:s10] =	ssyncset.done $0x0  }
0x49: {  	[sflag:s10] =	ssyncadd.s32 $0xFFFFC000  }
0x4a: {  	_ =	swait.ge [sflag:s18], $0x4000  }
0x4b: {  	[sflag:s18] =	ssyncset.done $0x0  }
0x4c: {  	[sflag:s18] =	ssyncadd.s32 $0xFFFFC000  }
0x4d: {  	[spmem:s3] =	stream.indirect.scatter.add.f32 [tilespmem:s16], [sflag:$0x3], $0x80, s20, s14, $0xb8;
	[tilespmem:$0x1E800] =	vst v63  }
0x4e: {  	_ =	swait.ge [sflag:s10], $0x4000  }
0x4f: {  	s21 =	sadd.s32 $0x1, s21;
	[sflag:s10] =	ssyncset.done $0x0  }
0x50: {  	p0 =	sne.s32 s21, s9;
	[sflag:s10] =	ssyncadd.s32 $0xFFFFC000  }
.Ltmp1:
0x51: {  	[bflag:$0x0] =	sbarrier.arrive $0xFFFF;
	(pc) =	sbr.rel @p0 .LBB2_1-.Ltmp1, $4  }
0x52: {  	[hbm:s8], [sflag:s12] =	dma.local [spmem:s13], $0x2800  }
0x53: {  	_ =	swait.ge [sflag:s10], $0x2800  }
0x54: {  	[sflag:s10] =	ssyncset.done $0x0  }
0x55: {  	[sflag:s10] =	ssyncadd.s32 $0xFFFFD800  }
0x56: {  	_ =	sfence.sel $0x180000  }
0x57: {  	[bflag:$0x0] =	sbarrier.arrive $0xFFFF  }
0x58: {  	p0 =	sne.s32 s0, $0x0;
	_ =	strace $0x90000050  }
0x59: {  	s0 =	sadd.s32 @!p0 $0x100000, s1;
	[bflag:$0x2] =	sbarrier.arrive $0xFFFF  }
0x5a: {  	[sflag:s0] =	ssyncadd.tile.s32 @!p0 $0x1;
	_ =	shalt  }
.Lfunc_end2:
_tile_overlayer_lowered:
.L_overlay_start_2:
0x5b: {  	(tag) =	ssettag $0x2  }
0x5c: {  	s0 =	rddreg [dreg:$0x0];
	s2 =	stileid.u32  }
0x5d: {  	s1 =	rddreg [dreg:$0x1];
	p0 =	sne.s32 s2, $0x0  }
0x5e: {  	s3 =	rddreg [dreg:$0x2];
	[bflag:$0x3] =	sbarrier.arrive $0xFFFF;
	s2 =	simm.s32 @!p0 $0x1C03  }
0x5f: {  	[timem:s3], [sflag:s2] =	dma.local @!p0 [hbm:s0], s1  }
0x60: {  	s0 =	simm.s32 @!p0 $0x3  }
0x61: {  	_ =	swait.ge @!p0 [sflag:s0], s1  }
0x62: {  	s1 =	ssub.s32 @!p0 $0x0, s1;
	[sflag:s0] =	ssyncset.done @!p0 $0x0  }
0x63: {  	[sflag:s0] =	ssyncadd.s32 @!p0 s1  }
0x64: {  	[bflag:$0x3] =	sbarrier.arrive $0xFFFF  }
0x65: {  	_ =	shalt  }

</sc_bundles>
